<compile_context>
chip_gen: v7x
topology: tpu7x:2x2x1
jax: 0.10.2.dev20260603
libtpu: 0.0.44.dev20260713+nightly
codegen_flags: <defaults>
</compile_context>

<pallas_src>
import functools

import jax
import jax.numpy as jnp
from jax import lax
from jax.experimental import pallas as pl
from jax.experimental.pallas import tpu as pltpu
from jax.experimental.pallas import tpu_sc as plsc

_IN_SHAPE = (96, 512)
_SL_LO, _SL_HI = 128, 300
_EPS_LOG = 0.001
_INT_MIN = -(2**31)

_NTILES = 16


def _key_map(y):
    key = jnp.where(y >= 0, y, _INT_MIN - y)
    return key ^ _INT_MIN


def _sc_select_kernel(n, k, xs_hbm, out_hbm, chunk, lhist, rhist, tmp16, sh):
    cid = lax.axis_index("c")
    wid = lax.axis_index("s")
    chunk_n = n // _NTILES
    nv = chunk_n // 16

    @pl.when(cid == 0)
    def _work():
        base = wid * chunk_n
        pltpu.sync_copy(xs_hbm.at[pl.ds(base, chunk_n)], chunk)

        lane = lax.broadcasted_iota(jnp.int32, (16,), 0)
        lane_base = lane * 256
        ones = jnp.ones((16,), jnp.int32)
        zeros16 = jnp.zeros((16,), jnp.int32)

        prefix = jnp.int32(0)
        kk = jnp.int32(k)

        for level in range(3):
            shift = 24 - 8 * level

            @plsc.parallel_loop(0, 256, unroll=8)
            def _zero(j):
                lhist[pl.ds(j * 16, 16)] = zeros16

            if level == 0:

                @plsc.parallel_loop(0, nv, unroll=8)
                def _scatter0(i):
                    o = i * 16
                    y = chunk[pl.ds(o, 16)]
                    kb = _key_map(y)
                    chunk[pl.ds(o, 16)] = kb
                    d = lax.shift_right_logical(kb, 24)
                    plsc.addupdate_scatter(lhist, [lane_base + d], ones)

            else:
                hi_shift = shift + 8
                prefix_now = prefix

                @plsc.parallel_loop(0, nv, unroll=8)
                def _scatter(i, hi_shift=hi_shift, shift=shift, prefix_now=prefix_now):
                    o = i * 16
                    kb = chunk[pl.ds(o, 16)]
                    hi = lax.shift_right_logical(kb, hi_shift)
                    d = jnp.bitwise_and(lax.shift_right_logical(kb, shift), 255)
                    m = hi == prefix_now
                    plsc.addupdate_scatter(lhist, [lane_base + d], ones, mask=m)

            @plsc.parallel_loop(0, 16, unroll=4)
            def _lred(j):
                acc = lhist[pl.ds(j * 16, 16)]
                for l in range(1, 16):
                    acc = acc + lhist[pl.ds(l * 256 + j * 16, 16)]
                rhist[pl.ds(j * 16, 16)] = acc

            pltpu.sync_copy(rhist, sh.at[pl.ds(level * 4096 + wid * 256, 256)])
            plsc.subcore_barrier()
            pltpu.sync_copy(sh.at[pl.ds(level * 4096, 4096)], lhist)

            @plsc.parallel_loop(0, 16, unroll=4)
            def _gred(j):
                acc = lhist[pl.ds(j * 16, 16)]
                for l in range(1, 16):
                    acc = acc + lhist[pl.ds(l * 256 + j * 16, 16)]
                rhist[pl.ds(j * 16, 16)] = acc

            tot = jnp.int32(0)
            bucket = jnp.int32(-1)
            basec = jnp.int32(0)
            for j in range(16):
                h = rhist[pl.ds(j * 16, 16)]
                c = plsc.cumsum(h)
                cg = c + tot
                mask = cg > kk
                npos = jnp.max(plsc.all_reduce_population_count(mask))
                found_here = jnp.logical_and(bucket < 0, npos > 0)
                first_lane = jnp.int32(16) - npos
                bsel = jnp.where(lane == first_lane, cg - h, 0)
                bsum = jnp.sum(bsel)
                bucket = jnp.where(found_here, jnp.int32(j * 16) + first_lane, bucket)
                basec = jnp.where(found_here, bsum, basec)
                tot = jnp.max(cg)

            kk = kk - basec
            prefix = jnp.bitwise_or(lax.shift_left(prefix, 8), bucket)

        skey = jnp.full((16,), lax.shift_left(prefix, 8), jnp.int32) ^ _INT_MIN
        ybits = jnp.where(skey >= 0, skey, _INT_MIN - skey)
        tmp16[...] = lax.bitcast_convert_type(ybits, jnp.float32)

        @pl.when(wid == 0)
        def _out():
            pltpu.sync_copy(tmp16, out_hbm)


def _sc_select(xi, n, k):
    mesh = plsc.VectorSubcoreMesh(core_axis_name="c", subcore_axis_name="s")
    chunk_n = n // _NTILES
    kfn = functools.partial(
        pl.kernel,
        mesh=mesh,
        compiler_params=pltpu.CompilerParams(needs_layout_passes=False),
        out_type=jax.ShapeDtypeStruct((16,), jnp.float32),
        scratch_types=[
            pltpu.VMEM((chunk_n,), jnp.int32),
            pltpu.VMEM((4096,), jnp.int32),
            pltpu.VMEM((256,), jnp.int32),
            pltpu.VMEM((16,), jnp.float32),
            pltpu.VMEM_SHARED((4 * 4096,), jnp.int32),
        ],
    )(functools.partial(_sc_select_kernel, n, k))
    return kfn(xi)


def _tc_log_kernel(x_ref, u_ref, mn_ref, mx_ref):
    u = jnp.log10(jnp.maximum(x_ref[...], jnp.float32(_EPS_LOG)))
    u_ref[...] = u
    mn_ref[...] = jnp.min(u).reshape(1, 1)
    mx_ref[...] = jnp.max(u).reshape(1, 1)


def _tc_finish_kernel(u_ref, eps_ref, mn_ref, mx_ref, o_ref):
    lo = jnp.maximum(jnp.max(eps_ref[...]), jnp.float32(_EPS_LOG))
    llo = jnp.log10(lo)
    vmin = jnp.maximum(jnp.sum(mn_ref[...]), llo)
    vmax = jnp.maximum(jnp.sum(mx_ref[...]), llo)
    scale = jnp.float32(1.0) / (vmax - vmin)
    o_ref[...] = (jnp.maximum(u_ref[...], llo) - vmin) * scale


@jax.jit
def kernel(x):
    b = x.size // (_IN_SHAPE[0] * _IN_SHAPE[1])
    xs = x.reshape((b,) + _IN_SHAPE)[:, :, _SL_LO:_SL_HI]
    out_shape = xs.shape
    n = xs.size
    rows = n // 128
    xs2 = xs.reshape(rows, 128)
    k = int(0.1 * n)

    xi = lax.bitcast_convert_type(xs2, jnp.int32).reshape(n)
    eps16 = _sc_select(xi, n, k)

    u, mn, mx = pl.pallas_call(
        _tc_log_kernel,
        out_shape=(
            jax.ShapeDtypeStruct((rows, 128), jnp.float32),
            jax.ShapeDtypeStruct((1, 1), jnp.float32),
            jax.ShapeDtypeStruct((1, 1), jnp.float32),
        ),
    )(xs2)

    out = pl.pallas_call(
        _tc_finish_kernel,
        out_shape=jax.ShapeDtypeStruct((rows, 128), jnp.float32),
    )(u, eps16, mn, mx)
    return out.reshape(out_shape)

# --- scband reference (transcript-rebuilt; emitter-appended) ---
"""Pipeline reference for scband-transform-6992206758062 (READ-ONLY COPY).

The authoritative reference and input builder live on the scoring server;
editing this copy changes nothing except your own understanding.
"""

import jax, jax.numpy as jnp
import numpy as np

IN_SHAPE = (96, 512)
EPS_LOG = 0.001

def setup_inputs(seed: int = 0) -> dict:
    key = jax.random.key(seed)
    x = jax.random.normal(key, (64, 96, 512), dtype=jnp.float32)
    return {"x": x}

def reference(x):
    # view(-1, *in_shape) then slice dim 2 to [128:300]
    x = x.reshape((-1,) + IN_SHAPE)[:, :, 128:300]
    # Clip: clip to the 10th percentile (eps computed via full sort, detached like .item())
    flat = jnp.sort(x.reshape(-1))
    eps = jax.lax.stop_gradient(flat[int(0.1 * x.size)])
    x = jnp.clip(x, eps)
    # Log: clip to eps then log10
    x = jnp.log10(jnp.clip(x, EPS_LOG))
    # MinMax normalization
    x = (x - x.min()) / (x.max() - x.min())
    return x

if __name__ == "__main__":
    import jax
    _d = setup_inputs()
    print(jax.jit(kernel)(*tuple(_d.values())))

</pallas_src>

<mosaic_0001>
#map = affine_map<(d0, d1) -> (0)>
module attributes {stable_mosaic.version = 14 : i64} {
  func.func @_sc_select_kernel(%arg0: i32, %arg1: i32, %arg2: memref<1056768xi32, #tpu.memory_space<hbm>>, %arg3: memref<16xf32, #tpu.memory_space<hbm>>, %arg4: memref<66048xi32, #tpu.memory_space<vmem>>, %arg5: memref<4096xi32, #tpu.memory_space<vmem>>, %arg6: memref<256xi32, #tpu.memory_space<vmem>>, %arg7: memref<16xf32, #tpu.memory_space<vmem>>, %arg8: memref<16384xi32, #tpu.memory_space<vmem_shared>>) attributes {dimension_semantics = [#tpu.dimension_semantics<core_parallel>, #tpu.dimension_semantics<subcore_parallel>], iteration_bounds = array<i64: 2, 16>, scalar_prefetch = 0 : i64, scratch_operands = 5 : i64, tpu.core_type = #tpu.core_type<sc_vector_subcore>, window_params = [{transform_indices = #map}, {transform_indices = #map}]} {
    %eq3A = arith.constant 0 : i32
    %eq3A_0 = arith.cmpi eq, %arg0, %eq3A : i32
    %convert_element_type3A = arith.extui %eq3A_0 : i1 to i32
    %cond3A = arith.constant 0 : i32
    %cond3A_1 = arith.cmpi ne, %convert_element_type3A, %cond3A : i32
    scf.if %cond3A_1 {
      %mul3A = arith.constant 66048 : i32
      %mul3A_2 = arith.muli %arg1, %mul3A : i32
      "tpu.region"() ({
        %run_scoped3A = tpu.sem_alloc : memref<!tpu.dma_semaphore, #tpu.memory_space<semaphore_mem>>
        %dma_start3A = tpu.memref_slice %arg2[%mul3A_2] : memref<1056768xi32, #tpu.memory_space<hbm>> -> memref<66048xi32, #tpu.memory_space<hbm>>
        %dma_start3A_2359 = tpu.memref_slice %arg2[%mul3A_2] : memref<1056768xi32, #tpu.memory_space<hbm>> -> memref<66048xi32, #tpu.memory_space<hbm>>
        tpu.enqueue_dma source(%dma_start3A_2359 : memref<66048xi32, #tpu.memory_space<hbm>>) target(%arg4 : memref<66048xi32, #tpu.memory_space<vmem>>) target_semaphore(%run_scoped3A : memref<!tpu.dma_semaphore, #tpu.memory_space<semaphore_mem>>)
        %dma_wait3A = tpu.memref_slice %arg2[%mul3A_2] : memref<1056768xi32, #tpu.memory_space<hbm>> -> memref<66048xi32, #tpu.memory_space<hbm>>
        %dma_wait3A_2360 = tpu.memref_slice %arg2[%mul3A_2] : memref<1056768xi32, #tpu.memory_space<hbm>> -> memref<66048xi32, #tpu.memory_space<hbm>>
        tpu.wait_dma2 semaphore(%run_scoped3A : memref<!tpu.dma_semaphore, #tpu.memory_space<semaphore_mem>>) src(%dma_wait3A_2360 : memref<66048xi32, #tpu.memory_space<hbm>>) dst(%arg4 : memref<66048xi32, #tpu.memory_space<vmem>>)
        tpu.yield
      }) : () -> ()
      %iota3A = tpu.iota {dimensions = array<i32: 0>} : vector<16xi32>
      %mul3A_3 = arith.constant 256 : i32
      %mul3A_4 = vector.broadcast %mul3A_3 : i32 to vector<16xi32>
      %mul3A_5 = arith.muli %iota3A, %mul3A_4 : vector<16xi32>
      %broadcast_in_dim3A = arith.constant 1 : i32
      %broadcast_in_dim3A_6 = vector.broadcast %broadcast_in_dim3A : i32 to vector<16xi32>
      %broadcast_in_dim3A_7 = arith.constant 0 : i32
      %broadcast_in_dim3A_8 = vector.broadcast %broadcast_in_dim3A_7 : i32 to vector<16xi32>
      %parallel_loop3A = arith.constant 0 : i32
      %parallel_loop3A_9 = arith.constant 256 : i32
      %parallel_loop3A_10 = arith.constant 1 : i32
      scf.for %parallel_loop3A_2359 = %parallel_loop3A to %parallel_loop3A_9 step %parallel_loop3A_10  : i32 {
        %parallel_loop3A_2360 = arith.constant 16 : i32
        %parallel_loop3A_2361 = arith.muli %parallel_loop3A_2359, %parallel_loop3A_2360 : i32
        %parallel_loop3A_2362 = arith.index_cast %parallel_loop3A_2361 : i32 to index
        %parallel_loop3A_2363 = tpu.vector_load %arg5[%parallel_loop3A_2362] {strides = array<i32>} : memref<4096xi32, #tpu.memory_space<vmem>>, vector<16xi32>,
        tpu.vector_store %arg5[%parallel_loop3A_2362], %broadcast_in_dim3A_8 {strides = array<i32>} : memref<4096xi32, #tpu.memory_space<vmem>>, vector<16xi32>,
      } {sc.loop_unroll_factor = 8 : i64, sc.parallel_access}
      %parallel_loop3A_11 = arith.constant 0 : i32
      %parallel_loop3A_12 = arith.constant 4128 : i32
      %parallel_loop3A_13 = arith.constant 1 : i32
      scf.for %parallel_loop3A_2359 = %parallel_loop3A_11 to %parallel_loop3A_12 step %parallel_loop3A_13  : i32 {
        %parallel_loop3A_2360 = arith.constant 16 : i32
        %parallel_loop3A_2361 = arith.muli %parallel_loop3A_2359, %parallel_loop3A_2360 : i32
        %parallel_loop3A_2362 = arith.index_cast %parallel_loop3A_2361 : i32 to index
        %parallel_loop3A_2363 = tpu.vector_load %arg4[%parallel_loop3A_2362] {strides = array<i32>} : memref<66048xi32, #tpu.memory_space<vmem>>, vector<16xi32>,
        %parallel_loop3A_2364 = arith.constant 0 : i32
        %parallel_loop3A_2365 = vector.broadcast %parallel_loop3A_2364 : i32 to vector<16xi32>
        %parallel_loop3A_2366 = arith.cmpi sge, %parallel_loop3A_2363, %parallel_loop3A_2365 : vector<16xi32>
        %parallel_loop3A_2367 = arith.constant -2147483648 : i32
        %parallel_loop3A_2368 = vector.broadcast %parallel_loop3A_2367 : i32 to vector<16xi32>
        %parallel_loop3A_2369 = arith.subi %parallel_loop3A_2368, %parallel_loop3A_2363 : vector<16xi32>
        %parallel_loop3A_2370 = arith.select %parallel_loop3A_2366, %parallel_loop3A_2363, %parallel_loop3A_2369 : vector<16xi1>, vector<16xi32>
        %parallel_loop3A_2371 = arith.constant -2147483648 : i32
        %parallel_loop3A_2372 = vector.broadcast %parallel_loop3A_2371 : i32 to vector<16xi32>
        %parallel_loop3A_2373 = arith.xori %parallel_loop3A_2370, %parallel_loop3A_2372 : vector<16xi32>
        %parallel_loop3A_2374 = arith.index_cast %parallel_loop3A_2361 : i32 to index
        %parallel_loop3A_2375 = tpu.vector_load %arg4[%parallel_loop3A_2374] {strides = array<i32>} : memref<66048xi32, #tpu.memory_space<vmem>>, vector<16xi32>,
        tpu.vector_store %arg4[%parallel_loop3A_2374], %parallel_loop3A_2373 {strides = array<i32>} : memref<66048xi32, #tpu.memory_space<vmem>>, vector<16xi32>,
        %parallel_loop3A_2376 = arith.constant 24 : i32
        %parallel_loop3A_2377 = vector.broadcast %parallel_loop3A_2376 : i32 to vector<16xi32>
        %parallel_loop3A_2378 = arith.shrui %parallel_loop3A_2373, %parallel_loop3A_2377 : vector<16xi32>
        %parallel_loop3A_2379 = arith.addi %mul3A_5, %parallel_loop3A_2378 : vector<16xi32>
        tpu.vector_store_idx %arg5[%parallel_loop3A_2379], %broadcast_in_dim3A_6 {add = true} : memref<4096xi32, #tpu.memory_space<vmem>>[vector<16xi32>], vector<16xi32>,
      } {sc.loop_unroll_factor = 8 : i64, sc.parallel_access}
      %parallel_loop3A_14 = arith.constant 0 : i32
      %parallel_loop3A_15 = arith.constant 16 : i32
      %parallel_loop3A_16 = arith.constant 1 : i32
      scf.for %parallel_loop3A_2359 = %parallel_loop3A_14 to %parallel_loop3A_15 step %parallel_loop3A_16  : i32 {
        %parallel_loop3A_2360 = arith.constant 16 : i32
        %parallel_loop3A_2361 = arith.muli %parallel_loop3A_2359, %parallel_loop3A_2360 : i32
        %parallel_loop3A_2362 = arith.index_cast %parallel_loop3A_2361 : i32 to index
        %parallel_loop3A_2363 = tpu.vector_load %arg5[%parallel_loop3A_2362] {strides = array<i32>} : memref<4096xi32, #tpu.memory_space<vmem>>, vector<16xi32>,
        %parallel_loop3A_2364 = arith.constant 16 : i32
        %parallel_loop3A_2365 = arith.muli %parallel_loop3A_2359, %parallel_loop3A_2364 : i32
        %parallel_loop3A_2366 = arith.constant 256 : i32
        %parallel_loop3A_2367 = arith.addi %parallel_loop3A_2366, %parallel_loop3A_2365 : i32
        %parallel_loop3A_2368 = arith.index_cast %parallel_loop3A_2367 : i32 to index
        %parallel_loop3A_2369 = tpu.vector_load %arg5[%parallel_loop3A_2368] {strides = array<i32>} : memref<4096xi32, #tpu.memory_space<vmem>>, vector<16xi32>,
        %parallel_loop3A_2370 = arith.addi %parallel_loop3A_2363, %parallel_loop3A_2369 : vector<16xi32>
        %parallel_loop3A_2371 = arith.constant 16 : i32
        %parallel_loop3A_2372 = arith.muli %parallel_loop3A_2359, %parallel_loop3A_2371 : i32
        %parallel_loop3A_2373 = arith.constant 512 : i32
        %parallel_loop3A_2374 = arith.addi %parallel_loop3A_2373, %parallel_loop3A_2372 : i32
        %parallel_loop3A_2375 = arith.index_cast %parallel_loop3A_2374 : i32 to index
        %parallel_loop3A_2376 = tpu.vector_load %arg5[%parallel_loop3A_2375] {strides = array<i32>} : memref<4096xi32, #tpu.memory_space<vmem>>, vector<16xi32>,
        %parallel_loop3A_2377 = arith.addi %parallel_loop3A_2370, %parallel_loop3A_2376 : vector<16xi32>
        %parallel_loop3A_2378 = arith.constant 16 : i32
        %parallel_loop3A_2379 = arith.muli %parallel_loop3A_2359, %parallel_loop3A_2378 : i32
        %parallel_loop3A_2380 = arith.constant 768 : i32
        %parallel_loop3A_2381 = arith.addi %parallel_loop3A_2380, %parallel_loop3A_2379 : i32
        %parallel_loop3A_2382 = arith.index_cast %parallel_loop3A_2381 : i32 to index
        %parallel_loop3A_2383 = tpu.vector_load %arg5[%parallel_loop3A_2382] {strides = array<i32>} : memref<4096xi32, #tpu.memory_space<vmem>>, vector<16xi32>,
        %parallel_loop3A_2384 = arith.addi %parallel_loop3A_2377, %parallel_loop3A_2383 : vector<16xi32>
        %parallel_loop3A_2385 = arith.constant 16 : i32
        %parallel_loop3A_2386 = arith.muli %parallel_loop3A_2359, %parallel_loop3A_2385 : i32
        %parallel_loop3A_2387 = arith.constant 1024 : i32
        %parallel_loop3A_2388 = arith.addi %parallel_loop3A_2387, %parallel_loop3A_2386 : i32
        %parallel_loop3A_2389 = arith.index_cast %parallel_loop3A_2388 : i32 to index
        %parallel_loop3A_2390 = tpu.vector_load %arg5[%parallel_loop3A_2389] {strides = array<i32>} : memref<4096xi32, #tpu.memory_space<vmem>>, vector<16xi32>,
        %parallel_loop3A_2391 = arith.addi %parallel_loop3A_2384, %parallel_loop3A_2390 : vector<16xi32>
        %parallel_loop3A_2392 = arith.constant 16 : i32
        %parallel_loop3A_2393 = arith.muli %parallel_loop3A_2359, %parallel_loop3A_2392 : i32
        %parallel_loop3A_2394 = arith.constant 1280 : i32
        %parallel_loop3A_2395 = arith.addi %parallel_loop3A_2394, %parallel_loop3A_2393 : i32
        %parallel_loop3A_2396 = arith.index_cast %parallel_loop3A_2395 : i32 to index
        %parallel_loop3A_2397 = tpu.vector_load %arg5[%parallel_loop3A_2396] {strides = array<i32>} : memref<4096xi32, #tpu.memory_space<vmem>>, vector<16xi32>,
        %parallel_loop3A_2398 = arith.addi %parallel_loop3A_2391, %parallel_loop3A_2397 : vector<16xi32>
        %parallel_loop3A_2399 = arith.constant 16 : i32
        %parallel_loop3A_2400 = arith.muli %parallel_loop3A_2359, %parallel_loop3A_2399 : i32
        %parallel_loop3A_2401 = arith.constant 1536 : i32
        %parallel_loop3A_2402 = arith.addi %parallel_loop3A_2401, %parallel_loop3A_2400 : i32
        %parallel_loop3A_2403 = arith.index_cast %parallel_loop3A_2402 : i32 to index
        %parallel_loop3A_2404 = tpu.vector_load %arg5[%parallel_loop3A_2403] {strides = array<i32>} : memref<4096xi32, #tpu.memory_space<vmem>>, vector<16xi32>,
        %parallel_loop3A_2405 = arith.addi %parallel_loop3A_2398, %parallel_loop3A_2404 : vector<16xi32>
        %parallel_loop3A_2406 = arith.constant 16 : i32
        %parallel_loop3A_2407 = arith.muli %parallel_loop3A_2359, %parallel_loop3A_2406 : i32
        %parallel_loop3A_2408 = arith.constant 1792 : i32
        %parallel_loop3A_2409 = arith.addi %parallel_loop3A_2408, %parallel_loop3A_2407 : i32
        %parallel_loop3A_2410 = arith.index_cast %parallel_loop3A_2409 : i32 to index
        %parallel_loop3A_2411 = tpu.vector_load %arg5[%parallel_loop3A_2410] {strides = array<i32>} : memref<4096xi32, #tpu.memory_space<vmem>>, vector<16xi32>,
        %parallel_loop3A_2412 = arith.addi %parallel_loop3A_2405, %parallel_loop3A_2411 : vector<16xi32>
        %parallel_loop3A_2413 = arith.constant 16 : i32
        %parallel_loop3A_2414 = arith.muli %parallel_loop3A_2359, %parallel_loop3A_2413 : i32
        %parallel_loop3A_2415 = arith.constant 2048 : i32
        %parallel_loop3A_2416 = arith.addi %parallel_loop3A_2415, %parallel_loop3A_2414 : i32
        %parallel_loop3A_2417 = arith.index_cast %parallel_loop3A_2416 : i32 to index
        %parallel_loop3A_2418 = tpu.vector_load %arg5[%parallel_loop3A_2417] {strides = array<i32>} : memref<4096xi32, #tpu.memory_space<vmem>>, vector<16xi32>,
        %parallel_loop3A_2419 = arith.addi %parallel_loop3A_2412, %parallel_loop3A_2418 : vector<16xi32>
        %parallel_loop3A_2420 = arith.constant 16 : i32
        %parallel_loop3A_2421 = arith.muli %parallel_loop3A_2359, %parallel_loop3A_2420 : i32
        %parallel_loop3A_2422 = arith.constant 2304 : i32
        %parallel_loop3A_2423 = arith.addi %parallel_loop3A_2422, %parallel_loop3A_2421 : i32
        %parallel_loop3A_2424 = arith.index_cast %parallel_loop3A_2423 : i32 to index
        %parallel_loop3A_2425 = tpu.vector_load %arg5[%parallel_loop3A_2424] {strides = array<i32>} : memref<4096xi32, #tpu.memory_space<vmem>>, vector<16xi32>,
        %parallel_loop3A_2426 = arith.addi %parallel_loop3A_2419, %parallel_loop3A_2425 : vector<16xi32>
        %parallel_loop3A_2427 = arith.constant 16 : i32
        %parallel_loop3A_2428 = arith.muli %parallel_loop3A_2359, %parallel_loop3A_2427 : i32
        %parallel_loop3A_2429 = arith.constant 2560 : i32
        %parallel_loop3A_2430 = arith.addi %parallel_loop3A_2429, %parallel_loop3A_2428 : i32
        %parallel_loop3A_2431 = arith.index_cast %parallel_loop3A_2430 : i32 to index
        %parallel_loop3A_2432 = tpu.vector_load %arg5[%parallel_loop3A_2431] {strides = array<i32>} : memref<4096xi32, #tpu.memory_space<vmem>>, vector<16xi32>,
        %parallel_loop3A_2433 = arith.addi %parallel_loop3A_2426, %parallel_loop3A_2432 : vector<16xi32>
        %parallel_loop3A_2434 = arith.constant 16 : i32
        %parallel_loop3A_2435 = arith.muli %parallel_loop3A_2359, %parallel_loop3A_2434 : i32
        %parallel_loop3A_2436 = arith.constant 2816 : i32
        %parallel_loop3A_2437 = arith.addi %parallel_loop3A_2436, %parallel_loop3A_2435 : i32
        %parallel_loop3A_2438 = arith.index_cast %parallel_loop3A_2437 : i32 to index
        %parallel_loop3A_2439 = tpu.vector_load %arg5[%parallel_loop3A_2438] {strides = array<i32>} : memref<4096xi32, #tpu.memory_space<vmem>>, vector<16xi32>,
        %parallel_loop3A_2440 = arith.addi %parallel_loop3A_2433, %parallel_loop3A_2439 : vector<16xi32>
        %parallel_loop3A_2441 = arith.constant 16 : i32
        %parallel_loop3A_2442 = arith.muli %parallel_loop3A_2359, %parallel_loop3A_2441 : i32
        %parallel_loop3A_2443 = arith.constant 3072 : i32
        %parallel_loop3A_2444 = arith.addi %parallel_loop3A_2443, %parallel_loop3A_2442 : i32
        %parallel_loop3A_2445 = arith.index_cast %parallel_loop3A_2444 : i32 to index
        %parallel_loop3A_2446 = tpu.vector_load %arg5[%parallel_loop3A_2445] {strides = array<i32>} : memref<4096xi32, #tpu.memory_space<vmem>>, vector<16xi32>,
        %parallel_loop3A_2447 = arith.addi %parallel_loop3A_2440, %parallel_loop3A_2446 : vector<16xi32>
        %parallel_loop3A_2448 = arith.constant 16 : i32
        %parallel_loop3A_2449 = arith.muli %parallel_loop3A_2359, %parallel_loop3A_2448 : i32
        %parallel_loop3A_2450 = arith.constant 3328 : i32
        %parallel_loop3A_2451 = arith.addi %parallel_loop3A_2450, %parallel_loop3A_2449 : i32
        %parallel_loop3A_2452 = arith.index_cast %parallel_loop3A_2451 : i32 to index
        %parallel_loop3A_2453 = tpu.vector_load %arg5[%parallel_loop3A_2452] {strides = array<i32>} : memref<4096xi32, #tpu.memory_space<vmem>>, vector<16xi32>,
        %parallel_loop3A_2454 = arith.addi %parallel_loop3A_2447, %parallel_loop3A_2453 : vector<16xi32>
        %parallel_loop3A_2455 = arith.constant 16 : i32
        %parallel_loop3A_2456 = arith.muli %parallel_loop3A_2359, %parallel_loop3A_2455 : i32
        %parallel_loop3A_2457 = arith.constant 3584 : i32
        %parallel_loop3A_2458 = arith.addi %parallel_loop3A_2457, %parallel_loop3A_2456 : i32
        %parallel_loop3A_2459 = arith.index_cast %parallel_loop3A_2458 : i32 to index
        %parallel_loop3A_2460 = tpu.vector_load %arg5[%parallel_loop3A_2459] {strides = array<i32>} : memref<4096xi32, #tpu.memory_space<vmem>>, vector<16xi32>,
        %parallel_loop3A_2461 = arith.addi %parallel_loop3A_2454, %parallel_loop3A_2460 : vector<16xi32>
        %parallel_loop3A_2462 = arith.constant 16 : i32
        %parallel_loop3A_2463 = arith.muli %parallel_loop3A_2359, %parallel_loop3A_2462 : i32
        %parallel_loop3A_2464 = arith.constant 3840 : i32
        %parallel_loop3A_2465 = arith.addi %parallel_loop3A_2464, %parallel_loop3A_2463 : i32
        %parallel_loop3A_2466 = arith.index_cast %parallel_loop3A_2465 : i32 to index
        %parallel_loop3A_2467 = tpu.vector_load %arg5[%parallel_loop3A_2466] {strides = array<i32>} : memref<4096xi32, #tpu.memory_space<vmem>>, vector<16xi32>,
        %parallel_loop3A_2468 = arith.addi %parallel_loop3A_2461, %parallel_loop3A_2467 : vector<16xi32>
        %parallel_loop3A_2469 = arith.constant 16 : i32
        %parallel_loop3A_2470 = arith.muli %parallel_loop3A_2359, %parallel_loop3A_2469 : i32
        %parallel_loop3A_2471 = arith.index_cast %parallel_loop3A_2470 : i32 to index
        %parallel_loop3A_2472 = tpu.vector_load %arg6[%parallel_loop3A_2471] {strides = array<i32>} : memref<256xi32, #tpu.memory_space<vmem>>, vector<16xi32>,
        tpu.vector_store %arg6[%parallel_loop3A_2471], %parallel_loop3A_2468 {strides = array<i32>} : memref<256xi32, #tpu.memory_space<vmem>>, vector<16xi32>,
      } {sc.loop_unroll_factor = 4 : i64, sc.parallel_access}
      %mul3A_17 = arith.constant 256 : i32
      %mul3A_18 = arith.muli %arg1, %mul3A_17 : i32
      %add3A = arith.constant 0 : i32
      %add3A_19 = arith.addi %add3A, %mul3A_18 : i32
      "tpu.region"() ({
        %run_scoped3A = tpu.sem_alloc : memref<!tpu.dma_semaphore, #tpu.memory_space<semaphore_mem>>
        %dma_start3A = tpu.memref_slice %arg8[%add3A_19] : memref<16384xi32, #tpu.memory_space<vmem_shared>> -> memref<256xi32, #tpu.memory_space<vmem_shared>>
        %dma_start3A_2359 = tpu.memref_slice %arg8[%add3A_19] : memref<16384xi32, #tpu.memory_space<vmem_shared>> -> memref<256xi32, #tpu.memory_space<vmem_shared>>
        tpu.enqueue_dma source(%arg6 : memref<256xi32, #tpu.memory_space<vmem>>) target(%dma_start3A_2359 : memref<256xi32, #tpu.memory_space<vmem_shared>>) target_semaphore(%run_scoped3A : memref<!tpu.dma_semaphore, #tpu.memory_space<semaphore_mem>>)
        %dma_wait3A = tpu.memref_slice %arg8[%add3A_19] : memref<16384xi32, #tpu.memory_space<vmem_shared>> -> memref<256xi32, #tpu.memory_space<vmem_shared>>
        %dma_wait3A_2360 = tpu.memref_slice %arg8[%add3A_19] : memref<16384xi32, #tpu.memory_space<vmem_shared>> -> memref<256xi32, #tpu.memory_space<vmem_shared>>
        tpu.wait_dma2 semaphore(%run_scoped3A : memref<!tpu.dma_semaphore, #tpu.memory_space<semaphore_mem>>) src(%arg6 : memref<256xi32, #tpu.memory_space<vmem>>) dst(%dma_wait3A_2360 : memref<256xi32, #tpu.memory_space<vmem_shared>>)
        tpu.yield
      }) : () -> ()
      %barrier3A = arith.constant 0 : index
      tpu.barrier barrier_id(%barrier3A)
      "tpu.region"() ({
        %run_scoped3A = tpu.sem_alloc : memref<!tpu.dma_semaphore, #tpu.memory_space<semaphore_mem>>
        %dma_start3A = arith.constant 0 : i32
        %dma_start3A_2359 = tpu.memref_slice %arg8[%dma_start3A] : memref<16384xi32, #tpu.memory_space<vmem_shared>> -> memref<4096xi32, #tpu.memory_space<vmem_shared>>
        %dma_start3A_2360 = arith.constant 0 : i32
        %dma_start3A_2361 = tpu.memref_slice %arg8[%dma_start3A_2360] : memref<16384xi32, #tpu.memory_space<vmem_shared>> -> memref<4096xi32, #tpu.memory_space<vmem_shared>>
        tpu.enqueue_dma source(%dma_start3A_2361 : memref<4096xi32, #tpu.memory_space<vmem_shared>>) target(%arg5 : memref<4096xi32, #tpu.memory_space<vmem>>) target_semaphore(%run_scoped3A : memref<!tpu.dma_semaphore, #tpu.memory_space<semaphore_mem>>)
        %dma_wait3A = arith.constant 0 : i32
        %dma_wait3A_2362 = tpu.memref_slice %arg8[%dma_wait3A] : memref<16384xi32, #tpu.memory_space<vmem_shared>> -> memref<4096xi32, #tpu.memory_space<vmem_shared>>
        %dma_wait3A_2363 = arith.constant 0 : i32
        %dma_wait3A_2364 = tpu.memref_slice %arg8[%dma_wait3A_2363] : memref<16384xi32, #tpu.memory_space<vmem_shared>> -> memref<4096xi32, #tpu.memory_space<vmem_shared>>
        tpu.wait_dma2 semaphore(%run_scoped3A : memref<!tpu.dma_semaphore, #tpu.memory_space<semaphore_mem>>) src(%dma_wait3A_2364 : memref<4096xi32, #tpu.memory_space<vmem_shared>>) dst(%arg5 : memref<4096xi32, #tpu.memory_space<vmem>>)
        tpu.yield
      }) : () -> ()
      %parallel_loop3A_20 = arith.constant 0 : i32
      %parallel_loop3A_21 = arith.constant 16 : i32
      %parallel_loop3A_22 = arith.constant 1 : i32
      scf.for %parallel_loop3A_2359 = %parallel_loop3A_20 to %parallel_loop3A_21 step %parallel_loop3A_22  : i32 {
        %parallel_loop3A_2360 = arith.constant 16 : i32
        %parallel_loop3A_2361 = arith.muli %parallel_loop3A_2359, %parallel_loop3A_2360 : i32
        %parallel_loop3A_2362 = arith.index_cast %parallel_loop3A_2361 : i32 to index
        %parallel_loop3A_2363 = tpu.vector_load %arg5[%parallel_loop3A_2362] {strides = array<i32>} : memref<4096xi32, #tpu.memory_space<vmem>>, vector<16xi32>,
        %parallel_loop3A_2364 = arith.constant 16 : i32
        %parallel_loop3A_2365 = arith.muli %parallel_loop3A_2359, %parallel_loop3A_2364 : i32
        %parallel_loop3A_2366 = arith.constant 256 : i32
        %parallel_loop3A_2367 = arith.addi %parallel_loop3A_2366, %parallel_loop3A_2365 : i32
        %parallel_loop3A_2368 = arith.index_cast %parallel_loop3A_2367 : i32 to index
        %parallel_loop3A_2369 = tpu.vector_load %arg5[%parallel_loop3A_2368] {strides = array<i32>} : memref<4096xi32, #tpu.memory_space<vmem>>, vector<16xi32>,
        %parallel_loop3A_2370 = arith.addi %parallel_loop3A_2363, %parallel_loop3A_2369 : vector<16xi32>
        %parallel_loop3A_2371 = arith.constant 16 : i32
        %parallel_loop3A_2372 = arith.muli %parallel_loop3A_2359, %parallel_loop3A_2371 : i32
        %parallel_loop3A_2373 = arith.constant 512 : i32
        %parallel_loop3A_2374 = arith.addi %parallel_loop3A_2373, %parallel_loop3A_2372 : i32
        %parallel_loop3A_2375 = arith.index_cast %parallel_loop3A_2374 : i32 to index
        %parallel_loop3A_2376 = tpu.vector_load %arg5[%parallel_loop3A_2375] {strides = array<i32>} : memref<4096xi32, #tpu.memory_space<vmem>>, vector<16xi32>,
        %parallel_loop3A_2377 = arith.addi %parallel_loop3A_2370, %parallel_loop3A_2376 : vector<16xi32>
        %parallel_loop3A_2378 = arith.constant 16 : i32
        %parallel_loop3A_2379 = arith.muli %parallel_loop3A_2359, %parallel_loop3A_2378 : i32
        %parallel_loop3A_2380 = arith.constant 768 : i32
        %parallel_loop3A_2381 = arith.addi %parallel_loop3A_2380, %parallel_loop3A_2379 : i32
        %parallel_loop3A_2382 = arith.index_cast %parallel_loop3A_2381 : i32 to index
        %parallel_loop3A_2383 = tpu.vector_load %arg5[%parallel_loop3A_2382] {strides = array<i32>} : memref<4096xi32, #tpu.memory_space<vmem>>, vector<16xi32>,
        %parallel_loop3A_2384 = arith.addi %parallel_loop3A_2377, %parallel_loop3A_2383 : vector<16xi32>
        %parallel_loop3A_2385 = arith.constant 16 : i32
        %parallel_loop3A_2386 = arith.muli %parallel_loop3A_2359, %parallel_loop3A_2385 : i32
        %parallel_loop3A_2387 = arith.constant 1024 : i32
        %parallel_loop3A_2388 = arith.addi %parallel_loop3A_2387, %parallel_loop3A_2386 : i32
        %parallel_loop3A_2389 = arith.index_cast %parallel_loop3A_2388 : i32 to index
        %parallel_loop3A_2390 = tpu.vector_load %arg5[%parallel_loop3A_2389] {strides = array<i32>} : memref<4096xi32, #tpu.memory_space<vmem>>, vector<16xi32>,
        %parallel_loop3A_2391 = arith.addi %parallel_loop3A_2384, %parallel_loop3A_2390 : vector<16xi32>
        %parallel_loop3A_2392 = arith.constant 16 : i32
        %parallel_loop3A_2393 = arith.muli %parallel_loop3A_2359, %parallel_loop3A_2392 : i32
        %parallel_loop3A_2394 = arith.constant 1280 : i32
        %parallel_loop3A_2395 = arith.addi %parallel_loop3A_2394, %parallel_loop3A_2393 : i32
        %parallel_loop3A_2396 = arith.index_cast %parallel_loop3A_2395 : i32 to index
        %parallel_loop3A_2397 = tpu.vector_load %arg5[%parallel_loop3A_2396] {strides = array<i32>} : memref<4096xi32, #tpu.memory_space<vmem>>, vector<16xi32>,
        %parallel_loop3A_2398 = arith.addi %parallel_loop3A_2391, %parallel_loop3A_2397 : vector<16xi32>
        %parallel_loop3A_2399 = arith.constant 16 : i32
        %parallel_loop3A_2400 = arith.muli %parallel_loop3A_2359, %parallel_loop3A_2399 : i32
        %parallel_loop3A_2401 = arith.constant 1536 : i32
        %parallel_loop3A_2402 = arith.addi %parallel_loop3A_2401, %parallel_loop3A_2400 : i32
        %parallel_loop3A_2403 = arith.index_cast %parallel_loop3A_2402 : i32 to index
        %parallel_loop3A_2404 = tpu.vector_load %arg5[%parallel_loop3A_2403] {strides = array<i32>} : memref<4096xi32, #tpu.memory_space<vmem>>, vector<16xi32>,
        %parallel_loop3A_2405 = arith.addi %parallel_loop3A_2398, %parallel_loop3A_2404 : vector<16xi32>
        %parallel_loop3A_2406 = arith.constant 16 : i32
        %parallel_loop3A_2407 = arith.muli %parallel_loop3A_2359, %parallel_loop3A_2406 : i32
        %parallel_loop3A_2408 = arith.constant 1792 : i32
        %parallel_loop3A_2409 = arith.addi %parallel_loop3A_2408, %parallel_loop3A_2407 : i32
        %parallel_loop3A_2410 = arith.index_cast %parallel_loop3A_2409 : i32 to index
        %parallel_loop3A_2411 = tpu.vector_load %arg5[%parallel_loop3A_2410] {strides = array<i32>} : memref<4096xi32, #tpu.memory_space<vmem>>, vector<16xi32>,
        %parallel_loop3A_2412 = arith.addi %parallel_loop3A_2405, %parallel_loop3A_2411 : vector<16xi32>
        %parallel_loop3A_2413 = arith.constant 16 : i32
        %parallel_loop3A_2414 = arith.muli %parallel_loop3A_2359, %parallel_loop3A_2413 : i32
        %parallel_loop3A_2415 = arith.constant 2048 : i32
        %parallel_loop3A_2416 = arith.addi %parallel_loop3A_2415, %parallel_loop3A_2414 : i32
        %parallel_loop3A_2417 = arith.index_cast %parallel_loop3A_2416 : i32 to index
        %parallel_loop3A_2418 = tpu.vector_load %arg5[%parallel_loop3A_2417] {strides = array<i32>} : memref<4096xi32, #tpu.memory_space<vmem>>, vector<16xi32>,
        %parallel_loop3A_2419 = arith.addi %parallel_loop3A_2412, %parallel_loop3A_2418 : vector<16xi32>
        %parallel_loop3A_2420 = arith.constant 16 : i32
        %parallel_loop3A_2421 = arith.muli %parallel_loop3A_2359, %parallel_loop3A_2420 : i32
        %parallel_loop3A_2422 = arith.constant 2304 : i32
        %parallel_loop3A_2423 = arith.addi %parallel_loop3A_2422, %parallel_loop3A_2421 : i32
        %parallel_loop3A_2424 = arith.index_cast %parallel_loop3A_2423 : i32 to index
        %parallel_loop3A_2425 = tpu.vector_load %arg5[%parallel_loop3A_2424] {strides = array<i32>} : memref<4096xi32, #tpu.memory_space<vmem>>, vector<16xi32>,
        %parallel_loop3A_2426 = arith.addi %parallel_loop3A_2419, %parallel_loop3A_2425 : vector<16xi32>
        %parallel_loop3A_2427 = arith.constant 16 : i32
        %parallel_loop3A_2428 = arith.muli %parallel_loop3A_2359, %parallel_loop3A_2427 : i32
        %parallel_loop3A_2429 = arith.constant 2560 : i32
        %parallel_loop3A_2430 = arith.addi %parallel_loop3A_2429, %parallel_loop3A_2428 : i32
        %parallel_loop3A_2431 = arith.index_cast %parallel_loop3A_2430 : i32 to index
        %parallel_loop3A_2432 = tpu.vector_load %arg5[%parallel_loop3A_2431] {strides = array<i32>} : memref<4096xi32, #tpu.memory_space<vmem>>, vector<16xi32>,
        %parallel_loop3A_2433 = arith.addi %parallel_loop3A_2426, %parallel_loop3A_2432 : vector<16xi32>
        %parallel_loop3A_2434 = arith.constant 16 : i32
        %parallel_loop3A_2435 = arith.muli %parallel_loop3A_2359, %parallel_loop3A_2434 : i32
        %parallel_loop3A_2436 = arith.constant 2816 : i32
        %parallel_loop3A_2437 = arith.addi %parallel_loop3A_2436, %parallel_loop3A_2435 : i32
        %parallel_loop3A_2438 = arith.index_cast %parallel_loop3A_2437 : i32 to index
        %parallel_loop3A_2439 = tpu.vector_load %arg5[%parallel_loop3A_2438] {strides = array<i32>} : memref<4096xi32, #tpu.memory_space<vmem>>, vector<16xi32>,
        %parallel_loop3A_2440 = arith.addi %parallel_loop3A_2433, %parallel_loop3A_2439 : vector<16xi32>
        %parallel_loop3A_2441 = arith.constant 16 : i32
        %parallel_loop3A_2442 = arith.muli %parallel_loop3A_2359, %parallel_loop3A_2441 : i32
        %parallel_loop3A_2443 = arith.constant 3072 : i32
        %parallel_loop3A_2444 = arith.addi %parallel_loop3A_2443, %parallel_loop3A_2442 : i32
        %parallel_loop3A_2445 = arith.index_cast %parallel_loop3A_2444 : i32 to index
        %parallel_loop3A_2446 = tpu.vector_load %arg5[%parallel_loop3A_2445] {strides = array<i32>} : memref<4096xi32, #tpu.memory_space<vmem>>, vector<16xi32>,
        %parallel_loop3A_2447 = arith.addi %parallel_loop3A_2440, %parallel_loop3A_2446 : vector<16xi32>
        %parallel_loop3A_2448 = arith.constant 16 : i32
        %parallel_loop3A_2449 = arith.muli %parallel_loop3A_2359, %parallel_loop3A_2448 : i32
        %parallel_loop3A_2450 = arith.constant 3328 : i32
        %parallel_loop3A_2451 = arith.addi %parallel_loop3A_2450, %parallel_loop3A_2449 : i32
        %parallel_loop3A_2452 = arith.index_cast %parallel_loop3A_2451 : i32 to index
        %parallel_loop3A_2453 = tpu.vector_load %arg5[%parallel_loop3A_2452] {strides = array<i32>} : memref<4096xi32, #tpu.memory_space<vmem>>, vector<16xi32>,
        %parallel_loop3A_2454 = arith.addi %parallel_loop3A_2447, %parallel_loop3A_2453 : vector<16xi32>
        %parallel_loop3A_2455 = arith.constant 16 : i32
        %parallel_loop3A_2456 = arith.muli %parallel_loop3A_2359, %parallel_loop3A_2455 : i32
        %parallel_loop3A_2457 = arith.constant 3584 : i32
        %parallel_loop3A_2458 = arith.addi %parallel_loop3A_2457, %parallel_loop3A_2456 : i32
        %parallel_loop3A_2459 = arith.index_cast %parallel_loop3A_2458 : i32 to index
        %parallel_loop3A_2460 = tpu.vector_load %arg5[%parallel_loop3A_2459] {strides = array<i32>} : memref<4096xi32, #tpu.memory_space<vmem>>, vector<16xi32>,
        %parallel_loop3A_2461 = arith.addi %parallel_loop3A_2454, %parallel_loop3A_2460 : vector<16xi32>
        %parallel_loop3A_2462 = arith.constant 16 : i32
        %parallel_loop3A_2463 = arith.muli %parallel_loop3A_2359, %parallel_loop3A_2462 : i32
        %parallel_loop3A_2464 = arith.constant 3840 : i32
        %parallel_loop3A_2465 = arith.addi %parallel_loop3A_2464, %parallel_loop3A_2463 : i32
        %parallel_loop3A_2466 = arith.index_cast %parallel_loop3A_2465 : i32 to index
        %parallel_loop3A_2467 = tpu.vector_load %arg5[%parallel_loop3A_2466] {strides = array<i32>} : memref<4096xi32, #tpu.memory_space<vmem>>, vector<16xi32>,
        %parallel_loop3A_2468 = arith.addi %parallel_loop3A_2461, %parallel_loop3A_2467 : vector<16xi32>
        %parallel_loop3A_2469 = arith.constant 16 : i32
        %parallel_loop3A_2470 = arith.muli %parallel_loop3A_2359, %parallel_loop3A_2469 : i32
        %parallel_loop3A_2471 = arith.index_cast %parallel_loop3A_2470 : i32 to index
        %parallel_loop3A_2472 = tpu.vector_load %arg6[%parallel_loop3A_2471] {strides = array<i32>} : memref<256xi32, #tpu.memory_space<vmem>>, vector<16xi32>,
        tpu.vector_store %arg6[%parallel_loop3A_2471], %parallel_loop3A_2468 {strides = array<i32>} : memref<256xi32, #tpu.memory_space<vmem>>, vector<16xi32>,
      } {sc.loop_unroll_factor = 4 : i64, sc.parallel_access}
      %get3A = arith.constant 0 : index
      %get3A_23 = tpu.vector_load %arg6[%get3A] {strides = array<i32>} : memref<256xi32, #tpu.memory_space<vmem>>, vector<16xi32>,
      %broadcast_in_dim3A_24 = arith.constant true
      %broadcast_in_dim3A_25 = vector.broadcast %broadcast_in_dim3A_24 : i1 to vector<16xi1>
      %masked_cumsum3A = tpu.scan <sum>, %get3A_23 masked %broadcast_in_dim3A_25 : vector<16xi32>, vector<16xi1> -> vector<16xi32>
      %add3A_26 = arith.constant 0 : i32
      %add3A_27 = vector.broadcast %add3A_26 : i32 to vector<16xi32>
      %add3A_28 = arith.addi %masked_cumsum3A, %add3A_27 : vector<16xi32>
      %gt3A = arith.constant 105676 : i32
      %gt3A_29 = vector.broadcast %gt3A : i32 to vector<16xi32>
      %gt3A_30 = arith.cmpi sgt, %add3A_28, %gt3A_29 : vector<16xi32>
      %all_reduce_population_count3A = tpu.all_reduce %gt3A_30 {dim = 0 : i64, kind = #tpu.reduction_kind<sum>} : vector<16xi1> -> vector<16xi32>
      %reduce_max3A = arith.constant true
      %reduce_max3A_31 = vector.broadcast %reduce_max3A : i1 to vector<16xi1>
      %reduce_max3A_32 = arith.constant -2147483648 : i32
      %reduce_max3A_33 = vector.broadcast %reduce_max3A_32 : i32 to vector<16xi32>
      %reduce_max3A_34 = arith.xori %all_reduce_population_count3A, %reduce_max3A_33 : vector<16xi32>
      %reduce_max3A_35 = tpu.scan <max>, %reduce_max3A_34 masked %reduce_max3A_31 : vector<16xi32>, vector<16xi1> -> vector<16xi32>
      %reduce_max3A_36 = arith.xori %reduce_max3A_35, %reduce_max3A_33 : vector<16xi32>
      %reduce_max3A_37 = vector.extract %reduce_max3A_36[15] : i32 from vector<16xi32>
      %lt3A = arith.constant -1 : i32
      %lt3A_38 = arith.constant 0 : i32
      %lt3A_39 = arith.cmpi slt, %lt3A, %lt3A_38 : i32
      %gt3A_40 = arith.constant 0 : i32
      %gt3A_41 = arith.cmpi sgt, %reduce_max3A_37, %gt3A_40 : i32
      %and3A = arith.andi %lt3A_39, %gt3A_41 : i1
      %sub3A = arith.constant 16 : i32
      %sub3A_42 = arith.subi %sub3A, %reduce_max3A_37 : i32
      %eq3A_43 = vector.broadcast %sub3A_42 : i32 to vector<16xi32>
      %eq3A_44 = arith.cmpi eq, %iota3A, %eq3A_43 : vector<16xi32>
      %sub3A_45 = arith.subi %add3A_28, %get3A_23 : vector<16xi32>
      %jit3A = arith.constant 0 : i32
      %broadcast_in_dim3A_46 = vector.broadcast %jit3A : i32 to vector<16xi32>
      %select_n3A = arith.select %eq3A_44, %sub3A_45, %broadcast_in_dim3A_46 : vector<16xi1>, vector<16xi32>
      %reduce_sum3A = arith.constant true
      %reduce_sum3A_47 = vector.broadcast %reduce_sum3A : i1 to vector<16xi1>
      %reduce_sum3A_48 = tpu.scan <sum>, %select_n3A masked %reduce_sum3A_47 : vector<16xi32>, vector<16xi1> -> vector<16xi32>
      %reduce_sum3A_49 = vector.extract %reduce_sum3A_48[15] : i32 from vector<16xi32>
      %add3A_50 = arith.constant 0 : i32
      %add3A_51 = arith.addi %add3A_50, %sub3A_42 : i32
      %jit3A_52 = arith.constant -1 : i32
      %select_n3A_53 = arith.select %and3A, %add3A_51, %jit3A_52 : i32
      %jit3A_54 = arith.constant 0 : i32
      %select_n3A_55 = arith.select %and3A, %reduce_sum3A_49, %jit3A_54 : i32
      %reduce_max3A_56 = arith.constant true
      %reduce_max3A_57 = vector.broadcast %reduce_max3A_56 : i1 to vector<16xi1>
      %reduce_max3A_58 = arith.constant -2147483648 : i32
      %reduce_max3A_59 = vector.broadcast %reduce_max3A_58 : i32 to vector<16xi32>
      %reduce_max3A_60 = arith.xori %add3A_28, %reduce_max3A_59 : vector<16xi32>
      %reduce_max3A_61 = tpu.scan <max>, %reduce_max3A_60 masked %reduce_max3A_57 : vector<16xi32>, vector<16xi1> -> vector<16xi32>
      %reduce_max3A_62 = arith.xori %reduce_max3A_61, %reduce_max3A_59 : vector<16xi32>
      %reduce_max3A_63 = vector.extract %reduce_max3A_62[15] : i32 from vector<16xi32>
      %get3A_64 = arith.constant 16 : index
      %get3A_65 = tpu.vector_load %arg6[%get3A_64] {strides = array<i32>} : memref<256xi32, #tpu.memory_space<vmem>>, vector<16xi32>,
      %broadcast_in_dim3A_66 = arith.constant true
      %broadcast_in_dim3A_67 = vector.broadcast %broadcast_in_dim3A_66 : i1 to vector<16xi1>
      %masked_cumsum3A_68 = tpu.scan <sum>, %get3A_65 masked %broadcast_in_dim3A_67 : vector<16xi32>, vector<16xi1> -> vector<16xi32>
      %add3A_69 = vector.broadcast %reduce_max3A_63 : i32 to vector<16xi32>
      %add3A_70 = arith.addi %masked_cumsum3A_68, %add3A_69 : vector<16xi32>
      %gt3A_71 = arith.constant 105676 : i32
      %gt3A_72 = vector.broadcast %gt3A_71 : i32 to vector<16xi32>
      %gt3A_73 = arith.cmpi sgt, %add3A_70, %gt3A_72 : vector<16xi32>
      %all_reduce_population_count3A_74 = tpu.all_reduce %gt3A_73 {dim = 0 : i64, kind = #tpu.reduction_kind<sum>} : vector<16xi1> -> vector<16xi32>
      %reduce_max3A_75 = arith.constant true
      %reduce_max3A_76 = vector.broadcast %reduce_max3A_75 : i1 to vector<16xi1>
      %reduce_max3A_77 = arith.constant -2147483648 : i32
      %reduce_max3A_78 = vector.broadcast %reduce_max3A_77 : i32 to vector<16xi32>
      %reduce_max3A_79 = arith.xori %all_reduce_population_count3A_74, %reduce_max3A_78 : vector<16xi32>
      %reduce_max3A_80 = tpu.scan <max>, %reduce_max3A_79 masked %reduce_max3A_76 : vector<16xi32>, vector<16xi1> -> vector<16xi32>
      %reduce_max3A_81 = arith.xori %reduce_max3A_80, %reduce_max3A_78 : vector<16xi32>
      %reduce_max3A_82 = vector.extract %reduce_max3A_81[15] : i32 from vector<16xi32>
      %lt3A_83 = arith.constant 0 : i32
      %lt3A_84 = arith.cmpi slt, %select_n3A_53, %lt3A_83 : i32
      %gt3A_85 = arith.constant 0 : i32
      %gt3A_86 = arith.cmpi sgt, %reduce_max3A_82, %gt3A_85 : i32
      %and3A_87 = arith.andi %lt3A_84, %gt3A_86 : i1
      %sub3A_88 = arith.constant 16 : i32
      %sub3A_89 = arith.subi %sub3A_88, %reduce_max3A_82 : i32
      %eq3A_90 = vector.broadcast %sub3A_89 : i32 to vector<16xi32>
      %eq3A_91 = arith.cmpi eq, %iota3A, %eq3A_90 : vector<16xi32>
      %sub3A_92 = arith.subi %add3A_70, %get3A_65 : vector<16xi32>
      %jit3A_93 = arith.constant 0 : i32
      %broadcast_in_dim3A_94 = vector.broadcast %jit3A_93 : i32 to vector<16xi32>
      %select_n3A_95 = arith.select %eq3A_91, %sub3A_92, %broadcast_in_dim3A_94 : vector<16xi1>, vector<16xi32>
      %reduce_sum3A_96 = arith.constant true
      %reduce_sum3A_97 = vector.broadcast %reduce_sum3A_96 : i1 to vector<16xi1>
      %reduce_sum3A_98 = tpu.scan <sum>, %select_n3A_95 masked %reduce_sum3A_97 : vector<16xi32>, vector<16xi1> -> vector<16xi32>
      %reduce_sum3A_99 = vector.extract %reduce_sum3A_98[15] : i32 from vector<16xi32>
      %add3A_100 = arith.constant 16 : i32
      %add3A_101 = arith.addi %add3A_100, %sub3A_89 : i32
      %select_n3A_102 = arith.select %and3A_87, %add3A_101, %select_n3A_53 : i32
      %select_n3A_103 = arith.select %and3A_87, %reduce_sum3A_99, %select_n3A_55 : i32
      %reduce_max3A_104 = arith.constant true
      %reduce_max3A_105 = vector.broadcast %reduce_max3A_104 : i1 to vector<16xi1>
      %reduce_max3A_106 = arith.constant -2147483648 : i32
      %reduce_max3A_107 = vector.broadcast %reduce_max3A_106 : i32 to vector<16xi32>
      %reduce_max3A_108 = arith.xori %add3A_70, %reduce_max3A_107 : vector<16xi32>
      %reduce_max3A_109 = tpu.scan <max>, %reduce_max3A_108 masked %reduce_max3A_105 : vector<16xi32>, vector<16xi1> -> vector<16xi32>
      %reduce_max3A_110 = arith.xori %reduce_max3A_109, %reduce_max3A_107 : vector<16xi32>
      %reduce_max3A_111 = vector.extract %reduce_max3A_110[15] : i32 from vector<16xi32>
      %get3A_112 = arith.constant 32 : index
      %get3A_113 = tpu.vector_load %arg6[%get3A_112] {strides = array<i32>} : memref<256xi32, #tpu.memory_space<vmem>>, vector<16xi32>,
      %broadcast_in_dim3A_114 = arith.constant true
      %broadcast_in_dim3A_115 = vector.broadcast %broadcast_in_dim3A_114 : i1 to vector<16xi1>
      %masked_cumsum3A_116 = tpu.scan <sum>, %get3A_113 masked %broadcast_in_dim3A_115 : vector<16xi32>, vector<16xi1> -> vector<16xi32>
      %add3A_117 = vector.broadcast %reduce_max3A_111 : i32 to vector<16xi32>
      %add3A_118 = arith.addi %masked_cumsum3A_116, %add3A_117 : vector<16xi32>
      %gt3A_119 = arith.constant 105676 : i32
      %gt3A_120 = vector.broadcast %gt3A_119 : i32 to vector<16xi32>
      %gt3A_121 = arith.cmpi sgt, %add3A_118, %gt3A_120 : vector<16xi32>
      %all_reduce_population_count3A_122 = tpu.all_reduce %gt3A_121 {dim = 0 : i64, kind = #tpu.reduction_kind<sum>} : vector<16xi1> -> vector<16xi32>
      %reduce_max3A_123 = arith.constant true
      %reduce_max3A_124 = vector.broadcast %reduce_max3A_123 : i1 to vector<16xi1>
      %reduce_max3A_125 = arith.constant -2147483648 : i32
      %reduce_max3A_126 = vector.broadcast %reduce_max3A_125 : i32 to vector<16xi32>
      %reduce_max3A_127 = arith.xori %all_reduce_population_count3A_122, %reduce_max3A_126 : vector<16xi32>
      %reduce_max3A_128 = tpu.scan <max>, %reduce_max3A_127 masked %reduce_max3A_124 : vector<16xi32>, vector<16xi1> -> vector<16xi32>
      %reduce_max3A_129 = arith.xori %reduce_max3A_128, %reduce_max3A_126 : vector<16xi32>
      %reduce_max3A_130 = vector.extract %reduce_max3A_129[15] : i32 from vector<16xi32>
      %lt3A_131 = arith.constant 0 : i32
      %lt3A_132 = arith.cmpi slt, %select_n3A_102, %lt3A_131 : i32
      %gt3A_133 = arith.constant 0 : i32
      %gt3A_134 = arith.cmpi sgt, %reduce_max3A_130, %gt3A_133 : i32
      %and3A_135 = arith.andi %lt3A_132, %gt3A_134 : i1
      %sub3A_136 = arith.constant 16 : i32
      %sub3A_137 = arith.subi %sub3A_136, %reduce_max3A_130 : i32
      %eq3A_138 = vector.broadcast %sub3A_137 : i32 to vector<16xi32>
      %eq3A_139 = arith.cmpi eq, %iota3A, %eq3A_138 : vector<16xi32>
      %sub3A_140 = arith.subi %add3A_118, %get3A_113 : vector<16xi32>
      %jit3A_141 = arith.constant 0 : i32
      %broadcast_in_dim3A_142 = vector.broadcast %jit3A_141 : i32 to vector<16xi32>
      %select_n3A_143 = arith.select %eq3A_139, %sub3A_140, %broadcast_in_dim3A_142 : vector<16xi1>, vector<16xi32>
      %reduce_sum3A_144 = arith.constant true
      %reduce_sum3A_145 = vector.broadcast %reduce_sum3A_144 : i1 to vector<16xi1>
      %reduce_sum3A_146 = tpu.scan <sum>, %select_n3A_143 masked %reduce_sum3A_145 : vector<16xi32>, vector<16xi1> -> vector<16xi32>
      %reduce_sum3A_147 = vector.extract %reduce_sum3A_146[15] : i32 from vector<16xi32>
      %add3A_148 = arith.constant 32 : i32
      %add3A_149 = arith.addi %add3A_148, %sub3A_137 : i32
      %select_n3A_150 = arith.select %and3A_135, %add3A_149, %select_n3A_102 : i32
      %select_n3A_151 = arith.select %and3A_135, %reduce_sum3A_147, %select_n3A_103 : i32
      %reduce_max3A_152 = arith.constant true
      %reduce_max3A_153 = vector.broadcast %reduce_max3A_152 : i1 to vector<16xi1>
      %reduce_max3A_154 = arith.constant -2147483648 : i32
      %reduce_max3A_155 = vector.broadcast %reduce_max3A_154 : i32 to vector<16xi32>
      %reduce_max3A_156 = arith.xori %add3A_118, %reduce_max3A_155 : vector<16xi32>
      %reduce_max3A_157 = tpu.scan <max>, %reduce_max3A_156 masked %reduce_max3A_153 : vector<16xi32>, vector<16xi1> -> vector<16xi32>
      %reduce_max3A_158 = arith.xori %reduce_max3A_157, %reduce_max3A_155 : vector<16xi32>
      %reduce_max3A_159 = vector.extract %reduce_max3A_158[15] : i32 from vector<16xi32>
      %get3A_160 = arith.constant 48 : index
      %get3A_161 = tpu.vector_load %arg6[%get3A_160] {strides = array<i32>} : memref<256xi32, #tpu.memory_space<vmem>>, vector<16xi32>,
      %broadcast_in_dim3A_162 = arith.constant true
      %broadcast_in_dim3A_163 = vector.broadcast %broadcast_in_dim3A_162 : i1 to vector<16xi1>
      %masked_cumsum3A_164 = tpu.scan <sum>, %get3A_161 masked %broadcast_in_dim3A_163 : vector<16xi32>, vector<16xi1> -> vector<16xi32>
      %add3A_165 = vector.broadcast %reduce_max3A_159 : i32 to vector<16xi32>
      %add3A_166 = arith.addi %masked_cumsum3A_164, %add3A_165 : vector<16xi32>
      %gt3A_167 = arith.constant 105676 : i32
      %gt3A_168 = vector.broadcast %gt3A_167 : i32 to vector<16xi32>
      %gt3A_169 = arith.cmpi sgt, %add3A_166, %gt3A_168 : vector<16xi32>
      %all_reduce_population_count3A_170 = tpu.all_reduce %gt3A_169 {dim = 0 : i64, kind = #tpu.reduction_kind<sum>} : vector<16xi1> -> vector<16xi32>
      %reduce_max3A_171 = arith.constant true
      %reduce_max3A_172 = vector.broadcast %reduce_max3A_171 : i1 to vector<16xi1>
      %reduce_max3A_173 = arith.constant -2147483648 : i32
      %reduce_max3A_174 = vector.broadcast %reduce_max3A_173 : i32 to vector<16xi32>
      %reduce_max3A_175 = arith.xori %all_reduce_population_count3A_170, %reduce_max3A_174 : vector<16xi32>
      %reduce_max3A_176 = tpu.scan <max>, %reduce_max3A_175 masked %reduce_max3A_172 : vector<16xi32>, vector<16xi1> -> vector<16xi32>
      %reduce_max3A_177 = arith.xori %reduce_max3A_176, %reduce_max3A_174 : vector<16xi32>
      %reduce_max3A_178 = vector.extract %reduce_max3A_177[15] : i32 from vector<16xi32>
      %lt3A_179 = arith.constant 0 : i32
      %lt3A_180 = arith.cmpi slt, %select_n3A_150, %lt3A_179 : i32
      %gt3A_181 = arith.constant 0 : i32
      %gt3A_182 = arith.cmpi sgt, %reduce_max3A_178, %gt3A_181 : i32
      %and3A_183 = arith.andi %lt3A_180, %gt3A_182 : i1
      %sub3A_184 = arith.constant 16 : i32
      %sub3A_185 = arith.subi %sub3A_184, %reduce_max3A_178 : i32
      %eq3A_186 = vector.broadcast %sub3A_185 : i32 to vector<16xi32>
      %eq3A_187 = arith.cmpi eq, %iota3A, %eq3A_186 : vector<16xi32>
      %sub3A_188 = arith.subi %add3A_166, %get3A_161 : vector<16xi32>
      %jit3A_189 = arith.constant 0 : i32
      %broadcast_in_dim3A_190 = vector.broadcast %jit3A_189 : i32 to vector<16xi32>
      %select_n3A_191 = arith.select %eq3A_187, %sub3A_188, %broadcast_in_dim3A_190 : vector<16xi1>, vector<16xi32>
      %reduce_sum3A_192 = arith.constant true
      %reduce_sum3A_193 = vector.broadcast %reduce_sum3A_192 : i1 to vector<16xi1>
      %reduce_sum3A_194 = tpu.scan <sum>, %select_n3A_191 masked %reduce_sum3A_193 : vector<16xi32>, vector<16xi1> -> vector<16xi32>
      %reduce_sum3A_195 = vector.extract %reduce_sum3A_194[15] : i32 from vector<16xi32>
      %add3A_196 = arith.constant 48 : i32
      %add3A_197 = arith.addi %add3A_196, %sub3A_185 : i32
      %select_n3A_198 = arith.select %and3A_183, %add3A_197, %select_n3A_150 : i32
      %select_n3A_199 = arith.select %and3A_183, %reduce_sum3A_195, %select_n3A_151 : i32
      %reduce_max3A_200 = arith.constant true
      %reduce_max3A_201 = vector.broadcast %reduce_max3A_200 : i1 to vector<16xi1>
      %reduce_max3A_202 = arith.constant -2147483648 : i32
      %reduce_max3A_203 = vector.broadcast %reduce_max3A_202 : i32 to vector<16xi32>
      %reduce_max3A_204 = arith.xori %add3A_166, %reduce_max3A_203 : vector<16xi32>
      %reduce_max3A_205 = tpu.scan <max>, %reduce_max3A_204 masked %reduce_max3A_201 : vector<16xi32>, vector<16xi1> -> vector<16xi32>
      %reduce_max3A_206 = arith.xori %reduce_max3A_205, %reduce_max3A_203 : vector<16xi32>
      %reduce_max3A_207 = vector.extract %reduce_max3A_206[15] : i32 from vector<16xi32>
      %get3A_208 = arith.constant 64 : index
      %get3A_209 = tpu.vector_load %arg6[%get3A_208] {strides = array<i32>} : memref<256xi32, #tpu.memory_space<vmem>>, vector<16xi32>,
      %broadcast_in_dim3A_210 = arith.constant true
      %broadcast_in_dim3A_211 = vector.broadcast %broadcast_in_dim3A_210 : i1 to vector<16xi1>
      %masked_cumsum3A_212 = tpu.scan <sum>, %get3A_209 masked %broadcast_in_dim3A_211 : vector<16xi32>, vector<16xi1> -> vector<16xi32>
      %add3A_213 = vector.broadcast %reduce_max3A_207 : i32 to vector<16xi32>
      %add3A_214 = arith.addi %masked_cumsum3A_212, %add3A_213 : vector<16xi32>
      %gt3A_215 = arith.constant 105676 : i32
      %gt3A_216 = vector.broadcast %gt3A_215 : i32 to vector<16xi32>
      %gt3A_217 = arith.cmpi sgt, %add3A_214, %gt3A_216 : vector<16xi32>
      %all_reduce_population_count3A_218 = tpu.all_reduce %gt3A_217 {dim = 0 : i64, kind = #tpu.reduction_kind<sum>} : vector<16xi1> -> vector<16xi32>
      %reduce_max3A_219 = arith.constant true
      %reduce_max3A_220 = vector.broadcast %reduce_max3A_219 : i1 to vector<16xi1>
      %reduce_max3A_221 = arith.constant -2147483648 : i32
      %reduce_max3A_222 = vector.broadcast %reduce_max3A_221 : i32 to vector<16xi32>
      %reduce_max3A_223 = arith.xori %all_reduce_population_count3A_218, %reduce_max3A_222 : vector<16xi32>
      %reduce_max3A_224 = tpu.scan <max>, %reduce_max3A_223 masked %reduce_max3A_220 : vector<16xi32>, vector<16xi1> -> vector<16xi32>
      %reduce_max3A_225 = arith.xori %reduce_max3A_224, %reduce_max3A_222 : vector<16xi32>
      %reduce_max3A_226 = vector.extract %reduce_max3A_225[15] : i32 from vector<16xi32>
      %lt3A_227 = arith.constant 0 : i32
      %lt3A_228 = arith.cmpi slt, %select_n3A_198, %lt3A_227 : i32
      %gt3A_229 = arith.constant 0 : i32
      %gt3A_230 = arith.cmpi sgt, %reduce_max3A_226, %gt3A_229 : i32
      %and3A_231 = arith.andi %lt3A_228, %gt3A_230 : i1
      %sub3A_232 = arith.constant 16 : i32
      %sub3A_233 = arith.subi %sub3A_232, %reduce_max3A_226 : i32
      %eq3A_234 = vector.broadcast %sub3A_233 : i32 to vector<16xi32>
      %eq3A_235 = arith.cmpi eq, %iota3A, %eq3A_234 : vector<16xi32>
      %sub3A_236 = arith.subi %add3A_214, %get3A_209 : vector<16xi32>
      %jit3A_237 = arith.constant 0 : i32
      %broadcast_in_dim3A_238 = vector.broadcast %jit3A_237 : i32 to vector<16xi32>
      %select_n3A_239 = arith.select %eq3A_235, %sub3A_236, %broadcast_in_dim3A_238 : vector<16xi1>, vector<16xi32>
      %reduce_sum3A_240 = arith.constant true
      %reduce_sum3A_241 = vector.broadcast %reduce_sum3A_240 : i1 to vector<16xi1>
      %reduce_sum3A_242 = tpu.scan <sum>, %select_n3A_239 masked %reduce_sum3A_241 : vector<16xi32>, vector<16xi1> -> vector<16xi32>
      %reduce_sum3A_243 = vector.extract %reduce_sum3A_242[15] : i32 from vector<16xi32>
      %add3A_244 = arith.constant 64 : i32
      %add3A_245 = arith.addi %add3A_244, %sub3A_233 : i32
      %select_n3A_246 = arith.select %and3A_231, %add3A_245, %select_n3A_198 : i32
      %select_n3A_247 = arith.select %and3A_231, %reduce_sum3A_243, %select_n3A_199 : i32
      %reduce_max3A_248 = arith.constant true
      %reduce_max3A_249 = vector.broadcast %reduce_max3A_248 : i1 to vector<16xi1>
      %reduce_max3A_250 = arith.constant -2147483648 : i32
      %reduce_max3A_251 = vector.broadcast %reduce_max3A_250 : i32 to vector<16xi32>
      %reduce_max3A_252 = arith.xori %add3A_214, %reduce_max3A_251 : vector<16xi32>
      %reduce_max3A_253 = tpu.scan <max>, %reduce_max3A_252 masked %reduce_max3A_249 : vector<16xi32>, vector<16xi1> -> vector<16xi32>
      %reduce_max3A_254 = arith.xori %reduce_max3A_253, %reduce_max3A_251 : vector<16xi32>
      %reduce_max3A_255 = vector.extract %reduce_max3A_254[15] : i32 from vector<16xi32>
      %get3A_256 = arith.constant 80 : index
      %get3A_257 = tpu.vector_load %arg6[%get3A_256] {strides = array<i32>} : memref<256xi32, #tpu.memory_space<vmem>>, vector<16xi32>,
      %broadcast_in_dim3A_258 = arith.constant true
      %broadcast_in_dim3A_259 = vector.broadcast %broadcast_in_dim3A_258 : i1 to vector<16xi1>
      %masked_cumsum3A_260 = tpu.scan <sum>, %get3A_257 masked %broadcast_in_dim3A_259 : vector<16xi32>, vector<16xi1> -> vector<16xi32>
      %add3A_261 = vector.broadcast %reduce_max3A_255 : i32 to vector<16xi32>
      %add3A_262 = arith.addi %masked_cumsum3A_260, %add3A_261 : vector<16xi32>
      %gt3A_263 = arith.constant 105676 : i32
      %gt3A_264 = vector.broadcast %gt3A_263 : i32 to vector<16xi32>
      %gt3A_265 = arith.cmpi sgt, %add3A_262, %gt3A_264 : vector<16xi32>
      %all_reduce_population_count3A_266 = tpu.all_reduce %gt3A_265 {dim = 0 : i64, kind = #tpu.reduction_kind<sum>} : vector<16xi1> -> vector<16xi32>
      %reduce_max3A_267 = arith.constant true
      %reduce_max3A_268 = vector.broadcast %reduce_max3A_267 : i1 to vector<16xi1>
      %reduce_max3A_269 = arith.constant -2147483648 : i32
      %reduce_max3A_270 = vector.broadcast %reduce_max3A_269 : i32 to vector<16xi32>
      %reduce_max3A_271 = arith.xori %all_reduce_population_count3A_266, %reduce_max3A_270 : vector<16xi32>
      %reduce_max3A_272 = tpu.scan <max>, %reduce_max3A_271 masked %reduce_max3A_268 : vector<16xi32>, vector<16xi1> -> vector<16xi32>
      %reduce_max3A_273 = arith.xori %reduce_max3A_272, %reduce_max3A_270 : vector<16xi32>
      %reduce_max3A_274 = vector.extract %reduce_max3A_273[15] : i32 from vector<16xi32>
      %lt3A_275 = arith.constant 0 : i32
      %lt3A_276 = arith.cmpi slt, %select_n3A_246, %lt3A_275 : i32
      %gt3A_277 = arith.constant 0 : i32
      %gt3A_278 = arith.cmpi sgt, %reduce_max3A_274, %gt3A_277 : i32
      %and3A_279 = arith.andi %lt3A_276, %gt3A_278 : i1
      %sub3A_280 = arith.constant 16 : i32
      %sub3A_281 = arith.subi %sub3A_280, %reduce_max3A_274 : i32
      %eq3A_282 = vector.broadcast %sub3A_281 : i32 to vector<16xi32>
      %eq3A_283 = arith.cmpi eq, %iota3A, %eq3A_282 : vector<16xi32>
      %sub3A_284 = arith.subi %add3A_262, %get3A_257 : vector<16xi32>
      %jit3A_285 = arith.constant 0 : i32
      %broadcast_in_dim3A_286 = vector.broadcast %jit3A_285 : i32 to vector<16xi32>
      %select_n3A_287 = arith.select %eq3A_283, %sub3A_284, %broadcast_in_dim3A_286 : vector<16xi1>, vector<16xi32>
      %reduce_sum3A_288 = arith.constant true
      %reduce_sum3A_289 = vector.broadcast %reduce_sum3A_288 : i1 to vector<16xi1>
      %reduce_sum3A_290 = tpu.scan <sum>, %select_n3A_287 masked %reduce_sum3A_289 : vector<16xi32>, vector<16xi1> -> vector<16xi32>
      %reduce_sum3A_291 = vector.extract %reduce_sum3A_290[15] : i32 from vector<16xi32>
      %add3A_292 = arith.constant 80 : i32
      %add3A_293 = arith.addi %add3A_292, %sub3A_281 : i32
      %select_n3A_294 = arith.select %and3A_279, %add3A_293, %select_n3A_246 : i32
      %select_n3A_295 = arith.select %and3A_279, %reduce_sum3A_291, %select_n3A_247 : i32
      %reduce_max3A_296 = arith.constant true
      %reduce_max3A_297 = vector.broadcast %reduce_max3A_296 : i1 to vector<16xi1>
      %reduce_max3A_298 = arith.constant -2147483648 : i32
      %reduce_max3A_299 = vector.broadcast %reduce_max3A_298 : i32 to vector<16xi32>
      %reduce_max3A_300 = arith.xori %add3A_262, %reduce_max3A_299 : vector<16xi32>
      %reduce_max3A_301 = tpu.scan <max>, %reduce_max3A_300 masked %reduce_max3A_297 : vector<16xi32>, vector<16xi1> -> vector<16xi32>
      %reduce_max3A_302 = arith.xori %reduce_max3A_301, %reduce_max3A_299 : vector<16xi32>
      %reduce_max3A_303 = vector.extract %reduce_max3A_302[15] : i32 from vector<16xi32>
      %get3A_304 = arith.constant 96 : index
      %get3A_305 = tpu.vector_load %arg6[%get3A_304] {strides = array<i32>} : memref<256xi32, #tpu.memory_space<vmem>>, vector<16xi32>,
      %broadcast_in_dim3A_306 = arith.constant true
      %broadcast_in_dim3A_307 = vector.broadcast %broadcast_in_dim3A_306 : i1 to vector<16xi1>
      %masked_cumsum3A_308 = tpu.scan <sum>, %get3A_305 masked %broadcast_in_dim3A_307 : vector<16xi32>, vector<16xi1> -> vector<16xi32>
      %add3A_309 = vector.broadcast %reduce_max3A_303 : i32 to vector<16xi32>
      %add3A_310 = arith.addi %masked_cumsum3A_308, %add3A_309 : vector<16xi32>
      %gt3A_311 = arith.constant 105676 : i32
      %gt3A_312 = vector.broadcast %gt3A_311 : i32 to vector<16xi32>
      %gt3A_313 = arith.cmpi sgt, %add3A_310, %gt3A_312 : vector<16xi32>
      %all_reduce_population_count3A_314 = tpu.all_reduce %gt3A_313 {dim = 0 : i64, kind = #tpu.reduction_kind<sum>} : vector<16xi1> -> vector<16xi32>
      %reduce_max3A_315 = arith.constant true
      %reduce_max3A_316 = vector.broadcast %reduce_max3A_315 : i1 to vector<16xi1>
      %reduce_max3A_317 = arith.constant -2147483648 : i32
      %reduce_max3A_318 = vector.broadcast %reduce_max3A_317 : i32 to vector<16xi32>
      %reduce_max3A_319 = arith.xori %all_reduce_population_count3A_314, %reduce_max3A_318 : vector<16xi32>
      %reduce_max3A_320 = tpu.scan <max>, %reduce_max3A_319 masked %reduce_max3A_316 : vector<16xi32>, vector<16xi1> -> vector<16xi32>
      %reduce_max3A_321 = arith.xori %reduce_max3A_320, %reduce_max3A_318 : vector<16xi32>
      %reduce_max3A_322 = vector.extract %reduce_max3A_321[15] : i32 from vector<16xi32>
      %lt3A_323 = arith.constant 0 : i32
      %lt3A_324 = arith.cmpi slt, %select_n3A_294, %lt3A_323 : i32
      %gt3A_325 = arith.constant 0 : i32
      %gt3A_326 = arith.cmpi sgt, %reduce_max3A_322, %gt3A_325 : i32
      %and3A_327 = arith.andi %lt3A_324, %gt3A_326 : i1
      %sub3A_328 = arith.constant 16 : i32
      %sub3A_329 = arith.subi %sub3A_328, %reduce_max3A_322 : i32
      %eq3A_330 = vector.broadcast %sub3A_329 : i32 to vector<16xi32>
      %eq3A_331 = arith.cmpi eq, %iota3A, %eq3A_330 : vector<16xi32>
      %sub3A_332 = arith.subi %add3A_310, %get3A_305 : vector<16xi32>
      %jit3A_333 = arith.constant 0 : i32
      %broadcast_in_dim3A_334 = vector.broadcast %jit3A_333 : i32 to vector<16xi32>
      %select_n3A_335 = arith.select %eq3A_331, %sub3A_332, %broadcast_in_dim3A_334 : vector<16xi1>, vector<16xi32>
      %reduce_sum3A_336 = arith.constant true
      %reduce_sum3A_337 = vector.broadcast %reduce_sum3A_336 : i1 to vector<16xi1>
      %reduce_sum3A_338 = tpu.scan <sum>, %select_n3A_335 masked %reduce_sum3A_337 : vector<16xi32>, vector<16xi1> -> vector<16xi32>
      %reduce_sum3A_339 = vector.extract %reduce_sum3A_338[15] : i32 from vector<16xi32>
      %add3A_340 = arith.constant 96 : i32
      %add3A_341 = arith.addi %add3A_340, %sub3A_329 : i32
      %select_n3A_342 = arith.select %and3A_327, %add3A_341, %select_n3A_294 : i32
      %select_n3A_343 = arith.select %and3A_327, %reduce_sum3A_339, %select_n3A_295 : i32
      %reduce_max3A_344 = arith.constant true
      %reduce_max3A_345 = vector.broadcast %reduce_max3A_344 : i1 to vector<16xi1>
      %reduce_max3A_346 = arith.constant -2147483648 : i32
      %reduce_max3A_347 = vector.broadcast %reduce_max3A_346 : i32 to vector<16xi32>
      %reduce_max3A_348 = arith.xori %add3A_310, %reduce_max3A_347 : vector<16xi32>
      %reduce_max3A_349 = tpu.scan <max>, %reduce_max3A_348 masked %reduce_max3A_345 : vector<16xi32>, vector<16xi1> -> vector<16xi32>
      %reduce_max3A_350 = arith.xori %reduce_max3A_349, %reduce_max3A_347 : vector<16xi32>
      %reduce_max3A_351 = vector.extract %reduce_max3A_350[15] : i32 from vector<16xi32>
      %get3A_352 = arith.constant 112 : index
      %get3A_353 = tpu.vector_load %arg6[%get3A_352] {strides = array<i32>} : memref<256xi32, #tpu.memory_space<vmem>>, vector<16xi32>,
      %broadcast_in_dim3A_354 = arith.constant true
      %broadcast_in_dim3A_355 = vector.broadcast %broadcast_in_dim3A_354 : i1 to vector<16xi1>
      %masked_cumsum3A_356 = tpu.scan <sum>, %get3A_353 masked %broadcast_in_dim3A_355 : vector<16xi32>, vector<16xi1> -> vector<16xi32>
      %add3A_357 = vector.broadcast %reduce_max3A_351 : i32 to vector<16xi32>
      %add3A_358 = arith.addi %masked_cumsum3A_356, %add3A_357 : vector<16xi32>
      %gt3A_359 = arith.constant 105676 : i32
      %gt3A_360 = vector.broadcast %gt3A_359 : i32 to vector<16xi32>
      %gt3A_361 = arith.cmpi sgt, %add3A_358, %gt3A_360 : vector<16xi32>
      %all_reduce_population_count3A_362 = tpu.all_reduce %gt3A_361 {dim = 0 : i64, kind = #tpu.reduction_kind<sum>} : vector<16xi1> -> vector<16xi32>
      %reduce_max3A_363 = arith.constant true
      %reduce_max3A_364 = vector.broadcast %reduce_max3A_363 : i1 to vector<16xi1>
      %reduce_max3A_365 = arith.constant -2147483648 : i32
      %reduce_max3A_366 = vector.broadcast %reduce_max3A_365 : i32 to vector<16xi32>
      %reduce_max3A_367 = arith.xori %all_reduce_population_count3A_362, %reduce_max3A_366 : vector<16xi32>
      %reduce_max3A_368 = tpu.scan <max>, %reduce_max3A_367 masked %reduce_max3A_364 : vector<16xi32>, vector<16xi1> -> vector<16xi32>
      %reduce_max3A_369 = arith.xori %reduce_max3A_368, %reduce_max3A_366 : vector<16xi32>
      %reduce_max3A_370 = vector.extract %reduce_max3A_369[15] : i32 from vector<16xi32>
      %lt3A_371 = arith.constant 0 : i32
      %lt3A_372 = arith.cmpi slt, %select_n3A_342, %lt3A_371 : i32
      %gt3A_373 = arith.constant 0 : i32
      %gt3A_374 = arith.cmpi sgt, %reduce_max3A_370, %gt3A_373 : i32
      %and3A_375 = arith.andi %lt3A_372, %gt3A_374 : i1
      %sub3A_376 = arith.constant 16 : i32
      %sub3A_377 = arith.subi %sub3A_376, %reduce_max3A_370 : i32
      %eq3A_378 = vector.broadcast %sub3A_377 : i32 to vector<16xi32>
      %eq3A_379 = arith.cmpi eq, %iota3A, %eq3A_378 : vector<16xi32>
      %sub3A_380 = arith.subi %add3A_358, %get3A_353 : vector<16xi32>
      %jit3A_381 = arith.constant 0 : i32
      %broadcast_in_dim3A_382 = vector.broadcast %jit3A_381 : i32 to vector<16xi32>
      %select_n3A_383 = arith.select %eq3A_379, %sub3A_380, %broadcast_in_dim3A_382 : vector<16xi1>, vector<16xi32>
      %reduce_sum3A_384 = arith.constant true
      %reduce_sum3A_385 = vector.broadcast %reduce_sum3A_384 : i1 to vector<16xi1>
      %reduce_sum3A_386 = tpu.scan <sum>, %select_n3A_383 masked %reduce_sum3A_385 : vector<16xi32>, vector<16xi1> -> vector<16xi32>
      %reduce_sum3A_387 = vector.extract %reduce_sum3A_386[15] : i32 from vector<16xi32>
      %add3A_388 = arith.constant 112 : i32
      %add3A_389 = arith.addi %add3A_388, %sub3A_377 : i32
      %select_n3A_390 = arith.select %and3A_375, %add3A_389, %select_n3A_342 : i32
      %select_n3A_391 = arith.select %and3A_375, %reduce_sum3A_387, %select_n3A_343 : i32
      %reduce_max3A_392 = arith.constant true
      %reduce_max3A_393 = vector.broadcast %reduce_max3A_392 : i1 to vector<16xi1>
      %reduce_max3A_394 = arith.constant -2147483648 : i32
      %reduce_max3A_395 = vector.broadcast %reduce_max3A_394 : i32 to vector<16xi32>
      %reduce_max3A_396 = arith.xori %add3A_358, %reduce_max3A_395 : vector<16xi32>
      %reduce_max3A_397 = tpu.scan <max>, %reduce_max3A_396 masked %reduce_max3A_393 : vector<16xi32>, vector<16xi1> -> vector<16xi32>
      %reduce_max3A_398 = arith.xori %reduce_max3A_397, %reduce_max3A_395 : vector<16xi32>
      %reduce_max3A_399 = vector.extract %reduce_max3A_398[15] : i32 from vector<16xi32>
      %get3A_400 = arith.constant 128 : index
      %get3A_401 = tpu.vector_load %arg6[%get3A_400] {strides = array<i32>} : memref<256xi32, #tpu.memory_space<vmem>>, vector<16xi32>,
      %broadcast_in_dim3A_402 = arith.constant true
      %broadcast_in_dim3A_403 = vector.broadcast %broadcast_in_dim3A_402 : i1 to vector<16xi1>
      %masked_cumsum3A_404 = tpu.scan <sum>, %get3A_401 masked %broadcast_in_dim3A_403 : vector<16xi32>, vector<16xi1> -> vector<16xi32>
      %add3A_405 = vector.broadcast %reduce_max3A_399 : i32 to vector<16xi32>
      %add3A_406 = arith.addi %masked_cumsum3A_404, %add3A_405 : vector<16xi32>
      %gt3A_407 = arith.constant 105676 : i32
      %gt3A_408 = vector.broadcast %gt3A_407 : i32 to vector<16xi32>
      %gt3A_409 = arith.cmpi sgt, %add3A_406, %gt3A_408 : vector<16xi32>
      %all_reduce_population_count3A_410 = tpu.all_reduce %gt3A_409 {dim = 0 : i64, kind = #tpu.reduction_kind<sum>} : vector<16xi1> -> vector<16xi32>
      %reduce_max3A_411 = arith.constant true
      %reduce_max3A_412 = vector.broadcast %reduce_max3A_411 : i1 to vector<16xi1>
      %reduce_max3A_413 = arith.constant -2147483648 : i32
      %reduce_max3A_414 = vector.broadcast %reduce_max3A_413 : i32 to vector<16xi32>
      %reduce_max3A_415 = arith.xori %all_reduce_population_count3A_410, %reduce_max3A_414 : vector<16xi32>
      %reduce_max3A_416 = tpu.scan <max>, %reduce_max3A_415 masked %reduce_max3A_412 : vector<16xi32>, vector<16xi1> -> vector<16xi32>
      %reduce_max3A_417 = arith.xori %reduce_max3A_416, %reduce_max3A_414 : vector<16xi32>
      %reduce_max3A_418 = vector.extract %reduce_max3A_417[15] : i32 from vector<16xi32>
      %lt3A_419 = arith.constant 0 : i32
      %lt3A_420 = arith.cmpi slt, %select_n3A_390, %lt3A_419 : i32
      %gt3A_421 = arith.constant 0 : i32
      %gt3A_422 = arith.cmpi sgt, %reduce_max3A_418, %gt3A_421 : i32
      %and3A_423 = arith.andi %lt3A_420, %gt3A_422 : i1
      %sub3A_424 = arith.constant 16 : i32
      %sub3A_425 = arith.subi %sub3A_424, %reduce_max3A_418 : i32
      %eq3A_426 = vector.broadcast %sub3A_425 : i32 to vector<16xi32>
      %eq3A_427 = arith.cmpi eq, %iota3A, %eq3A_426 : vector<16xi32>
      %sub3A_428 = arith.subi %add3A_406, %get3A_401 : vector<16xi32>
      %jit3A_429 = arith.constant 0 : i32
      %broadcast_in_dim3A_430 = vector.broadcast %jit3A_429 : i32 to vector<16xi32>
      %select_n3A_431 = arith.select %eq3A_427, %sub3A_428, %broadcast_in_dim3A_430 : vector<16xi1>, vector<16xi32>
      %reduce_sum3A_432 = arith.constant true
      %reduce_sum3A_433 = vector.broadcast %reduce_sum3A_432 : i1 to vector<16xi1>
      %reduce_sum3A_434 = tpu.scan <sum>, %select_n3A_431 masked %reduce_sum3A_433 : vector<16xi32>, vector<16xi1> -> vector<16xi32>
      %reduce_sum3A_435 = vector.extract %reduce_sum3A_434[15] : i32 from vector<16xi32>
      %add3A_436 = arith.constant 128 : i32
      %add3A_437 = arith.addi %add3A_436, %sub3A_425 : i32
      %select_n3A_438 = arith.select %and3A_423, %add3A_437, %select_n3A_390 : i32
      %select_n3A_439 = arith.select %and3A_423, %reduce_sum3A_435, %select_n3A_391 : i32
      %reduce_max3A_440 = arith.constant true
      %reduce_max3A_441 = vector.broadcast %reduce_max3A_440 : i1 to vector<16xi1>
      %reduce_max3A_442 = arith.constant -2147483648 : i32
      %reduce_max3A_443 = vector.broadcast %reduce_max3A_442 : i32 to vector<16xi32>
      %reduce_max3A_444 = arith.xori %add3A_406, %reduce_max3A_443 : vector<16xi32>
      %reduce_max3A_445 = tpu.scan <max>, %reduce_max3A_444 masked %reduce_max3A_441 : vector<16xi32>, vector<16xi1> -> vector<16xi32>
      %reduce_max3A_446 = arith.xori %reduce_max3A_445, %reduce_max3A_443 : vector<16xi32>
      %reduce_max3A_447 = vector.extract %reduce_max3A_446[15] : i32 from vector<16xi32>
      %get3A_448 = arith.constant 144 : index
      %get3A_449 = tpu.vector_load %arg6[%get3A_448] {strides = array<i32>} : memref<256xi32, #tpu.memory_space<vmem>>, vector<16xi32>,
      %broadcast_in_dim3A_450 = arith.constant true
      %broadcast_in_dim3A_451 = vector.broadcast %broadcast_in_dim3A_450 : i1 to vector<16xi1>
      %masked_cumsum3A_452 = tpu.scan <sum>, %get3A_449 masked %broadcast_in_dim3A_451 : vector<16xi32>, vector<16xi1> -> vector<16xi32>
      %add3A_453 = vector.broadcast %reduce_max3A_447 : i32 to vector<16xi32>
      %add3A_454 = arith.addi %masked_cumsum3A_452, %add3A_453 : vector<16xi32>
      %gt3A_455 = arith.constant 105676 : i32
      %gt3A_456 = vector.broadcast %gt3A_455 : i32 to vector<16xi32>
      %gt3A_457 = arith.cmpi sgt, %add3A_454, %gt3A_456 : vector<16xi32>
      %all_reduce_population_count3A_458 = tpu.all_reduce %gt3A_457 {dim = 0 : i64, kind = #tpu.reduction_kind<sum>} : vector<16xi1> -> vector<16xi32>
      %reduce_max3A_459 = arith.constant true
      %reduce_max3A_460 = vector.broadcast %reduce_max3A_459 : i1 to vector<16xi1>
      %reduce_max3A_461 = arith.constant -2147483648 : i32
      %reduce_max3A_462 = vector.broadcast %reduce_max3A_461 : i32 to vector<16xi32>
      %reduce_max3A_463 = arith.xori %all_reduce_population_count3A_458, %reduce_max3A_462 : vector<16xi32>
      %reduce_max3A_464 = tpu.scan <max>, %reduce_max3A_463 masked %reduce_max3A_460 : vector<16xi32>, vector<16xi1> -> vector<16xi32>
      %reduce_max3A_465 = arith.xori %reduce_max3A_464, %reduce_max3A_462 : vector<16xi32>
      %reduce_max3A_466 = vector.extract %reduce_max3A_465[15] : i32 from vector<16xi32>
      %lt3A_467 = arith.constant 0 : i32
      %lt3A_468 = arith.cmpi slt, %select_n3A_438, %lt3A_467 : i32
      %gt3A_469 = arith.constant 0 : i32
      %gt3A_470 = arith.cmpi sgt, %reduce_max3A_466, %gt3A_469 : i32
      %and3A_471 = arith.andi %lt3A_468, %gt3A_470 : i1
      %sub3A_472 = arith.constant 16 : i32
      %sub3A_473 = arith.subi %sub3A_472, %reduce_max3A_466 : i32
      %eq3A_474 = vector.broadcast %sub3A_473 : i32 to vector<16xi32>
      %eq3A_475 = arith.cmpi eq, %iota3A, %eq3A_474 : vector<16xi32>
      %sub3A_476 = arith.subi %add3A_454, %get3A_449 : vector<16xi32>
      %jit3A_477 = arith.constant 0 : i32
      %broadcast_in_dim3A_478 = vector.broadcast %jit3A_477 : i32 to vector<16xi32>
      %select_n3A_479 = arith.select %eq3A_475, %sub3A_476, %broadcast_in_dim3A_478 : vector<16xi1>, vector<16xi32>
      %reduce_sum3A_480 = arith.constant true
      %reduce_sum3A_481 = vector.broadcast %reduce_sum3A_480 : i1 to vector<16xi1>
      %reduce_sum3A_482 = tpu.scan <sum>, %select_n3A_479 masked %reduce_sum3A_481 : vector<16xi32>, vector<16xi1> -> vector<16xi32>
      %reduce_sum3A_483 = vector.extract %reduce_sum3A_482[15] : i32 from vector<16xi32>
      %add3A_484 = arith.constant 144 : i32
      %add3A_485 = arith.addi %add3A_484, %sub3A_473 : i32
      %select_n3A_486 = arith.select %and3A_471, %add3A_485, %select_n3A_438 : i32
      %select_n3A_487 = arith.select %and3A_471, %reduce_sum3A_483, %select_n3A_439 : i32
      %reduce_max3A_488 = arith.constant true
      %reduce_max3A_489 = vector.broadcast %reduce_max3A_488 : i1 to vector<16xi1>
      %reduce_max3A_490 = arith.constant -2147483648 : i32
      %reduce_max3A_491 = vector.broadcast %reduce_max3A_490 : i32 to vector<16xi32>
      %reduce_max3A_492 = arith.xori %add3A_454, %reduce_max3A_491 : vector<16xi32>
      %reduce_max3A_493 = tpu.scan <max>, %reduce_max3A_492 masked %reduce_max3A_489 : vector<16xi32>, vector<16xi1> -> vector<16xi32>
      %reduce_max3A_494 = arith.xori %reduce_max3A_493, %reduce_max3A_491 : vector<16xi32>
      %reduce_max3A_495 = vector.extract %reduce_max3A_494[15] : i32 from vector<16xi32>
      %get3A_496 = arith.constant 160 : index
      %get3A_497 = tpu.vector_load %arg6[%get3A_496] {strides = array<i32>} : memref<256xi32, #tpu.memory_space<vmem>>, vector<16xi32>,
      %broadcast_in_dim3A_498 = arith.constant true
      %broadcast_in_dim3A_499 = vector.broadcast %broadcast_in_dim3A_498 : i1 to vector<16xi1>
      %masked_cumsum3A_500 = tpu.scan <sum>, %get3A_497 masked %broadcast_in_dim3A_499 : vector<16xi32>, vector<16xi1> -> vector<16xi32>
      %add3A_501 = vector.broadcast %reduce_max3A_495 : i32 to vector<16xi32>
      %add3A_502 = arith.addi %masked_cumsum3A_500, %add3A_501 : vector<16xi32>
      %gt3A_503 = arith.constant 105676 : i32
      %gt3A_504 = vector.broadcast %gt3A_503 : i32 to vector<16xi32>
      %gt3A_505 = arith.cmpi sgt, %add3A_502, %gt3A_504 : vector<16xi32>
      %all_reduce_population_count3A_506 = tpu.all_reduce %gt3A_505 {dim = 0 : i64, kind = #tpu.reduction_kind<sum>} : vector<16xi1> -> vector<16xi32>
      %reduce_max3A_507 = arith.constant true
      %reduce_max3A_508 = vector.broadcast %reduce_max3A_507 : i1 to vector<16xi1>
      %reduce_max3A_509 = arith.constant -2147483648 : i32
      %reduce_max3A_510 = vector.broadcast %reduce_max3A_509 : i32 to vector<16xi32>
      %reduce_max3A_511 = arith.xori %all_reduce_population_count3A_506, %reduce_max3A_510 : vector<16xi32>
      %reduce_max3A_512 = tpu.scan <max>, %reduce_max3A_511 masked %reduce_max3A_508 : vector<16xi32>, vector<16xi1> -> vector<16xi32>
      %reduce_max3A_513 = arith.xori %reduce_max3A_512, %reduce_max3A_510 : vector<16xi32>
      %reduce_max3A_514 = vector.extract %reduce_max3A_513[15] : i32 from vector<16xi32>
      %lt3A_515 = arith.constant 0 : i32
      %lt3A_516 = arith.cmpi slt, %select_n3A_486, %lt3A_515 : i32
      %gt3A_517 = arith.constant 0 : i32
      %gt3A_518 = arith.cmpi sgt, %reduce_max3A_514, %gt3A_517 : i32
      %and3A_519 = arith.andi %lt3A_516, %gt3A_518 : i1
      %sub3A_520 = arith.constant 16 : i32
      %sub3A_521 = arith.subi %sub3A_520, %reduce_max3A_514 : i32
      %eq3A_522 = vector.broadcast %sub3A_521 : i32 to vector<16xi32>
      %eq3A_523 = arith.cmpi eq, %iota3A, %eq3A_522 : vector<16xi32>
      %sub3A_524 = arith.subi %add3A_502, %get3A_497 : vector<16xi32>
      %jit3A_525 = arith.constant 0 : i32
      %broadcast_in_dim3A_526 = vector.broadcast %jit3A_525 : i32 to vector<16xi32>
      %select_n3A_527 = arith.select %eq3A_523, %sub3A_524, %broadcast_in_dim3A_526 : vector<16xi1>, vector<16xi32>
      %reduce_sum3A_528 = arith.constant true
      %reduce_sum3A_529 = vector.broadcast %reduce_sum3A_528 : i1 to vector<16xi1>
      %reduce_sum3A_530 = tpu.scan <sum>, %select_n3A_527 masked %reduce_sum3A_529 : vector<16xi32>, vector<16xi1> -> vector<16xi32>
      %reduce_sum3A_531 = vector.extract %reduce_sum3A_530[15] : i32 from vector<16xi32>
      %add3A_532 = arith.constant 160 : i32
      %add3A_533 = arith.addi %add3A_532, %sub3A_521 : i32
      %select_n3A_534 = arith.select %and3A_519, %add3A_533, %select_n3A_486 : i32
      %select_n3A_535 = arith.select %and3A_519, %reduce_sum3A_531, %select_n3A_487 : i32
      %reduce_max3A_536 = arith.constant true
      %reduce_max3A_537 = vector.broadcast %reduce_max3A_536 : i1 to vector<16xi1>
      %reduce_max3A_538 = arith.constant -2147483648 : i32
      %reduce_max3A_539 = vector.broadcast %reduce_max3A_538 : i32 to vector<16xi32>
      %reduce_max3A_540 = arith.xori %add3A_502, %reduce_max3A_539 : vector<16xi32>
      %reduce_max3A_541 = tpu.scan <max>, %reduce_max3A_540 masked %reduce_max3A_537 : vector<16xi32>, vector<16xi1> -> vector<16xi32>
      %reduce_max3A_542 = arith.xori %reduce_max3A_541, %reduce_max3A_539 : vector<16xi32>
      %reduce_max3A_543 = vector.extract %reduce_max3A_542[15] : i32 from vector<16xi32>
      %get3A_544 = arith.constant 176 : index
      %get3A_545 = tpu.vector_load %arg6[%get3A_544] {strides = array<i32>} : memref<256xi32, #tpu.memory_space<vmem>>, vector<16xi32>,
      %broadcast_in_dim3A_546 = arith.constant true
      %broadcast_in_dim3A_547 = vector.broadcast %broadcast_in_dim3A_546 : i1 to vector<16xi1>
      %masked_cumsum3A_548 = tpu.scan <sum>, %get3A_545 masked %broadcast_in_dim3A_547 : vector<16xi32>, vector<16xi1> -> vector<16xi32>
      %add3A_549 = vector.broadcast %reduce_max3A_543 : i32 to vector<16xi32>
      %add3A_550 = arith.addi %masked_cumsum3A_548, %add3A_549 : vector<16xi32>
      %gt3A_551 = arith.constant 105676 : i32
      %gt3A_552 = vector.broadcast %gt3A_551 : i32 to vector<16xi32>
      %gt3A_553 = arith.cmpi sgt, %add3A_550, %gt3A_552 : vector<16xi32>
      %all_reduce_population_count3A_554 = tpu.all_reduce %gt3A_553 {dim = 0 : i64, kind = #tpu.reduction_kind<sum>} : vector<16xi1> -> vector<16xi32>
      %reduce_max3A_555 = arith.constant true
      %reduce_max3A_556 = vector.broadcast %reduce_max3A_555 : i1 to vector<16xi1>
      %reduce_max3A_557 = arith.constant -2147483648 : i32
      %reduce_max3A_558 = vector.broadcast %reduce_max3A_557 : i32 to vector<16xi32>
      %reduce_max3A_559 = arith.xori %all_reduce_population_count3A_554, %reduce_max3A_558 : vector<16xi32>
      %reduce_max3A_560 = tpu.scan <max>, %reduce_max3A_559 masked %reduce_max3A_556 : vector<16xi32>, vector<16xi1> -> vector<16xi32>
      %reduce_max3A_561 = arith.xori %reduce_max3A_560, %reduce_max3A_558 : vector<16xi32>
      %reduce_max3A_562 = vector.extract %reduce_max3A_561[15] : i32 from vector<16xi32>
      %lt3A_563 = arith.constant 0 : i32
      %lt3A_564 = arith.cmpi slt, %select_n3A_534, %lt3A_563 : i32
      %gt3A_565 = arith.constant 0 : i32
      %gt3A_566 = arith.cmpi sgt, %reduce_max3A_562, %gt3A_565 : i32
      %and3A_567 = arith.andi %lt3A_564, %gt3A_566 : i1
      %sub3A_568 = arith.constant 16 : i32
      %sub3A_569 = arith.subi %sub3A_568, %reduce_max3A_562 : i32
      %eq3A_570 = vector.broadcast %sub3A_569 : i32 to vector<16xi32>
      %eq3A_571 = arith.cmpi eq, %iota3A, %eq3A_570 : vector<16xi32>
      %sub3A_572 = arith.subi %add3A_550, %get3A_545 : vector<16xi32>
      %jit3A_573 = arith.constant 0 : i32
      %broadcast_in_dim3A_574 = vector.broadcast %jit3A_573 : i32 to vector<16xi32>
      %select_n3A_575 = arith.select %eq3A_571, %sub3A_572, %broadcast_in_dim3A_574 : vector<16xi1>, vector<16xi32>
      %reduce_sum3A_576 = arith.constant true
      %reduce_sum3A_577 = vector.broadcast %reduce_sum3A_576 : i1 to vector<16xi1>
      %reduce_sum3A_578 = tpu.scan <sum>, %select_n3A_575 masked %reduce_sum3A_577 : vector<16xi32>, vector<16xi1> -> vector<16xi32>
      %reduce_sum3A_579 = vector.extract %reduce_sum3A_578[15] : i32 from vector<16xi32>
      %add3A_580 = arith.constant 176 : i32
      %add3A_581 = arith.addi %add3A_580, %sub3A_569 : i32
      %select_n3A_582 = arith.select %and3A_567, %add3A_581, %select_n3A_534 : i32
      %select_n3A_583 = arith.select %and3A_567, %reduce_sum3A_579, %select_n3A_535 : i32
      %reduce_max3A_584 = arith.constant true
      %reduce_max3A_585 = vector.broadcast %reduce_max3A_584 : i1 to vector<16xi1>
      %reduce_max3A_586 = arith.constant -2147483648 : i32
      %reduce_max3A_587 = vector.broadcast %reduce_max3A_586 : i32 to vector<16xi32>
      %reduce_max3A_588 = arith.xori %add3A_550, %reduce_max3A_587 : vector<16xi32>
      %reduce_max3A_589 = tpu.scan <max>, %reduce_max3A_588 masked %reduce_max3A_585 : vector<16xi32>, vector<16xi1> -> vector<16xi32>
      %reduce_max3A_590 = arith.xori %reduce_max3A_589, %reduce_max3A_587 : vector<16xi32>
      %reduce_max3A_591 = vector.extract %reduce_max3A_590[15] : i32 from vector<16xi32>
      %get3A_592 = arith.constant 192 : index
      %get3A_593 = tpu.vector_load %arg6[%get3A_592] {strides = array<i32>} : memref<256xi32, #tpu.memory_space<vmem>>, vector<16xi32>,
      %broadcast_in_dim3A_594 = arith.constant true
      %broadcast_in_dim3A_595 = vector.broadcast %broadcast_in_dim3A_594 : i1 to vector<16xi1>
      %masked_cumsum3A_596 = tpu.scan <sum>, %get3A_593 masked %broadcast_in_dim3A_595 : vector<16xi32>, vector<16xi1> -> vector<16xi32>
      %add3A_597 = vector.broadcast %reduce_max3A_591 : i32 to vector<16xi32>
      %add3A_598 = arith.addi %masked_cumsum3A_596, %add3A_597 : vector<16xi32>
      %gt3A_599 = arith.constant 105676 : i32
      %gt3A_600 = vector.broadcast %gt3A_599 : i32 to vector<16xi32>
      %gt3A_601 = arith.cmpi sgt, %add3A_598, %gt3A_600 : vector<16xi32>
      %all_reduce_population_count3A_602 = tpu.all_reduce %gt3A_601 {dim = 0 : i64, kind = #tpu.reduction_kind<sum>} : vector<16xi1> -> vector<16xi32>
      %reduce_max3A_603 = arith.constant true
      %reduce_max3A_604 = vector.broadcast %reduce_max3A_603 : i1 to vector<16xi1>
      %reduce_max3A_605 = arith.constant -2147483648 : i32
      %reduce_max3A_606 = vector.broadcast %reduce_max3A_605 : i32 to vector<16xi32>
      %reduce_max3A_607 = arith.xori %all_reduce_population_count3A_602, %reduce_max3A_606 : vector<16xi32>
      %reduce_max3A_608 = tpu.scan <max>, %reduce_max3A_607 masked %reduce_max3A_604 : vector<16xi32>, vector<16xi1> -> vector<16xi32>
      %reduce_max3A_609 = arith.xori %reduce_max3A_608, %reduce_max3A_606 : vector<16xi32>
      %reduce_max3A_610 = vector.extract %reduce_max3A_609[15] : i32 from vector<16xi32>
      %lt3A_611 = arith.constant 0 : i32
      %lt3A_612 = arith.cmpi slt, %select_n3A_582, %lt3A_611 : i32
      %gt3A_613 = arith.constant 0 : i32
      %gt3A_614 = arith.cmpi sgt, %reduce_max3A_610, %gt3A_613 : i32
      %and3A_615 = arith.andi %lt3A_612, %gt3A_614 : i1
      %sub3A_616 = arith.constant 16 : i32
      %sub3A_617 = arith.subi %sub3A_616, %reduce_max3A_610 : i32
      %eq3A_618 = vector.broadcast %sub3A_617 : i32 to vector<16xi32>
      %eq3A_619 = arith.cmpi eq, %iota3A, %eq3A_618 : vector<16xi32>
      %sub3A_620 = arith.subi %add3A_598, %get3A_593 : vector<16xi32>
      %jit3A_621 = arith.constant 0 : i32
      %broadcast_in_dim3A_622 = vector.broadcast %jit3A_621 : i32 to vector<16xi32>
      %select_n3A_623 = arith.select %eq3A_619, %sub3A_620, %broadcast_in_dim3A_622 : vector<16xi1>, vector<16xi32>
      %reduce_sum3A_624 = arith.constant true
      %reduce_sum3A_625 = vector.broadcast %reduce_sum3A_624 : i1 to vector<16xi1>
      %reduce_sum3A_626 = tpu.scan <sum>, %select_n3A_623 masked %reduce_sum3A_625 : vector<16xi32>, vector<16xi1> -> vector<16xi32>
      %reduce_sum3A_627 = vector.extract %reduce_sum3A_626[15] : i32 from vector<16xi32>
      %add3A_628 = arith.constant 192 : i32
      %add3A_629 = arith.addi %add3A_628, %sub3A_617 : i32
      %select_n3A_630 = arith.select %and3A_615, %add3A_629, %select_n3A_582 : i32
      %select_n3A_631 = arith.select %and3A_615, %reduce_sum3A_627, %select_n3A_583 : i32
      %reduce_max3A_632 = arith.constant true
      %reduce_max3A_633 = vector.broadcast %reduce_max3A_632 : i1 to vector<16xi1>
      %reduce_max3A_634 = arith.constant -2147483648 : i32
      %reduce_max3A_635 = vector.broadcast %reduce_max3A_634 : i32 to vector<16xi32>
      %reduce_max3A_636 = arith.xori %add3A_598, %reduce_max3A_635 : vector<16xi32>
      %reduce_max3A_637 = tpu.scan <max>, %reduce_max3A_636 masked %reduce_max3A_633 : vector<16xi32>, vector<16xi1> -> vector<16xi32>
      %reduce_max3A_638 = arith.xori %reduce_max3A_637, %reduce_max3A_635 : vector<16xi32>
      %reduce_max3A_639 = vector.extract %reduce_max3A_638[15] : i32 from vector<16xi32>
      %get3A_640 = arith.constant 208 : index
      %get3A_641 = tpu.vector_load %arg6[%get3A_640] {strides = array<i32>} : memref<256xi32, #tpu.memory_space<vmem>>, vector<16xi32>,
      %broadcast_in_dim3A_642 = arith.constant true
      %broadcast_in_dim3A_643 = vector.broadcast %broadcast_in_dim3A_642 : i1 to vector<16xi1>
      %masked_cumsum3A_644 = tpu.scan <sum>, %get3A_641 masked %broadcast_in_dim3A_643 : vector<16xi32>, vector<16xi1> -> vector<16xi32>
      %add3A_645 = vector.broadcast %reduce_max3A_639 : i32 to vector<16xi32>
      %add3A_646 = arith.addi %masked_cumsum3A_644, %add3A_645 : vector<16xi32>
      %gt3A_647 = arith.constant 105676 : i32
      %gt3A_648 = vector.broadcast %gt3A_647 : i32 to vector<16xi32>
      %gt3A_649 = arith.cmpi sgt, %add3A_646, %gt3A_648 : vector<16xi32>
      %all_reduce_population_count3A_650 = tpu.all_reduce %gt3A_649 {dim = 0 : i64, kind = #tpu.reduction_kind<sum>} : vector<16xi1> -> vector<16xi32>
      %reduce_max3A_651 = arith.constant true
      %reduce_max3A_652 = vector.broadcast %reduce_max3A_651 : i1 to vector<16xi1>
      %reduce_max3A_653 = arith.constant -2147483648 : i32
      %reduce_max3A_654 = vector.broadcast %reduce_max3A_653 : i32 to vector<16xi32>
      %reduce_max3A_655 = arith.xori %all_reduce_population_count3A_650, %reduce_max3A_654 : vector<16xi32>
      %reduce_max3A_656 = tpu.scan <max>, %reduce_max3A_655 masked %reduce_max3A_652 : vector<16xi32>, vector<16xi1> -> vector<16xi32>
      %reduce_max3A_657 = arith.xori %reduce_max3A_656, %reduce_max3A_654 : vector<16xi32>
      %reduce_max3A_658 = vector.extract %reduce_max3A_657[15] : i32 from vector<16xi32>
      %lt3A_659 = arith.constant 0 : i32
      %lt3A_660 = arith.cmpi slt, %select_n3A_630, %lt3A_659 : i32
      %gt3A_661 = arith.constant 0 : i32
      %gt3A_662 = arith.cmpi sgt, %reduce_max3A_658, %gt3A_661 : i32
      %and3A_663 = arith.andi %lt3A_660, %gt3A_662 : i1
      %sub3A_664 = arith.constant 16 : i32
      %sub3A_665 = arith.subi %sub3A_664, %reduce_max3A_658 : i32
      %eq3A_666 = vector.broadcast %sub3A_665 : i32 to vector<16xi32>
      %eq3A_667 = arith.cmpi eq, %iota3A, %eq3A_666 : vector<16xi32>
      %sub3A_668 = arith.subi %add3A_646, %get3A_641 : vector<16xi32>
      %jit3A_669 = arith.constant 0 : i32
      %broadcast_in_dim3A_670 = vector.broadcast %jit3A_669 : i32 to vector<16xi32>
      %select_n3A_671 = arith.select %eq3A_667, %sub3A_668, %broadcast_in_dim3A_670 : vector<16xi1>, vector<16xi32>
      %reduce_sum3A_672 = arith.constant true
      %reduce_sum3A_673 = vector.broadcast %reduce_sum3A_672 : i1 to vector<16xi1>
      %reduce_sum3A_674 = tpu.scan <sum>, %select_n3A_671 masked %reduce_sum3A_673 : vector<16xi32>, vector<16xi1> -> vector<16xi32>
      %reduce_sum3A_675 = vector.extract %reduce_sum3A_674[15] : i32 from vector<16xi32>
      %add3A_676 = arith.constant 208 : i32
      %add3A_677 = arith.addi %add3A_676, %sub3A_665 : i32
      %select_n3A_678 = arith.select %and3A_663, %add3A_677, %select_n3A_630 : i32
      %select_n3A_679 = arith.select %and3A_663, %reduce_sum3A_675, %select_n3A_631 : i32
      %reduce_max3A_680 = arith.constant true
      %reduce_max3A_681 = vector.broadcast %reduce_max3A_680 : i1 to vector<16xi1>
      %reduce_max3A_682 = arith.constant -2147483648 : i32
      %reduce_max3A_683 = vector.broadcast %reduce_max3A_682 : i32 to vector<16xi32>
      %reduce_max3A_684 = arith.xori %add3A_646, %reduce_max3A_683 : vector<16xi32>
      %reduce_max3A_685 = tpu.scan <max>, %reduce_max3A_684 masked %reduce_max3A_681 : vector<16xi32>, vector<16xi1> -> vector<16xi32>
      %reduce_max3A_686 = arith.xori %reduce_max3A_685, %reduce_max3A_683 : vector<16xi32>
      %reduce_max3A_687 = vector.extract %reduce_max3A_686[15] : i32 from vector<16xi32>
      %get3A_688 = arith.constant 224 : index
      %get3A_689 = tpu.vector_load %arg6[%get3A_688] {strides = array<i32>} : memref<256xi32, #tpu.memory_space<vmem>>, vector<16xi32>,
      %broadcast_in_dim3A_690 = arith.constant true
      %broadcast_in_dim3A_691 = vector.broadcast %broadcast_in_dim3A_690 : i1 to vector<16xi1>
      %masked_cumsum3A_692 = tpu.scan <sum>, %get3A_689 masked %broadcast_in_dim3A_691 : vector<16xi32>, vector<16xi1> -> vector<16xi32>
      %add3A_693 = vector.broadcast %reduce_max3A_687 : i32 to vector<16xi32>
      %add3A_694 = arith.addi %masked_cumsum3A_692, %add3A_693 : vector<16xi32>
      %gt3A_695 = arith.constant 105676 : i32
      %gt3A_696 = vector.broadcast %gt3A_695 : i32 to vector<16xi32>
      %gt3A_697 = arith.cmpi sgt, %add3A_694, %gt3A_696 : vector<16xi32>
      %all_reduce_population_count3A_698 = tpu.all_reduce %gt3A_697 {dim = 0 : i64, kind = #tpu.reduction_kind<sum>} : vector<16xi1> -> vector<16xi32>
      %reduce_max3A_699 = arith.constant true
      %reduce_max3A_700 = vector.broadcast %reduce_max3A_699 : i1 to vector<16xi1>
      %reduce_max3A_701 = arith.constant -2147483648 : i32
      %reduce_max3A_702 = vector.broadcast %reduce_max3A_701 : i32 to vector<16xi32>
      %reduce_max3A_703 = arith.xori %all_reduce_population_count3A_698, %reduce_max3A_702 : vector<16xi32>
      %reduce_max3A_704 = tpu.scan <max>, %reduce_max3A_703 masked %reduce_max3A_700 : vector<16xi32>, vector<16xi1> -> vector<16xi32>
      %reduce_max3A_705 = arith.xori %reduce_max3A_704, %reduce_max3A_702 : vector<16xi32>
      %reduce_max3A_706 = vector.extract %reduce_max3A_705[15] : i32 from vector<16xi32>
      %lt3A_707 = arith.constant 0 : i32
      %lt3A_708 = arith.cmpi slt, %select_n3A_678, %lt3A_707 : i32
      %gt3A_709 = arith.constant 0 : i32
      %gt3A_710 = arith.cmpi sgt, %reduce_max3A_706, %gt3A_709 : i32
      %and3A_711 = arith.andi %lt3A_708, %gt3A_710 : i1
      %sub3A_712 = arith.constant 16 : i32
      %sub3A_713 = arith.subi %sub3A_712, %reduce_max3A_706 : i32
      %eq3A_714 = vector.broadcast %sub3A_713 : i32 to vector<16xi32>
      %eq3A_715 = arith.cmpi eq, %iota3A, %eq3A_714 : vector<16xi32>
      %sub3A_716 = arith.subi %add3A_694, %get3A_689 : vector<16xi32>
      %jit3A_717 = arith.constant 0 : i32
      %broadcast_in_dim3A_718 = vector.broadcast %jit3A_717 : i32 to vector<16xi32>
      %select_n3A_719 = arith.select %eq3A_715, %sub3A_716, %broadcast_in_dim3A_718 : vector<16xi1>, vector<16xi32>
      %reduce_sum3A_720 = arith.constant true
      %reduce_sum3A_721 = vector.broadcast %reduce_sum3A_720 : i1 to vector<16xi1>
      %reduce_sum3A_722 = tpu.scan <sum>, %select_n3A_719 masked %reduce_sum3A_721 : vector<16xi32>, vector<16xi1> -> vector<16xi32>
      %reduce_sum3A_723 = vector.extract %reduce_sum3A_722[15] : i32 from vector<16xi32>
      %add3A_724 = arith.constant 224 : i32
      %add3A_725 = arith.addi %add3A_724, %sub3A_713 : i32
      %select_n3A_726 = arith.select %and3A_711, %add3A_725, %select_n3A_678 : i32
      %select_n3A_727 = arith.select %and3A_711, %reduce_sum3A_723, %select_n3A_679 : i32
      %reduce_max3A_728 = arith.constant true
      %reduce_max3A_729 = vector.broadcast %reduce_max3A_728 : i1 to vector<16xi1>
      %reduce_max3A_730 = arith.constant -2147483648 : i32
      %reduce_max3A_731 = vector.broadcast %reduce_max3A_730 : i32 to vector<16xi32>
      %reduce_max3A_732 = arith.xori %add3A_694, %reduce_max3A_731 : vector<16xi32>
      %reduce_max3A_733 = tpu.scan <max>, %reduce_max3A_732 masked %reduce_max3A_729 : vector<16xi32>, vector<16xi1> -> vector<16xi32>
      %reduce_max3A_734 = arith.xori %reduce_max3A_733, %reduce_max3A_731 : vector<16xi32>
      %reduce_max3A_735 = vector.extract %reduce_max3A_734[15] : i32 from vector<16xi32>
      %get3A_736 = arith.constant 240 : index
      %get3A_737 = tpu.vector_load %arg6[%get3A_736] {strides = array<i32>} : memref<256xi32, #tpu.memory_space<vmem>>, vector<16xi32>,
      %broadcast_in_dim3A_738 = arith.constant true
      %broadcast_in_dim3A_739 = vector.broadcast %broadcast_in_dim3A_738 : i1 to vector<16xi1>
      %masked_cumsum3A_740 = tpu.scan <sum>, %get3A_737 masked %broadcast_in_dim3A_739 : vector<16xi32>, vector<16xi1> -> vector<16xi32>
      %add3A_741 = vector.broadcast %reduce_max3A_735 : i32 to vector<16xi32>
      %add3A_742 = arith.addi %masked_cumsum3A_740, %add3A_741 : vector<16xi32>
      %gt3A_743 = arith.constant 105676 : i32
      %gt3A_744 = vector.broadcast %gt3A_743 : i32 to vector<16xi32>
      %gt3A_745 = arith.cmpi sgt, %add3A_742, %gt3A_744 : vector<16xi32>
      %all_reduce_population_count3A_746 = tpu.all_reduce %gt3A_745 {dim = 0 : i64, kind = #tpu.reduction_kind<sum>} : vector<16xi1> -> vector<16xi32>
      %reduce_max3A_747 = arith.constant true
      %reduce_max3A_748 = vector.broadcast %reduce_max3A_747 : i1 to vector<16xi1>
      %reduce_max3A_749 = arith.constant -2147483648 : i32
      %reduce_max3A_750 = vector.broadcast %reduce_max3A_749 : i32 to vector<16xi32>
      %reduce_max3A_751 = arith.xori %all_reduce_population_count3A_746, %reduce_max3A_750 : vector<16xi32>
      %reduce_max3A_752 = tpu.scan <max>, %reduce_max3A_751 masked %reduce_max3A_748 : vector<16xi32>, vector<16xi1> -> vector<16xi32>
      %reduce_max3A_753 = arith.xori %reduce_max3A_752, %reduce_max3A_750 : vector<16xi32>
      %reduce_max3A_754 = vector.extract %reduce_max3A_753[15] : i32 from vector<16xi32>
      %lt3A_755 = arith.constant 0 : i32
      %lt3A_756 = arith.cmpi slt, %select_n3A_726, %lt3A_755 : i32
      %gt3A_757 = arith.constant 0 : i32
      %gt3A_758 = arith.cmpi sgt, %reduce_max3A_754, %gt3A_757 : i32
      %and3A_759 = arith.andi %lt3A_756, %gt3A_758 : i1
      %sub3A_760 = arith.constant 16 : i32
      %sub3A_761 = arith.subi %sub3A_760, %reduce_max3A_754 : i32
      %eq3A_762 = vector.broadcast %sub3A_761 : i32 to vector<16xi32>
      %eq3A_763 = arith.cmpi eq, %iota3A, %eq3A_762 : vector<16xi32>
      %sub3A_764 = arith.subi %add3A_742, %get3A_737 : vector<16xi32>
      %jit3A_765 = arith.constant 0 : i32
      %broadcast_in_dim3A_766 = vector.broadcast %jit3A_765 : i32 to vector<16xi32>
      %select_n3A_767 = arith.select %eq3A_763, %sub3A_764, %broadcast_in_dim3A_766 : vector<16xi1>, vector<16xi32>
      %reduce_sum3A_768 = arith.constant true
      %reduce_sum3A_769 = vector.broadcast %reduce_sum3A_768 : i1 to vector<16xi1>
      %reduce_sum3A_770 = tpu.scan <sum>, %select_n3A_767 masked %reduce_sum3A_769 : vector<16xi32>, vector<16xi1> -> vector<16xi32>
      %reduce_sum3A_771 = vector.extract %reduce_sum3A_770[15] : i32 from vector<16xi32>
      %add3A_772 = arith.constant 240 : i32
      %add3A_773 = arith.addi %add3A_772, %sub3A_761 : i32
      %select_n3A_774 = arith.select %and3A_759, %add3A_773, %select_n3A_726 : i32
      %select_n3A_775 = arith.select %and3A_759, %reduce_sum3A_771, %select_n3A_727 : i32
      %reduce_max3A_776 = arith.constant true
      %reduce_max3A_777 = vector.broadcast %reduce_max3A_776 : i1 to vector<16xi1>
      %reduce_max3A_778 = arith.constant -2147483648 : i32
      %reduce_max3A_779 = vector.broadcast %reduce_max3A_778 : i32 to vector<16xi32>
      %reduce_max3A_780 = arith.xori %add3A_742, %reduce_max3A_779 : vector<16xi32>
      %reduce_max3A_781 = tpu.scan <max>, %reduce_max3A_780 masked %reduce_max3A_777 : vector<16xi32>, vector<16xi1> -> vector<16xi32>
      %reduce_max3A_782 = arith.xori %reduce_max3A_781, %reduce_max3A_779 : vector<16xi32>
      %reduce_max3A_783 = vector.extract %reduce_max3A_782[15] : i32 from vector<16xi32>
      %sub3A_784 = arith.constant 105676 : i32
      %sub3A_785 = arith.subi %sub3A_784, %select_n3A_775 : i32
      %shift_left3A = arith.constant 0 : i32
      %shift_left3A_786 = arith.constant 8 : i32
      %shift_left3A_787 = arith.shli %shift_left3A, %shift_left3A_786 : i32
      %or3A = arith.ori %shift_left3A_787, %select_n3A_774 : i32
      %parallel_loop3A_788 = arith.constant 0 : i32
      %parallel_loop3A_789 = arith.constant 256 : i32
      %parallel_loop3A_790 = arith.constant 1 : i32
      scf.for %parallel_loop3A_2359 = %parallel_loop3A_788 to %parallel_loop3A_789 step %parallel_loop3A_790  : i32 {
        %parallel_loop3A_2360 = arith.constant 16 : i32
        %parallel_loop3A_2361 = arith.muli %parallel_loop3A_2359, %parallel_loop3A_2360 : i32
        %parallel_loop3A_2362 = arith.index_cast %parallel_loop3A_2361 : i32 to index
        %parallel_loop3A_2363 = tpu.vector_load %arg5[%parallel_loop3A_2362] {strides = array<i32>} : memref<4096xi32, #tpu.memory_space<vmem>>, vector<16xi32>,
        tpu.vector_store %arg5[%parallel_loop3A_2362], %broadcast_in_dim3A_8 {strides = array<i32>} : memref<4096xi32, #tpu.memory_space<vmem>>, vector<16xi32>,
      } {sc.loop_unroll_factor = 8 : i64, sc.parallel_access}
      %parallel_loop3A_791 = arith.constant 0 : i32
      %parallel_loop3A_792 = arith.constant 4128 : i32
      %parallel_loop3A_793 = arith.constant 1 : i32
      scf.for %parallel_loop3A_2359 = %parallel_loop3A_791 to %parallel_loop3A_792 step %parallel_loop3A_793  : i32 {
        %parallel_loop3A_2360 = arith.constant 16 : i32
        %parallel_loop3A_2361 = arith.muli %parallel_loop3A_2359, %parallel_loop3A_2360 : i32
        %parallel_loop3A_2362 = arith.index_cast %parallel_loop3A_2361 : i32 to index
        %parallel_loop3A_2363 = tpu.vector_load %arg4[%parallel_loop3A_2362] {strides = array<i32>} : memref<66048xi32, #tpu.memory_space<vmem>>, vector<16xi32>,
        %parallel_loop3A_2364 = arith.constant 24 : i32
        %parallel_loop3A_2365 = vector.broadcast %parallel_loop3A_2364 : i32 to vector<16xi32>
        %parallel_loop3A_2366 = arith.shrui %parallel_loop3A_2363, %parallel_loop3A_2365 : vector<16xi32>
        %parallel_loop3A_2367 = arith.constant 16 : i32
        %parallel_loop3A_2368 = vector.broadcast %parallel_loop3A_2367 : i32 to vector<16xi32>
        %parallel_loop3A_2369 = arith.shrui %parallel_loop3A_2363, %parallel_loop3A_2368 : vector<16xi32>
        %parallel_loop3A_2370 = arith.constant 255 : i32
        %parallel_loop3A_2371 = vector.broadcast %parallel_loop3A_2370 : i32 to vector<16xi32>
        %parallel_loop3A_2372 = arith.andi %parallel_loop3A_2369, %parallel_loop3A_2371 : vector<16xi32>
        %parallel_loop3A_2373 = vector.broadcast %or3A : i32 to vector<16xi32>
        %parallel_loop3A_2374 = arith.cmpi eq, %parallel_loop3A_2366, %parallel_loop3A_2373 : vector<16xi32>
        %parallel_loop3A_2375 = arith.addi %mul3A_5, %parallel_loop3A_2372 : vector<16xi32>
        tpu.vector_store_idx %arg5[%parallel_loop3A_2375], %broadcast_in_dim3A_6 masked %parallel_loop3A_2374 {add = true} : memref<4096xi32, #tpu.memory_space<vmem>>[vector<16xi32>], vector<16xi32>, vector<16xi1>
      } {sc.loop_unroll_factor = 8 : i64, sc.parallel_access}
      %parallel_loop3A_794 = arith.constant 0 : i32
      %parallel_loop3A_795 = arith.constant 16 : i32
      %parallel_loop3A_796 = arith.constant 1 : i32
      scf.for %parallel_loop3A_2359 = %parallel_loop3A_794 to %parallel_loop3A_795 step %parallel_loop3A_796  : i32 {
        %parallel_loop3A_2360 = arith.constant 16 : i32
        %parallel_loop3A_2361 = arith.muli %parallel_loop3A_2359, %parallel_loop3A_2360 : i32
        %parallel_loop3A_2362 = arith.index_cast %parallel_loop3A_2361 : i32 to index
        %parallel_loop3A_2363 = tpu.vector_load %arg5[%parallel_loop3A_2362] {strides = array<i32>} : memref<4096xi32, #tpu.memory_space<vmem>>, vector<16xi32>,
        %parallel_loop3A_2364 = arith.constant 16 : i32
        %parallel_loop3A_2365 = arith.muli %parallel_loop3A_2359, %parallel_loop3A_2364 : i32
        %parallel_loop3A_2366 = arith.constant 256 : i32
        %parallel_loop3A_2367 = arith.addi %parallel_loop3A_2366, %parallel_loop3A_2365 : i32
        %parallel_loop3A_2368 = arith.index_cast %parallel_loop3A_2367 : i32 to index
        %parallel_loop3A_2369 = tpu.vector_load %arg5[%parallel_loop3A_2368] {strides = array<i32>} : memref<4096xi32, #tpu.memory_space<vmem>>, vector<16xi32>,
        %parallel_loop3A_2370 = arith.addi %parallel_loop3A_2363, %parallel_loop3A_2369 : vector<16xi32>
        %parallel_loop3A_2371 = arith.constant 16 : i32
        %parallel_loop3A_2372 = arith.muli %parallel_loop3A_2359, %parallel_loop3A_2371 : i32
        %parallel_loop3A_2373 = arith.constant 512 : i32
        %parallel_loop3A_2374 = arith.addi %parallel_loop3A_2373, %parallel_loop3A_2372 : i32
        %parallel_loop3A_2375 = arith.index_cast %parallel_loop3A_2374 : i32 to index
        %parallel_loop3A_2376 = tpu.vector_load %arg5[%parallel_loop3A_2375] {strides = array<i32>} : memref<4096xi32, #tpu.memory_space<vmem>>, vector<16xi32>,
        %parallel_loop3A_2377 = arith.addi %parallel_loop3A_2370, %parallel_loop3A_2376 : vector<16xi32>
        %parallel_loop3A_2378 = arith.constant 16 : i32
        %parallel_loop3A_2379 = arith.muli %parallel_loop3A_2359, %parallel_loop3A_2378 : i32
        %parallel_loop3A_2380 = arith.constant 768 : i32
        %parallel_loop3A_2381 = arith.addi %parallel_loop3A_2380, %parallel_loop3A_2379 : i32
        %parallel_loop3A_2382 = arith.index_cast %parallel_loop3A_2381 : i32 to index
        %parallel_loop3A_2383 = tpu.vector_load %arg5[%parallel_loop3A_2382] {strides = array<i32>} : memref<4096xi32, #tpu.memory_space<vmem>>, vector<16xi32>,
        %parallel_loop3A_2384 = arith.addi %parallel_loop3A_2377, %parallel_loop3A_2383 : vector<16xi32>
        %parallel_loop3A_2385 = arith.constant 16 : i32
        %parallel_loop3A_2386 = arith.muli %parallel_loop3A_2359, %parallel_loop3A_2385 : i32
        %parallel_loop3A_2387 = arith.constant 1024 : i32
        %parallel_loop3A_2388 = arith.addi %parallel_loop3A_2387, %parallel_loop3A_2386 : i32
        %parallel_loop3A_2389 = arith.index_cast %parallel_loop3A_2388 : i32 to index
        %parallel_loop3A_2390 = tpu.vector_load %arg5[%parallel_loop3A_2389] {strides = array<i32>} : memref<4096xi32, #tpu.memory_space<vmem>>, vector<16xi32>,
        %parallel_loop3A_2391 = arith.addi %parallel_loop3A_2384, %parallel_loop3A_2390 : vector<16xi32>
        %parallel_loop3A_2392 = arith.constant 16 : i32
        %parallel_loop3A_2393 = arith.muli %parallel_loop3A_2359, %parallel_loop3A_2392 : i32
        %parallel_loop3A_2394 = arith.constant 1280 : i32
        %parallel_loop3A_2395 = arith.addi %parallel_loop3A_2394, %parallel_loop3A_2393 : i32
        %parallel_loop3A_2396 = arith.index_cast %parallel_loop3A_2395 : i32 to index
        %parallel_loop3A_2397 = tpu.vector_load %arg5[%parallel_loop3A_2396] {strides = array<i32>} : memref<4096xi32, #tpu.memory_space<vmem>>, vector<16xi32>,
        %parallel_loop3A_2398 = arith.addi %parallel_loop3A_2391, %parallel_loop3A_2397 : vector<16xi32>
        %parallel_loop3A_2399 = arith.constant 16 : i32
        %parallel_loop3A_2400 = arith.muli %parallel_loop3A_2359, %parallel_loop3A_2399 : i32
        %parallel_loop3A_2401 = arith.constant 1536 : i32
        %parallel_loop3A_2402 = arith.addi %parallel_loop3A_2401, %parallel_loop3A_2400 : i32
        %parallel_loop3A_2403 = arith.index_cast %parallel_loop3A_2402 : i32 to index
        %parallel_loop3A_2404 = tpu.vector_load %arg5[%parallel_loop3A_2403] {strides = array<i32>} : memref<4096xi32, #tpu.memory_space<vmem>>, vector<16xi32>,
        %parallel_loop3A_2405 = arith.addi %parallel_loop3A_2398, %parallel_loop3A_2404 : vector<16xi32>
        %parallel_loop3A_2406 = arith.constant 16 : i32
        %parallel_loop3A_2407 = arith.muli %parallel_loop3A_2359, %parallel_loop3A_2406 : i32
        %parallel_loop3A_2408 = arith.constant 1792 : i32
        %parallel_loop3A_2409 = arith.addi %parallel_loop3A_2408, %parallel_loop3A_2407 : i32
        %parallel_loop3A_2410 = arith.index_cast %parallel_loop3A_2409 : i32 to index
        %parallel_loop3A_2411 = tpu.vector_load %arg5[%parallel_loop3A_2410] {strides = array<i32>} : memref<4096xi32, #tpu.memory_space<vmem>>, vector<16xi32>,
        %parallel_loop3A_2412 = arith.addi %parallel_loop3A_2405, %parallel_loop3A_2411 : vector<16xi32>
        %parallel_loop3A_2413 = arith.constant 16 : i32
        %parallel_loop3A_2414 = arith.muli %parallel_loop3A_2359, %parallel_loop3A_2413 : i32
        %parallel_loop3A_2415 = arith.constant 2048 : i32
        %parallel_loop3A_2416 = arith.addi %parallel_loop3A_2415, %parallel_loop3A_2414 : i32
        %parallel_loop3A_2417 = arith.index_cast %parallel_loop3A_2416 : i32 to index
        %parallel_loop3A_2418 = tpu.vector_load %arg5[%parallel_loop3A_2417] {strides = array<i32>} : memref<4096xi32, #tpu.memory_space<vmem>>, vector<16xi32>,
        %parallel_loop3A_2419 = arith.addi %parallel_loop3A_2412, %parallel_loop3A_2418 : vector<16xi32>
        %parallel_loop3A_2420 = arith.constant 16 : i32
        %parallel_loop3A_2421 = arith.muli %parallel_loop3A_2359, %parallel_loop3A_2420 : i32
        %parallel_loop3A_2422 = arith.constant 2304 : i32
        %parallel_loop3A_2423 = arith.addi %parallel_loop3A_2422, %parallel_loop3A_2421 : i32
        %parallel_loop3A_2424 = arith.index_cast %parallel_loop3A_2423 : i32 to index
        %parallel_loop3A_2425 = tpu.vector_load %arg5[%parallel_loop3A_2424] {strides = array<i32>} : memref<4096xi32, #tpu.memory_space<vmem>>, vector<16xi32>,
        %parallel_loop3A_2426 = arith.addi %parallel_loop3A_2419, %parallel_loop3A_2425 : vector<16xi32>
        %parallel_loop3A_2427 = arith.constant 16 : i32
        %parallel_loop3A_2428 = arith.muli %parallel_loop3A_2359, %parallel_loop3A_2427 : i32
        %parallel_loop3A_2429 = arith.constant 2560 : i32
        %parallel_loop3A_2430 = arith.addi %parallel_loop3A_2429, %parallel_loop3A_2428 : i32
        %parallel_loop3A_2431 = arith.index_cast %parallel_loop3A_2430 : i32 to index
        %parallel_loop3A_2432 = tpu.vector_load %arg5[%parallel_loop3A_2431] {strides = array<i32>} : memref<4096xi32, #tpu.memory_space<vmem>>, vector<16xi32>,
        %parallel_loop3A_2433 = arith.addi %parallel_loop3A_2426, %parallel_loop3A_2432 : vector<16xi32>
        %parallel_loop3A_2434 = arith.constant 16 : i32
        %parallel_loop3A_2435 = arith.muli %parallel_loop3A_2359, %parallel_loop3A_2434 : i32
        %parallel_loop3A_2436 = arith.constant 2816 : i32
        %parallel_loop3A_2437 = arith.addi %parallel_loop3A_2436, %parallel_loop3A_2435 : i32
        %parallel_loop3A_2438 = arith.index_cast %parallel_loop3A_2437 : i32 to index
        %parallel_loop3A_2439 = tpu.vector_load %arg5[%parallel_loop3A_2438] {strides = array<i32>} : memref<4096xi32, #tpu.memory_space<vmem>>, vector<16xi32>,
        %parallel_loop3A_2440 = arith.addi %parallel_loop3A_2433, %parallel_loop3A_2439 : vector<16xi32>
        %parallel_loop3A_2441 = arith.constant 16 : i32
        %parallel_loop3A_2442 = arith.muli %parallel_loop3A_2359, %parallel_loop3A_2441 : i32
        %parallel_loop3A_2443 = arith.constant 3072 : i32
        %parallel_loop3A_2444 = arith.addi %parallel_loop3A_2443, %parallel_loop3A_2442 : i32
        %parallel_loop3A_2445 = arith.index_cast %parallel_loop3A_2444 : i32 to index
        %parallel_loop3A_2446 = tpu.vector_load %arg5[%parallel_loop3A_2445] {strides = array<i32>} : memref<4096xi32, #tpu.memory_space<vmem>>, vector<16xi32>,
        %parallel_loop3A_2447 = arith.addi %parallel_loop3A_2440, %parallel_loop3A_2446 : vector<16xi32>
        %parallel_loop3A_2448 = arith.constant 16 : i32
        %parallel_loop3A_2449 = arith.muli %parallel_loop3A_2359, %parallel_loop3A_2448 : i32
        %parallel_loop3A_2450 = arith.constant 3328 : i32
        %parallel_loop3A_2451 = arith.addi %parallel_loop3A_2450, %parallel_loop3A_2449 : i32
        %parallel_loop3A_2452 = arith.index_cast %parallel_loop3A_2451 : i32 to index
        %parallel_loop3A_2453 = tpu.vector_load %arg5[%parallel_loop3A_2452] {strides = array<i32>} : memref<4096xi32, #tpu.memory_space<vmem>>, vector<16xi32>,
        %parallel_loop3A_2454 = arith.addi %parallel_loop3A_2447, %parallel_loop3A_2453 : vector<16xi32>
        %parallel_loop3A_2455 = arith.constant 16 : i32
        %parallel_loop3A_2456 = arith.muli %parallel_loop3A_2359, %parallel_loop3A_2455 : i32
        %parallel_loop3A_2457 = arith.constant 3584 : i32
        %parallel_loop3A_2458 = arith.addi %parallel_loop3A_2457, %parallel_loop3A_2456 : i32
        %parallel_loop3A_2459 = arith.index_cast %parallel_loop3A_2458 : i32 to index
        %parallel_loop3A_2460 = tpu.vector_load %arg5[%parallel_loop3A_2459] {strides = array<i32>} : memref<4096xi32, #tpu.memory_space<vmem>>, vector<16xi32>,
        %parallel_loop3A_2461 = arith.addi %parallel_loop3A_2454, %parallel_loop3A_2460 : vector<16xi32>
        %parallel_loop3A_2462 = arith.constant 16 : i32
        %parallel_loop3A_2463 = arith.muli %parallel_loop3A_2359, %parallel_loop3A_2462 : i32
        %parallel_loop3A_2464 = arith.constant 3840 : i32
        %parallel_loop3A_2465 = arith.addi %parallel_loop3A_2464, %parallel_loop3A_2463 : i32
        %parallel_loop3A_2466 = arith.index_cast %parallel_loop3A_2465 : i32 to index
        %parallel_loop3A_2467 = tpu.vector_load %arg5[%parallel_loop3A_2466] {strides = array<i32>} : memref<4096xi32, #tpu.memory_space<vmem>>, vector<16xi32>,
        %parallel_loop3A_2468 = arith.addi %parallel_loop3A_2461, %parallel_loop3A_2467 : vector<16xi32>
        %parallel_loop3A_2469 = arith.constant 16 : i32
        %parallel_loop3A_2470 = arith.muli %parallel_loop3A_2359, %parallel_loop3A_2469 : i32
        %parallel_loop3A_2471 = arith.index_cast %parallel_loop3A_2470 : i32 to index
        %parallel_loop3A_2472 = tpu.vector_load %arg6[%parallel_loop3A_2471] {strides = array<i32>} : memref<256xi32, #tpu.memory_space<vmem>>, vector<16xi32>,
        tpu.vector_store %arg6[%parallel_loop3A_2471], %parallel_loop3A_2468 {strides = array<i32>} : memref<256xi32, #tpu.memory_space<vmem>>, vector<16xi32>,
      } {sc.loop_unroll_factor = 4 : i64, sc.parallel_access}
      %mul3A_797 = arith.constant 256 : i32
      %mul3A_798 = arith.muli %arg1, %mul3A_797 : i32
      %add3A_799 = arith.constant 4096 : i32
      %add3A_800 = arith.addi %add3A_799, %mul3A_798 : i32
      "tpu.region"() ({
        %run_scoped3A = tpu.sem_alloc : memref<!tpu.dma_semaphore, #tpu.memory_space<semaphore_mem>>
        %dma_start3A = tpu.memref_slice %arg8[%add3A_800] : memref<16384xi32, #tpu.memory_space<vmem_shared>> -> memref<256xi32, #tpu.memory_space<vmem_shared>>
        %dma_start3A_2359 = tpu.memref_slice %arg8[%add3A_800] : memref<16384xi32, #tpu.memory_space<vmem_shared>> -> memref<256xi32, #tpu.memory_space<vmem_shared>>
        tpu.enqueue_dma source(%arg6 : memref<256xi32, #tpu.memory_space<vmem>>) target(%dma_start3A_2359 : memref<256xi32, #tpu.memory_space<vmem_shared>>) target_semaphore(%run_scoped3A : memref<!tpu.dma_semaphore, #tpu.memory_space<semaphore_mem>>)
        %dma_wait3A = tpu.memref_slice %arg8[%add3A_800] : memref<16384xi32, #tpu.memory_space<vmem_shared>> -> memref<256xi32, #tpu.memory_space<vmem_shared>>
        %dma_wait3A_2360 = tpu.memref_slice %arg8[%add3A_800] : memref<16384xi32, #tpu.memory_space<vmem_shared>> -> memref<256xi32, #tpu.memory_space<vmem_shared>>
        tpu.wait_dma2 semaphore(%run_scoped3A : memref<!tpu.dma_semaphore, #tpu.memory_space<semaphore_mem>>) src(%arg6 : memref<256xi32, #tpu.memory_space<vmem>>) dst(%dma_wait3A_2360 : memref<256xi32, #tpu.memory_space<vmem_shared>>)
        tpu.yield
      }) : () -> ()
      %barrier3A_801 = arith.constant 0 : index
      tpu.barrier barrier_id(%barrier3A_801)
      "tpu.region"() ({
        %run_scoped3A = tpu.sem_alloc : memref<!tpu.dma_semaphore, #tpu.memory_space<semaphore_mem>>
        %dma_start3A = arith.constant 4096 : i32
        %dma_start3A_2359 = tpu.memref_slice %arg8[%dma_start3A] : memref<16384xi32, #tpu.memory_space<vmem_shared>> -> memref<4096xi32, #tpu.memory_space<vmem_shared>>
        %dma_start3A_2360 = arith.constant 4096 : i32
        %dma_start3A_2361 = tpu.memref_slice %arg8[%dma_start3A_2360] : memref<16384xi32, #tpu.memory_space<vmem_shared>> -> memref<4096xi32, #tpu.memory_space<vmem_shared>>
        tpu.enqueue_dma source(%dma_start3A_2361 : memref<4096xi32, #tpu.memory_space<vmem_shared>>) target(%arg5 : memref<4096xi32, #tpu.memory_space<vmem>>) target_semaphore(%run_scoped3A : memref<!tpu.dma_semaphore, #tpu.memory_space<semaphore_mem>>)
        %dma_wait3A = arith.constant 4096 : i32
        %dma_wait3A_2362 = tpu.memref_slice %arg8[%dma_wait3A] : memref<16384xi32, #tpu.memory_space<vmem_shared>> -> memref<4096xi32, #tpu.memory_space<vmem_shared>>
        %dma_wait3A_2363 = arith.constant 4096 : i32
        %dma_wait3A_2364 = tpu.memref_slice %arg8[%dma_wait3A_2363] : memref<16384xi32, #tpu.memory_space<vmem_shared>> -> memref<4096xi32, #tpu.memory_space<vmem_shared>>
        tpu.wait_dma2 semaphore(%run_scoped3A : memref<!tpu.dma_semaphore, #tpu.memory_space<semaphore_mem>>) src(%dma_wait3A_2364 : memref<4096xi32, #tpu.memory_space<vmem_shared>>) dst(%arg5 : memref<4096xi32, #tpu.memory_space<vmem>>)
        tpu.yield
      }) : () -> ()
      %parallel_loop3A_802 = arith.constant 0 : i32
      %parallel_loop3A_803 = arith.constant 16 : i32
      %parallel_loop3A_804 = arith.constant 1 : i32
      scf.for %parallel_loop3A_2359 = %parallel_loop3A_802 to %parallel_loop3A_803 step %parallel_loop3A_804  : i32 {
        %parallel_loop3A_2360 = arith.constant 16 : i32
        %parallel_loop3A_2361 = arith.muli %parallel_loop3A_2359, %parallel_loop3A_2360 : i32
        %parallel_loop3A_2362 = arith.index_cast %parallel_loop3A_2361 : i32 to index
        %parallel_loop3A_2363 = tpu.vector_load %arg5[%parallel_loop3A_2362] {strides = array<i32>} : memref<4096xi32, #tpu.memory_space<vmem>>, vector<16xi32>,
        %parallel_loop3A_2364 = arith.constant 16 : i32
        %parallel_loop3A_2365 = arith.muli %parallel_loop3A_2359, %parallel_loop3A_2364 : i32
        %parallel_loop3A_2366 = arith.constant 256 : i32
        %parallel_loop3A_2367 = arith.addi %parallel_loop3A_2366, %parallel_loop3A_2365 : i32
        %parallel_loop3A_2368 = arith.index_cast %parallel_loop3A_2367 : i32 to index
        %parallel_loop3A_2369 = tpu.vector_load %arg5[%parallel_loop3A_2368] {strides = array<i32>} : memref<4096xi32, #tpu.memory_space<vmem>>, vector<16xi32>,
        %parallel_loop3A_2370 = arith.addi %parallel_loop3A_2363, %parallel_loop3A_2369 : vector<16xi32>
        %parallel_loop3A_2371 = arith.constant 16 : i32
        %parallel_loop3A_2372 = arith.muli %parallel_loop3A_2359, %parallel_loop3A_2371 : i32
        %parallel_loop3A_2373 = arith.constant 512 : i32
        %parallel_loop3A_2374 = arith.addi %parallel_loop3A_2373, %parallel_loop3A_2372 : i32
        %parallel_loop3A_2375 = arith.index_cast %parallel_loop3A_2374 : i32 to index
        %parallel_loop3A_2376 = tpu.vector_load %arg5[%parallel_loop3A_2375] {strides = array<i32>} : memref<4096xi32, #tpu.memory_space<vmem>>, vector<16xi32>,
        %parallel_loop3A_2377 = arith.addi %parallel_loop3A_2370, %parallel_loop3A_2376 : vector<16xi32>
        %parallel_loop3A_2378 = arith.constant 16 : i32
        %parallel_loop3A_2379 = arith.muli %parallel_loop3A_2359, %parallel_loop3A_2378 : i32
        %parallel_loop3A_2380 = arith.constant 768 : i32
        %parallel_loop3A_2381 = arith.addi %parallel_loop3A_2380, %parallel_loop3A_2379 : i32
        %parallel_loop3A_2382 = arith.index_cast %parallel_loop3A_2381 : i32 to index
        %parallel_loop3A_2383 = tpu.vector_load %arg5[%parallel_loop3A_2382] {strides = array<i32>} : memref<4096xi32, #tpu.memory_space<vmem>>, vector<16xi32>,
        %parallel_loop3A_2384 = arith.addi %parallel_loop3A_2377, %parallel_loop3A_2383 : vector<16xi32>
        %parallel_loop3A_2385 = arith.constant 16 : i32
        %parallel_loop3A_2386 = arith.muli %parallel_loop3A_2359, %parallel_loop3A_2385 : i32
        %parallel_loop3A_2387 = arith.constant 1024 : i32
        %parallel_loop3A_2388 = arith.addi %parallel_loop3A_2387, %parallel_loop3A_2386 : i32
        %parallel_loop3A_2389 = arith.index_cast %parallel_loop3A_2388 : i32 to index
        %parallel_loop3A_2390 = tpu.vector_load %arg5[%parallel_loop3A_2389] {strides = array<i32>} : memref<4096xi32, #tpu.memory_space<vmem>>, vector<16xi32>,
        %parallel_loop3A_2391 = arith.addi %parallel_loop3A_2384, %parallel_loop3A_2390 : vector<16xi32>
        %parallel_loop3A_2392 = arith.constant 16 : i32
        %parallel_loop3A_2393 = arith.muli %parallel_loop3A_2359, %parallel_loop3A_2392 : i32
        %parallel_loop3A_2394 = arith.constant 1280 : i32
        %parallel_loop3A_2395 = arith.addi %parallel_loop3A_2394, %parallel_loop3A_2393 : i32
        %parallel_loop3A_2396 = arith.index_cast %parallel_loop3A_2395 : i32 to index
        %parallel_loop3A_2397 = tpu.vector_load %arg5[%parallel_loop3A_2396] {strides = array<i32>} : memref<4096xi32, #tpu.memory_space<vmem>>, vector<16xi32>,
        %parallel_loop3A_2398 = arith.addi %parallel_loop3A_2391, %parallel_loop3A_2397 : vector<16xi32>
        %parallel_loop3A_2399 = arith.constant 16 : i32
        %parallel_loop3A_2400 = arith.muli %parallel_loop3A_2359, %parallel_loop3A_2399 : i32
        %parallel_loop3A_2401 = arith.constant 1536 : i32
        %parallel_loop3A_2402 = arith.addi %parallel_loop3A_2401, %parallel_loop3A_2400 : i32
        %parallel_loop3A_2403 = arith.index_cast %parallel_loop3A_2402 : i32 to index
        %parallel_loop3A_2404 = tpu.vector_load %arg5[%parallel_loop3A_2403] {strides = array<i32>} : memref<4096xi32, #tpu.memory_space<vmem>>, vector<16xi32>,
        %parallel_loop3A_2405 = arith.addi %parallel_loop3A_2398, %parallel_loop3A_2404 : vector<16xi32>
        %parallel_loop3A_2406 = arith.constant 16 : i32
        %parallel_loop3A_2407 = arith.muli %parallel_loop3A_2359, %parallel_loop3A_2406 : i32
        %parallel_loop3A_2408 = arith.constant 1792 : i32
        %parallel_loop3A_2409 = arith.addi %parallel_loop3A_2408, %parallel_loop3A_2407 : i32
        %parallel_loop3A_2410 = arith.index_cast %parallel_loop3A_2409 : i32 to index
        %parallel_loop3A_2411 = tpu.vector_load %arg5[%parallel_loop3A_2410] {strides = array<i32>} : memref<4096xi32, #tpu.memory_space<vmem>>, vector<16xi32>,
        %parallel_loop3A_2412 = arith.addi %parallel_loop3A_2405, %parallel_loop3A_2411 : vector<16xi32>
        %parallel_loop3A_2413 = arith.constant 16 : i32
        %parallel_loop3A_2414 = arith.muli %parallel_loop3A_2359, %parallel_loop3A_2413 : i32
        %parallel_loop3A_2415 = arith.constant 2048 : i32
        %parallel_loop3A_2416 = arith.addi %parallel_loop3A_2415, %parallel_loop3A_2414 : i32
        %parallel_loop3A_2417 = arith.index_cast %parallel_loop3A_2416 : i32 to index
        %parallel_loop3A_2418 = tpu.vector_load %arg5[%parallel_loop3A_2417] {strides = array<i32>} : memref<4096xi32, #tpu.memory_space<vmem>>, vector<16xi32>,
        %parallel_loop3A_2419 = arith.addi %parallel_loop3A_2412, %parallel_loop3A_2418 : vector<16xi32>
        %parallel_loop3A_2420 = arith.constant 16 : i32
        %parallel_loop3A_2421 = arith.muli %parallel_loop3A_2359, %parallel_loop3A_2420 : i32
        %parallel_loop3A_2422 = arith.constant 2304 : i32
        %parallel_loop3A_2423 = arith.addi %parallel_loop3A_2422, %parallel_loop3A_2421 : i32
        %parallel_loop3A_2424 = arith.index_cast %parallel_loop3A_2423 : i32 to index
        %parallel_loop3A_2425 = tpu.vector_load %arg5[%parallel_loop3A_2424] {strides = array<i32>} : memref<4096xi32, #tpu.memory_space<vmem>>, vector<16xi32>,
        %parallel_loop3A_2426 = arith.addi %parallel_loop3A_2419, %parallel_loop3A_2425 : vector<16xi32>
        %parallel_loop3A_2427 = arith.constant 16 : i32
        %parallel_loop3A_2428 = arith.muli %parallel_loop3A_2359, %parallel_loop3A_2427 : i32
        %parallel_loop3A_2429 = arith.constant 2560 : i32
        %parallel_loop3A_2430 = arith.addi %parallel_loop3A_2429, %parallel_loop3A_2428 : i32
        %parallel_loop3A_2431 = arith.index_cast %parallel_loop3A_2430 : i32 to index
        %parallel_loop3A_2432 = tpu.vector_load %arg5[%parallel_loop3A_2431] {strides = array<i32>} : memref<4096xi32, #tpu.memory_space<vmem>>, vector<16xi32>,
        %parallel_loop3A_2433 = arith.addi %parallel_loop3A_2426, %parallel_loop3A_2432 : vector<16xi32>
        %parallel_loop3A_2434 = arith.constant 16 : i32
        %parallel_loop3A_2435 = arith.muli %parallel_loop3A_2359, %parallel_loop3A_2434 : i32
        %parallel_loop3A_2436 = arith.constant 2816 : i32
        %parallel_loop3A_2437 = arith.addi %parallel_loop3A_2436, %parallel_loop3A_2435 : i32
        %parallel_loop3A_2438 = arith.index_cast %parallel_loop3A_2437 : i32 to index
        %parallel_loop3A_2439 = tpu.vector_load %arg5[%parallel_loop3A_2438] {strides = array<i32>} : memref<4096xi32, #tpu.memory_space<vmem>>, vector<16xi32>,
        %parallel_loop3A_2440 = arith.addi %parallel_loop3A_2433, %parallel_loop3A_2439 : vector<16xi32>
        %parallel_loop3A_2441 = arith.constant 16 : i32
        %parallel_loop3A_2442 = arith.muli %parallel_loop3A_2359, %parallel_loop3A_2441 : i32
        %parallel_loop3A_2443 = arith.constant 3072 : i32
        %parallel_loop3A_2444 = arith.addi %parallel_loop3A_2443, %parallel_loop3A_2442 : i32
        %parallel_loop3A_2445 = arith.index_cast %parallel_loop3A_2444 : i32 to index
        %parallel_loop3A_2446 = tpu.vector_load %arg5[%parallel_loop3A_2445] {strides = array<i32>} : memref<4096xi32, #tpu.memory_space<vmem>>, vector<16xi32>,
        %parallel_loop3A_2447 = arith.addi %parallel_loop3A_2440, %parallel_loop3A_2446 : vector<16xi32>
        %parallel_loop3A_2448 = arith.constant 16 : i32
        %parallel_loop3A_2449 = arith.muli %parallel_loop3A_2359, %parallel_loop3A_2448 : i32
        %parallel_loop3A_2450 = arith.constant 3328 : i32
        %parallel_loop3A_2451 = arith.addi %parallel_loop3A_2450, %parallel_loop3A_2449 : i32
        %parallel_loop3A_2452 = arith.index_cast %parallel_loop3A_2451 : i32 to index
        %parallel_loop3A_2453 = tpu.vector_load %arg5[%parallel_loop3A_2452] {strides = array<i32>} : memref<4096xi32, #tpu.memory_space<vmem>>, vector<16xi32>,
        %parallel_loop3A_2454 = arith.addi %parallel_loop3A_2447, %parallel_loop3A_2453 : vector<16xi32>
        %parallel_loop3A_2455 = arith.constant 16 : i32
        %parallel_loop3A_2456 = arith.muli %parallel_loop3A_2359, %parallel_loop3A_2455 : i32
        %parallel_loop3A_2457 = arith.constant 3584 : i32
        %parallel_loop3A_2458 = arith.addi %parallel_loop3A_2457, %parallel_loop3A_2456 : i32
        %parallel_loop3A_2459 = arith.index_cast %parallel_loop3A_2458 : i32 to index
        %parallel_loop3A_2460 = tpu.vector_load %arg5[%parallel_loop3A_2459] {strides = array<i32>} : memref<4096xi32, #tpu.memory_space<vmem>>, vector<16xi32>,
        %parallel_loop3A_2461 = arith.addi %parallel_loop3A_2454, %parallel_loop3A_2460 : vector<16xi32>
        %parallel_loop3A_2462 = arith.constant 16 : i32
        %parallel_loop3A_2463 = arith.muli %parallel_loop3A_2359, %parallel_loop3A_2462 : i32
        %parallel_loop3A_2464 = arith.constant 3840 : i32
        %parallel_loop3A_2465 = arith.addi %parallel_loop3A_2464, %parallel_loop3A_2463 : i32
        %parallel_loop3A_2466 = arith.index_cast %parallel_loop3A_2465 : i32 to index
        %parallel_loop3A_2467 = tpu.vector_load %arg5[%parallel_loop3A_2466] {strides = array<i32>} : memref<4096xi32, #tpu.memory_space<vmem>>, vector<16xi32>,
        %parallel_loop3A_2468 = arith.addi %parallel_loop3A_2461, %parallel_loop3A_2467 : vector<16xi32>
        %parallel_loop3A_2469 = arith.constant 16 : i32
        %parallel_loop3A_2470 = arith.muli %parallel_loop3A_2359, %parallel_loop3A_2469 : i32
        %parallel_loop3A_2471 = arith.index_cast %parallel_loop3A_2470 : i32 to index
        %parallel_loop3A_2472 = tpu.vector_load %arg6[%parallel_loop3A_2471] {strides = array<i32>} : memref<256xi32, #tpu.memory_space<vmem>>, vector<16xi32>,
        tpu.vector_store %arg6[%parallel_loop3A_2471], %parallel_loop3A_2468 {strides = array<i32>} : memref<256xi32, #tpu.memory_space<vmem>>, vector<16xi32>,
      } {sc.loop_unroll_factor = 4 : i64, sc.parallel_access}
      %get3A_805 = arith.constant 0 : index
      %get3A_806 = tpu.vector_load %arg6[%get3A_805] {strides = array<i32>} : memref<256xi32, #tpu.memory_space<vmem>>, vector<16xi32>,
      %broadcast_in_dim3A_807 = arith.constant true
      %broadcast_in_dim3A_808 = vector.broadcast %broadcast_in_dim3A_807 : i1 to vector<16xi1>
      %masked_cumsum3A_809 = tpu.scan <sum>, %get3A_806 masked %broadcast_in_dim3A_808 : vector<16xi32>, vector<16xi1> -> vector<16xi32>
      %add3A_810 = arith.constant 0 : i32
      %add3A_811 = vector.broadcast %add3A_810 : i32 to vector<16xi32>
      %add3A_812 = arith.addi %masked_cumsum3A_809, %add3A_811 : vector<16xi32>
      %gt3A_813 = vector.broadcast %sub3A_785 : i32 to vector<16xi32>
      %gt3A_814 = arith.cmpi sgt, %add3A_812, %gt3A_813 : vector<16xi32>
      %all_reduce_population_count3A_815 = tpu.all_reduce %gt3A_814 {dim = 0 : i64, kind = #tpu.reduction_kind<sum>} : vector<16xi1> -> vector<16xi32>
      %reduce_max3A_816 = arith.constant true
      %reduce_max3A_817 = vector.broadcast %reduce_max3A_816 : i1 to vector<16xi1>
      %reduce_max3A_818 = arith.constant -2147483648 : i32
      %reduce_max3A_819 = vector.broadcast %reduce_max3A_818 : i32 to vector<16xi32>
      %reduce_max3A_820 = arith.xori %all_reduce_population_count3A_815, %reduce_max3A_819 : vector<16xi32>
      %reduce_max3A_821 = tpu.scan <max>, %reduce_max3A_820 masked %reduce_max3A_817 : vector<16xi32>, vector<16xi1> -> vector<16xi32>
      %reduce_max3A_822 = arith.xori %reduce_max3A_821, %reduce_max3A_819 : vector<16xi32>
      %reduce_max3A_823 = vector.extract %reduce_max3A_822[15] : i32 from vector<16xi32>
      %lt3A_824 = arith.constant -1 : i32
      %lt3A_825 = arith.constant 0 : i32
      %lt3A_826 = arith.cmpi slt, %lt3A_824, %lt3A_825 : i32
      %gt3A_827 = arith.constant 0 : i32
      %gt3A_828 = arith.cmpi sgt, %reduce_max3A_823, %gt3A_827 : i32
      %and3A_829 = arith.andi %lt3A_826, %gt3A_828 : i1
      %sub3A_830 = arith.constant 16 : i32
      %sub3A_831 = arith.subi %sub3A_830, %reduce_max3A_823 : i32
      %eq3A_832 = vector.broadcast %sub3A_831 : i32 to vector<16xi32>
      %eq3A_833 = arith.cmpi eq, %iota3A, %eq3A_832 : vector<16xi32>
      %sub3A_834 = arith.subi %add3A_812, %get3A_806 : vector<16xi32>
      %jit3A_835 = arith.constant 0 : i32
      %broadcast_in_dim3A_836 = vector.broadcast %jit3A_835 : i32 to vector<16xi32>
      %select_n3A_837 = arith.select %eq3A_833, %sub3A_834, %broadcast_in_dim3A_836 : vector<16xi1>, vector<16xi32>
      %reduce_sum3A_838 = arith.constant true
      %reduce_sum3A_839 = vector.broadcast %reduce_sum3A_838 : i1 to vector<16xi1>
      %reduce_sum3A_840 = tpu.scan <sum>, %select_n3A_837 masked %reduce_sum3A_839 : vector<16xi32>, vector<16xi1> -> vector<16xi32>
      %reduce_sum3A_841 = vector.extract %reduce_sum3A_840[15] : i32 from vector<16xi32>
      %add3A_842 = arith.constant 0 : i32
      %add3A_843 = arith.addi %add3A_842, %sub3A_831 : i32
      %jit3A_844 = arith.constant -1 : i32
      %select_n3A_845 = arith.select %and3A_829, %add3A_843, %jit3A_844 : i32
      %jit3A_846 = arith.constant 0 : i32
      %select_n3A_847 = arith.select %and3A_829, %reduce_sum3A_841, %jit3A_846 : i32
      %reduce_max3A_848 = arith.constant true
      %reduce_max3A_849 = vector.broadcast %reduce_max3A_848 : i1 to vector<16xi1>
      %reduce_max3A_850 = arith.constant -2147483648 : i32
      %reduce_max3A_851 = vector.broadcast %reduce_max3A_850 : i32 to vector<16xi32>
      %reduce_max3A_852 = arith.xori %add3A_812, %reduce_max3A_851 : vector<16xi32>
      %reduce_max3A_853 = tpu.scan <max>, %reduce_max3A_852 masked %reduce_max3A_849 : vector<16xi32>, vector<16xi1> -> vector<16xi32>
      %reduce_max3A_854 = arith.xori %reduce_max3A_853, %reduce_max3A_851 : vector<16xi32>
      %reduce_max3A_855 = vector.extract %reduce_max3A_854[15] : i32 from vector<16xi32>
      %get3A_856 = arith.constant 16 : index
      %get3A_857 = tpu.vector_load %arg6[%get3A_856] {strides = array<i32>} : memref<256xi32, #tpu.memory_space<vmem>>, vector<16xi32>,
      %broadcast_in_dim3A_858 = arith.constant true
      %broadcast_in_dim3A_859 = vector.broadcast %broadcast_in_dim3A_858 : i1 to vector<16xi1>
      %masked_cumsum3A_860 = tpu.scan <sum>, %get3A_857 masked %broadcast_in_dim3A_859 : vector<16xi32>, vector<16xi1> -> vector<16xi32>
      %add3A_861 = vector.broadcast %reduce_max3A_855 : i32 to vector<16xi32>
      %add3A_862 = arith.addi %masked_cumsum3A_860, %add3A_861 : vector<16xi32>
      %gt3A_863 = vector.broadcast %sub3A_785 : i32 to vector<16xi32>
      %gt3A_864 = arith.cmpi sgt, %add3A_862, %gt3A_863 : vector<16xi32>
      %all_reduce_population_count3A_865 = tpu.all_reduce %gt3A_864 {dim = 0 : i64, kind = #tpu.reduction_kind<sum>} : vector<16xi1> -> vector<16xi32>
      %reduce_max3A_866 = arith.constant true
      %reduce_max3A_867 = vector.broadcast %reduce_max3A_866 : i1 to vector<16xi1>
      %reduce_max3A_868 = arith.constant -2147483648 : i32
      %reduce_max3A_869 = vector.broadcast %reduce_max3A_868 : i32 to vector<16xi32>
      %reduce_max3A_870 = arith.xori %all_reduce_population_count3A_865, %reduce_max3A_869 : vector<16xi32>
      %reduce_max3A_871 = tpu.scan <max>, %reduce_max3A_870 masked %reduce_max3A_867 : vector<16xi32>, vector<16xi1> -> vector<16xi32>
      %reduce_max3A_872 = arith.xori %reduce_max3A_871, %reduce_max3A_869 : vector<16xi32>
      %reduce_max3A_873 = vector.extract %reduce_max3A_872[15] : i32 from vector<16xi32>
      %lt3A_874 = arith.constant 0 : i32
      %lt3A_875 = arith.cmpi slt, %select_n3A_845, %lt3A_874 : i32
      %gt3A_876 = arith.constant 0 : i32
      %gt3A_877 = arith.cmpi sgt, %reduce_max3A_873, %gt3A_876 : i32
      %and3A_878 = arith.andi %lt3A_875, %gt3A_877 : i1
      %sub3A_879 = arith.constant 16 : i32
      %sub3A_880 = arith.subi %sub3A_879, %reduce_max3A_873 : i32
      %eq3A_881 = vector.broadcast %sub3A_880 : i32 to vector<16xi32>
      %eq3A_882 = arith.cmpi eq, %iota3A, %eq3A_881 : vector<16xi32>
      %sub3A_883 = arith.subi %add3A_862, %get3A_857 : vector<16xi32>
      %jit3A_884 = arith.constant 0 : i32
      %broadcast_in_dim3A_885 = vector.broadcast %jit3A_884 : i32 to vector<16xi32>
      %select_n3A_886 = arith.select %eq3A_882, %sub3A_883, %broadcast_in_dim3A_885 : vector<16xi1>, vector<16xi32>
      %reduce_sum3A_887 = arith.constant true
      %reduce_sum3A_888 = vector.broadcast %reduce_sum3A_887 : i1 to vector<16xi1>
      %reduce_sum3A_889 = tpu.scan <sum>, %select_n3A_886 masked %reduce_sum3A_888 : vector<16xi32>, vector<16xi1> -> vector<16xi32>
      %reduce_sum3A_890 = vector.extract %reduce_sum3A_889[15] : i32 from vector<16xi32>
      %add3A_891 = arith.constant 16 : i32
      %add3A_892 = arith.addi %add3A_891, %sub3A_880 : i32
      %select_n3A_893 = arith.select %and3A_878, %add3A_892, %select_n3A_845 : i32
      %select_n3A_894 = arith.select %and3A_878, %reduce_sum3A_890, %select_n3A_847 : i32
      %reduce_max3A_895 = arith.constant true
      %reduce_max3A_896 = vector.broadcast %reduce_max3A_895 : i1 to vector<16xi1>
      %reduce_max3A_897 = arith.constant -2147483648 : i32
      %reduce_max3A_898 = vector.broadcast %reduce_max3A_897 : i32 to vector<16xi32>
      %reduce_max3A_899 = arith.xori %add3A_862, %reduce_max3A_898 : vector<16xi32>
      %reduce_max3A_900 = tpu.scan <max>, %reduce_max3A_899 masked %reduce_max3A_896 : vector<16xi32>, vector<16xi1> -> vector<16xi32>
      %reduce_max3A_901 = arith.xori %reduce_max3A_900, %reduce_max3A_898 : vector<16xi32>
      %reduce_max3A_902 = vector.extract %reduce_max3A_901[15] : i32 from vector<16xi32>
      %get3A_903 = arith.constant 32 : index
      %get3A_904 = tpu.vector_load %arg6[%get3A_903] {strides = array<i32>} : memref<256xi32, #tpu.memory_space<vmem>>, vector<16xi32>,
      %broadcast_in_dim3A_905 = arith.constant true
      %broadcast_in_dim3A_906 = vector.broadcast %broadcast_in_dim3A_905 : i1 to vector<16xi1>
      %masked_cumsum3A_907 = tpu.scan <sum>, %get3A_904 masked %broadcast_in_dim3A_906 : vector<16xi32>, vector<16xi1> -> vector<16xi32>
      %add3A_908 = vector.broadcast %reduce_max3A_902 : i32 to vector<16xi32>
      %add3A_909 = arith.addi %masked_cumsum3A_907, %add3A_908 : vector<16xi32>
      %gt3A_910 = vector.broadcast %sub3A_785 : i32 to vector<16xi32>
      %gt3A_911 = arith.cmpi sgt, %add3A_909, %gt3A_910 : vector<16xi32>
      %all_reduce_population_count3A_912 = tpu.all_reduce %gt3A_911 {dim = 0 : i64, kind = #tpu.reduction_kind<sum>} : vector<16xi1> -> vector<16xi32>
      %reduce_max3A_913 = arith.constant true
      %reduce_max3A_914 = vector.broadcast %reduce_max3A_913 : i1 to vector<16xi1>
      %reduce_max3A_915 = arith.constant -2147483648 : i32
      %reduce_max3A_916 = vector.broadcast %reduce_max3A_915 : i32 to vector<16xi32>
      %reduce_max3A_917 = arith.xori %all_reduce_population_count3A_912, %reduce_max3A_916 : vector<16xi32>
      %reduce_max3A_918 = tpu.scan <max>, %reduce_max3A_917 masked %reduce_max3A_914 : vector<16xi32>, vector<16xi1> -> vector<16xi32>
      %reduce_max3A_919 = arith.xori %reduce_max3A_918, %reduce_max3A_916 : vector<16xi32>
      %reduce_max3A_920 = vector.extract %reduce_max3A_919[15] : i32 from vector<16xi32>
      %lt3A_921 = arith.constant 0 : i32
      %lt3A_922 = arith.cmpi slt, %select_n3A_893, %lt3A_921 : i32
      %gt3A_923 = arith.constant 0 : i32
      %gt3A_924 = arith.cmpi sgt, %reduce_max3A_920, %gt3A_923 : i32
      %and3A_925 = arith.andi %lt3A_922, %gt3A_924 : i1
      %sub3A_926 = arith.constant 16 : i32
      %sub3A_927 = arith.subi %sub3A_926, %reduce_max3A_920 : i32
      %eq3A_928 = vector.broadcast %sub3A_927 : i32 to vector<16xi32>
      %eq3A_929 = arith.cmpi eq, %iota3A, %eq3A_928 : vector<16xi32>
      %sub3A_930 = arith.subi %add3A_909, %get3A_904 : vector<16xi32>
      %jit3A_931 = arith.constant 0 : i32
      %broadcast_in_dim3A_932 = vector.broadcast %jit3A_931 : i32 to vector<16xi32>
      %select_n3A_933 = arith.select %eq3A_929, %sub3A_930, %broadcast_in_dim3A_932 : vector<16xi1>, vector<16xi32>
      %reduce_sum3A_934 = arith.constant true
      %reduce_sum3A_935 = vector.broadcast %reduce_sum3A_934 : i1 to vector<16xi1>
      %reduce_sum3A_936 = tpu.scan <sum>, %select_n3A_933 masked %reduce_sum3A_935 : vector<16xi32>, vector<16xi1> -> vector<16xi32>
      %reduce_sum3A_937 = vector.extract %reduce_sum3A_936[15] : i32 from vector<16xi32>
      %add3A_938 = arith.constant 32 : i32
      %add3A_939 = arith.addi %add3A_938, %sub3A_927 : i32
      %select_n3A_940 = arith.select %and3A_925, %add3A_939, %select_n3A_893 : i32
      %select_n3A_941 = arith.select %and3A_925, %reduce_sum3A_937, %select_n3A_894 : i32
      %reduce_max3A_942 = arith.constant true
      %reduce_max3A_943 = vector.broadcast %reduce_max3A_942 : i1 to vector<16xi1>
      %reduce_max3A_944 = arith.constant -2147483648 : i32
      %reduce_max3A_945 = vector.broadcast %reduce_max3A_944 : i32 to vector<16xi32>
      %reduce_max3A_946 = arith.xori %add3A_909, %reduce_max3A_945 : vector<16xi32>
      %reduce_max3A_947 = tpu.scan <max>, %reduce_max3A_946 masked %reduce_max3A_943 : vector<16xi32>, vector<16xi1> -> vector<16xi32>
      %reduce_max3A_948 = arith.xori %reduce_max3A_947, %reduce_max3A_945 : vector<16xi32>
      %reduce_max3A_949 = vector.extract %reduce_max3A_948[15] : i32 from vector<16xi32>
      %get3A_950 = arith.constant 48 : index
      %get3A_951 = tpu.vector_load %arg6[%get3A_950] {strides = array<i32>} : memref<256xi32, #tpu.memory_space<vmem>>, vector<16xi32>,
      %broadcast_in_dim3A_952 = arith.constant true
      %broadcast_in_dim3A_953 = vector.broadcast %broadcast_in_dim3A_952 : i1 to vector<16xi1>
      %masked_cumsum3A_954 = tpu.scan <sum>, %get3A_951 masked %broadcast_in_dim3A_953 : vector<16xi32>, vector<16xi1> -> vector<16xi32>
      %add3A_955 = vector.broadcast %reduce_max3A_949 : i32 to vector<16xi32>
      %add3A_956 = arith.addi %masked_cumsum3A_954, %add3A_955 : vector<16xi32>
      %gt3A_957 = vector.broadcast %sub3A_785 : i32 to vector<16xi32>
      %gt3A_958 = arith.cmpi sgt, %add3A_956, %gt3A_957 : vector<16xi32>
      %all_reduce_population_count3A_959 = tpu.all_reduce %gt3A_958 {dim = 0 : i64, kind = #tpu.reduction_kind<sum>} : vector<16xi1> -> vector<16xi32>
      %reduce_max3A_960 = arith.constant true
      %reduce_max3A_961 = vector.broadcast %reduce_max3A_960 : i1 to vector<16xi1>
      %reduce_max3A_962 = arith.constant -2147483648 : i32
      %reduce_max3A_963 = vector.broadcast %reduce_max3A_962 : i32 to vector<16xi32>
      %reduce_max3A_964 = arith.xori %all_reduce_population_count3A_959, %reduce_max3A_963 : vector<16xi32>
      %reduce_max3A_965 = tpu.scan <max>, %reduce_max3A_964 masked %reduce_max3A_961 : vector<16xi32>, vector<16xi1> -> vector<16xi32>
      %reduce_max3A_966 = arith.xori %reduce_max3A_965, %reduce_max3A_963 : vector<16xi32>
      %reduce_max3A_967 = vector.extract %reduce_max3A_966[15] : i32 from vector<16xi32>
      %lt3A_968 = arith.constant 0 : i32
      %lt3A_969 = arith.cmpi slt, %select_n3A_940, %lt3A_968 : i32
      %gt3A_970 = arith.constant 0 : i32
      %gt3A_971 = arith.cmpi sgt, %reduce_max3A_967, %gt3A_970 : i32
      %and3A_972 = arith.andi %lt3A_969, %gt3A_971 : i1
      %sub3A_973 = arith.constant 16 : i32
      %sub3A_974 = arith.subi %sub3A_973, %reduce_max3A_967 : i32
      %eq3A_975 = vector.broadcast %sub3A_974 : i32 to vector<16xi32>
      %eq3A_976 = arith.cmpi eq, %iota3A, %eq3A_975 : vector<16xi32>
      %sub3A_977 = arith.subi %add3A_956, %get3A_951 : vector<16xi32>
      %jit3A_978 = arith.constant 0 : i32
      %broadcast_in_dim3A_979 = vector.broadcast %jit3A_978 : i32 to vector<16xi32>
      %select_n3A_980 = arith.select %eq3A_976, %sub3A_977, %broadcast_in_dim3A_979 : vector<16xi1>, vector<16xi32>
      %reduce_sum3A_981 = arith.constant true
      %reduce_sum3A_982 = vector.broadcast %reduce_sum3A_981 : i1 to vector<16xi1>
      %reduce_sum3A_983 = tpu.scan <sum>, %select_n3A_980 masked %reduce_sum3A_982 : vector<16xi32>, vector<16xi1> -> vector<16xi32>
      %reduce_sum3A_984 = vector.extract %reduce_sum3A_983[15] : i32 from vector<16xi32>
      %add3A_985 = arith.constant 48 : i32
      %add3A_986 = arith.addi %add3A_985, %sub3A_974 : i32
      %select_n3A_987 = arith.select %and3A_972, %add3A_986, %select_n3A_940 : i32
      %select_n3A_988 = arith.select %and3A_972, %reduce_sum3A_984, %select_n3A_941 : i32
      %reduce_max3A_989 = arith.constant true
      %reduce_max3A_990 = vector.broadcast %reduce_max3A_989 : i1 to vector<16xi1>
      %reduce_max3A_991 = arith.constant -2147483648 : i32
      %reduce_max3A_992 = vector.broadcast %reduce_max3A_991 : i32 to vector<16xi32>
      %reduce_max3A_993 = arith.xori %add3A_956, %reduce_max3A_992 : vector<16xi32>
      %reduce_max3A_994 = tpu.scan <max>, %reduce_max3A_993 masked %reduce_max3A_990 : vector<16xi32>, vector<16xi1> -> vector<16xi32>
      %reduce_max3A_995 = arith.xori %reduce_max3A_994, %reduce_max3A_992 : vector<16xi32>
      %reduce_max3A_996 = vector.extract %reduce_max3A_995[15] : i32 from vector<16xi32>
      %get3A_997 = arith.constant 64 : index
      %get3A_998 = tpu.vector_load %arg6[%get3A_997] {strides = array<i32>} : memref<256xi32, #tpu.memory_space<vmem>>, vector<16xi32>,
      %broadcast_in_dim3A_999 = arith.constant true
      %broadcast_in_dim3A_1000 = vector.broadcast %broadcast_in_dim3A_999 : i1 to vector<16xi1>
      %masked_cumsum3A_1001 = tpu.scan <sum>, %get3A_998 masked %broadcast_in_dim3A_1000 : vector<16xi32>, vector<16xi1> -> vector<16xi32>
      %add3A_1002 = vector.broadcast %reduce_max3A_996 : i32 to vector<16xi32>
      %add3A_1003 = arith.addi %masked_cumsum3A_1001, %add3A_1002 : vector<16xi32>
      %gt3A_1004 = vector.broadcast %sub3A_785 : i32 to vector<16xi32>
      %gt3A_1005 = arith.cmpi sgt, %add3A_1003, %gt3A_1004 : vector<16xi32>
      %all_reduce_population_count3A_1006 = tpu.all_reduce %gt3A_1005 {dim = 0 : i64, kind = #tpu.reduction_kind<sum>} : vector<16xi1> -> vector<16xi32>
      %reduce_max3A_1007 = arith.constant true
      %reduce_max3A_1008 = vector.broadcast %reduce_max3A_1007 : i1 to vector<16xi1>
      %reduce_max3A_1009 = arith.constant -2147483648 : i32
      %reduce_max3A_1010 = vector.broadcast %reduce_max3A_1009 : i32 to vector<16xi32>
      %reduce_max3A_1011 = arith.xori %all_reduce_population_count3A_1006, %reduce_max3A_1010 : vector<16xi32>
      %reduce_max3A_1012 = tpu.scan <max>, %reduce_max3A_1011 masked %reduce_max3A_1008 : vector<16xi32>, vector<16xi1> -> vector<16xi32>
      %reduce_max3A_1013 = arith.xori %reduce_max3A_1012, %reduce_max3A_1010 : vector<16xi32>
      %reduce_max3A_1014 = vector.extract %reduce_max3A_1013[15] : i32 from vector<16xi32>
      %lt3A_1015 = arith.constant 0 : i32
      %lt3A_1016 = arith.cmpi slt, %select_n3A_987, %lt3A_1015 : i32
      %gt3A_1017 = arith.constant 0 : i32
      %gt3A_1018 = arith.cmpi sgt, %reduce_max3A_1014, %gt3A_1017 : i32
      %and3A_1019 = arith.andi %lt3A_1016, %gt3A_1018 : i1
      %sub3A_1020 = arith.constant 16 : i32
      %sub3A_1021 = arith.subi %sub3A_1020, %reduce_max3A_1014 : i32
      %eq3A_1022 = vector.broadcast %sub3A_1021 : i32 to vector<16xi32>
      %eq3A_1023 = arith.cmpi eq, %iota3A, %eq3A_1022 : vector<16xi32>
      %sub3A_1024 = arith.subi %add3A_1003, %get3A_998 : vector<16xi32>
      %jit3A_1025 = arith.constant 0 : i32
      %broadcast_in_dim3A_1026 = vector.broadcast %jit3A_1025 : i32 to vector<16xi32>
      %select_n3A_1027 = arith.select %eq3A_1023, %sub3A_1024, %broadcast_in_dim3A_1026 : vector<16xi1>, vector<16xi32>
      %reduce_sum3A_1028 = arith.constant true
      %reduce_sum3A_1029 = vector.broadcast %reduce_sum3A_1028 : i1 to vector<16xi1>
      %reduce_sum3A_1030 = tpu.scan <sum>, %select_n3A_1027 masked %reduce_sum3A_1029 : vector<16xi32>, vector<16xi1> -> vector<16xi32>
      %reduce_sum3A_1031 = vector.extract %reduce_sum3A_1030[15] : i32 from vector<16xi32>
      %add3A_1032 = arith.constant 64 : i32
      %add3A_1033 = arith.addi %add3A_1032, %sub3A_1021 : i32
      %select_n3A_1034 = arith.select %and3A_1019, %add3A_1033, %select_n3A_987 : i32
      %select_n3A_1035 = arith.select %and3A_1019, %reduce_sum3A_1031, %select_n3A_988 : i32
      %reduce_max3A_1036 = arith.constant true
      %reduce_max3A_1037 = vector.broadcast %reduce_max3A_1036 : i1 to vector<16xi1>
      %reduce_max3A_1038 = arith.constant -2147483648 : i32
      %reduce_max3A_1039 = vector.broadcast %reduce_max3A_1038 : i32 to vector<16xi32>
      %reduce_max3A_1040 = arith.xori %add3A_1003, %reduce_max3A_1039 : vector<16xi32>
      %reduce_max3A_1041 = tpu.scan <max>, %reduce_max3A_1040 masked %reduce_max3A_1037 : vector<16xi32>, vector<16xi1> -> vector<16xi32>
      %reduce_max3A_1042 = arith.xori %reduce_max3A_1041, %reduce_max3A_1039 : vector<16xi32>
      %reduce_max3A_1043 = vector.extract %reduce_max3A_1042[15] : i32 from vector<16xi32>
      %get3A_1044 = arith.constant 80 : index
      %get3A_1045 = tpu.vector_load %arg6[%get3A_1044] {strides = array<i32>} : memref<256xi32, #tpu.memory_space<vmem>>, vector<16xi32>,
      %broadcast_in_dim3A_1046 = arith.constant true
      %broadcast_in_dim3A_1047 = vector.broadcast %broadcast_in_dim3A_1046 : i1 to vector<16xi1>
      %masked_cumsum3A_1048 = tpu.scan <sum>, %get3A_1045 masked %broadcast_in_dim3A_1047 : vector<16xi32>, vector<16xi1> -> vector<16xi32>
      %add3A_1049 = vector.broadcast %reduce_max3A_1043 : i32 to vector<16xi32>
      %add3A_1050 = arith.addi %masked_cumsum3A_1048, %add3A_1049 : vector<16xi32>
      %gt3A_1051 = vector.broadcast %sub3A_785 : i32 to vector<16xi32>
      %gt3A_1052 = arith.cmpi sgt, %add3A_1050, %gt3A_1051 : vector<16xi32>
      %all_reduce_population_count3A_1053 = tpu.all_reduce %gt3A_1052 {dim = 0 : i64, kind = #tpu.reduction_kind<sum>} : vector<16xi1> -> vector<16xi32>
      %reduce_max3A_1054 = arith.constant true
      %reduce_max3A_1055 = vector.broadcast %reduce_max3A_1054 : i1 to vector<16xi1>
      %reduce_max3A_1056 = arith.constant -2147483648 : i32
      %reduce_max3A_1057 = vector.broadcast %reduce_max3A_1056 : i32 to vector<16xi32>
      %reduce_max3A_1058 = arith.xori %all_reduce_population_count3A_1053, %reduce_max3A_1057 : vector<16xi32>
      %reduce_max3A_1059 = tpu.scan <max>, %reduce_max3A_1058 masked %reduce_max3A_1055 : vector<16xi32>, vector<16xi1> -> vector<16xi32>
      %reduce_max3A_1060 = arith.xori %reduce_max3A_1059, %reduce_max3A_1057 : vector<16xi32>
      %reduce_max3A_1061 = vector.extract %reduce_max3A_1060[15] : i32 from vector<16xi32>
      %lt3A_1062 = arith.constant 0 : i32
      %lt3A_1063 = arith.cmpi slt, %select_n3A_1034, %lt3A_1062 : i32
      %gt3A_1064 = arith.constant 0 : i32
      %gt3A_1065 = arith.cmpi sgt, %reduce_max3A_1061, %gt3A_1064 : i32
      %and3A_1066 = arith.andi %lt3A_1063, %gt3A_1065 : i1
      %sub3A_1067 = arith.constant 16 : i32
      %sub3A_1068 = arith.subi %sub3A_1067, %reduce_max3A_1061 : i32
      %eq3A_1069 = vector.broadcast %sub3A_1068 : i32 to vector<16xi32>
      %eq3A_1070 = arith.cmpi eq, %iota3A, %eq3A_1069 : vector<16xi32>
      %sub3A_1071 = arith.subi %add3A_1050, %get3A_1045 : vector<16xi32>
      %jit3A_1072 = arith.constant 0 : i32
      %broadcast_in_dim3A_1073 = vector.broadcast %jit3A_1072 : i32 to vector<16xi32>
      %select_n3A_1074 = arith.select %eq3A_1070, %sub3A_1071, %broadcast_in_dim3A_1073 : vector<16xi1>, vector<16xi32>
      %reduce_sum3A_1075 = arith.constant true
      %reduce_sum3A_1076 = vector.broadcast %reduce_sum3A_1075 : i1 to vector<16xi1>
      %reduce_sum3A_1077 = tpu.scan <sum>, %select_n3A_1074 masked %reduce_sum3A_1076 : vector<16xi32>, vector<16xi1> -> vector<16xi32>
      %reduce_sum3A_1078 = vector.extract %reduce_sum3A_1077[15] : i32 from vector<16xi32>
      %add3A_1079 = arith.constant 80 : i32
      %add3A_1080 = arith.addi %add3A_1079, %sub3A_1068 : i32
      %select_n3A_1081 = arith.select %and3A_1066, %add3A_1080, %select_n3A_1034 : i32
      %select_n3A_1082 = arith.select %and3A_1066, %reduce_sum3A_1078, %select_n3A_1035 : i32
      %reduce_max3A_1083 = arith.constant true
      %reduce_max3A_1084 = vector.broadcast %reduce_max3A_1083 : i1 to vector<16xi1>
      %reduce_max3A_1085 = arith.constant -2147483648 : i32
      %reduce_max3A_1086 = vector.broadcast %reduce_max3A_1085 : i32 to vector<16xi32>
      %reduce_max3A_1087 = arith.xori %add3A_1050, %reduce_max3A_1086 : vector<16xi32>
      %reduce_max3A_1088 = tpu.scan <max>, %reduce_max3A_1087 masked %reduce_max3A_1084 : vector<16xi32>, vector<16xi1> -> vector<16xi32>
      %reduce_max3A_1089 = arith.xori %reduce_max3A_1088, %reduce_max3A_1086 : vector<16xi32>
      %reduce_max3A_1090 = vector.extract %reduce_max3A_1089[15] : i32 from vector<16xi32>
      %get3A_1091 = arith.constant 96 : index
      %get3A_1092 = tpu.vector_load %arg6[%get3A_1091] {strides = array<i32>} : memref<256xi32, #tpu.memory_space<vmem>>, vector<16xi32>,
      %broadcast_in_dim3A_1093 = arith.constant true
      %broadcast_in_dim3A_1094 = vector.broadcast %broadcast_in_dim3A_1093 : i1 to vector<16xi1>
      %masked_cumsum3A_1095 = tpu.scan <sum>, %get3A_1092 masked %broadcast_in_dim3A_1094 : vector<16xi32>, vector<16xi1> -> vector<16xi32>
      %add3A_1096 = vector.broadcast %reduce_max3A_1090 : i32 to vector<16xi32>
      %add3A_1097 = arith.addi %masked_cumsum3A_1095, %add3A_1096 : vector<16xi32>
      %gt3A_1098 = vector.broadcast %sub3A_785 : i32 to vector<16xi32>
      %gt3A_1099 = arith.cmpi sgt, %add3A_1097, %gt3A_1098 : vector<16xi32>
      %all_reduce_population_count3A_1100 = tpu.all_reduce %gt3A_1099 {dim = 0 : i64, kind = #tpu.reduction_kind<sum>} : vector<16xi1> -> vector<16xi32>
      %reduce_max3A_1101 = arith.constant true
      %reduce_max3A_1102 = vector.broadcast %reduce_max3A_1101 : i1 to vector<16xi1>
      %reduce_max3A_1103 = arith.constant -2147483648 : i32
      %reduce_max3A_1104 = vector.broadcast %reduce_max3A_1103 : i32 to vector<16xi32>
      %reduce_max3A_1105 = arith.xori %all_reduce_population_count3A_1100, %reduce_max3A_1104 : vector<16xi32>
      %reduce_max3A_1106 = tpu.scan <max>, %reduce_max3A_1105 masked %reduce_max3A_1102 : vector<16xi32>, vector<16xi1> -> vector<16xi32>
      %reduce_max3A_1107 = arith.xori %reduce_max3A_1106, %reduce_max3A_1104 : vector<16xi32>
      %reduce_max3A_1108 = vector.extract %reduce_max3A_1107[15] : i32 from vector<16xi32>
      %lt3A_1109 = arith.constant 0 : i32
      %lt3A_1110 = arith.cmpi slt, %select_n3A_1081, %lt3A_1109 : i32
      %gt3A_1111 = arith.constant 0 : i32
      %gt3A_1112 = arith.cmpi sgt, %reduce_max3A_1108, %gt3A_1111 : i32
      %and3A_1113 = arith.andi %lt3A_1110, %gt3A_1112 : i1
      %sub3A_1114 = arith.constant 16 : i32
      %sub3A_1115 = arith.subi %sub3A_1114, %reduce_max3A_1108 : i32
      %eq3A_1116 = vector.broadcast %sub3A_1115 : i32 to vector<16xi32>
      %eq3A_1117 = arith.cmpi eq, %iota3A, %eq3A_1116 : vector<16xi32>
      %sub3A_1118 = arith.subi %add3A_1097, %get3A_1092 : vector<16xi32>
      %jit3A_1119 = arith.constant 0 : i32
      %broadcast_in_dim3A_1120 = vector.broadcast %jit3A_1119 : i32 to vector<16xi32>
      %select_n3A_1121 = arith.select %eq3A_1117, %sub3A_1118, %broadcast_in_dim3A_1120 : vector<16xi1>, vector<16xi32>
      %reduce_sum3A_1122 = arith.constant true
      %reduce_sum3A_1123 = vector.broadcast %reduce_sum3A_1122 : i1 to vector<16xi1>
      %reduce_sum3A_1124 = tpu.scan <sum>, %select_n3A_1121 masked %reduce_sum3A_1123 : vector<16xi32>, vector<16xi1> -> vector<16xi32>
      %reduce_sum3A_1125 = vector.extract %reduce_sum3A_1124[15] : i32 from vector<16xi32>
      %add3A_1126 = arith.constant 96 : i32
      %add3A_1127 = arith.addi %add3A_1126, %sub3A_1115 : i32
      %select_n3A_1128 = arith.select %and3A_1113, %add3A_1127, %select_n3A_1081 : i32
      %select_n3A_1129 = arith.select %and3A_1113, %reduce_sum3A_1125, %select_n3A_1082 : i32
      %reduce_max3A_1130 = arith.constant true
      %reduce_max3A_1131 = vector.broadcast %reduce_max3A_1130 : i1 to vector<16xi1>
      %reduce_max3A_1132 = arith.constant -2147483648 : i32
      %reduce_max3A_1133 = vector.broadcast %reduce_max3A_1132 : i32 to vector<16xi32>
      %reduce_max3A_1134 = arith.xori %add3A_1097, %reduce_max3A_1133 : vector<16xi32>
      %reduce_max3A_1135 = tpu.scan <max>, %reduce_max3A_1134 masked %reduce_max3A_1131 : vector<16xi32>, vector<16xi1> -> vector<16xi32>
      %reduce_max3A_1136 = arith.xori %reduce_max3A_1135, %reduce_max3A_1133 : vector<16xi32>
      %reduce_max3A_1137 = vector.extract %reduce_max3A_1136[15] : i32 from vector<16xi32>
      %get3A_1138 = arith.constant 112 : index
      %get3A_1139 = tpu.vector_load %arg6[%get3A_1138] {strides = array<i32>} : memref<256xi32, #tpu.memory_space<vmem>>, vector<16xi32>,
      %broadcast_in_dim3A_1140 = arith.constant true
      %broadcast_in_dim3A_1141 = vector.broadcast %broadcast_in_dim3A_1140 : i1 to vector<16xi1>
      %masked_cumsum3A_1142 = tpu.scan <sum>, %get3A_1139 masked %broadcast_in_dim3A_1141 : vector<16xi32>, vector<16xi1> -> vector<16xi32>
      %add3A_1143 = vector.broadcast %reduce_max3A_1137 : i32 to vector<16xi32>
      %add3A_1144 = arith.addi %masked_cumsum3A_1142, %add3A_1143 : vector<16xi32>
      %gt3A_1145 = vector.broadcast %sub3A_785 : i32 to vector<16xi32>
      %gt3A_1146 = arith.cmpi sgt, %add3A_1144, %gt3A_1145 : vector<16xi32>
      %all_reduce_population_count3A_1147 = tpu.all_reduce %gt3A_1146 {dim = 0 : i64, kind = #tpu.reduction_kind<sum>} : vector<16xi1> -> vector<16xi32>
      %reduce_max3A_1148 = arith.constant true
      %reduce_max3A_1149 = vector.broadcast %reduce_max3A_1148 : i1 to vector<16xi1>
      %reduce_max3A_1150 = arith.constant -2147483648 : i32
      %reduce_max3A_1151 = vector.broadcast %reduce_max3A_1150 : i32 to vector<16xi32>
      %reduce_max3A_1152 = arith.xori %all_reduce_population_count3A_1147, %reduce_max3A_1151 : vector<16xi32>
      %reduce_max3A_1153 = tpu.scan <max>, %reduce_max3A_1152 masked %reduce_max3A_1149 : vector<16xi32>, vector<16xi1> -> vector<16xi32>
      %reduce_max3A_1154 = arith.xori %reduce_max3A_1153, %reduce_max3A_1151 : vector<16xi32>
      %reduce_max3A_1155 = vector.extract %reduce_max3A_1154[15] : i32 from vector<16xi32>
      %lt3A_1156 = arith.constant 0 : i32
      %lt3A_1157 = arith.cmpi slt, %select_n3A_1128, %lt3A_1156 : i32
      %gt3A_1158 = arith.constant 0 : i32
      %gt3A_1159 = arith.cmpi sgt, %reduce_max3A_1155, %gt3A_1158 : i32
      %and3A_1160 = arith.andi %lt3A_1157, %gt3A_1159 : i1
      %sub3A_1161 = arith.constant 16 : i32
      %sub3A_1162 = arith.subi %sub3A_1161, %reduce_max3A_1155 : i32
      %eq3A_1163 = vector.broadcast %sub3A_1162 : i32 to vector<16xi32>
      %eq3A_1164 = arith.cmpi eq, %iota3A, %eq3A_1163 : vector<16xi32>
      %sub3A_1165 = arith.subi %add3A_1144, %get3A_1139 : vector<16xi32>
      %jit3A_1166 = arith.constant 0 : i32
      %broadcast_in_dim3A_1167 = vector.broadcast %jit3A_1166 : i32 to vector<16xi32>
      %select_n3A_1168 = arith.select %eq3A_1164, %sub3A_1165, %broadcast_in_dim3A_1167 : vector<16xi1>, vector<16xi32>
      %reduce_sum3A_1169 = arith.constant true
      %reduce_sum3A_1170 = vector.broadcast %reduce_sum3A_1169 : i1 to vector<16xi1>
      %reduce_sum3A_1171 = tpu.scan <sum>, %select_n3A_1168 masked %reduce_sum3A_1170 : vector<16xi32>, vector<16xi1> -> vector<16xi32>
      %reduce_sum3A_1172 = vector.extract %reduce_sum3A_1171[15] : i32 from vector<16xi32>
      %add3A_1173 = arith.constant 112 : i32
      %add3A_1174 = arith.addi %add3A_1173, %sub3A_1162 : i32
      %select_n3A_1175 = arith.select %and3A_1160, %add3A_1174, %select_n3A_1128 : i32
      %select_n3A_1176 = arith.select %and3A_1160, %reduce_sum3A_1172, %select_n3A_1129 : i32
      %reduce_max3A_1177 = arith.constant true
      %reduce_max3A_1178 = vector.broadcast %reduce_max3A_1177 : i1 to vector<16xi1>
      %reduce_max3A_1179 = arith.constant -2147483648 : i32
      %reduce_max3A_1180 = vector.broadcast %reduce_max3A_1179 : i32 to vector<16xi32>
      %reduce_max3A_1181 = arith.xori %add3A_1144, %reduce_max3A_1180 : vector<16xi32>
      %reduce_max3A_1182 = tpu.scan <max>, %reduce_max3A_1181 masked %reduce_max3A_1178 : vector<16xi32>, vector<16xi1> -> vector<16xi32>
      %reduce_max3A_1183 = arith.xori %reduce_max3A_1182, %reduce_max3A_1180 : vector<16xi32>
      %reduce_max3A_1184 = vector.extract %reduce_max3A_1183[15] : i32 from vector<16xi32>
      %get3A_1185 = arith.constant 128 : index
      %get3A_1186 = tpu.vector_load %arg6[%get3A_1185] {strides = array<i32>} : memref<256xi32, #tpu.memory_space<vmem>>, vector<16xi32>,
      %broadcast_in_dim3A_1187 = arith.constant true
      %broadcast_in_dim3A_1188 = vector.broadcast %broadcast_in_dim3A_1187 : i1 to vector<16xi1>
      %masked_cumsum3A_1189 = tpu.scan <sum>, %get3A_1186 masked %broadcast_in_dim3A_1188 : vector<16xi32>, vector<16xi1> -> vector<16xi32>
      %add3A_1190 = vector.broadcast %reduce_max3A_1184 : i32 to vector<16xi32>
      %add3A_1191 = arith.addi %masked_cumsum3A_1189, %add3A_1190 : vector<16xi32>
      %gt3A_1192 = vector.broadcast %sub3A_785 : i32 to vector<16xi32>
      %gt3A_1193 = arith.cmpi sgt, %add3A_1191, %gt3A_1192 : vector<16xi32>
      %all_reduce_population_count3A_1194 = tpu.all_reduce %gt3A_1193 {dim = 0 : i64, kind = #tpu.reduction_kind<sum>} : vector<16xi1> -> vector<16xi32>
      %reduce_max3A_1195 = arith.constant true
      %reduce_max3A_1196 = vector.broadcast %reduce_max3A_1195 : i1 to vector<16xi1>
      %reduce_max3A_1197 = arith.constant -2147483648 : i32
      %reduce_max3A_1198 = vector.broadcast %reduce_max3A_1197 : i32 to vector<16xi32>
      %reduce_max3A_1199 = arith.xori %all_reduce_population_count3A_1194, %reduce_max3A_1198 : vector<16xi32>
      %reduce_max3A_1200 = tpu.scan <max>, %reduce_max3A_1199 masked %reduce_max3A_1196 : vector<16xi32>, vector<16xi1> -> vector<16xi32>
      %reduce_max3A_1201 = arith.xori %reduce_max3A_1200, %reduce_max3A_1198 : vector<16xi32>
      %reduce_max3A_1202 = vector.extract %reduce_max3A_1201[15] : i32 from vector<16xi32>
      %lt3A_1203 = arith.constant 0 : i32
      %lt3A_1204 = arith.cmpi slt, %select_n3A_1175, %lt3A_1203 : i32
      %gt3A_1205 = arith.constant 0 : i32
      %gt3A_1206 = arith.cmpi sgt, %reduce_max3A_1202, %gt3A_1205 : i32
      %and3A_1207 = arith.andi %lt3A_1204, %gt3A_1206 : i1
      %sub3A_1208 = arith.constant 16 : i32
      %sub3A_1209 = arith.subi %sub3A_1208, %reduce_max3A_1202 : i32
      %eq3A_1210 = vector.broadcast %sub3A_1209 : i32 to vector<16xi32>
      %eq3A_1211 = arith.cmpi eq, %iota3A, %eq3A_1210 : vector<16xi32>
      %sub3A_1212 = arith.subi %add3A_1191, %get3A_1186 : vector<16xi32>
      %jit3A_1213 = arith.constant 0 : i32
      %broadcast_in_dim3A_1214 = vector.broadcast %jit3A_1213 : i32 to vector<16xi32>
      %select_n3A_1215 = arith.select %eq3A_1211, %sub3A_1212, %broadcast_in_dim3A_1214 : vector<16xi1>, vector<16xi32>
      %reduce_sum3A_1216 = arith.constant true
      %reduce_sum3A_1217 = vector.broadcast %reduce_sum3A_1216 : i1 to vector<16xi1>
      %reduce_sum3A_1218 = tpu.scan <sum>, %select_n3A_1215 masked %reduce_sum3A_1217 : vector<16xi32>, vector<16xi1> -> vector<16xi32>
      %reduce_sum3A_1219 = vector.extract %reduce_sum3A_1218[15] : i32 from vector<16xi32>
      %add3A_1220 = arith.constant 128 : i32
      %add3A_1221 = arith.addi %add3A_1220, %sub3A_1209 : i32
      %select_n3A_1222 = arith.select %and3A_1207, %add3A_1221, %select_n3A_1175 : i32
      %select_n3A_1223 = arith.select %and3A_1207, %reduce_sum3A_1219, %select_n3A_1176 : i32
      %reduce_max3A_1224 = arith.constant true
      %reduce_max3A_1225 = vector.broadcast %reduce_max3A_1224 : i1 to vector<16xi1>
      %reduce_max3A_1226 = arith.constant -2147483648 : i32
      %reduce_max3A_1227 = vector.broadcast %reduce_max3A_1226 : i32 to vector<16xi32>
      %reduce_max3A_1228 = arith.xori %add3A_1191, %reduce_max3A_1227 : vector<16xi32>
      %reduce_max3A_1229 = tpu.scan <max>, %reduce_max3A_1228 masked %reduce_max3A_1225 : vector<16xi32>, vector<16xi1> -> vector<16xi32>
      %reduce_max3A_1230 = arith.xori %reduce_max3A_1229, %reduce_max3A_1227 : vector<16xi32>
      %reduce_max3A_1231 = vector.extract %reduce_max3A_1230[15] : i32 from vector<16xi32>
      %get3A_1232 = arith.constant 144 : index
      %get3A_1233 = tpu.vector_load %arg6[%get3A_1232] {strides = array<i32>} : memref<256xi32, #tpu.memory_space<vmem>>, vector<16xi32>,
      %broadcast_in_dim3A_1234 = arith.constant true
      %broadcast_in_dim3A_1235 = vector.broadcast %broadcast_in_dim3A_1234 : i1 to vector<16xi1>
      %masked_cumsum3A_1236 = tpu.scan <sum>, %get3A_1233 masked %broadcast_in_dim3A_1235 : vector<16xi32>, vector<16xi1> -> vector<16xi32>
      %add3A_1237 = vector.broadcast %reduce_max3A_1231 : i32 to vector<16xi32>
      %add3A_1238 = arith.addi %masked_cumsum3A_1236, %add3A_1237 : vector<16xi32>
      %gt3A_1239 = vector.broadcast %sub3A_785 : i32 to vector<16xi32>
      %gt3A_1240 = arith.cmpi sgt, %add3A_1238, %gt3A_1239 : vector<16xi32>
      %all_reduce_population_count3A_1241 = tpu.all_reduce %gt3A_1240 {dim = 0 : i64, kind = #tpu.reduction_kind<sum>} : vector<16xi1> -> vector<16xi32>
      %reduce_max3A_1242 = arith.constant true
      %reduce_max3A_1243 = vector.broadcast %reduce_max3A_1242 : i1 to vector<16xi1>
      %reduce_max3A_1244 = arith.constant -2147483648 : i32
      %reduce_max3A_1245 = vector.broadcast %reduce_max3A_1244 : i32 to vector<16xi32>
      %reduce_max3A_1246 = arith.xori %all_reduce_population_count3A_1241, %reduce_max3A_1245 : vector<16xi32>
      %reduce_max3A_1247 = tpu.scan <max>, %reduce_max3A_1246 masked %reduce_max3A_1243 : vector<16xi32>, vector<16xi1> -> vector<16xi32>
      %reduce_max3A_1248 = arith.xori %reduce_max3A_1247, %reduce_max3A_1245 : vector<16xi32>
      %reduce_max3A_1249 = vector.extract %reduce_max3A_1248[15] : i32 from vector<16xi32>
      %lt3A_1250 = arith.constant 0 : i32
      %lt3A_1251 = arith.cmpi slt, %select_n3A_1222, %lt3A_1250 : i32
      %gt3A_1252 = arith.constant 0 : i32
      %gt3A_1253 = arith.cmpi sgt, %reduce_max3A_1249, %gt3A_1252 : i32
      %and3A_1254 = arith.andi %lt3A_1251, %gt3A_1253 : i1
      %sub3A_1255 = arith.constant 16 : i32
      %sub3A_1256 = arith.subi %sub3A_1255, %reduce_max3A_1249 : i32
      %eq3A_1257 = vector.broadcast %sub3A_1256 : i32 to vector<16xi32>
      %eq3A_1258 = arith.cmpi eq, %iota3A, %eq3A_1257 : vector<16xi32>
      %sub3A_1259 = arith.subi %add3A_1238, %get3A_1233 : vector<16xi32>
      %jit3A_1260 = arith.constant 0 : i32
      %broadcast_in_dim3A_1261 = vector.broadcast %jit3A_1260 : i32 to vector<16xi32>
      %select_n3A_1262 = arith.select %eq3A_1258, %sub3A_1259, %broadcast_in_dim3A_1261 : vector<16xi1>, vector<16xi32>
      %reduce_sum3A_1263 = arith.constant true
      %reduce_sum3A_1264 = vector.broadcast %reduce_sum3A_1263 : i1 to vector<16xi1>
      %reduce_sum3A_1265 = tpu.scan <sum>, %select_n3A_1262 masked %reduce_sum3A_1264 : vector<16xi32>, vector<16xi1> -> vector<16xi32>
      %reduce_sum3A_1266 = vector.extract %reduce_sum3A_1265[15] : i32 from vector<16xi32>
      %add3A_1267 = arith.constant 144 : i32
      %add3A_1268 = arith.addi %add3A_1267, %sub3A_1256 : i32
      %select_n3A_1269 = arith.select %and3A_1254, %add3A_1268, %select_n3A_1222 : i32
      %select_n3A_1270 = arith.select %and3A_1254, %reduce_sum3A_1266, %select_n3A_1223 : i32
      %reduce_max3A_1271 = arith.constant true
      %reduce_max3A_1272 = vector.broadcast %reduce_max3A_1271 : i1 to vector<16xi1>
      %reduce_max3A_1273 = arith.constant -2147483648 : i32
      %reduce_max3A_1274 = vector.broadcast %reduce_max3A_1273 : i32 to vector<16xi32>
      %reduce_max3A_1275 = arith.xori %add3A_1238, %reduce_max3A_1274 : vector<16xi32>
      %reduce_max3A_1276 = tpu.scan <max>, %reduce_max3A_1275 masked %reduce_max3A_1272 : vector<16xi32>, vector<16xi1> -> vector<16xi32>
      %reduce_max3A_1277 = arith.xori %reduce_max3A_1276, %reduce_max3A_1274 : vector<16xi32>
      %reduce_max3A_1278 = vector.extract %reduce_max3A_1277[15] : i32 from vector<16xi32>
      %get3A_1279 = arith.constant 160 : index
      %get3A_1280 = tpu.vector_load %arg6[%get3A_1279] {strides = array<i32>} : memref<256xi32, #tpu.memory_space<vmem>>, vector<16xi32>,
      %broadcast_in_dim3A_1281 = arith.constant true
      %broadcast_in_dim3A_1282 = vector.broadcast %broadcast_in_dim3A_1281 : i1 to vector<16xi1>
      %masked_cumsum3A_1283 = tpu.scan <sum>, %get3A_1280 masked %broadcast_in_dim3A_1282 : vector<16xi32>, vector<16xi1> -> vector<16xi32>
      %add3A_1284 = vector.broadcast %reduce_max3A_1278 : i32 to vector<16xi32>
      %add3A_1285 = arith.addi %masked_cumsum3A_1283, %add3A_1284 : vector<16xi32>
      %gt3A_1286 = vector.broadcast %sub3A_785 : i32 to vector<16xi32>
      %gt3A_1287 = arith.cmpi sgt, %add3A_1285, %gt3A_1286 : vector<16xi32>
      %all_reduce_population_count3A_1288 = tpu.all_reduce %gt3A_1287 {dim = 0 : i64, kind = #tpu.reduction_kind<sum>} : vector<16xi1> -> vector<16xi32>
      %reduce_max3A_1289 = arith.constant true
      %reduce_max3A_1290 = vector.broadcast %reduce_max3A_1289 : i1 to vector<16xi1>
      %reduce_max3A_1291 = arith.constant -2147483648 : i32
      %reduce_max3A_1292 = vector.broadcast %reduce_max3A_1291 : i32 to vector<16xi32>
      %reduce_max3A_1293 = arith.xori %all_reduce_population_count3A_1288, %reduce_max3A_1292 : vector<16xi32>
      %reduce_max3A_1294 = tpu.scan <max>, %reduce_max3A_1293 masked %reduce_max3A_1290 : vector<16xi32>, vector<16xi1> -> vector<16xi32>
      %reduce_max3A_1295 = arith.xori %reduce_max3A_1294, %reduce_max3A_1292 : vector<16xi32>
      %reduce_max3A_1296 = vector.extract %reduce_max3A_1295[15] : i32 from vector<16xi32>
      %lt3A_1297 = arith.constant 0 : i32
      %lt3A_1298 = arith.cmpi slt, %select_n3A_1269, %lt3A_1297 : i32
      %gt3A_1299 = arith.constant 0 : i32
      %gt3A_1300 = arith.cmpi sgt, %reduce_max3A_1296, %gt3A_1299 : i32
      %and3A_1301 = arith.andi %lt3A_1298, %gt3A_1300 : i1
      %sub3A_1302 = arith.constant 16 : i32
      %sub3A_1303 = arith.subi %sub3A_1302, %reduce_max3A_1296 : i32
      %eq3A_1304 = vector.broadcast %sub3A_1303 : i32 to vector<16xi32>
      %eq3A_1305 = arith.cmpi eq, %iota3A, %eq3A_1304 : vector<16xi32>
      %sub3A_1306 = arith.subi %add3A_1285, %get3A_1280 : vector<16xi32>
      %jit3A_1307 = arith.constant 0 : i32
      %broadcast_in_dim3A_1308 = vector.broadcast %jit3A_1307 : i32 to vector<16xi32>
      %select_n3A_1309 = arith.select %eq3A_1305, %sub3A_1306, %broadcast_in_dim3A_1308 : vector<16xi1>, vector<16xi32>
      %reduce_sum3A_1310 = arith.constant true
      %reduce_sum3A_1311 = vector.broadcast %reduce_sum3A_1310 : i1 to vector<16xi1>
      %reduce_sum3A_1312 = tpu.scan <sum>, %select_n3A_1309 masked %reduce_sum3A_1311 : vector<16xi32>, vector<16xi1> -> vector<16xi32>
      %reduce_sum3A_1313 = vector.extract %reduce_sum3A_1312[15] : i32 from vector<16xi32>
      %add3A_1314 = arith.constant 160 : i32
      %add3A_1315 = arith.addi %add3A_1314, %sub3A_1303 : i32
      %select_n3A_1316 = arith.select %and3A_1301, %add3A_1315, %select_n3A_1269 : i32
      %select_n3A_1317 = arith.select %and3A_1301, %reduce_sum3A_1313, %select_n3A_1270 : i32
      %reduce_max3A_1318 = arith.constant true
      %reduce_max3A_1319 = vector.broadcast %reduce_max3A_1318 : i1 to vector<16xi1>
      %reduce_max3A_1320 = arith.constant -2147483648 : i32
      %reduce_max3A_1321 = vector.broadcast %reduce_max3A_1320 : i32 to vector<16xi32>
      %reduce_max3A_1322 = arith.xori %add3A_1285, %reduce_max3A_1321 : vector<16xi32>
      %reduce_max3A_1323 = tpu.scan <max>, %reduce_max3A_1322 masked %reduce_max3A_1319 : vector<16xi32>, vector<16xi1> -> vector<16xi32>
      %reduce_max3A_1324 = arith.xori %reduce_max3A_1323, %reduce_max3A_1321 : vector<16xi32>
      %reduce_max3A_1325 = vector.extract %reduce_max3A_1324[15] : i32 from vector<16xi32>
      %get3A_1326 = arith.constant 176 : index
      %get3A_1327 = tpu.vector_load %arg6[%get3A_1326] {strides = array<i32>} : memref<256xi32, #tpu.memory_space<vmem>>, vector<16xi32>,
      %broadcast_in_dim3A_1328 = arith.constant true
      %broadcast_in_dim3A_1329 = vector.broadcast %broadcast_in_dim3A_1328 : i1 to vector<16xi1>
      %masked_cumsum3A_1330 = tpu.scan <sum>, %get3A_1327 masked %broadcast_in_dim3A_1329 : vector<16xi32>, vector<16xi1> -> vector<16xi32>
      %add3A_1331 = vector.broadcast %reduce_max3A_1325 : i32 to vector<16xi32>
      %add3A_1332 = arith.addi %masked_cumsum3A_1330, %add3A_1331 : vector<16xi32>
      %gt3A_1333 = vector.broadcast %sub3A_785 : i32 to vector<16xi32>
      %gt3A_1334 = arith.cmpi sgt, %add3A_1332, %gt3A_1333 : vector<16xi32>
      %all_reduce_population_count3A_1335 = tpu.all_reduce %gt3A_1334 {dim = 0 : i64, kind = #tpu.reduction_kind<sum>} : vector<16xi1> -> vector<16xi32>
      %reduce_max3A_1336 = arith.constant true
      %reduce_max3A_1337 = vector.broadcast %reduce_max3A_1336 : i1 to vector<16xi1>
      %reduce_max3A_1338 = arith.constant -2147483648 : i32
      %reduce_max3A_1339 = vector.broadcast %reduce_max3A_1338 : i32 to vector<16xi32>
      %reduce_max3A_1340 = arith.xori %all_reduce_population_count3A_1335, %reduce_max3A_1339 : vector<16xi32>
      %reduce_max3A_1341 = tpu.scan <max>, %reduce_max3A_1340 masked %reduce_max3A_1337 : vector<16xi32>, vector<16xi1> -> vector<16xi32>
      %reduce_max3A_1342 = arith.xori %reduce_max3A_1341, %reduce_max3A_1339 : vector<16xi32>
      %reduce_max3A_1343 = vector.extract %reduce_max3A_1342[15] : i32 from vector<16xi32>
      %lt3A_1344 = arith.constant 0 : i32
      %lt3A_1345 = arith.cmpi slt, %select_n3A_1316, %lt3A_1344 : i32
      %gt3A_1346 = arith.constant 0 : i32
      %gt3A_1347 = arith.cmpi sgt, %reduce_max3A_1343, %gt3A_1346 : i32
      %and3A_1348 = arith.andi %lt3A_1345, %gt3A_1347 : i1
      %sub3A_1349 = arith.constant 16 : i32
      %sub3A_1350 = arith.subi %sub3A_1349, %reduce_max3A_1343 : i32
      %eq3A_1351 = vector.broadcast %sub3A_1350 : i32 to vector<16xi32>
      %eq3A_1352 = arith.cmpi eq, %iota3A, %eq3A_1351 : vector<16xi32>
      %sub3A_1353 = arith.subi %add3A_1332, %get3A_1327 : vector<16xi32>
      %jit3A_1354 = arith.constant 0 : i32
      %broadcast_in_dim3A_1355 = vector.broadcast %jit3A_1354 : i32 to vector<16xi32>
      %select_n3A_1356 = arith.select %eq3A_1352, %sub3A_1353, %broadcast_in_dim3A_1355 : vector<16xi1>, vector<16xi32>
      %reduce_sum3A_1357 = arith.constant true
      %reduce_sum3A_1358 = vector.broadcast %reduce_sum3A_1357 : i1 to vector<16xi1>
      %reduce_sum3A_1359 = tpu.scan <sum>, %select_n3A_1356 masked %reduce_sum3A_1358 : vector<16xi32>, vector<16xi1> -> vector<16xi32>
      %reduce_sum3A_1360 = vector.extract %reduce_sum3A_1359[15] : i32 from vector<16xi32>
      %add3A_1361 = arith.constant 176 : i32
      %add3A_1362 = arith.addi %add3A_1361, %sub3A_1350 : i32
      %select_n3A_1363 = arith.select %and3A_1348, %add3A_1362, %select_n3A_1316 : i32
      %select_n3A_1364 = arith.select %and3A_1348, %reduce_sum3A_1360, %select_n3A_1317 : i32
      %reduce_max3A_1365 = arith.constant true
      %reduce_max3A_1366 = vector.broadcast %reduce_max3A_1365 : i1 to vector<16xi1>
      %reduce_max3A_1367 = arith.constant -2147483648 : i32
      %reduce_max3A_1368 = vector.broadcast %reduce_max3A_1367 : i32 to vector<16xi32>
      %reduce_max3A_1369 = arith.xori %add3A_1332, %reduce_max3A_1368 : vector<16xi32>
      %reduce_max3A_1370 = tpu.scan <max>, %reduce_max3A_1369 masked %reduce_max3A_1366 : vector<16xi32>, vector<16xi1> -> vector<16xi32>
      %reduce_max3A_1371 = arith.xori %reduce_max3A_1370, %reduce_max3A_1368 : vector<16xi32>
      %reduce_max3A_1372 = vector.extract %reduce_max3A_1371[15] : i32 from vector<16xi32>
      %get3A_1373 = arith.constant 192 : index
      %get3A_1374 = tpu.vector_load %arg6[%get3A_1373] {strides = array<i32>} : memref<256xi32, #tpu.memory_space<vmem>>, vector<16xi32>,
      %broadcast_in_dim3A_1375 = arith.constant true
      %broadcast_in_dim3A_1376 = vector.broadcast %broadcast_in_dim3A_1375 : i1 to vector<16xi1>
      %masked_cumsum3A_1377 = tpu.scan <sum>, %get3A_1374 masked %broadcast_in_dim3A_1376 : vector<16xi32>, vector<16xi1> -> vector<16xi32>
      %add3A_1378 = vector.broadcast %reduce_max3A_1372 : i32 to vector<16xi32>
      %add3A_1379 = arith.addi %masked_cumsum3A_1377, %add3A_1378 : vector<16xi32>
      %gt3A_1380 = vector.broadcast %sub3A_785 : i32 to vector<16xi32>
      %gt3A_1381 = arith.cmpi sgt, %add3A_1379, %gt3A_1380 : vector<16xi32>
      %all_reduce_population_count3A_1382 = tpu.all_reduce %gt3A_1381 {dim = 0 : i64, kind = #tpu.reduction_kind<sum>} : vector<16xi1> -> vector<16xi32>
      %reduce_max3A_1383 = arith.constant true
      %reduce_max3A_1384 = vector.broadcast %reduce_max3A_1383 : i1 to vector<16xi1>
      %reduce_max3A_1385 = arith.constant -2147483648 : i32
      %reduce_max3A_1386 = vector.broadcast %reduce_max3A_1385 : i32 to vector<16xi32>
      %reduce_max3A_1387 = arith.xori %all_reduce_population_count3A_1382, %reduce_max3A_1386 : vector<16xi32>
      %reduce_max3A_1388 = tpu.scan <max>, %reduce_max3A_1387 masked %reduce_max3A_1384 : vector<16xi32>, vector<16xi1> -> vector<16xi32>
      %reduce_max3A_1389 = arith.xori %reduce_max3A_1388, %reduce_max3A_1386 : vector<16xi32>
      %reduce_max3A_1390 = vector.extract %reduce_max3A_1389[15] : i32 from vector<16xi32>
      %lt3A_1391 = arith.constant 0 : i32
      %lt3A_1392 = arith.cmpi slt, %select_n3A_1363, %lt3A_1391 : i32
      %gt3A_1393 = arith.constant 0 : i32
      %gt3A_1394 = arith.cmpi sgt, %reduce_max3A_1390, %gt3A_1393 : i32
      %and3A_1395 = arith.andi %lt3A_1392, %gt3A_1394 : i1
      %sub3A_1396 = arith.constant 16 : i32
      %sub3A_1397 = arith.subi %sub3A_1396, %reduce_max3A_1390 : i32
      %eq3A_1398 = vector.broadcast %sub3A_1397 : i32 to vector<16xi32>
      %eq3A_1399 = arith.cmpi eq, %iota3A, %eq3A_1398 : vector<16xi32>
      %sub3A_1400 = arith.subi %add3A_1379, %get3A_1374 : vector<16xi32>
      %jit3A_1401 = arith.constant 0 : i32
      %broadcast_in_dim3A_1402 = vector.broadcast %jit3A_1401 : i32 to vector<16xi32>
      %select_n3A_1403 = arith.select %eq3A_1399, %sub3A_1400, %broadcast_in_dim3A_1402 : vector<16xi1>, vector<16xi32>
      %reduce_sum3A_1404 = arith.constant true
      %reduce_sum3A_1405 = vector.broadcast %reduce_sum3A_1404 : i1 to vector<16xi1>
      %reduce_sum3A_1406 = tpu.scan <sum>, %select_n3A_1403 masked %reduce_sum3A_1405 : vector<16xi32>, vector<16xi1> -> vector<16xi32>
      %reduce_sum3A_1407 = vector.extract %reduce_sum3A_1406[15] : i32 from vector<16xi32>
      %add3A_1408 = arith.constant 192 : i32
      %add3A_1409 = arith.addi %add3A_1408, %sub3A_1397 : i32
      %select_n3A_1410 = arith.select %and3A_1395, %add3A_1409, %select_n3A_1363 : i32
      %select_n3A_1411 = arith.select %and3A_1395, %reduce_sum3A_1407, %select_n3A_1364 : i32
      %reduce_max3A_1412 = arith.constant true
      %reduce_max3A_1413 = vector.broadcast %reduce_max3A_1412 : i1 to vector<16xi1>
      %reduce_max3A_1414 = arith.constant -2147483648 : i32
      %reduce_max3A_1415 = vector.broadcast %reduce_max3A_1414 : i32 to vector<16xi32>
      %reduce_max3A_1416 = arith.xori %add3A_1379, %reduce_max3A_1415 : vector<16xi32>
      %reduce_max3A_1417 = tpu.scan <max>, %reduce_max3A_1416 masked %reduce_max3A_1413 : vector<16xi32>, vector<16xi1> -> vector<16xi32>
      %reduce_max3A_1418 = arith.xori %reduce_max3A_1417, %reduce_max3A_1415 : vector<16xi32>
      %reduce_max3A_1419 = vector.extract %reduce_max3A_1418[15] : i32 from vector<16xi32>
      %get3A_1420 = arith.constant 208 : index
      %get3A_1421 = tpu.vector_load %arg6[%get3A_1420] {strides = array<i32>} : memref<256xi32, #tpu.memory_space<vmem>>, vector<16xi32>,
      %broadcast_in_dim3A_1422 = arith.constant true
      %broadcast_in_dim3A_1423 = vector.broadcast %broadcast_in_dim3A_1422 : i1 to vector<16xi1>
      %masked_cumsum3A_1424 = tpu.scan <sum>, %get3A_1421 masked %broadcast_in_dim3A_1423 : vector<16xi32>, vector<16xi1> -> vector<16xi32>
      %add3A_1425 = vector.broadcast %reduce_max3A_1419 : i32 to vector<16xi32>
      %add3A_1426 = arith.addi %masked_cumsum3A_1424, %add3A_1425 : vector<16xi32>
      %gt3A_1427 = vector.broadcast %sub3A_785 : i32 to vector<16xi32>
      %gt3A_1428 = arith.cmpi sgt, %add3A_1426, %gt3A_1427 : vector<16xi32>
      %all_reduce_population_count3A_1429 = tpu.all_reduce %gt3A_1428 {dim = 0 : i64, kind = #tpu.reduction_kind<sum>} : vector<16xi1> -> vector<16xi32>
      %reduce_max3A_1430 = arith.constant true
      %reduce_max3A_1431 = vector.broadcast %reduce_max3A_1430 : i1 to vector<16xi1>
      %reduce_max3A_1432 = arith.constant -2147483648 : i32
      %reduce_max3A_1433 = vector.broadcast %reduce_max3A_1432 : i32 to vector<16xi32>
      %reduce_max3A_1434 = arith.xori %all_reduce_population_count3A_1429, %reduce_max3A_1433 : vector<16xi32>
      %reduce_max3A_1435 = tpu.scan <max>, %reduce_max3A_1434 masked %reduce_max3A_1431 : vector<16xi32>, vector<16xi1> -> vector<16xi32>
      %reduce_max3A_1436 = arith.xori %reduce_max3A_1435, %reduce_max3A_1433 : vector<16xi32>
      %reduce_max3A_1437 = vector.extract %reduce_max3A_1436[15] : i32 from vector<16xi32>
      %lt3A_1438 = arith.constant 0 : i32
      %lt3A_1439 = arith.cmpi slt, %select_n3A_1410, %lt3A_1438 : i32
      %gt3A_1440 = arith.constant 0 : i32
      %gt3A_1441 = arith.cmpi sgt, %reduce_max3A_1437, %gt3A_1440 : i32
      %and3A_1442 = arith.andi %lt3A_1439, %gt3A_1441 : i1
      %sub3A_1443 = arith.constant 16 : i32
      %sub3A_1444 = arith.subi %sub3A_1443, %reduce_max3A_1437 : i32
      %eq3A_1445 = vector.broadcast %sub3A_1444 : i32 to vector<16xi32>
      %eq3A_1446 = arith.cmpi eq, %iota3A, %eq3A_1445 : vector<16xi32>
      %sub3A_1447 = arith.subi %add3A_1426, %get3A_1421 : vector<16xi32>
      %jit3A_1448 = arith.constant 0 : i32
      %broadcast_in_dim3A_1449 = vector.broadcast %jit3A_1448 : i32 to vector<16xi32>
      %select_n3A_1450 = arith.select %eq3A_1446, %sub3A_1447, %broadcast_in_dim3A_1449 : vector<16xi1>, vector<16xi32>
      %reduce_sum3A_1451 = arith.constant true
      %reduce_sum3A_1452 = vector.broadcast %reduce_sum3A_1451 : i1 to vector<16xi1>
      %reduce_sum3A_1453 = tpu.scan <sum>, %select_n3A_1450 masked %reduce_sum3A_1452 : vector<16xi32>, vector<16xi1> -> vector<16xi32>
      %reduce_sum3A_1454 = vector.extract %reduce_sum3A_1453[15] : i32 from vector<16xi32>
      %add3A_1455 = arith.constant 208 : i32
      %add3A_1456 = arith.addi %add3A_1455, %sub3A_1444 : i32
      %select_n3A_1457 = arith.select %and3A_1442, %add3A_1456, %select_n3A_1410 : i32
      %select_n3A_1458 = arith.select %and3A_1442, %reduce_sum3A_1454, %select_n3A_1411 : i32
      %reduce_max3A_1459 = arith.constant true
      %reduce_max3A_1460 = vector.broadcast %reduce_max3A_1459 : i1 to vector<16xi1>
      %reduce_max3A_1461 = arith.constant -2147483648 : i32
      %reduce_max3A_1462 = vector.broadcast %reduce_max3A_1461 : i32 to vector<16xi32>
      %reduce_max3A_1463 = arith.xori %add3A_1426, %reduce_max3A_1462 : vector<16xi32>
      %reduce_max3A_1464 = tpu.scan <max>, %reduce_max3A_1463 masked %reduce_max3A_1460 : vector<16xi32>, vector<16xi1> -> vector<16xi32>
      %reduce_max3A_1465 = arith.xori %reduce_max3A_1464, %reduce_max3A_1462 : vector<16xi32>
      %reduce_max3A_1466 = vector.extract %reduce_max3A_1465[15] : i32 from vector<16xi32>
      %get3A_1467 = arith.constant 224 : index
      %get3A_1468 = tpu.vector_load %arg6[%get3A_1467] {strides = array<i32>} : memref<256xi32, #tpu.memory_space<vmem>>, vector<16xi32>,
      %broadcast_in_dim3A_1469 = arith.constant true
      %broadcast_in_dim3A_1470 = vector.broadcast %broadcast_in_dim3A_1469 : i1 to vector<16xi1>
      %masked_cumsum3A_1471 = tpu.scan <sum>, %get3A_1468 masked %broadcast_in_dim3A_1470 : vector<16xi32>, vector<16xi1> -> vector<16xi32>
      %add3A_1472 = vector.broadcast %reduce_max3A_1466 : i32 to vector<16xi32>
      %add3A_1473 = arith.addi %masked_cumsum3A_1471, %add3A_1472 : vector<16xi32>
      %gt3A_1474 = vector.broadcast %sub3A_785 : i32 to vector<16xi32>
      %gt3A_1475 = arith.cmpi sgt, %add3A_1473, %gt3A_1474 : vector<16xi32>
      %all_reduce_population_count3A_1476 = tpu.all_reduce %gt3A_1475 {dim = 0 : i64, kind = #tpu.reduction_kind<sum>} : vector<16xi1> -> vector<16xi32>
      %reduce_max3A_1477 = arith.constant true
      %reduce_max3A_1478 = vector.broadcast %reduce_max3A_1477 : i1 to vector<16xi1>
      %reduce_max3A_1479 = arith.constant -2147483648 : i32
      %reduce_max3A_1480 = vector.broadcast %reduce_max3A_1479 : i32 to vector<16xi32>
      %reduce_max3A_1481 = arith.xori %all_reduce_population_count3A_1476, %reduce_max3A_1480 : vector<16xi32>
      %reduce_max3A_1482 = tpu.scan <max>, %reduce_max3A_1481 masked %reduce_max3A_1478 : vector<16xi32>, vector<16xi1> -> vector<16xi32>
      %reduce_max3A_1483 = arith.xori %reduce_max3A_1482, %reduce_max3A_1480 : vector<16xi32>
      %reduce_max3A_1484 = vector.extract %reduce_max3A_1483[15] : i32 from vector<16xi32>
      %lt3A_1485 = arith.constant 0 : i32
      %lt3A_1486 = arith.cmpi slt, %select_n3A_1457, %lt3A_1485 : i32
      %gt3A_1487 = arith.constant 0 : i32
      %gt3A_1488 = arith.cmpi sgt, %reduce_max3A_1484, %gt3A_1487 : i32
      %and3A_1489 = arith.andi %lt3A_1486, %gt3A_1488 : i1
      %sub3A_1490 = arith.constant 16 : i32
      %sub3A_1491 = arith.subi %sub3A_1490, %reduce_max3A_1484 : i32
      %eq3A_1492 = vector.broadcast %sub3A_1491 : i32 to vector<16xi32>
      %eq3A_1493 = arith.cmpi eq, %iota3A, %eq3A_1492 : vector<16xi32>
      %sub3A_1494 = arith.subi %add3A_1473, %get3A_1468 : vector<16xi32>
      %jit3A_1495 = arith.constant 0 : i32
      %broadcast_in_dim3A_1496 = vector.broadcast %jit3A_1495 : i32 to vector<16xi32>
      %select_n3A_1497 = arith.select %eq3A_1493, %sub3A_1494, %broadcast_in_dim3A_1496 : vector<16xi1>, vector<16xi32>
      %reduce_sum3A_1498 = arith.constant true
      %reduce_sum3A_1499 = vector.broadcast %reduce_sum3A_1498 : i1 to vector<16xi1>
      %reduce_sum3A_1500 = tpu.scan <sum>, %select_n3A_1497 masked %reduce_sum3A_1499 : vector<16xi32>, vector<16xi1> -> vector<16xi32>
      %reduce_sum3A_1501 = vector.extract %reduce_sum3A_1500[15] : i32 from vector<16xi32>
      %add3A_1502 = arith.constant 224 : i32
      %add3A_1503 = arith.addi %add3A_1502, %sub3A_1491 : i32
      %select_n3A_1504 = arith.select %and3A_1489, %add3A_1503, %select_n3A_1457 : i32
      %select_n3A_1505 = arith.select %and3A_1489, %reduce_sum3A_1501, %select_n3A_1458 : i32
      %reduce_max3A_1506 = arith.constant true
      %reduce_max3A_1507 = vector.broadcast %reduce_max3A_1506 : i1 to vector<16xi1>
      %reduce_max3A_1508 = arith.constant -2147483648 : i32
      %reduce_max3A_1509 = vector.broadcast %reduce_max3A_1508 : i32 to vector<16xi32>
      %reduce_max3A_1510 = arith.xori %add3A_1473, %reduce_max3A_1509 : vector<16xi32>
      %reduce_max3A_1511 = tpu.scan <max>, %reduce_max3A_1510 masked %reduce_max3A_1507 : vector<16xi32>, vector<16xi1> -> vector<16xi32>
      %reduce_max3A_1512 = arith.xori %reduce_max3A_1511, %reduce_max3A_1509 : vector<16xi32>
      %reduce_max3A_1513 = vector.extract %reduce_max3A_1512[15] : i32 from vector<16xi32>
      %get3A_1514 = arith.constant 240 : index
      %get3A_1515 = tpu.vector_load %arg6[%get3A_1514] {strides = array<i32>} : memref<256xi32, #tpu.memory_space<vmem>>, vector<16xi32>,
      %broadcast_in_dim3A_1516 = arith.constant true
      %broadcast_in_dim3A_1517 = vector.broadcast %broadcast_in_dim3A_1516 : i1 to vector<16xi1>
      %masked_cumsum3A_1518 = tpu.scan <sum>, %get3A_1515 masked %broadcast_in_dim3A_1517 : vector<16xi32>, vector<16xi1> -> vector<16xi32>
      %add3A_1519 = vector.broadcast %reduce_max3A_1513 : i32 to vector<16xi32>
      %add3A_1520 = arith.addi %masked_cumsum3A_1518, %add3A_1519 : vector<16xi32>
      %gt3A_1521 = vector.broadcast %sub3A_785 : i32 to vector<16xi32>
      %gt3A_1522 = arith.cmpi sgt, %add3A_1520, %gt3A_1521 : vector<16xi32>
      %all_reduce_population_count3A_1523 = tpu.all_reduce %gt3A_1522 {dim = 0 : i64, kind = #tpu.reduction_kind<sum>} : vector<16xi1> -> vector<16xi32>
      %reduce_max3A_1524 = arith.constant true
      %reduce_max3A_1525 = vector.broadcast %reduce_max3A_1524 : i1 to vector<16xi1>
      %reduce_max3A_1526 = arith.constant -2147483648 : i32
      %reduce_max3A_1527 = vector.broadcast %reduce_max3A_1526 : i32 to vector<16xi32>
      %reduce_max3A_1528 = arith.xori %all_reduce_population_count3A_1523, %reduce_max3A_1527 : vector<16xi32>
      %reduce_max3A_1529 = tpu.scan <max>, %reduce_max3A_1528 masked %reduce_max3A_1525 : vector<16xi32>, vector<16xi1> -> vector<16xi32>
      %reduce_max3A_1530 = arith.xori %reduce_max3A_1529, %reduce_max3A_1527 : vector<16xi32>
      %reduce_max3A_1531 = vector.extract %reduce_max3A_1530[15] : i32 from vector<16xi32>
      %lt3A_1532 = arith.constant 0 : i32
      %lt3A_1533 = arith.cmpi slt, %select_n3A_1504, %lt3A_1532 : i32
      %gt3A_1534 = arith.constant 0 : i32
      %gt3A_1535 = arith.cmpi sgt, %reduce_max3A_1531, %gt3A_1534 : i32
      %and3A_1536 = arith.andi %lt3A_1533, %gt3A_1535 : i1
      %sub3A_1537 = arith.constant 16 : i32
      %sub3A_1538 = arith.subi %sub3A_1537, %reduce_max3A_1531 : i32
      %eq3A_1539 = vector.broadcast %sub3A_1538 : i32 to vector<16xi32>
      %eq3A_1540 = arith.cmpi eq, %iota3A, %eq3A_1539 : vector<16xi32>
      %sub3A_1541 = arith.subi %add3A_1520, %get3A_1515 : vector<16xi32>
      %jit3A_1542 = arith.constant 0 : i32
      %broadcast_in_dim3A_1543 = vector.broadcast %jit3A_1542 : i32 to vector<16xi32>
      %select_n3A_1544 = arith.select %eq3A_1540, %sub3A_1541, %broadcast_in_dim3A_1543 : vector<16xi1>, vector<16xi32>
      %reduce_sum3A_1545 = arith.constant true
      %reduce_sum3A_1546 = vector.broadcast %reduce_sum3A_1545 : i1 to vector<16xi1>
      %reduce_sum3A_1547 = tpu.scan <sum>, %select_n3A_1544 masked %reduce_sum3A_1546 : vector<16xi32>, vector<16xi1> -> vector<16xi32>
      %reduce_sum3A_1548 = vector.extract %reduce_sum3A_1547[15] : i32 from vector<16xi32>
      %add3A_1549 = arith.constant 240 : i32
      %add3A_1550 = arith.addi %add3A_1549, %sub3A_1538 : i32
      %select_n3A_1551 = arith.select %and3A_1536, %add3A_1550, %select_n3A_1504 : i32
      %select_n3A_1552 = arith.select %and3A_1536, %reduce_sum3A_1548, %select_n3A_1505 : i32
      %reduce_max3A_1553 = arith.constant true
      %reduce_max3A_1554 = vector.broadcast %reduce_max3A_1553 : i1 to vector<16xi1>
      %reduce_max3A_1555 = arith.constant -2147483648 : i32
      %reduce_max3A_1556 = vector.broadcast %reduce_max3A_1555 : i32 to vector<16xi32>
      %reduce_max3A_1557 = arith.xori %add3A_1520, %reduce_max3A_1556 : vector<16xi32>
      %reduce_max3A_1558 = tpu.scan <max>, %reduce_max3A_1557 masked %reduce_max3A_1554 : vector<16xi32>, vector<16xi1> -> vector<16xi32>
      %reduce_max3A_1559 = arith.xori %reduce_max3A_1558, %reduce_max3A_1556 : vector<16xi32>
      %reduce_max3A_1560 = vector.extract %reduce_max3A_1559[15] : i32 from vector<16xi32>
      %sub3A_1561 = arith.subi %sub3A_785, %select_n3A_1552 : i32
      %shift_left3A_1562 = arith.constant 8 : i32
      %shift_left3A_1563 = arith.shli %or3A, %shift_left3A_1562 : i32
      %or3A_1564 = arith.ori %shift_left3A_1563, %select_n3A_1551 : i32
      %parallel_loop3A_1565 = arith.constant 0 : i32
      %parallel_loop3A_1566 = arith.constant 256 : i32
      %parallel_loop3A_1567 = arith.constant 1 : i32
      scf.for %parallel_loop3A_2359 = %parallel_loop3A_1565 to %parallel_loop3A_1566 step %parallel_loop3A_1567  : i32 {
        %parallel_loop3A_2360 = arith.constant 16 : i32
        %parallel_loop3A_2361 = arith.muli %parallel_loop3A_2359, %parallel_loop3A_2360 : i32
        %parallel_loop3A_2362 = arith.index_cast %parallel_loop3A_2361 : i32 to index
        %parallel_loop3A_2363 = tpu.vector_load %arg5[%parallel_loop3A_2362] {strides = array<i32>} : memref<4096xi32, #tpu.memory_space<vmem>>, vector<16xi32>,
        tpu.vector_store %arg5[%parallel_loop3A_2362], %broadcast_in_dim3A_8 {strides = array<i32>} : memref<4096xi32, #tpu.memory_space<vmem>>, vector<16xi32>,
      } {sc.loop_unroll_factor = 8 : i64, sc.parallel_access}
      %parallel_loop3A_1568 = arith.constant 0 : i32
      %parallel_loop3A_1569 = arith.constant 4128 : i32
      %parallel_loop3A_1570 = arith.constant 1 : i32
      scf.for %parallel_loop3A_2359 = %parallel_loop3A_1568 to %parallel_loop3A_1569 step %parallel_loop3A_1570  : i32 {
        %parallel_loop3A_2360 = arith.constant 16 : i32
        %parallel_loop3A_2361 = arith.muli %parallel_loop3A_2359, %parallel_loop3A_2360 : i32
        %parallel_loop3A_2362 = arith.index_cast %parallel_loop3A_2361 : i32 to index
        %parallel_loop3A_2363 = tpu.vector_load %arg4[%parallel_loop3A_2362] {strides = array<i32>} : memref<66048xi32, #tpu.memory_space<vmem>>, vector<16xi32>,
        %parallel_loop3A_2364 = arith.constant 16 : i32
        %parallel_loop3A_2365 = vector.broadcast %parallel_loop3A_2364 : i32 to vector<16xi32>
        %parallel_loop3A_2366 = arith.shrui %parallel_loop3A_2363, %parallel_loop3A_2365 : vector<16xi32>
        %parallel_loop3A_2367 = arith.constant 8 : i32
        %parallel_loop3A_2368 = vector.broadcast %parallel_loop3A_2367 : i32 to vector<16xi32>
        %parallel_loop3A_2369 = arith.shrui %parallel_loop3A_2363, %parallel_loop3A_2368 : vector<16xi32>
        %parallel_loop3A_2370 = arith.constant 255 : i32
        %parallel_loop3A_2371 = vector.broadcast %parallel_loop3A_2370 : i32 to vector<16xi32>
        %parallel_loop3A_2372 = arith.andi %parallel_loop3A_2369, %parallel_loop3A_2371 : vector<16xi32>
        %parallel_loop3A_2373 = vector.broadcast %or3A_1564 : i32 to vector<16xi32>
        %parallel_loop3A_2374 = arith.cmpi eq, %parallel_loop3A_2366, %parallel_loop3A_2373 : vector<16xi32>
        %parallel_loop3A_2375 = arith.addi %mul3A_5, %parallel_loop3A_2372 : vector<16xi32>
        tpu.vector_store_idx %arg5[%parallel_loop3A_2375], %broadcast_in_dim3A_6 masked %parallel_loop3A_2374 {add = true} : memref<4096xi32, #tpu.memory_space<vmem>>[vector<16xi32>], vector<16xi32>, vector<16xi1>
      } {sc.loop_unroll_factor = 8 : i64, sc.parallel_access}
      %parallel_loop3A_1571 = arith.constant 0 : i32
      %parallel_loop3A_1572 = arith.constant 16 : i32
      %parallel_loop3A_1573 = arith.constant 1 : i32
      scf.for %parallel_loop3A_2359 = %parallel_loop3A_1571 to %parallel_loop3A_1572 step %parallel_loop3A_1573  : i32 {
        %parallel_loop3A_2360 = arith.constant 16 : i32
        %parallel_loop3A_2361 = arith.muli %parallel_loop3A_2359, %parallel_loop3A_2360 : i32
        %parallel_loop3A_2362 = arith.index_cast %parallel_loop3A_2361 : i32 to index
        %parallel_loop3A_2363 = tpu.vector_load %arg5[%parallel_loop3A_2362] {strides = array<i32>} : memref<4096xi32, #tpu.memory_space<vmem>>, vector<16xi32>,
        %parallel_loop3A_2364 = arith.constant 16 : i32
        %parallel_loop3A_2365 = arith.muli %parallel_loop3A_2359, %parallel_loop3A_2364 : i32
        %parallel_loop3A_2366 = arith.constant 256 : i32
        %parallel_loop3A_2367 = arith.addi %parallel_loop3A_2366, %parallel_loop3A_2365 : i32
        %parallel_loop3A_2368 = arith.index_cast %parallel_loop3A_2367 : i32 to index
        %parallel_loop3A_2369 = tpu.vector_load %arg5[%parallel_loop3A_2368] {strides = array<i32>} : memref<4096xi32, #tpu.memory_space<vmem>>, vector<16xi32>,
        %parallel_loop3A_2370 = arith.addi %parallel_loop3A_2363, %parallel_loop3A_2369 : vector<16xi32>
        %parallel_loop3A_2371 = arith.constant 16 : i32
        %parallel_loop3A_2372 = arith.muli %parallel_loop3A_2359, %parallel_loop3A_2371 : i32
        %parallel_loop3A_2373 = arith.constant 512 : i32
        %parallel_loop3A_2374 = arith.addi %parallel_loop3A_2373, %parallel_loop3A_2372 : i32
        %parallel_loop3A_2375 = arith.index_cast %parallel_loop3A_2374 : i32 to index
        %parallel_loop3A_2376 = tpu.vector_load %arg5[%parallel_loop3A_2375] {strides = array<i32>} : memref<4096xi32, #tpu.memory_space<vmem>>, vector<16xi32>,
        %parallel_loop3A_2377 = arith.addi %parallel_loop3A_2370, %parallel_loop3A_2376 : vector<16xi32>
        %parallel_loop3A_2378 = arith.constant 16 : i32
        %parallel_loop3A_2379 = arith.muli %parallel_loop3A_2359, %parallel_loop3A_2378 : i32
        %parallel_loop3A_2380 = arith.constant 768 : i32
        %parallel_loop3A_2381 = arith.addi %parallel_loop3A_2380, %parallel_loop3A_2379 : i32
        %parallel_loop3A_2382 = arith.index_cast %parallel_loop3A_2381 : i32 to index
        %parallel_loop3A_2383 = tpu.vector_load %arg5[%parallel_loop3A_2382] {strides = array<i32>} : memref<4096xi32, #tpu.memory_space<vmem>>, vector<16xi32>,
        %parallel_loop3A_2384 = arith.addi %parallel_loop3A_2377, %parallel_loop3A_2383 : vector<16xi32>
        %parallel_loop3A_2385 = arith.constant 16 : i32
        %parallel_loop3A_2386 = arith.muli %parallel_loop3A_2359, %parallel_loop3A_2385 : i32
        %parallel_loop3A_2387 = arith.constant 1024 : i32
        %parallel_loop3A_2388 = arith.addi %parallel_loop3A_2387, %parallel_loop3A_2386 : i32
        %parallel_loop3A_2389 = arith.index_cast %parallel_loop3A_2388 : i32 to index
        %parallel_loop3A_2390 = tpu.vector_load %arg5[%parallel_loop3A_2389] {strides = array<i32>} : memref<4096xi32, #tpu.memory_space<vmem>>, vector<16xi32>,
        %parallel_loop3A_2391 = arith.addi %parallel_loop3A_2384, %parallel_loop3A_2390 : vector<16xi32>
        %parallel_loop3A_2392 = arith.constant 16 : i32
        %parallel_loop3A_2393 = arith.muli %parallel_loop3A_2359, %parallel_loop3A_2392 : i32
        %parallel_loop3A_2394 = arith.constant 1280 : i32
        %parallel_loop3A_2395 = arith.addi %parallel_loop3A_2394, %parallel_loop3A_2393 : i32
        %parallel_loop3A_2396 = arith.index_cast %parallel_loop3A_2395 : i32 to index
        %parallel_loop3A_2397 = tpu.vector_load %arg5[%parallel_loop3A_2396] {strides = array<i32>} : memref<4096xi32, #tpu.memory_space<vmem>>, vector<16xi32>,
        %parallel_loop3A_2398 = arith.addi %parallel_loop3A_2391, %parallel_loop3A_2397 : vector<16xi32>
        %parallel_loop3A_2399 = arith.constant 16 : i32
        %parallel_loop3A_2400 = arith.muli %parallel_loop3A_2359, %parallel_loop3A_2399 : i32
        %parallel_loop3A_2401 = arith.constant 1536 : i32
        %parallel_loop3A_2402 = arith.addi %parallel_loop3A_2401, %parallel_loop3A_2400 : i32
        %parallel_loop3A_2403 = arith.index_cast %parallel_loop3A_2402 : i32 to index
        %parallel_loop3A_2404 = tpu.vector_load %arg5[%parallel_loop3A_2403] {strides = array<i32>} : memref<4096xi32, #tpu.memory_space<vmem>>, vector<16xi32>,
        %parallel_loop3A_2405 = arith.addi %parallel_loop3A_2398, %parallel_loop3A_2404 : vector<16xi32>
        %parallel_loop3A_2406 = arith.constant 16 : i32
        %parallel_loop3A_2407 = arith.muli %parallel_loop3A_2359, %parallel_loop3A_2406 : i32
        %parallel_loop3A_2408 = arith.constant 1792 : i32
        %parallel_loop3A_2409 = arith.addi %parallel_loop3A_2408, %parallel_loop3A_2407 : i32
        %parallel_loop3A_2410 = arith.index_cast %parallel_loop3A_2409 : i32 to index
        %parallel_loop3A_2411 = tpu.vector_load %arg5[%parallel_loop3A_2410] {strides = array<i32>} : memref<4096xi32, #tpu.memory_space<vmem>>, vector<16xi32>,
        %parallel_loop3A_2412 = arith.addi %parallel_loop3A_2405, %parallel_loop3A_2411 : vector<16xi32>
        %parallel_loop3A_2413 = arith.constant 16 : i32
        %parallel_loop3A_2414 = arith.muli %parallel_loop3A_2359, %parallel_loop3A_2413 : i32
        %parallel_loop3A_2415 = arith.constant 2048 : i32
        %parallel_loop3A_2416 = arith.addi %parallel_loop3A_2415, %parallel_loop3A_2414 : i32
        %parallel_loop3A_2417 = arith.index_cast %parallel_loop3A_2416 : i32 to index
        %parallel_loop3A_2418 = tpu.vector_load %arg5[%parallel_loop3A_2417] {strides = array<i32>} : memref<4096xi32, #tpu.memory_space<vmem>>, vector<16xi32>,
        %parallel_loop3A_2419 = arith.addi %parallel_loop3A_2412, %parallel_loop3A_2418 : vector<16xi32>
        %parallel_loop3A_2420 = arith.constant 16 : i32
        %parallel_loop3A_2421 = arith.muli %parallel_loop3A_2359, %parallel_loop3A_2420 : i32
        %parallel_loop3A_2422 = arith.constant 2304 : i32
        %parallel_loop3A_2423 = arith.addi %parallel_loop3A_2422, %parallel_loop3A_2421 : i32
        %parallel_loop3A_2424 = arith.index_cast %parallel_loop3A_2423 : i32 to index
        %parallel_loop3A_2425 = tpu.vector_load %arg5[%parallel_loop3A_2424] {strides = array<i32>} : memref<4096xi32, #tpu.memory_space<vmem>>, vector<16xi32>,
        %parallel_loop3A_2426 = arith.addi %parallel_loop3A_2419, %parallel_loop3A_2425 : vector<16xi32>
        %parallel_loop3A_2427 = arith.constant 16 : i32
        %parallel_loop3A_2428 = arith.muli %parallel_loop3A_2359, %parallel_loop3A_2427 : i32
        %parallel_loop3A_2429 = arith.constant 2560 : i32
        %parallel_loop3A_2430 = arith.addi %parallel_loop3A_2429, %parallel_loop3A_2428 : i32
        %parallel_loop3A_2431 = arith.index_cast %parallel_loop3A_2430 : i32 to index
        %parallel_loop3A_2432 = tpu.vector_load %arg5[%parallel_loop3A_2431] {strides = array<i32>} : memref<4096xi32, #tpu.memory_space<vmem>>, vector<16xi32>,
        %parallel_loop3A_2433 = arith.addi %parallel_loop3A_2426, %parallel_loop3A_2432 : vector<16xi32>
        %parallel_loop3A_2434 = arith.constant 16 : i32
        %parallel_loop3A_2435 = arith.muli %parallel_loop3A_2359, %parallel_loop3A_2434 : i32
        %parallel_loop3A_2436 = arith.constant 2816 : i32
        %parallel_loop3A_2437 = arith.addi %parallel_loop3A_2436, %parallel_loop3A_2435 : i32
        %parallel_loop3A_2438 = arith.index_cast %parallel_loop3A_2437 : i32 to index
        %parallel_loop3A_2439 = tpu.vector_load %arg5[%parallel_loop3A_2438] {strides = array<i32>} : memref<4096xi32, #tpu.memory_space<vmem>>, vector<16xi32>,
        %parallel_loop3A_2440 = arith.addi %parallel_loop3A_2433, %parallel_loop3A_2439 : vector<16xi32>
        %parallel_loop3A_2441 = arith.constant 16 : i32
        %parallel_loop3A_2442 = arith.muli %parallel_loop3A_2359, %parallel_loop3A_2441 : i32
        %parallel_loop3A_2443 = arith.constant 3072 : i32
        %parallel_loop3A_2444 = arith.addi %parallel_loop3A_2443, %parallel_loop3A_2442 : i32
        %parallel_loop3A_2445 = arith.index_cast %parallel_loop3A_2444 : i32 to index
        %parallel_loop3A_2446 = tpu.vector_load %arg5[%parallel_loop3A_2445] {strides = array<i32>} : memref<4096xi32, #tpu.memory_space<vmem>>, vector<16xi32>,
        %parallel_loop3A_2447 = arith.addi %parallel_loop3A_2440, %parallel_loop3A_2446 : vector<16xi32>
        %parallel_loop3A_2448 = arith.constant 16 : i32
        %parallel_loop3A_2449 = arith.muli %parallel_loop3A_2359, %parallel_loop3A_2448 : i32
        %parallel_loop3A_2450 = arith.constant 3328 : i32
        %parallel_loop3A_2451 = arith.addi %parallel_loop3A_2450, %parallel_loop3A_2449 : i32
        %parallel_loop3A_2452 = arith.index_cast %parallel_loop3A_2451 : i32 to index
        %parallel_loop3A_2453 = tpu.vector_load %arg5[%parallel_loop3A_2452] {strides = array<i32>} : memref<4096xi32, #tpu.memory_space<vmem>>, vector<16xi32>,
        %parallel_loop3A_2454 = arith.addi %parallel_loop3A_2447, %parallel_loop3A_2453 : vector<16xi32>
        %parallel_loop3A_2455 = arith.constant 16 : i32
        %parallel_loop3A_2456 = arith.muli %parallel_loop3A_2359, %parallel_loop3A_2455 : i32
        %parallel_loop3A_2457 = arith.constant 3584 : i32
        %parallel_loop3A_2458 = arith.addi %parallel_loop3A_2457, %parallel_loop3A_2456 : i32
        %parallel_loop3A_2459 = arith.index_cast %parallel_loop3A_2458 : i32 to index
        %parallel_loop3A_2460 = tpu.vector_load %arg5[%parallel_loop3A_2459] {strides = array<i32>} : memref<4096xi32, #tpu.memory_space<vmem>>, vector<16xi32>,
        %parallel_loop3A_2461 = arith.addi %parallel_loop3A_2454, %parallel_loop3A_2460 : vector<16xi32>
        %parallel_loop3A_2462 = arith.constant 16 : i32
        %parallel_loop3A_2463 = arith.muli %parallel_loop3A_2359, %parallel_loop3A_2462 : i32
        %parallel_loop3A_2464 = arith.constant 3840 : i32
        %parallel_loop3A_2465 = arith.addi %parallel_loop3A_2464, %parallel_loop3A_2463 : i32
        %parallel_loop3A_2466 = arith.index_cast %parallel_loop3A_2465 : i32 to index
        %parallel_loop3A_2467 = tpu.vector_load %arg5[%parallel_loop3A_2466] {strides = array<i32>} : memref<4096xi32, #tpu.memory_space<vmem>>, vector<16xi32>,
        %parallel_loop3A_2468 = arith.addi %parallel_loop3A_2461, %parallel_loop3A_2467 : vector<16xi32>
        %parallel_loop3A_2469 = arith.constant 16 : i32
        %parallel_loop3A_2470 = arith.muli %parallel_loop3A_2359, %parallel_loop3A_2469 : i32
        %parallel_loop3A_2471 = arith.index_cast %parallel_loop3A_2470 : i32 to index
        %parallel_loop3A_2472 = tpu.vector_load %arg6[%parallel_loop3A_2471] {strides = array<i32>} : memref<256xi32, #tpu.memory_space<vmem>>, vector<16xi32>,
        tpu.vector_store %arg6[%parallel_loop3A_2471], %parallel_loop3A_2468 {strides = array<i32>} : memref<256xi32, #tpu.memory_space<vmem>>, vector<16xi32>,
      } {sc.loop_unroll_factor = 4 : i64, sc.parallel_access}
      %mul3A_1574 = arith.constant 256 : i32
      %mul3A_1575 = arith.muli %arg1, %mul3A_1574 : i32
      %add3A_1576 = arith.constant 8192 : i32
      %add3A_1577 = arith.addi %add3A_1576, %mul3A_1575 : i32
      "tpu.region"() ({
        %run_scoped3A = tpu.sem_alloc : memref<!tpu.dma_semaphore, #tpu.memory_space<semaphore_mem>>
        %dma_start3A = tpu.memref_slice %arg8[%add3A_1577] : memref<16384xi32, #tpu.memory_space<vmem_shared>> -> memref<256xi32, #tpu.memory_space<vmem_shared>>
        %dma_start3A_2359 = tpu.memref_slice %arg8[%add3A_1577] : memref<16384xi32, #tpu.memory_space<vmem_shared>> -> memref<256xi32, #tpu.memory_space<vmem_shared>>
        tpu.enqueue_dma source(%arg6 : memref<256xi32, #tpu.memory_space<vmem>>) target(%dma_start3A_2359 : memref<256xi32, #tpu.memory_space<vmem_shared>>) target_semaphore(%run_scoped3A : memref<!tpu.dma_semaphore, #tpu.memory_space<semaphore_mem>>)
        %dma_wait3A = tpu.memref_slice %arg8[%add3A_1577] : memref<16384xi32, #tpu.memory_space<vmem_shared>> -> memref<256xi32, #tpu.memory_space<vmem_shared>>
        %dma_wait3A_2360 = tpu.memref_slice %arg8[%add3A_1577] : memref<16384xi32, #tpu.memory_space<vmem_shared>> -> memref<256xi32, #tpu.memory_space<vmem_shared>>
        tpu.wait_dma2 semaphore(%run_scoped3A : memref<!tpu.dma_semaphore, #tpu.memory_space<semaphore_mem>>) src(%arg6 : memref<256xi32, #tpu.memory_space<vmem>>) dst(%dma_wait3A_2360 : memref<256xi32, #tpu.memory_space<vmem_shared>>)
        tpu.yield
      }) : () -> ()
      %barrier3A_1578 = arith.constant 0 : index
      tpu.barrier barrier_id(%barrier3A_1578)
      "tpu.region"() ({
        %run_scoped3A = tpu.sem_alloc : memref<!tpu.dma_semaphore, #tpu.memory_space<semaphore_mem>>
        %dma_start3A = arith.constant 8192 : i32
        %dma_start3A_2359 = tpu.memref_slice %arg8[%dma_start3A] : memref<16384xi32, #tpu.memory_space<vmem_shared>> -> memref<4096xi32, #tpu.memory_space<vmem_shared>>
        %dma_start3A_2360 = arith.constant 8192 : i32
        %dma_start3A_2361 = tpu.memref_slice %arg8[%dma_start3A_2360] : memref<16384xi32, #tpu.memory_space<vmem_shared>> -> memref<4096xi32, #tpu.memory_space<vmem_shared>>
        tpu.enqueue_dma source(%dma_start3A_2361 : memref<4096xi32, #tpu.memory_space<vmem_shared>>) target(%arg5 : memref<4096xi32, #tpu.memory_space<vmem>>) target_semaphore(%run_scoped3A : memref<!tpu.dma_semaphore, #tpu.memory_space<semaphore_mem>>)
        %dma_wait3A = arith.constant 8192 : i32
        %dma_wait3A_2362 = tpu.memref_slice %arg8[%dma_wait3A] : memref<16384xi32, #tpu.memory_space<vmem_shared>> -> memref<4096xi32, #tpu.memory_space<vmem_shared>>
        %dma_wait3A_2363 = arith.constant 8192 : i32
        %dma_wait3A_2364 = tpu.memref_slice %arg8[%dma_wait3A_2363] : memref<16384xi32, #tpu.memory_space<vmem_shared>> -> memref<4096xi32, #tpu.memory_space<vmem_shared>>
        tpu.wait_dma2 semaphore(%run_scoped3A : memref<!tpu.dma_semaphore, #tpu.memory_space<semaphore_mem>>) src(%dma_wait3A_2364 : memref<4096xi32, #tpu.memory_space<vmem_shared>>) dst(%arg5 : memref<4096xi32, #tpu.memory_space<vmem>>)
        tpu.yield
      }) : () -> ()
      %parallel_loop3A_1579 = arith.constant 0 : i32
      %parallel_loop3A_1580 = arith.constant 16 : i32
      %parallel_loop3A_1581 = arith.constant 1 : i32
      scf.for %parallel_loop3A_2359 = %parallel_loop3A_1579 to %parallel_loop3A_1580 step %parallel_loop3A_1581  : i32 {
        %parallel_loop3A_2360 = arith.constant 16 : i32
        %parallel_loop3A_2361 = arith.muli %parallel_loop3A_2359, %parallel_loop3A_2360 : i32
        %parallel_loop3A_2362 = arith.index_cast %parallel_loop3A_2361 : i32 to index
        %parallel_loop3A_2363 = tpu.vector_load %arg5[%parallel_loop3A_2362] {strides = array<i32>} : memref<4096xi32, #tpu.memory_space<vmem>>, vector<16xi32>,
        %parallel_loop3A_2364 = arith.constant 16 : i32
        %parallel_loop3A_2365 = arith.muli %parallel_loop3A_2359, %parallel_loop3A_2364 : i32
        %parallel_loop3A_2366 = arith.constant 256 : i32
        %parallel_loop3A_2367 = arith.addi %parallel_loop3A_2366, %parallel_loop3A_2365 : i32
        %parallel_loop3A_2368 = arith.index_cast %parallel_loop3A_2367 : i32 to index
        %parallel_loop3A_2369 = tpu.vector_load %arg5[%parallel_loop3A_2368] {strides = array<i32>} : memref<4096xi32, #tpu.memory_space<vmem>>, vector<16xi32>,
        %parallel_loop3A_2370 = arith.addi %parallel_loop3A_2363, %parallel_loop3A_2369 : vector<16xi32>
        %parallel_loop3A_2371 = arith.constant 16 : i32
        %parallel_loop3A_2372 = arith.muli %parallel_loop3A_2359, %parallel_loop3A_2371 : i32
        %parallel_loop3A_2373 = arith.constant 512 : i32
        %parallel_loop3A_2374 = arith.addi %parallel_loop3A_2373, %parallel_loop3A_2372 : i32
        %parallel_loop3A_2375 = arith.index_cast %parallel_loop3A_2374 : i32 to index
        %parallel_loop3A_2376 = tpu.vector_load %arg5[%parallel_loop3A_2375] {strides = array<i32>} : memref<4096xi32, #tpu.memory_space<vmem>>, vector<16xi32>,
        %parallel_loop3A_2377 = arith.addi %parallel_loop3A_2370, %parallel_loop3A_2376 : vector<16xi32>
        %parallel_loop3A_2378 = arith.constant 16 : i32
        %parallel_loop3A_2379 = arith.muli %parallel_loop3A_2359, %parallel_loop3A_2378 : i32
        %parallel_loop3A_2380 = arith.constant 768 : i32
        %parallel_loop3A_2381 = arith.addi %parallel_loop3A_2380, %parallel_loop3A_2379 : i32
        %parallel_loop3A_2382 = arith.index_cast %parallel_loop3A_2381 : i32 to index
        %parallel_loop3A_2383 = tpu.vector_load %arg5[%parallel_loop3A_2382] {strides = array<i32>} : memref<4096xi32, #tpu.memory_space<vmem>>, vector<16xi32>,
        %parallel_loop3A_2384 = arith.addi %parallel_loop3A_2377, %parallel_loop3A_2383 : vector<16xi32>
        %parallel_loop3A_2385 = arith.constant 16 : i32
        %parallel_loop3A_2386 = arith.muli %parallel_loop3A_2359, %parallel_loop3A_2385 : i32
        %parallel_loop3A_2387 = arith.constant 1024 : i32
        %parallel_loop3A_2388 = arith.addi %parallel_loop3A_2387, %parallel_loop3A_2386 : i32
        %parallel_loop3A_2389 = arith.index_cast %parallel_loop3A_2388 : i32 to index
        %parallel_loop3A_2390 = tpu.vector_load %arg5[%parallel_loop3A_2389] {strides = array<i32>} : memref<4096xi32, #tpu.memory_space<vmem>>, vector<16xi32>,
        %parallel_loop3A_2391 = arith.addi %parallel_loop3A_2384, %parallel_loop3A_2390 : vector<16xi32>
        %parallel_loop3A_2392 = arith.constant 16 : i32
        %parallel_loop3A_2393 = arith.muli %parallel_loop3A_2359, %parallel_loop3A_2392 : i32
        %parallel_loop3A_2394 = arith.constant 1280 : i32
        %parallel_loop3A_2395 = arith.addi %parallel_loop3A_2394, %parallel_loop3A_2393 : i32
        %parallel_loop3A_2396 = arith.index_cast %parallel_loop3A_2395 : i32 to index
        %parallel_loop3A_2397 = tpu.vector_load %arg5[%parallel_loop3A_2396] {strides = array<i32>} : memref<4096xi32, #tpu.memory_space<vmem>>, vector<16xi32>,
        %parallel_loop3A_2398 = arith.addi %parallel_loop3A_2391, %parallel_loop3A_2397 : vector<16xi32>
        %parallel_loop3A_2399 = arith.constant 16 : i32
        %parallel_loop3A_2400 = arith.muli %parallel_loop3A_2359, %parallel_loop3A_2399 : i32
        %parallel_loop3A_2401 = arith.constant 1536 : i32
        %parallel_loop3A_2402 = arith.addi %parallel_loop3A_2401, %parallel_loop3A_2400 : i32
        %parallel_loop3A_2403 = arith.index_cast %parallel_loop3A_2402 : i32 to index
        %parallel_loop3A_2404 = tpu.vector_load %arg5[%parallel_loop3A_2403] {strides = array<i32>} : memref<4096xi32, #tpu.memory_space<vmem>>, vector<16xi32>,
        %parallel_loop3A_2405 = arith.addi %parallel_loop3A_2398, %parallel_loop3A_2404 : vector<16xi32>
        %parallel_loop3A_2406 = arith.constant 16 : i32
        %parallel_loop3A_2407 = arith.muli %parallel_loop3A_2359, %parallel_loop3A_2406 : i32
        %parallel_loop3A_2408 = arith.constant 1792 : i32
        %parallel_loop3A_2409 = arith.addi %parallel_loop3A_2408, %parallel_loop3A_2407 : i32
        %parallel_loop3A_2410 = arith.index_cast %parallel_loop3A_2409 : i32 to index
        %parallel_loop3A_2411 = tpu.vector_load %arg5[%parallel_loop3A_2410] {strides = array<i32>} : memref<4096xi32, #tpu.memory_space<vmem>>, vector<16xi32>,
        %parallel_loop3A_2412 = arith.addi %parallel_loop3A_2405, %parallel_loop3A_2411 : vector<16xi32>
        %parallel_loop3A_2413 = arith.constant 16 : i32
        %parallel_loop3A_2414 = arith.muli %parallel_loop3A_2359, %parallel_loop3A_2413 : i32
        %parallel_loop3A_2415 = arith.constant 2048 : i32
        %parallel_loop3A_2416 = arith.addi %parallel_loop3A_2415, %parallel_loop3A_2414 : i32
        %parallel_loop3A_2417 = arith.index_cast %parallel_loop3A_2416 : i32 to index
        %parallel_loop3A_2418 = tpu.vector_load %arg5[%parallel_loop3A_2417] {strides = array<i32>} : memref<4096xi32, #tpu.memory_space<vmem>>, vector<16xi32>,
        %parallel_loop3A_2419 = arith.addi %parallel_loop3A_2412, %parallel_loop3A_2418 : vector<16xi32>
        %parallel_loop3A_2420 = arith.constant 16 : i32
        %parallel_loop3A_2421 = arith.muli %parallel_loop3A_2359, %parallel_loop3A_2420 : i32
        %parallel_loop3A_2422 = arith.constant 2304 : i32
        %parallel_loop3A_2423 = arith.addi %parallel_loop3A_2422, %parallel_loop3A_2421 : i32
        %parallel_loop3A_2424 = arith.index_cast %parallel_loop3A_2423 : i32 to index
        %parallel_loop3A_2425 = tpu.vector_load %arg5[%parallel_loop3A_2424] {strides = array<i32>} : memref<4096xi32, #tpu.memory_space<vmem>>, vector<16xi32>,
        %parallel_loop3A_2426 = arith.addi %parallel_loop3A_2419, %parallel_loop3A_2425 : vector<16xi32>
        %parallel_loop3A_2427 = arith.constant 16 : i32
        %parallel_loop3A_2428 = arith.muli %parallel_loop3A_2359, %parallel_loop3A_2427 : i32
        %parallel_loop3A_2429 = arith.constant 2560 : i32
        %parallel_loop3A_2430 = arith.addi %parallel_loop3A_2429, %parallel_loop3A_2428 : i32
        %parallel_loop3A_2431 = arith.index_cast %parallel_loop3A_2430 : i32 to index
        %parallel_loop3A_2432 = tpu.vector_load %arg5[%parallel_loop3A_2431] {strides = array<i32>} : memref<4096xi32, #tpu.memory_space<vmem>>, vector<16xi32>,
        %parallel_loop3A_2433 = arith.addi %parallel_loop3A_2426, %parallel_loop3A_2432 : vector<16xi32>
        %parallel_loop3A_2434 = arith.constant 16 : i32
        %parallel_loop3A_2435 = arith.muli %parallel_loop3A_2359, %parallel_loop3A_2434 : i32
        %parallel_loop3A_2436 = arith.constant 2816 : i32
        %parallel_loop3A_2437 = arith.addi %parallel_loop3A_2436, %parallel_loop3A_2435 : i32
        %parallel_loop3A_2438 = arith.index_cast %parallel_loop3A_2437 : i32 to index
        %parallel_loop3A_2439 = tpu.vector_load %arg5[%parallel_loop3A_2438] {strides = array<i32>} : memref<4096xi32, #tpu.memory_space<vmem>>, vector<16xi32>,
        %parallel_loop3A_2440 = arith.addi %parallel_loop3A_2433, %parallel_loop3A_2439 : vector<16xi32>
        %parallel_loop3A_2441 = arith.constant 16 : i32
        %parallel_loop3A_2442 = arith.muli %parallel_loop3A_2359, %parallel_loop3A_2441 : i32
        %parallel_loop3A_2443 = arith.constant 3072 : i32
        %parallel_loop3A_2444 = arith.addi %parallel_loop3A_2443, %parallel_loop3A_2442 : i32
        %parallel_loop3A_2445 = arith.index_cast %parallel_loop3A_2444 : i32 to index
        %parallel_loop3A_2446 = tpu.vector_load %arg5[%parallel_loop3A_2445] {strides = array<i32>} : memref<4096xi32, #tpu.memory_space<vmem>>, vector<16xi32>,
        %parallel_loop3A_2447 = arith.addi %parallel_loop3A_2440, %parallel_loop3A_2446 : vector<16xi32>
        %parallel_loop3A_2448 = arith.constant 16 : i32
        %parallel_loop3A_2449 = arith.muli %parallel_loop3A_2359, %parallel_loop3A_2448 : i32
        %parallel_loop3A_2450 = arith.constant 3328 : i32
        %parallel_loop3A_2451 = arith.addi %parallel_loop3A_2450, %parallel_loop3A_2449 : i32
        %parallel_loop3A_2452 = arith.index_cast %parallel_loop3A_2451 : i32 to index
        %parallel_loop3A_2453 = tpu.vector_load %arg5[%parallel_loop3A_2452] {strides = array<i32>} : memref<4096xi32, #tpu.memory_space<vmem>>, vector<16xi32>,
        %parallel_loop3A_2454 = arith.addi %parallel_loop3A_2447, %parallel_loop3A_2453 : vector<16xi32>
        %parallel_loop3A_2455 = arith.constant 16 : i32
        %parallel_loop3A_2456 = arith.muli %parallel_loop3A_2359, %parallel_loop3A_2455 : i32
        %parallel_loop3A_2457 = arith.constant 3584 : i32
        %parallel_loop3A_2458 = arith.addi %parallel_loop3A_2457, %parallel_loop3A_2456 : i32
        %parallel_loop3A_2459 = arith.index_cast %parallel_loop3A_2458 : i32 to index
        %parallel_loop3A_2460 = tpu.vector_load %arg5[%parallel_loop3A_2459] {strides = array<i32>} : memref<4096xi32, #tpu.memory_space<vmem>>, vector<16xi32>,
        %parallel_loop3A_2461 = arith.addi %parallel_loop3A_2454, %parallel_loop3A_2460 : vector<16xi32>
        %parallel_loop3A_2462 = arith.constant 16 : i32
        %parallel_loop3A_2463 = arith.muli %parallel_loop3A_2359, %parallel_loop3A_2462 : i32
        %parallel_loop3A_2464 = arith.constant 3840 : i32
        %parallel_loop3A_2465 = arith.addi %parallel_loop3A_2464, %parallel_loop3A_2463 : i32
        %parallel_loop3A_2466 = arith.index_cast %parallel_loop3A_2465 : i32 to index
        %parallel_loop3A_2467 = tpu.vector_load %arg5[%parallel_loop3A_2466] {strides = array<i32>} : memref<4096xi32, #tpu.memory_space<vmem>>, vector<16xi32>,
        %parallel_loop3A_2468 = arith.addi %parallel_loop3A_2461, %parallel_loop3A_2467 : vector<16xi32>
        %parallel_loop3A_2469 = arith.constant 16 : i32
        %parallel_loop3A_2470 = arith.muli %parallel_loop3A_2359, %parallel_loop3A_2469 : i32
        %parallel_loop3A_2471 = arith.index_cast %parallel_loop3A_2470 : i32 to index
        %parallel_loop3A_2472 = tpu.vector_load %arg6[%parallel_loop3A_2471] {strides = array<i32>} : memref<256xi32, #tpu.memory_space<vmem>>, vector<16xi32>,
        tpu.vector_store %arg6[%parallel_loop3A_2471], %parallel_loop3A_2468 {strides = array<i32>} : memref<256xi32, #tpu.memory_space<vmem>>, vector<16xi32>,
      } {sc.loop_unroll_factor = 4 : i64, sc.parallel_access}
      %get3A_1582 = arith.constant 0 : index
      %get3A_1583 = tpu.vector_load %arg6[%get3A_1582] {strides = array<i32>} : memref<256xi32, #tpu.memory_space<vmem>>, vector<16xi32>,
      %broadcast_in_dim3A_1584 = arith.constant true
      %broadcast_in_dim3A_1585 = vector.broadcast %broadcast_in_dim3A_1584 : i1 to vector<16xi1>
      %masked_cumsum3A_1586 = tpu.scan <sum>, %get3A_1583 masked %broadcast_in_dim3A_1585 : vector<16xi32>, vector<16xi1> -> vector<16xi32>
      %add3A_1587 = arith.constant 0 : i32
      %add3A_1588 = vector.broadcast %add3A_1587 : i32 to vector<16xi32>
      %add3A_1589 = arith.addi %masked_cumsum3A_1586, %add3A_1588 : vector<16xi32>
      %gt3A_1590 = vector.broadcast %sub3A_1561 : i32 to vector<16xi32>
      %gt3A_1591 = arith.cmpi sgt, %add3A_1589, %gt3A_1590 : vector<16xi32>
      %all_reduce_population_count3A_1592 = tpu.all_reduce %gt3A_1591 {dim = 0 : i64, kind = #tpu.reduction_kind<sum>} : vector<16xi1> -> vector<16xi32>
      %reduce_max3A_1593 = arith.constant true
      %reduce_max3A_1594 = vector.broadcast %reduce_max3A_1593 : i1 to vector<16xi1>
      %reduce_max3A_1595 = arith.constant -2147483648 : i32
      %reduce_max3A_1596 = vector.broadcast %reduce_max3A_1595 : i32 to vector<16xi32>
      %reduce_max3A_1597 = arith.xori %all_reduce_population_count3A_1592, %reduce_max3A_1596 : vector<16xi32>
      %reduce_max3A_1598 = tpu.scan <max>, %reduce_max3A_1597 masked %reduce_max3A_1594 : vector<16xi32>, vector<16xi1> -> vector<16xi32>
      %reduce_max3A_1599 = arith.xori %reduce_max3A_1598, %reduce_max3A_1596 : vector<16xi32>
      %reduce_max3A_1600 = vector.extract %reduce_max3A_1599[15] : i32 from vector<16xi32>
      %lt3A_1601 = arith.constant -1 : i32
      %lt3A_1602 = arith.constant 0 : i32
      %lt3A_1603 = arith.cmpi slt, %lt3A_1601, %lt3A_1602 : i32
      %gt3A_1604 = arith.constant 0 : i32
      %gt3A_1605 = arith.cmpi sgt, %reduce_max3A_1600, %gt3A_1604 : i32
      %and3A_1606 = arith.andi %lt3A_1603, %gt3A_1605 : i1
      %sub3A_1607 = arith.constant 16 : i32
      %sub3A_1608 = arith.subi %sub3A_1607, %reduce_max3A_1600 : i32
      %eq3A_1609 = vector.broadcast %sub3A_1608 : i32 to vector<16xi32>
      %eq3A_1610 = arith.cmpi eq, %iota3A, %eq3A_1609 : vector<16xi32>
      %sub3A_1611 = arith.subi %add3A_1589, %get3A_1583 : vector<16xi32>
      %jit3A_1612 = arith.constant 0 : i32
      %broadcast_in_dim3A_1613 = vector.broadcast %jit3A_1612 : i32 to vector<16xi32>
      %select_n3A_1614 = arith.select %eq3A_1610, %sub3A_1611, %broadcast_in_dim3A_1613 : vector<16xi1>, vector<16xi32>
      %reduce_sum3A_1615 = arith.constant true
      %reduce_sum3A_1616 = vector.broadcast %reduce_sum3A_1615 : i1 to vector<16xi1>
      %reduce_sum3A_1617 = tpu.scan <sum>, %select_n3A_1614 masked %reduce_sum3A_1616 : vector<16xi32>, vector<16xi1> -> vector<16xi32>
      %reduce_sum3A_1618 = vector.extract %reduce_sum3A_1617[15] : i32 from vector<16xi32>
      %add3A_1619 = arith.constant 0 : i32
      %add3A_1620 = arith.addi %add3A_1619, %sub3A_1608 : i32
      %jit3A_1621 = arith.constant -1 : i32
      %select_n3A_1622 = arith.select %and3A_1606, %add3A_1620, %jit3A_1621 : i32
      %jit3A_1623 = arith.constant 0 : i32
      %select_n3A_1624 = arith.select %and3A_1606, %reduce_sum3A_1618, %jit3A_1623 : i32
      %reduce_max3A_1625 = arith.constant true
      %reduce_max3A_1626 = vector.broadcast %reduce_max3A_1625 : i1 to vector<16xi1>
      %reduce_max3A_1627 = arith.constant -2147483648 : i32
      %reduce_max3A_1628 = vector.broadcast %reduce_max3A_1627 : i32 to vector<16xi32>
      %reduce_max3A_1629 = arith.xori %add3A_1589, %reduce_max3A_1628 : vector<16xi32>
      %reduce_max3A_1630 = tpu.scan <max>, %reduce_max3A_1629 masked %reduce_max3A_1626 : vector<16xi32>, vector<16xi1> -> vector<16xi32>
      %reduce_max3A_1631 = arith.xori %reduce_max3A_1630, %reduce_max3A_1628 : vector<16xi32>
      %reduce_max3A_1632 = vector.extract %reduce_max3A_1631[15] : i32 from vector<16xi32>
      %get3A_1633 = arith.constant 16 : index
      %get3A_1634 = tpu.vector_load %arg6[%get3A_1633] {strides = array<i32>} : memref<256xi32, #tpu.memory_space<vmem>>, vector<16xi32>,
      %broadcast_in_dim3A_1635 = arith.constant true
      %broadcast_in_dim3A_1636 = vector.broadcast %broadcast_in_dim3A_1635 : i1 to vector<16xi1>
      %masked_cumsum3A_1637 = tpu.scan <sum>, %get3A_1634 masked %broadcast_in_dim3A_1636 : vector<16xi32>, vector<16xi1> -> vector<16xi32>
      %add3A_1638 = vector.broadcast %reduce_max3A_1632 : i32 to vector<16xi32>
      %add3A_1639 = arith.addi %masked_cumsum3A_1637, %add3A_1638 : vector<16xi32>
      %gt3A_1640 = vector.broadcast %sub3A_1561 : i32 to vector<16xi32>
      %gt3A_1641 = arith.cmpi sgt, %add3A_1639, %gt3A_1640 : vector<16xi32>
      %all_reduce_population_count3A_1642 = tpu.all_reduce %gt3A_1641 {dim = 0 : i64, kind = #tpu.reduction_kind<sum>} : vector<16xi1> -> vector<16xi32>
      %reduce_max3A_1643 = arith.constant true
      %reduce_max3A_1644 = vector.broadcast %reduce_max3A_1643 : i1 to vector<16xi1>
      %reduce_max3A_1645 = arith.constant -2147483648 : i32
      %reduce_max3A_1646 = vector.broadcast %reduce_max3A_1645 : i32 to vector<16xi32>
      %reduce_max3A_1647 = arith.xori %all_reduce_population_count3A_1642, %reduce_max3A_1646 : vector<16xi32>
      %reduce_max3A_1648 = tpu.scan <max>, %reduce_max3A_1647 masked %reduce_max3A_1644 : vector<16xi32>, vector<16xi1> -> vector<16xi32>
      %reduce_max3A_1649 = arith.xori %reduce_max3A_1648, %reduce_max3A_1646 : vector<16xi32>
      %reduce_max3A_1650 = vector.extract %reduce_max3A_1649[15] : i32 from vector<16xi32>
      %lt3A_1651 = arith.constant 0 : i32
      %lt3A_1652 = arith.cmpi slt, %select_n3A_1622, %lt3A_1651 : i32
      %gt3A_1653 = arith.constant 0 : i32
      %gt3A_1654 = arith.cmpi sgt, %reduce_max3A_1650, %gt3A_1653 : i32
      %and3A_1655 = arith.andi %lt3A_1652, %gt3A_1654 : i1
      %sub3A_1656 = arith.constant 16 : i32
      %sub3A_1657 = arith.subi %sub3A_1656, %reduce_max3A_1650 : i32
      %eq3A_1658 = vector.broadcast %sub3A_1657 : i32 to vector<16xi32>
      %eq3A_1659 = arith.cmpi eq, %iota3A, %eq3A_1658 : vector<16xi32>
      %sub3A_1660 = arith.subi %add3A_1639, %get3A_1634 : vector<16xi32>
      %jit3A_1661 = arith.constant 0 : i32
      %broadcast_in_dim3A_1662 = vector.broadcast %jit3A_1661 : i32 to vector<16xi32>
      %select_n3A_1663 = arith.select %eq3A_1659, %sub3A_1660, %broadcast_in_dim3A_1662 : vector<16xi1>, vector<16xi32>
      %reduce_sum3A_1664 = arith.constant true
      %reduce_sum3A_1665 = vector.broadcast %reduce_sum3A_1664 : i1 to vector<16xi1>
      %reduce_sum3A_1666 = tpu.scan <sum>, %select_n3A_1663 masked %reduce_sum3A_1665 : vector<16xi32>, vector<16xi1> -> vector<16xi32>
      %reduce_sum3A_1667 = vector.extract %reduce_sum3A_1666[15] : i32 from vector<16xi32>
      %add3A_1668 = arith.constant 16 : i32
      %add3A_1669 = arith.addi %add3A_1668, %sub3A_1657 : i32
      %select_n3A_1670 = arith.select %and3A_1655, %add3A_1669, %select_n3A_1622 : i32
      %select_n3A_1671 = arith.select %and3A_1655, %reduce_sum3A_1667, %select_n3A_1624 : i32
      %reduce_max3A_1672 = arith.constant true
      %reduce_max3A_1673 = vector.broadcast %reduce_max3A_1672 : i1 to vector<16xi1>
      %reduce_max3A_1674 = arith.constant -2147483648 : i32
      %reduce_max3A_1675 = vector.broadcast %reduce_max3A_1674 : i32 to vector<16xi32>
      %reduce_max3A_1676 = arith.xori %add3A_1639, %reduce_max3A_1675 : vector<16xi32>
      %reduce_max3A_1677 = tpu.scan <max>, %reduce_max3A_1676 masked %reduce_max3A_1673 : vector<16xi32>, vector<16xi1> -> vector<16xi32>
      %reduce_max3A_1678 = arith.xori %reduce_max3A_1677, %reduce_max3A_1675 : vector<16xi32>
      %reduce_max3A_1679 = vector.extract %reduce_max3A_1678[15] : i32 from vector<16xi32>
      %get3A_1680 = arith.constant 32 : index
      %get3A_1681 = tpu.vector_load %arg6[%get3A_1680] {strides = array<i32>} : memref<256xi32, #tpu.memory_space<vmem>>, vector<16xi32>,
      %broadcast_in_dim3A_1682 = arith.constant true
      %broadcast_in_dim3A_1683 = vector.broadcast %broadcast_in_dim3A_1682 : i1 to vector<16xi1>
      %masked_cumsum3A_1684 = tpu.scan <sum>, %get3A_1681 masked %broadcast_in_dim3A_1683 : vector<16xi32>, vector<16xi1> -> vector<16xi32>
      %add3A_1685 = vector.broadcast %reduce_max3A_1679 : i32 to vector<16xi32>
      %add3A_1686 = arith.addi %masked_cumsum3A_1684, %add3A_1685 : vector<16xi32>
      %gt3A_1687 = vector.broadcast %sub3A_1561 : i32 to vector<16xi32>
      %gt3A_1688 = arith.cmpi sgt, %add3A_1686, %gt3A_1687 : vector<16xi32>
      %all_reduce_population_count3A_1689 = tpu.all_reduce %gt3A_1688 {dim = 0 : i64, kind = #tpu.reduction_kind<sum>} : vector<16xi1> -> vector<16xi32>
      %reduce_max3A_1690 = arith.constant true
      %reduce_max3A_1691 = vector.broadcast %reduce_max3A_1690 : i1 to vector<16xi1>
      %reduce_max3A_1692 = arith.constant -2147483648 : i32
      %reduce_max3A_1693 = vector.broadcast %reduce_max3A_1692 : i32 to vector<16xi32>
      %reduce_max3A_1694 = arith.xori %all_reduce_population_count3A_1689, %reduce_max3A_1693 : vector<16xi32>
      %reduce_max3A_1695 = tpu.scan <max>, %reduce_max3A_1694 masked %reduce_max3A_1691 : vector<16xi32>, vector<16xi1> -> vector<16xi32>
      %reduce_max3A_1696 = arith.xori %reduce_max3A_1695, %reduce_max3A_1693 : vector<16xi32>
      %reduce_max3A_1697 = vector.extract %reduce_max3A_1696[15] : i32 from vector<16xi32>
      %lt3A_1698 = arith.constant 0 : i32
      %lt3A_1699 = arith.cmpi slt, %select_n3A_1670, %lt3A_1698 : i32
      %gt3A_1700 = arith.constant 0 : i32
      %gt3A_1701 = arith.cmpi sgt, %reduce_max3A_1697, %gt3A_1700 : i32
      %and3A_1702 = arith.andi %lt3A_1699, %gt3A_1701 : i1
      %sub3A_1703 = arith.constant 16 : i32
      %sub3A_1704 = arith.subi %sub3A_1703, %reduce_max3A_1697 : i32
      %eq3A_1705 = vector.broadcast %sub3A_1704 : i32 to vector<16xi32>
      %eq3A_1706 = arith.cmpi eq, %iota3A, %eq3A_1705 : vector<16xi32>
      %sub3A_1707 = arith.subi %add3A_1686, %get3A_1681 : vector<16xi32>
      %jit3A_1708 = arith.constant 0 : i32
      %broadcast_in_dim3A_1709 = vector.broadcast %jit3A_1708 : i32 to vector<16xi32>
      %select_n3A_1710 = arith.select %eq3A_1706, %sub3A_1707, %broadcast_in_dim3A_1709 : vector<16xi1>, vector<16xi32>
      %reduce_sum3A_1711 = arith.constant true
      %reduce_sum3A_1712 = vector.broadcast %reduce_sum3A_1711 : i1 to vector<16xi1>
      %reduce_sum3A_1713 = tpu.scan <sum>, %select_n3A_1710 masked %reduce_sum3A_1712 : vector<16xi32>, vector<16xi1> -> vector<16xi32>
      %reduce_sum3A_1714 = vector.extract %reduce_sum3A_1713[15] : i32 from vector<16xi32>
      %add3A_1715 = arith.constant 32 : i32
      %add3A_1716 = arith.addi %add3A_1715, %sub3A_1704 : i32
      %select_n3A_1717 = arith.select %and3A_1702, %add3A_1716, %select_n3A_1670 : i32
      %select_n3A_1718 = arith.select %and3A_1702, %reduce_sum3A_1714, %select_n3A_1671 : i32
      %reduce_max3A_1719 = arith.constant true
      %reduce_max3A_1720 = vector.broadcast %reduce_max3A_1719 : i1 to vector<16xi1>
      %reduce_max3A_1721 = arith.constant -2147483648 : i32
      %reduce_max3A_1722 = vector.broadcast %reduce_max3A_1721 : i32 to vector<16xi32>
      %reduce_max3A_1723 = arith.xori %add3A_1686, %reduce_max3A_1722 : vector<16xi32>
      %reduce_max3A_1724 = tpu.scan <max>, %reduce_max3A_1723 masked %reduce_max3A_1720 : vector<16xi32>, vector<16xi1> -> vector<16xi32>
      %reduce_max3A_1725 = arith.xori %reduce_max3A_1724, %reduce_max3A_1722 : vector<16xi32>
      %reduce_max3A_1726 = vector.extract %reduce_max3A_1725[15] : i32 from vector<16xi32>
      %get3A_1727 = arith.constant 48 : index
      %get3A_1728 = tpu.vector_load %arg6[%get3A_1727] {strides = array<i32>} : memref<256xi32, #tpu.memory_space<vmem>>, vector<16xi32>,
      %broadcast_in_dim3A_1729 = arith.constant true
      %broadcast_in_dim3A_1730 = vector.broadcast %broadcast_in_dim3A_1729 : i1 to vector<16xi1>
      %masked_cumsum3A_1731 = tpu.scan <sum>, %get3A_1728 masked %broadcast_in_dim3A_1730 : vector<16xi32>, vector<16xi1> -> vector<16xi32>
      %add3A_1732 = vector.broadcast %reduce_max3A_1726 : i32 to vector<16xi32>
      %add3A_1733 = arith.addi %masked_cumsum3A_1731, %add3A_1732 : vector<16xi32>
      %gt3A_1734 = vector.broadcast %sub3A_1561 : i32 to vector<16xi32>
      %gt3A_1735 = arith.cmpi sgt, %add3A_1733, %gt3A_1734 : vector<16xi32>
      %all_reduce_population_count3A_1736 = tpu.all_reduce %gt3A_1735 {dim = 0 : i64, kind = #tpu.reduction_kind<sum>} : vector<16xi1> -> vector<16xi32>
      %reduce_max3A_1737 = arith.constant true
      %reduce_max3A_1738 = vector.broadcast %reduce_max3A_1737 : i1 to vector<16xi1>
      %reduce_max3A_1739 = arith.constant -2147483648 : i32
      %reduce_max3A_1740 = vector.broadcast %reduce_max3A_1739 : i32 to vector<16xi32>
      %reduce_max3A_1741 = arith.xori %all_reduce_population_count3A_1736, %reduce_max3A_1740 : vector<16xi32>
      %reduce_max3A_1742 = tpu.scan <max>, %reduce_max3A_1741 masked %reduce_max3A_1738 : vector<16xi32>, vector<16xi1> -> vector<16xi32>
      %reduce_max3A_1743 = arith.xori %reduce_max3A_1742, %reduce_max3A_1740 : vector<16xi32>
      %reduce_max3A_1744 = vector.extract %reduce_max3A_1743[15] : i32 from vector<16xi32>
      %lt3A_1745 = arith.constant 0 : i32
      %lt3A_1746 = arith.cmpi slt, %select_n3A_1717, %lt3A_1745 : i32
      %gt3A_1747 = arith.constant 0 : i32
      %gt3A_1748 = arith.cmpi sgt, %reduce_max3A_1744, %gt3A_1747 : i32
      %and3A_1749 = arith.andi %lt3A_1746, %gt3A_1748 : i1
      %sub3A_1750 = arith.constant 16 : i32
      %sub3A_1751 = arith.subi %sub3A_1750, %reduce_max3A_1744 : i32
      %eq3A_1752 = vector.broadcast %sub3A_1751 : i32 to vector<16xi32>
      %eq3A_1753 = arith.cmpi eq, %iota3A, %eq3A_1752 : vector<16xi32>
      %sub3A_1754 = arith.subi %add3A_1733, %get3A_1728 : vector<16xi32>
      %jit3A_1755 = arith.constant 0 : i32
      %broadcast_in_dim3A_1756 = vector.broadcast %jit3A_1755 : i32 to vector<16xi32>
      %select_n3A_1757 = arith.select %eq3A_1753, %sub3A_1754, %broadcast_in_dim3A_1756 : vector<16xi1>, vector<16xi32>
      %reduce_sum3A_1758 = arith.constant true
      %reduce_sum3A_1759 = vector.broadcast %reduce_sum3A_1758 : i1 to vector<16xi1>
      %reduce_sum3A_1760 = tpu.scan <sum>, %select_n3A_1757 masked %reduce_sum3A_1759 : vector<16xi32>, vector<16xi1> -> vector<16xi32>
      %reduce_sum3A_1761 = vector.extract %reduce_sum3A_1760[15] : i32 from vector<16xi32>
      %add3A_1762 = arith.constant 48 : i32
      %add3A_1763 = arith.addi %add3A_1762, %sub3A_1751 : i32
      %select_n3A_1764 = arith.select %and3A_1749, %add3A_1763, %select_n3A_1717 : i32
      %select_n3A_1765 = arith.select %and3A_1749, %reduce_sum3A_1761, %select_n3A_1718 : i32
      %reduce_max3A_1766 = arith.constant true
      %reduce_max3A_1767 = vector.broadcast %reduce_max3A_1766 : i1 to vector<16xi1>
      %reduce_max3A_1768 = arith.constant -2147483648 : i32
      %reduce_max3A_1769 = vector.broadcast %reduce_max3A_1768 : i32 to vector<16xi32>
      %reduce_max3A_1770 = arith.xori %add3A_1733, %reduce_max3A_1769 : vector<16xi32>
      %reduce_max3A_1771 = tpu.scan <max>, %reduce_max3A_1770 masked %reduce_max3A_1767 : vector<16xi32>, vector<16xi1> -> vector<16xi32>
      %reduce_max3A_1772 = arith.xori %reduce_max3A_1771, %reduce_max3A_1769 : vector<16xi32>
      %reduce_max3A_1773 = vector.extract %reduce_max3A_1772[15] : i32 from vector<16xi32>
      %get3A_1774 = arith.constant 64 : index
      %get3A_1775 = tpu.vector_load %arg6[%get3A_1774] {strides = array<i32>} : memref<256xi32, #tpu.memory_space<vmem>>, vector<16xi32>,
      %broadcast_in_dim3A_1776 = arith.constant true
      %broadcast_in_dim3A_1777 = vector.broadcast %broadcast_in_dim3A_1776 : i1 to vector<16xi1>
      %masked_cumsum3A_1778 = tpu.scan <sum>, %get3A_1775 masked %broadcast_in_dim3A_1777 : vector<16xi32>, vector<16xi1> -> vector<16xi32>
      %add3A_1779 = vector.broadcast %reduce_max3A_1773 : i32 to vector<16xi32>
      %add3A_1780 = arith.addi %masked_cumsum3A_1778, %add3A_1779 : vector<16xi32>
      %gt3A_1781 = vector.broadcast %sub3A_1561 : i32 to vector<16xi32>
      %gt3A_1782 = arith.cmpi sgt, %add3A_1780, %gt3A_1781 : vector<16xi32>
      %all_reduce_population_count3A_1783 = tpu.all_reduce %gt3A_1782 {dim = 0 : i64, kind = #tpu.reduction_kind<sum>} : vector<16xi1> -> vector<16xi32>
      %reduce_max3A_1784 = arith.constant true
      %reduce_max3A_1785 = vector.broadcast %reduce_max3A_1784 : i1 to vector<16xi1>
      %reduce_max3A_1786 = arith.constant -2147483648 : i32
      %reduce_max3A_1787 = vector.broadcast %reduce_max3A_1786 : i32 to vector<16xi32>
      %reduce_max3A_1788 = arith.xori %all_reduce_population_count3A_1783, %reduce_max3A_1787 : vector<16xi32>
      %reduce_max3A_1789 = tpu.scan <max>, %reduce_max3A_1788 masked %reduce_max3A_1785 : vector<16xi32>, vector<16xi1> -> vector<16xi32>
      %reduce_max3A_1790 = arith.xori %reduce_max3A_1789, %reduce_max3A_1787 : vector<16xi32>
      %reduce_max3A_1791 = vector.extract %reduce_max3A_1790[15] : i32 from vector<16xi32>
      %lt3A_1792 = arith.constant 0 : i32
      %lt3A_1793 = arith.cmpi slt, %select_n3A_1764, %lt3A_1792 : i32
      %gt3A_1794 = arith.constant 0 : i32
      %gt3A_1795 = arith.cmpi sgt, %reduce_max3A_1791, %gt3A_1794 : i32
      %and3A_1796 = arith.andi %lt3A_1793, %gt3A_1795 : i1
      %sub3A_1797 = arith.constant 16 : i32
      %sub3A_1798 = arith.subi %sub3A_1797, %reduce_max3A_1791 : i32
      %eq3A_1799 = vector.broadcast %sub3A_1798 : i32 to vector<16xi32>
      %eq3A_1800 = arith.cmpi eq, %iota3A, %eq3A_1799 : vector<16xi32>
      %sub3A_1801 = arith.subi %add3A_1780, %get3A_1775 : vector<16xi32>
      %jit3A_1802 = arith.constant 0 : i32
      %broadcast_in_dim3A_1803 = vector.broadcast %jit3A_1802 : i32 to vector<16xi32>
      %select_n3A_1804 = arith.select %eq3A_1800, %sub3A_1801, %broadcast_in_dim3A_1803 : vector<16xi1>, vector<16xi32>
      %reduce_sum3A_1805 = arith.constant true
      %reduce_sum3A_1806 = vector.broadcast %reduce_sum3A_1805 : i1 to vector<16xi1>
      %reduce_sum3A_1807 = tpu.scan <sum>, %select_n3A_1804 masked %reduce_sum3A_1806 : vector<16xi32>, vector<16xi1> -> vector<16xi32>
      %reduce_sum3A_1808 = vector.extract %reduce_sum3A_1807[15] : i32 from vector<16xi32>
      %add3A_1809 = arith.constant 64 : i32
      %add3A_1810 = arith.addi %add3A_1809, %sub3A_1798 : i32
      %select_n3A_1811 = arith.select %and3A_1796, %add3A_1810, %select_n3A_1764 : i32
      %select_n3A_1812 = arith.select %and3A_1796, %reduce_sum3A_1808, %select_n3A_1765 : i32
      %reduce_max3A_1813 = arith.constant true
      %reduce_max3A_1814 = vector.broadcast %reduce_max3A_1813 : i1 to vector<16xi1>
      %reduce_max3A_1815 = arith.constant -2147483648 : i32
      %reduce_max3A_1816 = vector.broadcast %reduce_max3A_1815 : i32 to vector<16xi32>
      %reduce_max3A_1817 = arith.xori %add3A_1780, %reduce_max3A_1816 : vector<16xi32>
      %reduce_max3A_1818 = tpu.scan <max>, %reduce_max3A_1817 masked %reduce_max3A_1814 : vector<16xi32>, vector<16xi1> -> vector<16xi32>
      %reduce_max3A_1819 = arith.xori %reduce_max3A_1818, %reduce_max3A_1816 : vector<16xi32>
      %reduce_max3A_1820 = vector.extract %reduce_max3A_1819[15] : i32 from vector<16xi32>
      %get3A_1821 = arith.constant 80 : index
      %get3A_1822 = tpu.vector_load %arg6[%get3A_1821] {strides = array<i32>} : memref<256xi32, #tpu.memory_space<vmem>>, vector<16xi32>,
      %broadcast_in_dim3A_1823 = arith.constant true
      %broadcast_in_dim3A_1824 = vector.broadcast %broadcast_in_dim3A_1823 : i1 to vector<16xi1>
      %masked_cumsum3A_1825 = tpu.scan <sum>, %get3A_1822 masked %broadcast_in_dim3A_1824 : vector<16xi32>, vector<16xi1> -> vector<16xi32>
      %add3A_1826 = vector.broadcast %reduce_max3A_1820 : i32 to vector<16xi32>
      %add3A_1827 = arith.addi %masked_cumsum3A_1825, %add3A_1826 : vector<16xi32>
      %gt3A_1828 = vector.broadcast %sub3A_1561 : i32 to vector<16xi32>
      %gt3A_1829 = arith.cmpi sgt, %add3A_1827, %gt3A_1828 : vector<16xi32>
      %all_reduce_population_count3A_1830 = tpu.all_reduce %gt3A_1829 {dim = 0 : i64, kind = #tpu.reduction_kind<sum>} : vector<16xi1> -> vector<16xi32>
      %reduce_max3A_1831 = arith.constant true
      %reduce_max3A_1832 = vector.broadcast %reduce_max3A_1831 : i1 to vector<16xi1>
      %reduce_max3A_1833 = arith.constant -2147483648 : i32
      %reduce_max3A_1834 = vector.broadcast %reduce_max3A_1833 : i32 to vector<16xi32>
      %reduce_max3A_1835 = arith.xori %all_reduce_population_count3A_1830, %reduce_max3A_1834 : vector<16xi32>
      %reduce_max3A_1836 = tpu.scan <max>, %reduce_max3A_1835 masked %reduce_max3A_1832 : vector<16xi32>, vector<16xi1> -> vector<16xi32>
      %reduce_max3A_1837 = arith.xori %reduce_max3A_1836, %reduce_max3A_1834 : vector<16xi32>
      %reduce_max3A_1838 = vector.extract %reduce_max3A_1837[15] : i32 from vector<16xi32>
      %lt3A_1839 = arith.constant 0 : i32
      %lt3A_1840 = arith.cmpi slt, %select_n3A_1811, %lt3A_1839 : i32
      %gt3A_1841 = arith.constant 0 : i32
      %gt3A_1842 = arith.cmpi sgt, %reduce_max3A_1838, %gt3A_1841 : i32
      %and3A_1843 = arith.andi %lt3A_1840, %gt3A_1842 : i1
      %sub3A_1844 = arith.constant 16 : i32
      %sub3A_1845 = arith.subi %sub3A_1844, %reduce_max3A_1838 : i32
      %eq3A_1846 = vector.broadcast %sub3A_1845 : i32 to vector<16xi32>
      %eq3A_1847 = arith.cmpi eq, %iota3A, %eq3A_1846 : vector<16xi32>
      %sub3A_1848 = arith.subi %add3A_1827, %get3A_1822 : vector<16xi32>
      %jit3A_1849 = arith.constant 0 : i32
      %broadcast_in_dim3A_1850 = vector.broadcast %jit3A_1849 : i32 to vector<16xi32>
      %select_n3A_1851 = arith.select %eq3A_1847, %sub3A_1848, %broadcast_in_dim3A_1850 : vector<16xi1>, vector<16xi32>
      %reduce_sum3A_1852 = arith.constant true
      %reduce_sum3A_1853 = vector.broadcast %reduce_sum3A_1852 : i1 to vector<16xi1>
      %reduce_sum3A_1854 = tpu.scan <sum>, %select_n3A_1851 masked %reduce_sum3A_1853 : vector<16xi32>, vector<16xi1> -> vector<16xi32>
      %reduce_sum3A_1855 = vector.extract %reduce_sum3A_1854[15] : i32 from vector<16xi32>
      %add3A_1856 = arith.constant 80 : i32
      %add3A_1857 = arith.addi %add3A_1856, %sub3A_1845 : i32
      %select_n3A_1858 = arith.select %and3A_1843, %add3A_1857, %select_n3A_1811 : i32
      %select_n3A_1859 = arith.select %and3A_1843, %reduce_sum3A_1855, %select_n3A_1812 : i32
      %reduce_max3A_1860 = arith.constant true
      %reduce_max3A_1861 = vector.broadcast %reduce_max3A_1860 : i1 to vector<16xi1>
      %reduce_max3A_1862 = arith.constant -2147483648 : i32
      %reduce_max3A_1863 = vector.broadcast %reduce_max3A_1862 : i32 to vector<16xi32>
      %reduce_max3A_1864 = arith.xori %add3A_1827, %reduce_max3A_1863 : vector<16xi32>
      %reduce_max3A_1865 = tpu.scan <max>, %reduce_max3A_1864 masked %reduce_max3A_1861 : vector<16xi32>, vector<16xi1> -> vector<16xi32>
      %reduce_max3A_1866 = arith.xori %reduce_max3A_1865, %reduce_max3A_1863 : vector<16xi32>
      %reduce_max3A_1867 = vector.extract %reduce_max3A_1866[15] : i32 from vector<16xi32>
      %get3A_1868 = arith.constant 96 : index
      %get3A_1869 = tpu.vector_load %arg6[%get3A_1868] {strides = array<i32>} : memref<256xi32, #tpu.memory_space<vmem>>, vector<16xi32>,
      %broadcast_in_dim3A_1870 = arith.constant true
      %broadcast_in_dim3A_1871 = vector.broadcast %broadcast_in_dim3A_1870 : i1 to vector<16xi1>
      %masked_cumsum3A_1872 = tpu.scan <sum>, %get3A_1869 masked %broadcast_in_dim3A_1871 : vector<16xi32>, vector<16xi1> -> vector<16xi32>
      %add3A_1873 = vector.broadcast %reduce_max3A_1867 : i32 to vector<16xi32>
      %add3A_1874 = arith.addi %masked_cumsum3A_1872, %add3A_1873 : vector<16xi32>
      %gt3A_1875 = vector.broadcast %sub3A_1561 : i32 to vector<16xi32>
      %gt3A_1876 = arith.cmpi sgt, %add3A_1874, %gt3A_1875 : vector<16xi32>
      %all_reduce_population_count3A_1877 = tpu.all_reduce %gt3A_1876 {dim = 0 : i64, kind = #tpu.reduction_kind<sum>} : vector<16xi1> -> vector<16xi32>
      %reduce_max3A_1878 = arith.constant true
      %reduce_max3A_1879 = vector.broadcast %reduce_max3A_1878 : i1 to vector<16xi1>
      %reduce_max3A_1880 = arith.constant -2147483648 : i32
      %reduce_max3A_1881 = vector.broadcast %reduce_max3A_1880 : i32 to vector<16xi32>
      %reduce_max3A_1882 = arith.xori %all_reduce_population_count3A_1877, %reduce_max3A_1881 : vector<16xi32>
      %reduce_max3A_1883 = tpu.scan <max>, %reduce_max3A_1882 masked %reduce_max3A_1879 : vector<16xi32>, vector<16xi1> -> vector<16xi32>
      %reduce_max3A_1884 = arith.xori %reduce_max3A_1883, %reduce_max3A_1881 : vector<16xi32>
      %reduce_max3A_1885 = vector.extract %reduce_max3A_1884[15] : i32 from vector<16xi32>
      %lt3A_1886 = arith.constant 0 : i32
      %lt3A_1887 = arith.cmpi slt, %select_n3A_1858, %lt3A_1886 : i32
      %gt3A_1888 = arith.constant 0 : i32
      %gt3A_1889 = arith.cmpi sgt, %reduce_max3A_1885, %gt3A_1888 : i32
      %and3A_1890 = arith.andi %lt3A_1887, %gt3A_1889 : i1
      %sub3A_1891 = arith.constant 16 : i32
      %sub3A_1892 = arith.subi %sub3A_1891, %reduce_max3A_1885 : i32
      %eq3A_1893 = vector.broadcast %sub3A_1892 : i32 to vector<16xi32>
      %eq3A_1894 = arith.cmpi eq, %iota3A, %eq3A_1893 : vector<16xi32>
      %sub3A_1895 = arith.subi %add3A_1874, %get3A_1869 : vector<16xi32>
      %jit3A_1896 = arith.constant 0 : i32
      %broadcast_in_dim3A_1897 = vector.broadcast %jit3A_1896 : i32 to vector<16xi32>
      %select_n3A_1898 = arith.select %eq3A_1894, %sub3A_1895, %broadcast_in_dim3A_1897 : vector<16xi1>, vector<16xi32>
      %reduce_sum3A_1899 = arith.constant true
      %reduce_sum3A_1900 = vector.broadcast %reduce_sum3A_1899 : i1 to vector<16xi1>
      %reduce_sum3A_1901 = tpu.scan <sum>, %select_n3A_1898 masked %reduce_sum3A_1900 : vector<16xi32>, vector<16xi1> -> vector<16xi32>
      %reduce_sum3A_1902 = vector.extract %reduce_sum3A_1901[15] : i32 from vector<16xi32>
      %add3A_1903 = arith.constant 96 : i32
      %add3A_1904 = arith.addi %add3A_1903, %sub3A_1892 : i32
      %select_n3A_1905 = arith.select %and3A_1890, %add3A_1904, %select_n3A_1858 : i32
      %select_n3A_1906 = arith.select %and3A_1890, %reduce_sum3A_1902, %select_n3A_1859 : i32
      %reduce_max3A_1907 = arith.constant true
      %reduce_max3A_1908 = vector.broadcast %reduce_max3A_1907 : i1 to vector<16xi1>
      %reduce_max3A_1909 = arith.constant -2147483648 : i32
      %reduce_max3A_1910 = vector.broadcast %reduce_max3A_1909 : i32 to vector<16xi32>
      %reduce_max3A_1911 = arith.xori %add3A_1874, %reduce_max3A_1910 : vector<16xi32>
      %reduce_max3A_1912 = tpu.scan <max>, %reduce_max3A_1911 masked %reduce_max3A_1908 : vector<16xi32>, vector<16xi1> -> vector<16xi32>
      %reduce_max3A_1913 = arith.xori %reduce_max3A_1912, %reduce_max3A_1910 : vector<16xi32>
      %reduce_max3A_1914 = vector.extract %reduce_max3A_1913[15] : i32 from vector<16xi32>
      %get3A_1915 = arith.constant 112 : index
      %get3A_1916 = tpu.vector_load %arg6[%get3A_1915] {strides = array<i32>} : memref<256xi32, #tpu.memory_space<vmem>>, vector<16xi32>,
      %broadcast_in_dim3A_1917 = arith.constant true
      %broadcast_in_dim3A_1918 = vector.broadcast %broadcast_in_dim3A_1917 : i1 to vector<16xi1>
      %masked_cumsum3A_1919 = tpu.scan <sum>, %get3A_1916 masked %broadcast_in_dim3A_1918 : vector<16xi32>, vector<16xi1> -> vector<16xi32>
      %add3A_1920 = vector.broadcast %reduce_max3A_1914 : i32 to vector<16xi32>
      %add3A_1921 = arith.addi %masked_cumsum3A_1919, %add3A_1920 : vector<16xi32>
      %gt3A_1922 = vector.broadcast %sub3A_1561 : i32 to vector<16xi32>
      %gt3A_1923 = arith.cmpi sgt, %add3A_1921, %gt3A_1922 : vector<16xi32>
      %all_reduce_population_count3A_1924 = tpu.all_reduce %gt3A_1923 {dim = 0 : i64, kind = #tpu.reduction_kind<sum>} : vector<16xi1> -> vector<16xi32>
      %reduce_max3A_1925 = arith.constant true
      %reduce_max3A_1926 = vector.broadcast %reduce_max3A_1925 : i1 to vector<16xi1>
      %reduce_max3A_1927 = arith.constant -2147483648 : i32
      %reduce_max3A_1928 = vector.broadcast %reduce_max3A_1927 : i32 to vector<16xi32>
      %reduce_max3A_1929 = arith.xori %all_reduce_population_count3A_1924, %reduce_max3A_1928 : vector<16xi32>
      %reduce_max3A_1930 = tpu.scan <max>, %reduce_max3A_1929 masked %reduce_max3A_1926 : vector<16xi32>, vector<16xi1> -> vector<16xi32>
      %reduce_max3A_1931 = arith.xori %reduce_max3A_1930, %reduce_max3A_1928 : vector<16xi32>
      %reduce_max3A_1932 = vector.extract %reduce_max3A_1931[15] : i32 from vector<16xi32>
      %lt3A_1933 = arith.constant 0 : i32
      %lt3A_1934 = arith.cmpi slt, %select_n3A_1905, %lt3A_1933 : i32
      %gt3A_1935 = arith.constant 0 : i32
      %gt3A_1936 = arith.cmpi sgt, %reduce_max3A_1932, %gt3A_1935 : i32
      %and3A_1937 = arith.andi %lt3A_1934, %gt3A_1936 : i1
      %sub3A_1938 = arith.constant 16 : i32
      %sub3A_1939 = arith.subi %sub3A_1938, %reduce_max3A_1932 : i32
      %eq3A_1940 = vector.broadcast %sub3A_1939 : i32 to vector<16xi32>
      %eq3A_1941 = arith.cmpi eq, %iota3A, %eq3A_1940 : vector<16xi32>
      %sub3A_1942 = arith.subi %add3A_1921, %get3A_1916 : vector<16xi32>
      %jit3A_1943 = arith.constant 0 : i32
      %broadcast_in_dim3A_1944 = vector.broadcast %jit3A_1943 : i32 to vector<16xi32>
      %select_n3A_1945 = arith.select %eq3A_1941, %sub3A_1942, %broadcast_in_dim3A_1944 : vector<16xi1>, vector<16xi32>
      %reduce_sum3A_1946 = arith.constant true
      %reduce_sum3A_1947 = vector.broadcast %reduce_sum3A_1946 : i1 to vector<16xi1>
      %reduce_sum3A_1948 = tpu.scan <sum>, %select_n3A_1945 masked %reduce_sum3A_1947 : vector<16xi32>, vector<16xi1> -> vector<16xi32>
      %reduce_sum3A_1949 = vector.extract %reduce_sum3A_1948[15] : i32 from vector<16xi32>
      %add3A_1950 = arith.constant 112 : i32
      %add3A_1951 = arith.addi %add3A_1950, %sub3A_1939 : i32
      %select_n3A_1952 = arith.select %and3A_1937, %add3A_1951, %select_n3A_1905 : i32
      %select_n3A_1953 = arith.select %and3A_1937, %reduce_sum3A_1949, %select_n3A_1906 : i32
      %reduce_max3A_1954 = arith.constant true
      %reduce_max3A_1955 = vector.broadcast %reduce_max3A_1954 : i1 to vector<16xi1>
      %reduce_max3A_1956 = arith.constant -2147483648 : i32
      %reduce_max3A_1957 = vector.broadcast %reduce_max3A_1956 : i32 to vector<16xi32>
      %reduce_max3A_1958 = arith.xori %add3A_1921, %reduce_max3A_1957 : vector<16xi32>
      %reduce_max3A_1959 = tpu.scan <max>, %reduce_max3A_1958 masked %reduce_max3A_1955 : vector<16xi32>, vector<16xi1> -> vector<16xi32>
      %reduce_max3A_1960 = arith.xori %reduce_max3A_1959, %reduce_max3A_1957 : vector<16xi32>
      %reduce_max3A_1961 = vector.extract %reduce_max3A_1960[15] : i32 from vector<16xi32>
      %get3A_1962 = arith.constant 128 : index
      %get3A_1963 = tpu.vector_load %arg6[%get3A_1962] {strides = array<i32>} : memref<256xi32, #tpu.memory_space<vmem>>, vector<16xi32>,
      %broadcast_in_dim3A_1964 = arith.constant true
      %broadcast_in_dim3A_1965 = vector.broadcast %broadcast_in_dim3A_1964 : i1 to vector<16xi1>
      %masked_cumsum3A_1966 = tpu.scan <sum>, %get3A_1963 masked %broadcast_in_dim3A_1965 : vector<16xi32>, vector<16xi1> -> vector<16xi32>
      %add3A_1967 = vector.broadcast %reduce_max3A_1961 : i32 to vector<16xi32>
      %add3A_1968 = arith.addi %masked_cumsum3A_1966, %add3A_1967 : vector<16xi32>
      %gt3A_1969 = vector.broadcast %sub3A_1561 : i32 to vector<16xi32>
      %gt3A_1970 = arith.cmpi sgt, %add3A_1968, %gt3A_1969 : vector<16xi32>
      %all_reduce_population_count3A_1971 = tpu.all_reduce %gt3A_1970 {dim = 0 : i64, kind = #tpu.reduction_kind<sum>} : vector<16xi1> -> vector<16xi32>
      %reduce_max3A_1972 = arith.constant true
      %reduce_max3A_1973 = vector.broadcast %reduce_max3A_1972 : i1 to vector<16xi1>
      %reduce_max3A_1974 = arith.constant -2147483648 : i32
      %reduce_max3A_1975 = vector.broadcast %reduce_max3A_1974 : i32 to vector<16xi32>
      %reduce_max3A_1976 = arith.xori %all_reduce_population_count3A_1971, %reduce_max3A_1975 : vector<16xi32>
      %reduce_max3A_1977 = tpu.scan <max>, %reduce_max3A_1976 masked %reduce_max3A_1973 : vector<16xi32>, vector<16xi1> -> vector<16xi32>
      %reduce_max3A_1978 = arith.xori %reduce_max3A_1977, %reduce_max3A_1975 : vector<16xi32>
      %reduce_max3A_1979 = vector.extract %reduce_max3A_1978[15] : i32 from vector<16xi32>
      %lt3A_1980 = arith.constant 0 : i32
      %lt3A_1981 = arith.cmpi slt, %select_n3A_1952, %lt3A_1980 : i32
      %gt3A_1982 = arith.constant 0 : i32
      %gt3A_1983 = arith.cmpi sgt, %reduce_max3A_1979, %gt3A_1982 : i32
      %and3A_1984 = arith.andi %lt3A_1981, %gt3A_1983 : i1
      %sub3A_1985 = arith.constant 16 : i32
      %sub3A_1986 = arith.subi %sub3A_1985, %reduce_max3A_1979 : i32
      %eq3A_1987 = vector.broadcast %sub3A_1986 : i32 to vector<16xi32>
      %eq3A_1988 = arith.cmpi eq, %iota3A, %eq3A_1987 : vector<16xi32>
      %sub3A_1989 = arith.subi %add3A_1968, %get3A_1963 : vector<16xi32>
      %jit3A_1990 = arith.constant 0 : i32
      %broadcast_in_dim3A_1991 = vector.broadcast %jit3A_1990 : i32 to vector<16xi32>
      %select_n3A_1992 = arith.select %eq3A_1988, %sub3A_1989, %broadcast_in_dim3A_1991 : vector<16xi1>, vector<16xi32>
      %reduce_sum3A_1993 = arith.constant true
      %reduce_sum3A_1994 = vector.broadcast %reduce_sum3A_1993 : i1 to vector<16xi1>
      %reduce_sum3A_1995 = tpu.scan <sum>, %select_n3A_1992 masked %reduce_sum3A_1994 : vector<16xi32>, vector<16xi1> -> vector<16xi32>
      %reduce_sum3A_1996 = vector.extract %reduce_sum3A_1995[15] : i32 from vector<16xi32>
      %add3A_1997 = arith.constant 128 : i32
      %add3A_1998 = arith.addi %add3A_1997, %sub3A_1986 : i32
      %select_n3A_1999 = arith.select %and3A_1984, %add3A_1998, %select_n3A_1952 : i32
      %select_n3A_2000 = arith.select %and3A_1984, %reduce_sum3A_1996, %select_n3A_1953 : i32
      %reduce_max3A_2001 = arith.constant true
      %reduce_max3A_2002 = vector.broadcast %reduce_max3A_2001 : i1 to vector<16xi1>
      %reduce_max3A_2003 = arith.constant -2147483648 : i32
      %reduce_max3A_2004 = vector.broadcast %reduce_max3A_2003 : i32 to vector<16xi32>
      %reduce_max3A_2005 = arith.xori %add3A_1968, %reduce_max3A_2004 : vector<16xi32>
      %reduce_max3A_2006 = tpu.scan <max>, %reduce_max3A_2005 masked %reduce_max3A_2002 : vector<16xi32>, vector<16xi1> -> vector<16xi32>
      %reduce_max3A_2007 = arith.xori %reduce_max3A_2006, %reduce_max3A_2004 : vector<16xi32>
      %reduce_max3A_2008 = vector.extract %reduce_max3A_2007[15] : i32 from vector<16xi32>
      %get3A_2009 = arith.constant 144 : index
      %get3A_2010 = tpu.vector_load %arg6[%get3A_2009] {strides = array<i32>} : memref<256xi32, #tpu.memory_space<vmem>>, vector<16xi32>,
      %broadcast_in_dim3A_2011 = arith.constant true
      %broadcast_in_dim3A_2012 = vector.broadcast %broadcast_in_dim3A_2011 : i1 to vector<16xi1>
      %masked_cumsum3A_2013 = tpu.scan <sum>, %get3A_2010 masked %broadcast_in_dim3A_2012 : vector<16xi32>, vector<16xi1> -> vector<16xi32>
      %add3A_2014 = vector.broadcast %reduce_max3A_2008 : i32 to vector<16xi32>
      %add3A_2015 = arith.addi %masked_cumsum3A_2013, %add3A_2014 : vector<16xi32>
      %gt3A_2016 = vector.broadcast %sub3A_1561 : i32 to vector<16xi32>
      %gt3A_2017 = arith.cmpi sgt, %add3A_2015, %gt3A_2016 : vector<16xi32>
      %all_reduce_population_count3A_2018 = tpu.all_reduce %gt3A_2017 {dim = 0 : i64, kind = #tpu.reduction_kind<sum>} : vector<16xi1> -> vector<16xi32>
      %reduce_max3A_2019 = arith.constant true
      %reduce_max3A_2020 = vector.broadcast %reduce_max3A_2019 : i1 to vector<16xi1>
      %reduce_max3A_2021 = arith.constant -2147483648 : i32
      %reduce_max3A_2022 = vector.broadcast %reduce_max3A_2021 : i32 to vector<16xi32>
      %reduce_max3A_2023 = arith.xori %all_reduce_population_count3A_2018, %reduce_max3A_2022 : vector<16xi32>
      %reduce_max3A_2024 = tpu.scan <max>, %reduce_max3A_2023 masked %reduce_max3A_2020 : vector<16xi32>, vector<16xi1> -> vector<16xi32>
      %reduce_max3A_2025 = arith.xori %reduce_max3A_2024, %reduce_max3A_2022 : vector<16xi32>
      %reduce_max3A_2026 = vector.extract %reduce_max3A_2025[15] : i32 from vector<16xi32>
      %lt3A_2027 = arith.constant 0 : i32
      %lt3A_2028 = arith.cmpi slt, %select_n3A_1999, %lt3A_2027 : i32
      %gt3A_2029 = arith.constant 0 : i32
      %gt3A_2030 = arith.cmpi sgt, %reduce_max3A_2026, %gt3A_2029 : i32
      %and3A_2031 = arith.andi %lt3A_2028, %gt3A_2030 : i1
      %sub3A_2032 = arith.constant 16 : i32
      %sub3A_2033 = arith.subi %sub3A_2032, %reduce_max3A_2026 : i32
      %eq3A_2034 = vector.broadcast %sub3A_2033 : i32 to vector<16xi32>
      %eq3A_2035 = arith.cmpi eq, %iota3A, %eq3A_2034 : vector<16xi32>
      %sub3A_2036 = arith.subi %add3A_2015, %get3A_2010 : vector<16xi32>
      %jit3A_2037 = arith.constant 0 : i32
      %broadcast_in_dim3A_2038 = vector.broadcast %jit3A_2037 : i32 to vector<16xi32>
      %select_n3A_2039 = arith.select %eq3A_2035, %sub3A_2036, %broadcast_in_dim3A_2038 : vector<16xi1>, vector<16xi32>
      %reduce_sum3A_2040 = arith.constant true
      %reduce_sum3A_2041 = vector.broadcast %reduce_sum3A_2040 : i1 to vector<16xi1>
      %reduce_sum3A_2042 = tpu.scan <sum>, %select_n3A_2039 masked %reduce_sum3A_2041 : vector<16xi32>, vector<16xi1> -> vector<16xi32>
      %reduce_sum3A_2043 = vector.extract %reduce_sum3A_2042[15] : i32 from vector<16xi32>
      %add3A_2044 = arith.constant 144 : i32
      %add3A_2045 = arith.addi %add3A_2044, %sub3A_2033 : i32
      %select_n3A_2046 = arith.select %and3A_2031, %add3A_2045, %select_n3A_1999 : i32
      %select_n3A_2047 = arith.select %and3A_2031, %reduce_sum3A_2043, %select_n3A_2000 : i32
      %reduce_max3A_2048 = arith.constant true
      %reduce_max3A_2049 = vector.broadcast %reduce_max3A_2048 : i1 to vector<16xi1>
      %reduce_max3A_2050 = arith.constant -2147483648 : i32
      %reduce_max3A_2051 = vector.broadcast %reduce_max3A_2050 : i32 to vector<16xi32>
      %reduce_max3A_2052 = arith.xori %add3A_2015, %reduce_max3A_2051 : vector<16xi32>
      %reduce_max3A_2053 = tpu.scan <max>, %reduce_max3A_2052 masked %reduce_max3A_2049 : vector<16xi32>, vector<16xi1> -> vector<16xi32>
      %reduce_max3A_2054 = arith.xori %reduce_max3A_2053, %reduce_max3A_2051 : vector<16xi32>
      %reduce_max3A_2055 = vector.extract %reduce_max3A_2054[15] : i32 from vector<16xi32>
      %get3A_2056 = arith.constant 160 : index
      %get3A_2057 = tpu.vector_load %arg6[%get3A_2056] {strides = array<i32>} : memref<256xi32, #tpu.memory_space<vmem>>, vector<16xi32>,
      %broadcast_in_dim3A_2058 = arith.constant true
      %broadcast_in_dim3A_2059 = vector.broadcast %broadcast_in_dim3A_2058 : i1 to vector<16xi1>
      %masked_cumsum3A_2060 = tpu.scan <sum>, %get3A_2057 masked %broadcast_in_dim3A_2059 : vector<16xi32>, vector<16xi1> -> vector<16xi32>
      %add3A_2061 = vector.broadcast %reduce_max3A_2055 : i32 to vector<16xi32>
      %add3A_2062 = arith.addi %masked_cumsum3A_2060, %add3A_2061 : vector<16xi32>
      %gt3A_2063 = vector.broadcast %sub3A_1561 : i32 to vector<16xi32>
      %gt3A_2064 = arith.cmpi sgt, %add3A_2062, %gt3A_2063 : vector<16xi32>
      %all_reduce_population_count3A_2065 = tpu.all_reduce %gt3A_2064 {dim = 0 : i64, kind = #tpu.reduction_kind<sum>} : vector<16xi1> -> vector<16xi32>
      %reduce_max3A_2066 = arith.constant true
      %reduce_max3A_2067 = vector.broadcast %reduce_max3A_2066 : i1 to vector<16xi1>
      %reduce_max3A_2068 = arith.constant -2147483648 : i32
      %reduce_max3A_2069 = vector.broadcast %reduce_max3A_2068 : i32 to vector<16xi32>
      %reduce_max3A_2070 = arith.xori %all_reduce_population_count3A_2065, %reduce_max3A_2069 : vector<16xi32>
      %reduce_max3A_2071 = tpu.scan <max>, %reduce_max3A_2070 masked %reduce_max3A_2067 : vector<16xi32>, vector<16xi1> -> vector<16xi32>
      %reduce_max3A_2072 = arith.xori %reduce_max3A_2071, %reduce_max3A_2069 : vector<16xi32>
      %reduce_max3A_2073 = vector.extract %reduce_max3A_2072[15] : i32 from vector<16xi32>
      %lt3A_2074 = arith.constant 0 : i32
      %lt3A_2075 = arith.cmpi slt, %select_n3A_2046, %lt3A_2074 : i32
      %gt3A_2076 = arith.constant 0 : i32
      %gt3A_2077 = arith.cmpi sgt, %reduce_max3A_2073, %gt3A_2076 : i32
      %and3A_2078 = arith.andi %lt3A_2075, %gt3A_2077 : i1
      %sub3A_2079 = arith.constant 16 : i32
      %sub3A_2080 = arith.subi %sub3A_2079, %reduce_max3A_2073 : i32
      %eq3A_2081 = vector.broadcast %sub3A_2080 : i32 to vector<16xi32>
      %eq3A_2082 = arith.cmpi eq, %iota3A, %eq3A_2081 : vector<16xi32>
      %sub3A_2083 = arith.subi %add3A_2062, %get3A_2057 : vector<16xi32>
      %jit3A_2084 = arith.constant 0 : i32
      %broadcast_in_dim3A_2085 = vector.broadcast %jit3A_2084 : i32 to vector<16xi32>
      %select_n3A_2086 = arith.select %eq3A_2082, %sub3A_2083, %broadcast_in_dim3A_2085 : vector<16xi1>, vector<16xi32>
      %reduce_sum3A_2087 = arith.constant true
      %reduce_sum3A_2088 = vector.broadcast %reduce_sum3A_2087 : i1 to vector<16xi1>
      %reduce_sum3A_2089 = tpu.scan <sum>, %select_n3A_2086 masked %reduce_sum3A_2088 : vector<16xi32>, vector<16xi1> -> vector<16xi32>
      %reduce_sum3A_2090 = vector.extract %reduce_sum3A_2089[15] : i32 from vector<16xi32>
      %add3A_2091 = arith.constant 160 : i32
      %add3A_2092 = arith.addi %add3A_2091, %sub3A_2080 : i32
      %select_n3A_2093 = arith.select %and3A_2078, %add3A_2092, %select_n3A_2046 : i32
      %select_n3A_2094 = arith.select %and3A_2078, %reduce_sum3A_2090, %select_n3A_2047 : i32
      %reduce_max3A_2095 = arith.constant true
      %reduce_max3A_2096 = vector.broadcast %reduce_max3A_2095 : i1 to vector<16xi1>
      %reduce_max3A_2097 = arith.constant -2147483648 : i32
      %reduce_max3A_2098 = vector.broadcast %reduce_max3A_2097 : i32 to vector<16xi32>
      %reduce_max3A_2099 = arith.xori %add3A_2062, %reduce_max3A_2098 : vector<16xi32>
      %reduce_max3A_2100 = tpu.scan <max>, %reduce_max3A_2099 masked %reduce_max3A_2096 : vector<16xi32>, vector<16xi1> -> vector<16xi32>
      %reduce_max3A_2101 = arith.xori %reduce_max3A_2100, %reduce_max3A_2098 : vector<16xi32>
      %reduce_max3A_2102 = vector.extract %reduce_max3A_2101[15] : i32 from vector<16xi32>
      %get3A_2103 = arith.constant 176 : index
      %get3A_2104 = tpu.vector_load %arg6[%get3A_2103] {strides = array<i32>} : memref<256xi32, #tpu.memory_space<vmem>>, vector<16xi32>,
      %broadcast_in_dim3A_2105 = arith.constant true
      %broadcast_in_dim3A_2106 = vector.broadcast %broadcast_in_dim3A_2105 : i1 to vector<16xi1>
      %masked_cumsum3A_2107 = tpu.scan <sum>, %get3A_2104 masked %broadcast_in_dim3A_2106 : vector<16xi32>, vector<16xi1> -> vector<16xi32>
      %add3A_2108 = vector.broadcast %reduce_max3A_2102 : i32 to vector<16xi32>
      %add3A_2109 = arith.addi %masked_cumsum3A_2107, %add3A_2108 : vector<16xi32>
      %gt3A_2110 = vector.broadcast %sub3A_1561 : i32 to vector<16xi32>
      %gt3A_2111 = arith.cmpi sgt, %add3A_2109, %gt3A_2110 : vector<16xi32>
      %all_reduce_population_count3A_2112 = tpu.all_reduce %gt3A_2111 {dim = 0 : i64, kind = #tpu.reduction_kind<sum>} : vector<16xi1> -> vector<16xi32>
      %reduce_max3A_2113 = arith.constant true
      %reduce_max3A_2114 = vector.broadcast %reduce_max3A_2113 : i1 to vector<16xi1>
      %reduce_max3A_2115 = arith.constant -2147483648 : i32
      %reduce_max3A_2116 = vector.broadcast %reduce_max3A_2115 : i32 to vector<16xi32>
      %reduce_max3A_2117 = arith.xori %all_reduce_population_count3A_2112, %reduce_max3A_2116 : vector<16xi32>
      %reduce_max3A_2118 = tpu.scan <max>, %reduce_max3A_2117 masked %reduce_max3A_2114 : vector<16xi32>, vector<16xi1> -> vector<16xi32>
      %reduce_max3A_2119 = arith.xori %reduce_max3A_2118, %reduce_max3A_2116 : vector<16xi32>
      %reduce_max3A_2120 = vector.extract %reduce_max3A_2119[15] : i32 from vector<16xi32>
      %lt3A_2121 = arith.constant 0 : i32
      %lt3A_2122 = arith.cmpi slt, %select_n3A_2093, %lt3A_2121 : i32
      %gt3A_2123 = arith.constant 0 : i32
      %gt3A_2124 = arith.cmpi sgt, %reduce_max3A_2120, %gt3A_2123 : i32
      %and3A_2125 = arith.andi %lt3A_2122, %gt3A_2124 : i1
      %sub3A_2126 = arith.constant 16 : i32
      %sub3A_2127 = arith.subi %sub3A_2126, %reduce_max3A_2120 : i32
      %eq3A_2128 = vector.broadcast %sub3A_2127 : i32 to vector<16xi32>
      %eq3A_2129 = arith.cmpi eq, %iota3A, %eq3A_2128 : vector<16xi32>
      %sub3A_2130 = arith.subi %add3A_2109, %get3A_2104 : vector<16xi32>
      %jit3A_2131 = arith.constant 0 : i32
      %broadcast_in_dim3A_2132 = vector.broadcast %jit3A_2131 : i32 to vector<16xi32>
      %select_n3A_2133 = arith.select %eq3A_2129, %sub3A_2130, %broadcast_in_dim3A_2132 : vector<16xi1>, vector<16xi32>
      %reduce_sum3A_2134 = arith.constant true
      %reduce_sum3A_2135 = vector.broadcast %reduce_sum3A_2134 : i1 to vector<16xi1>
      %reduce_sum3A_2136 = tpu.scan <sum>, %select_n3A_2133 masked %reduce_sum3A_2135 : vector<16xi32>, vector<16xi1> -> vector<16xi32>
      %reduce_sum3A_2137 = vector.extract %reduce_sum3A_2136[15] : i32 from vector<16xi32>
      %add3A_2138 = arith.constant 176 : i32
      %add3A_2139 = arith.addi %add3A_2138, %sub3A_2127 : i32
      %select_n3A_2140 = arith.select %and3A_2125, %add3A_2139, %select_n3A_2093 : i32
      %select_n3A_2141 = arith.select %and3A_2125, %reduce_sum3A_2137, %select_n3A_2094 : i32
      %reduce_max3A_2142 = arith.constant true
      %reduce_max3A_2143 = vector.broadcast %reduce_max3A_2142 : i1 to vector<16xi1>
      %reduce_max3A_2144 = arith.constant -2147483648 : i32
      %reduce_max3A_2145 = vector.broadcast %reduce_max3A_2144 : i32 to vector<16xi32>
      %reduce_max3A_2146 = arith.xori %add3A_2109, %reduce_max3A_2145 : vector<16xi32>
      %reduce_max3A_2147 = tpu.scan <max>, %reduce_max3A_2146 masked %reduce_max3A_2143 : vector<16xi32>, vector<16xi1> -> vector<16xi32>
      %reduce_max3A_2148 = arith.xori %reduce_max3A_2147, %reduce_max3A_2145 : vector<16xi32>
      %reduce_max3A_2149 = vector.extract %reduce_max3A_2148[15] : i32 from vector<16xi32>
      %get3A_2150 = arith.constant 192 : index
      %get3A_2151 = tpu.vector_load %arg6[%get3A_2150] {strides = array<i32>} : memref<256xi32, #tpu.memory_space<vmem>>, vector<16xi32>,
      %broadcast_in_dim3A_2152 = arith.constant true
      %broadcast_in_dim3A_2153 = vector.broadcast %broadcast_in_dim3A_2152 : i1 to vector<16xi1>
      %masked_cumsum3A_2154 = tpu.scan <sum>, %get3A_2151 masked %broadcast_in_dim3A_2153 : vector<16xi32>, vector<16xi1> -> vector<16xi32>
      %add3A_2155 = vector.broadcast %reduce_max3A_2149 : i32 to vector<16xi32>
      %add3A_2156 = arith.addi %masked_cumsum3A_2154, %add3A_2155 : vector<16xi32>
      %gt3A_2157 = vector.broadcast %sub3A_1561 : i32 to vector<16xi32>
      %gt3A_2158 = arith.cmpi sgt, %add3A_2156, %gt3A_2157 : vector<16xi32>
      %all_reduce_population_count3A_2159 = tpu.all_reduce %gt3A_2158 {dim = 0 : i64, kind = #tpu.reduction_kind<sum>} : vector<16xi1> -> vector<16xi32>
      %reduce_max3A_2160 = arith.constant true
      %reduce_max3A_2161 = vector.broadcast %reduce_max3A_2160 : i1 to vector<16xi1>
      %reduce_max3A_2162 = arith.constant -2147483648 : i32
      %reduce_max3A_2163 = vector.broadcast %reduce_max3A_2162 : i32 to vector<16xi32>
      %reduce_max3A_2164 = arith.xori %all_reduce_population_count3A_2159, %reduce_max3A_2163 : vector<16xi32>
      %reduce_max3A_2165 = tpu.scan <max>, %reduce_max3A_2164 masked %reduce_max3A_2161 : vector<16xi32>, vector<16xi1> -> vector<16xi32>
      %reduce_max3A_2166 = arith.xori %reduce_max3A_2165, %reduce_max3A_2163 : vector<16xi32>
      %reduce_max3A_2167 = vector.extract %reduce_max3A_2166[15] : i32 from vector<16xi32>
      %lt3A_2168 = arith.constant 0 : i32
      %lt3A_2169 = arith.cmpi slt, %select_n3A_2140, %lt3A_2168 : i32
      %gt3A_2170 = arith.constant 0 : i32
      %gt3A_2171 = arith.cmpi sgt, %reduce_max3A_2167, %gt3A_2170 : i32
      %and3A_2172 = arith.andi %lt3A_2169, %gt3A_2171 : i1
      %sub3A_2173 = arith.constant 16 : i32
      %sub3A_2174 = arith.subi %sub3A_2173, %reduce_max3A_2167 : i32
      %eq3A_2175 = vector.broadcast %sub3A_2174 : i32 to vector<16xi32>
      %eq3A_2176 = arith.cmpi eq, %iota3A, %eq3A_2175 : vector<16xi32>
      %sub3A_2177 = arith.subi %add3A_2156, %get3A_2151 : vector<16xi32>
      %jit3A_2178 = arith.constant 0 : i32
      %broadcast_in_dim3A_2179 = vector.broadcast %jit3A_2178 : i32 to vector<16xi32>
      %select_n3A_2180 = arith.select %eq3A_2176, %sub3A_2177, %broadcast_in_dim3A_2179 : vector<16xi1>, vector<16xi32>
      %reduce_sum3A_2181 = arith.constant true
      %reduce_sum3A_2182 = vector.broadcast %reduce_sum3A_2181 : i1 to vector<16xi1>
      %reduce_sum3A_2183 = tpu.scan <sum>, %select_n3A_2180 masked %reduce_sum3A_2182 : vector<16xi32>, vector<16xi1> -> vector<16xi32>
      %reduce_sum3A_2184 = vector.extract %reduce_sum3A_2183[15] : i32 from vector<16xi32>
      %add3A_2185 = arith.constant 192 : i32
      %add3A_2186 = arith.addi %add3A_2185, %sub3A_2174 : i32
      %select_n3A_2187 = arith.select %and3A_2172, %add3A_2186, %select_n3A_2140 : i32
      %select_n3A_2188 = arith.select %and3A_2172, %reduce_sum3A_2184, %select_n3A_2141 : i32
      %reduce_max3A_2189 = arith.constant true
      %reduce_max3A_2190 = vector.broadcast %reduce_max3A_2189 : i1 to vector<16xi1>
      %reduce_max3A_2191 = arith.constant -2147483648 : i32
      %reduce_max3A_2192 = vector.broadcast %reduce_max3A_2191 : i32 to vector<16xi32>
      %reduce_max3A_2193 = arith.xori %add3A_2156, %reduce_max3A_2192 : vector<16xi32>
      %reduce_max3A_2194 = tpu.scan <max>, %reduce_max3A_2193 masked %reduce_max3A_2190 : vector<16xi32>, vector<16xi1> -> vector<16xi32>
      %reduce_max3A_2195 = arith.xori %reduce_max3A_2194, %reduce_max3A_2192 : vector<16xi32>
      %reduce_max3A_2196 = vector.extract %reduce_max3A_2195[15] : i32 from vector<16xi32>
      %get3A_2197 = arith.constant 208 : index
      %get3A_2198 = tpu.vector_load %arg6[%get3A_2197] {strides = array<i32>} : memref<256xi32, #tpu.memory_space<vmem>>, vector<16xi32>,
      %broadcast_in_dim3A_2199 = arith.constant true
      %broadcast_in_dim3A_2200 = vector.broadcast %broadcast_in_dim3A_2199 : i1 to vector<16xi1>
      %masked_cumsum3A_2201 = tpu.scan <sum>, %get3A_2198 masked %broadcast_in_dim3A_2200 : vector<16xi32>, vector<16xi1> -> vector<16xi32>
      %add3A_2202 = vector.broadcast %reduce_max3A_2196 : i32 to vector<16xi32>
      %add3A_2203 = arith.addi %masked_cumsum3A_2201, %add3A_2202 : vector<16xi32>
      %gt3A_2204 = vector.broadcast %sub3A_1561 : i32 to vector<16xi32>
      %gt3A_2205 = arith.cmpi sgt, %add3A_2203, %gt3A_2204 : vector<16xi32>
      %all_reduce_population_count3A_2206 = tpu.all_reduce %gt3A_2205 {dim = 0 : i64, kind = #tpu.reduction_kind<sum>} : vector<16xi1> -> vector<16xi32>
      %reduce_max3A_2207 = arith.constant true
      %reduce_max3A_2208 = vector.broadcast %reduce_max3A_2207 : i1 to vector<16xi1>
      %reduce_max3A_2209 = arith.constant -2147483648 : i32
      %reduce_max3A_2210 = vector.broadcast %reduce_max3A_2209 : i32 to vector<16xi32>
      %reduce_max3A_2211 = arith.xori %all_reduce_population_count3A_2206, %reduce_max3A_2210 : vector<16xi32>
      %reduce_max3A_2212 = tpu.scan <max>, %reduce_max3A_2211 masked %reduce_max3A_2208 : vector<16xi32>, vector<16xi1> -> vector<16xi32>
      %reduce_max3A_2213 = arith.xori %reduce_max3A_2212, %reduce_max3A_2210 : vector<16xi32>
      %reduce_max3A_2214 = vector.extract %reduce_max3A_2213[15] : i32 from vector<16xi32>
      %lt3A_2215 = arith.constant 0 : i32
      %lt3A_2216 = arith.cmpi slt, %select_n3A_2187, %lt3A_2215 : i32
      %gt3A_2217 = arith.constant 0 : i32
      %gt3A_2218 = arith.cmpi sgt, %reduce_max3A_2214, %gt3A_2217 : i32
      %and3A_2219 = arith.andi %lt3A_2216, %gt3A_2218 : i1
      %sub3A_2220 = arith.constant 16 : i32
      %sub3A_2221 = arith.subi %sub3A_2220, %reduce_max3A_2214 : i32
      %eq3A_2222 = vector.broadcast %sub3A_2221 : i32 to vector<16xi32>
      %eq3A_2223 = arith.cmpi eq, %iota3A, %eq3A_2222 : vector<16xi32>
      %sub3A_2224 = arith.subi %add3A_2203, %get3A_2198 : vector<16xi32>
      %jit3A_2225 = arith.constant 0 : i32
      %broadcast_in_dim3A_2226 = vector.broadcast %jit3A_2225 : i32 to vector<16xi32>
      %select_n3A_2227 = arith.select %eq3A_2223, %sub3A_2224, %broadcast_in_dim3A_2226 : vector<16xi1>, vector<16xi32>
      %reduce_sum3A_2228 = arith.constant true
      %reduce_sum3A_2229 = vector.broadcast %reduce_sum3A_2228 : i1 to vector<16xi1>
      %reduce_sum3A_2230 = tpu.scan <sum>, %select_n3A_2227 masked %reduce_sum3A_2229 : vector<16xi32>, vector<16xi1> -> vector<16xi32>
      %reduce_sum3A_2231 = vector.extract %reduce_sum3A_2230[15] : i32 from vector<16xi32>
      %add3A_2232 = arith.constant 208 : i32
      %add3A_2233 = arith.addi %add3A_2232, %sub3A_2221 : i32
      %select_n3A_2234 = arith.select %and3A_2219, %add3A_2233, %select_n3A_2187 : i32
      %select_n3A_2235 = arith.select %and3A_2219, %reduce_sum3A_2231, %select_n3A_2188 : i32
      %reduce_max3A_2236 = arith.constant true
      %reduce_max3A_2237 = vector.broadcast %reduce_max3A_2236 : i1 to vector<16xi1>
      %reduce_max3A_2238 = arith.constant -2147483648 : i32
      %reduce_max3A_2239 = vector.broadcast %reduce_max3A_2238 : i32 to vector<16xi32>
      %reduce_max3A_2240 = arith.xori %add3A_2203, %reduce_max3A_2239 : vector<16xi32>
      %reduce_max3A_2241 = tpu.scan <max>, %reduce_max3A_2240 masked %reduce_max3A_2237 : vector<16xi32>, vector<16xi1> -> vector<16xi32>
      %reduce_max3A_2242 = arith.xori %reduce_max3A_2241, %reduce_max3A_2239 : vector<16xi32>
      %reduce_max3A_2243 = vector.extract %reduce_max3A_2242[15] : i32 from vector<16xi32>
      %get3A_2244 = arith.constant 224 : index
      %get3A_2245 = tpu.vector_load %arg6[%get3A_2244] {strides = array<i32>} : memref<256xi32, #tpu.memory_space<vmem>>, vector<16xi32>,
      %broadcast_in_dim3A_2246 = arith.constant true
      %broadcast_in_dim3A_2247 = vector.broadcast %broadcast_in_dim3A_2246 : i1 to vector<16xi1>
      %masked_cumsum3A_2248 = tpu.scan <sum>, %get3A_2245 masked %broadcast_in_dim3A_2247 : vector<16xi32>, vector<16xi1> -> vector<16xi32>
      %add3A_2249 = vector.broadcast %reduce_max3A_2243 : i32 to vector<16xi32>
      %add3A_2250 = arith.addi %masked_cumsum3A_2248, %add3A_2249 : vector<16xi32>
      %gt3A_2251 = vector.broadcast %sub3A_1561 : i32 to vector<16xi32>
      %gt3A_2252 = arith.cmpi sgt, %add3A_2250, %gt3A_2251 : vector<16xi32>
      %all_reduce_population_count3A_2253 = tpu.all_reduce %gt3A_2252 {dim = 0 : i64, kind = #tpu.reduction_kind<sum>} : vector<16xi1> -> vector<16xi32>
      %reduce_max3A_2254 = arith.constant true
      %reduce_max3A_2255 = vector.broadcast %reduce_max3A_2254 : i1 to vector<16xi1>
      %reduce_max3A_2256 = arith.constant -2147483648 : i32
      %reduce_max3A_2257 = vector.broadcast %reduce_max3A_2256 : i32 to vector<16xi32>
      %reduce_max3A_2258 = arith.xori %all_reduce_population_count3A_2253, %reduce_max3A_2257 : vector<16xi32>
      %reduce_max3A_2259 = tpu.scan <max>, %reduce_max3A_2258 masked %reduce_max3A_2255 : vector<16xi32>, vector<16xi1> -> vector<16xi32>
      %reduce_max3A_2260 = arith.xori %reduce_max3A_2259, %reduce_max3A_2257 : vector<16xi32>
      %reduce_max3A_2261 = vector.extract %reduce_max3A_2260[15] : i32 from vector<16xi32>
      %lt3A_2262 = arith.constant 0 : i32
      %lt3A_2263 = arith.cmpi slt, %select_n3A_2234, %lt3A_2262 : i32
      %gt3A_2264 = arith.constant 0 : i32
      %gt3A_2265 = arith.cmpi sgt, %reduce_max3A_2261, %gt3A_2264 : i32
      %and3A_2266 = arith.andi %lt3A_2263, %gt3A_2265 : i1
      %sub3A_2267 = arith.constant 16 : i32
      %sub3A_2268 = arith.subi %sub3A_2267, %reduce_max3A_2261 : i32
      %eq3A_2269 = vector.broadcast %sub3A_2268 : i32 to vector<16xi32>
      %eq3A_2270 = arith.cmpi eq, %iota3A, %eq3A_2269 : vector<16xi32>
      %sub3A_2271 = arith.subi %add3A_2250, %get3A_2245 : vector<16xi32>
      %jit3A_2272 = arith.constant 0 : i32
      %broadcast_in_dim3A_2273 = vector.broadcast %jit3A_2272 : i32 to vector<16xi32>
      %select_n3A_2274 = arith.select %eq3A_2270, %sub3A_2271, %broadcast_in_dim3A_2273 : vector<16xi1>, vector<16xi32>
      %reduce_sum3A_2275 = arith.constant true
      %reduce_sum3A_2276 = vector.broadcast %reduce_sum3A_2275 : i1 to vector<16xi1>
      %reduce_sum3A_2277 = tpu.scan <sum>, %select_n3A_2274 masked %reduce_sum3A_2276 : vector<16xi32>, vector<16xi1> -> vector<16xi32>
      %reduce_sum3A_2278 = vector.extract %reduce_sum3A_2277[15] : i32 from vector<16xi32>
      %add3A_2279 = arith.constant 224 : i32
      %add3A_2280 = arith.addi %add3A_2279, %sub3A_2268 : i32
      %select_n3A_2281 = arith.select %and3A_2266, %add3A_2280, %select_n3A_2234 : i32
      %select_n3A_2282 = arith.select %and3A_2266, %reduce_sum3A_2278, %select_n3A_2235 : i32
      %reduce_max3A_2283 = arith.constant true
      %reduce_max3A_2284 = vector.broadcast %reduce_max3A_2283 : i1 to vector<16xi1>
      %reduce_max3A_2285 = arith.constant -2147483648 : i32
      %reduce_max3A_2286 = vector.broadcast %reduce_max3A_2285 : i32 to vector<16xi32>
      %reduce_max3A_2287 = arith.xori %add3A_2250, %reduce_max3A_2286 : vector<16xi32>
      %reduce_max3A_2288 = tpu.scan <max>, %reduce_max3A_2287 masked %reduce_max3A_2284 : vector<16xi32>, vector<16xi1> -> vector<16xi32>
      %reduce_max3A_2289 = arith.xori %reduce_max3A_2288, %reduce_max3A_2286 : vector<16xi32>
      %reduce_max3A_2290 = vector.extract %reduce_max3A_2289[15] : i32 from vector<16xi32>
      %get3A_2291 = arith.constant 240 : index
      %get3A_2292 = tpu.vector_load %arg6[%get3A_2291] {strides = array<i32>} : memref<256xi32, #tpu.memory_space<vmem>>, vector<16xi32>,
      %broadcast_in_dim3A_2293 = arith.constant true
      %broadcast_in_dim3A_2294 = vector.broadcast %broadcast_in_dim3A_2293 : i1 to vector<16xi1>
      %masked_cumsum3A_2295 = tpu.scan <sum>, %get3A_2292 masked %broadcast_in_dim3A_2294 : vector<16xi32>, vector<16xi1> -> vector<16xi32>
      %add3A_2296 = vector.broadcast %reduce_max3A_2290 : i32 to vector<16xi32>
      %add3A_2297 = arith.addi %masked_cumsum3A_2295, %add3A_2296 : vector<16xi32>
      %gt3A_2298 = vector.broadcast %sub3A_1561 : i32 to vector<16xi32>
      %gt3A_2299 = arith.cmpi sgt, %add3A_2297, %gt3A_2298 : vector<16xi32>
      %all_reduce_population_count3A_2300 = tpu.all_reduce %gt3A_2299 {dim = 0 : i64, kind = #tpu.reduction_kind<sum>} : vector<16xi1> -> vector<16xi32>
      %reduce_max3A_2301 = arith.constant true
      %reduce_max3A_2302 = vector.broadcast %reduce_max3A_2301 : i1 to vector<16xi1>
      %reduce_max3A_2303 = arith.constant -2147483648 : i32
      %reduce_max3A_2304 = vector.broadcast %reduce_max3A_2303 : i32 to vector<16xi32>
      %reduce_max3A_2305 = arith.xori %all_reduce_population_count3A_2300, %reduce_max3A_2304 : vector<16xi32>
      %reduce_max3A_2306 = tpu.scan <max>, %reduce_max3A_2305 masked %reduce_max3A_2302 : vector<16xi32>, vector<16xi1> -> vector<16xi32>
      %reduce_max3A_2307 = arith.xori %reduce_max3A_2306, %reduce_max3A_2304 : vector<16xi32>
      %reduce_max3A_2308 = vector.extract %reduce_max3A_2307[15] : i32 from vector<16xi32>
      %lt3A_2309 = arith.constant 0 : i32
      %lt3A_2310 = arith.cmpi slt, %select_n3A_2281, %lt3A_2309 : i32
      %gt3A_2311 = arith.constant 0 : i32
      %gt3A_2312 = arith.cmpi sgt, %reduce_max3A_2308, %gt3A_2311 : i32
      %and3A_2313 = arith.andi %lt3A_2310, %gt3A_2312 : i1
      %sub3A_2314 = arith.constant 16 : i32
      %sub3A_2315 = arith.subi %sub3A_2314, %reduce_max3A_2308 : i32
      %eq3A_2316 = vector.broadcast %sub3A_2315 : i32 to vector<16xi32>
      %eq3A_2317 = arith.cmpi eq, %iota3A, %eq3A_2316 : vector<16xi32>
      %sub3A_2318 = arith.subi %add3A_2297, %get3A_2292 : vector<16xi32>
      %jit3A_2319 = arith.constant 0 : i32
      %broadcast_in_dim3A_2320 = vector.broadcast %jit3A_2319 : i32 to vector<16xi32>
      %select_n3A_2321 = arith.select %eq3A_2317, %sub3A_2318, %broadcast_in_dim3A_2320 : vector<16xi1>, vector<16xi32>
      %reduce_sum3A_2322 = arith.constant true
      %reduce_sum3A_2323 = vector.broadcast %reduce_sum3A_2322 : i1 to vector<16xi1>
      %reduce_sum3A_2324 = tpu.scan <sum>, %select_n3A_2321 masked %reduce_sum3A_2323 : vector<16xi32>, vector<16xi1> -> vector<16xi32>
      %reduce_sum3A_2325 = vector.extract %reduce_sum3A_2324[15] : i32 from vector<16xi32>
      %add3A_2326 = arith.constant 240 : i32
      %add3A_2327 = arith.addi %add3A_2326, %sub3A_2315 : i32
      %select_n3A_2328 = arith.select %and3A_2313, %add3A_2327, %select_n3A_2281 : i32
      %select_n3A_2329 = arith.select %and3A_2313, %reduce_sum3A_2325, %select_n3A_2282 : i32
      %reduce_max3A_2330 = arith.constant true
      %reduce_max3A_2331 = vector.broadcast %reduce_max3A_2330 : i1 to vector<16xi1>
      %reduce_max3A_2332 = arith.constant -2147483648 : i32
      %reduce_max3A_2333 = vector.broadcast %reduce_max3A_2332 : i32 to vector<16xi32>
      %reduce_max3A_2334 = arith.xori %add3A_2297, %reduce_max3A_2333 : vector<16xi32>
      %reduce_max3A_2335 = tpu.scan <max>, %reduce_max3A_2334 masked %reduce_max3A_2331 : vector<16xi32>, vector<16xi1> -> vector<16xi32>
      %reduce_max3A_2336 = arith.xori %reduce_max3A_2335, %reduce_max3A_2333 : vector<16xi32>
      %reduce_max3A_2337 = vector.extract %reduce_max3A_2336[15] : i32 from vector<16xi32>
      %sub3A_2338 = arith.subi %sub3A_1561, %select_n3A_2329 : i32
      %shift_left3A_2339 = arith.constant 8 : i32
      %shift_left3A_2340 = arith.shli %or3A_1564, %shift_left3A_2339 : i32
      %or3A_2341 = arith.ori %shift_left3A_2340, %select_n3A_2328 : i32
      %shift_left3A_2342 = arith.constant 8 : i32
      %shift_left3A_2343 = arith.shli %or3A_2341, %shift_left3A_2342 : i32
      %broadcast_in_dim3A_2344 = vector.broadcast %shift_left3A_2343 : i32 to vector<16xi32>
      %xor3A = arith.constant -2147483648 : i32
      %xor3A_2345 = vector.broadcast %xor3A : i32 to vector<16xi32>
      %xor3A_2346 = arith.xori %broadcast_in_dim3A_2344, %xor3A_2345 : vector<16xi32>
      %ge3A = arith.constant 0 : i32
      %ge3A_2347 = vector.broadcast %ge3A : i32 to vector<16xi32>
      %ge3A_2348 = arith.cmpi sge, %xor3A_2346, %ge3A_2347 : vector<16xi32>
      %sub3A_2349 = arith.constant -2147483648 : i32
      %sub3A_2350 = vector.broadcast %sub3A_2349 : i32 to vector<16xi32>
      %sub3A_2351 = arith.subi %sub3A_2350, %xor3A_2346 : vector<16xi32>
      %select_n3A_2352 = arith.select %ge3A_2348, %xor3A_2346, %sub3A_2351 : vector<16xi1>, vector<16xi32>
      %bitcast_convert_type3A = tpu.bitcast %select_n3A_2352 : vector<16xi32> -> vector<16xf32>
      %swap3A = arith.constant 0 : index
      %swap3A_2353 = tpu.vector_load %arg7[%swap3A] {strides = array<i32>} : memref<16xf32, #tpu.memory_space<vmem>>, vector<16xf32>,
      tpu.vector_store %arg7[%swap3A], %bitcast_convert_type3A {strides = array<i32>} : memref<16xf32, #tpu.memory_space<vmem>>, vector<16xf32>,
      %eq3A_2354 = arith.constant 0 : i32
      %eq3A_2355 = arith.cmpi eq, %arg1, %eq3A_2354 : i32
      %convert_element_type3A_2356 = arith.extui %eq3A_2355 : i1 to i32
      %cond3A_2357 = arith.constant 0 : i32
      %cond3A_2358 = arith.cmpi ne, %convert_element_type3A_2356, %cond3A_2357 : i32
      scf.if %cond3A_2358 {
        "tpu.region"() ({
          %run_scoped3A = tpu.sem_alloc : memref<!tpu.dma_semaphore, #tpu.memory_space<semaphore_mem>>
          tpu.enqueue_dma source(%arg7 : memref<16xf32, #tpu.memory_space<vmem>>) target(%arg3 : memref<16xf32, #tpu.memory_space<hbm>>) target_semaphore(%run_scoped3A : memref<!tpu.dma_semaphore, #tpu.memory_space<semaphore_mem>>)
          tpu.wait_dma2 semaphore(%run_scoped3A : memref<!tpu.dma_semaphore, #tpu.memory_space<semaphore_mem>>) src(%arg7 : memref<16xf32, #tpu.memory_space<vmem>>) dst(%arg3 : memref<16xf32, #tpu.memory_space<hbm>>)
          tpu.yield
        }) : () -> ()
      } else {
      }
    } else {
    }
    return
  }
}

module attributes {stable_mosaic.version = 14 : i64} {
  func.func @_tc_log_kernel(%arg0: memref<8256x128xf32, #tpu.memory_space<vmem>>, %arg1: memref<8256x128xf32, #tpu.memory_space<vmem>>, %arg2: memref<1x1xf32, #tpu.memory_space<vmem>>, %arg3: memref<1x1xf32, #tpu.memory_space<vmem>>) attributes {dimension_semantics = [], scalar_prefetch = 0 : i64, scratch_operands = 0 : i64, tpu.core_type = #tpu.core_type<tc>} {
    %get3A = arith.constant 0 : index
    %get3A_0 = arith.constant 0 : index
    %get3A_1 = vector.load %arg0[%get3A, %get3A_0] : memref<8256x128xf32, #tpu.memory_space<vmem>>, vector<8256x128xf32>
    %max3A = arith.constant 1.000000e-03 : f32
    %max3A_2 = vector.broadcast %max3A : f32 to vector<8256x128xf32>
    %max3A_3 = arith.maximumf %get3A_1, %max3A_2 : vector<8256x128xf32>
    %log3A = math.log %max3A_3 : vector<8256x128xf32>
    %mul3A = arith.constant 0.434294492 : f32
    %mul3A_4 = vector.broadcast %mul3A : f32 to vector<8256x128xf32>
    %mul3A_5 = arith.mulf %log3A, %mul3A_4 : vector<8256x128xf32>
    %swap3A = arith.constant 0 : index
    %swap3A_6 = arith.constant 0 : index
    %swap3A_7 = vector.load %arg1[%swap3A, %swap3A_6] : memref<8256x128xf32, #tpu.memory_space<vmem>>, vector<8256x128xf32>
    tpu.vector_store %arg1[%swap3A, %swap3A_6], %mul3A_5 {strides = array<i32>} : memref<8256x128xf32, #tpu.memory_space<vmem>>, vector<8256x128xf32>,
    %reduce_min3A = vector.shape_cast %mul3A_5 : vector<8256x128xf32> to vector<1x8256x128xf32>
    %reduce_min3A_8 = arith.constant dense<0x7F800000> : vector<1xf32>
    %reduce_min3A_9 = vector.multi_reduction <minimumf>, %reduce_min3A, %reduce_min3A_8 [1, 2] : vector<1x8256x128xf32> to vector<1xf32>
    %reduce_min3A_10 = vector.shape_cast %reduce_min3A_9 : vector<1xf32> to vector<1x1x1xf32>
    %reduce_min3A_11 = vector.extract %reduce_min3A_10[0, 0, 0] : f32 from vector<1x1x1xf32>
    %reshape3A = vector.broadcast %reduce_min3A_11 : f32 to vector<1x1xf32>
    %swap3A_12 = arith.constant 0 : index
    %swap3A_13 = arith.constant 0 : index
    %swap3A_14 = vector.load %arg2[%swap3A_12, %swap3A_13] : memref<1x1xf32, #tpu.memory_space<vmem>>, vector<1x1xf32>
    tpu.vector_store %arg2[%swap3A_12, %swap3A_13], %reshape3A {strides = array<i32>} : memref<1x1xf32, #tpu.memory_space<vmem>>, vector<1x1xf32>,
    %reduce_max3A = vector.shape_cast %mul3A_5 : vector<8256x128xf32> to vector<1x8256x128xf32>
    %reduce_max3A_15 = arith.constant dense<0xFF800000> : vector<1xf32>
    %reduce_max3A_16 = vector.multi_reduction <maximumf>, %reduce_max3A, %reduce_max3A_15 [1, 2] : vector<1x8256x128xf32> to vector<1xf32>
    %reduce_max3A_17 = vector.shape_cast %reduce_max3A_16 : vector<1xf32> to vector<1x1x1xf32>
    %reduce_max3A_18 = vector.extract %reduce_max3A_17[0, 0, 0] : f32 from vector<1x1x1xf32>
    %reshape3A_19 = vector.broadcast %reduce_max3A_18 : f32 to vector<1x1xf32>
    %swap3A_20 = arith.constant 0 : index
    %swap3A_21 = arith.constant 0 : index
    %swap3A_22 = vector.load %arg3[%swap3A_20, %swap3A_21] : memref<1x1xf32, #tpu.memory_space<vmem>>, vector<1x1xf32>
    tpu.vector_store %arg3[%swap3A_20, %swap3A_21], %reshape3A_19 {strides = array<i32>} : memref<1x1xf32, #tpu.memory_space<vmem>>, vector<1x1xf32>,
    return
  }
}

module attributes {stable_mosaic.version = 14 : i64} {
  func.func @_tc_finish_kernel(%arg0: memref<8256x128xf32, #tpu.memory_space<vmem>>, %arg1: memref<16xf32, #tpu.memory_space<vmem>>, %arg2: memref<1x1xf32, #tpu.memory_space<vmem>>, %arg3: memref<1x1xf32, #tpu.memory_space<vmem>>, %arg4: memref<8256x128xf32, #tpu.memory_space<vmem>>) attributes {dimension_semantics = [], scalar_prefetch = 0 : i64, scratch_operands = 0 : i64, tpu.core_type = #tpu.core_type<tc>} {
    %get3A = arith.constant 0 : index
    %get3A_0 = vector.load %arg1[%get3A] : memref<16xf32, #tpu.memory_space<vmem>>, vector<16xf32>
    %reduce_max3A = vector.shape_cast %get3A_0 : vector<16xf32> to vector<1x16xf32>
    %reduce_max3A_1 = arith.constant dense<0xFF800000> : vector<1xf32>
    %reduce_max3A_2 = vector.multi_reduction <maximumf>, %reduce_max3A, %reduce_max3A_1 [1] : vector<1x16xf32> to vector<1xf32>
    %reduce_max3A_3 = vector.shape_cast %reduce_max3A_2 : vector<1xf32> to vector<1x1xf32>
    %reduce_max3A_4 = vector.extract %reduce_max3A_3[0, 0] : f32 from vector<1x1xf32>
    %max3A = arith.constant 1.000000e-03 : f32
    %max3A_5 = arith.maximumf %reduce_max3A_4, %max3A : f32
    %log3A = math.log %max3A_5 : f32
    %mul3A = arith.constant 0.434294492 : f32
    %mul3A_6 = arith.mulf %log3A, %mul3A : f32
    %get3A_7 = arith.constant 0 : index
    %get3A_8 = arith.constant 0 : index
    %get3A_9 = vector.load %arg2[%get3A_7, %get3A_8] : memref<1x1xf32, #tpu.memory_space<vmem>>, vector<1x1xf32>
    %reduce_sum3A = vector.shape_cast %get3A_9 : vector<1x1xf32> to vector<1x1x1xf32>
    %reduce_sum3A_10 = arith.constant dense<0.000000e+00> : vector<1xf32>
    %reduce_sum3A_11 = vector.multi_reduction <add>, %reduce_sum3A, %reduce_sum3A_10 [1, 2] : vector<1x1x1xf32> to vector<1xf32>
    %reduce_sum3A_12 = vector.shape_cast %reduce_sum3A_11 : vector<1xf32> to vector<1x1x1xf32>
    %reduce_sum3A_13 = vector.extract %reduce_sum3A_12[0, 0, 0] : f32 from vector<1x1x1xf32>
    %max3A_14 = arith.maximumf %reduce_sum3A_13, %mul3A_6 : f32
    %get3A_15 = arith.constant 0 : index
    %get3A_16 = arith.constant 0 : index
    %get3A_17 = vector.load %arg3[%get3A_15, %get3A_16] : memref<1x1xf32, #tpu.memory_space<vmem>>, vector<1x1xf32>
    %reduce_sum3A_18 = vector.shape_cast %get3A_17 : vector<1x1xf32> to vector<1x1x1xf32>
    %reduce_sum3A_19 = arith.constant dense<0.000000e+00> : vector<1xf32>
    %reduce_sum3A_20 = vector.multi_reduction <add>, %reduce_sum3A_18, %reduce_sum3A_19 [1, 2] : vector<1x1x1xf32> to vector<1xf32>
    %reduce_sum3A_21 = vector.shape_cast %reduce_sum3A_20 : vector<1xf32> to vector<1x1x1xf32>
    %reduce_sum3A_22 = vector.extract %reduce_sum3A_21[0, 0, 0] : f32 from vector<1x1x1xf32>
    %max3A_23 = arith.maximumf %reduce_sum3A_22, %mul3A_6 : f32
    %sub3A = arith.subf %max3A_23, %max3A_14 : f32
    %div3A = arith.constant 1.000000e+00 : f32
    %div3A_24 = arith.divf %div3A, %sub3A : f32
    %get3A_25 = arith.constant 0 : index
    %get3A_26 = arith.constant 0 : index
    %get3A_27 = vector.load %arg0[%get3A_25, %get3A_26] : memref<8256x128xf32, #tpu.memory_space<vmem>>, vector<8256x128xf32>
    %max3A_28 = vector.broadcast %mul3A_6 : f32 to vector<8256x128xf32>
    %max3A_29 = arith.maximumf %get3A_27, %max3A_28 : vector<8256x128xf32>
    %sub3A_30 = vector.broadcast %max3A_14 : f32 to vector<8256x128xf32>
    %sub3A_31 = arith.subf %max3A_29, %sub3A_30 : vector<8256x128xf32>
    %mul3A_32 = vector.broadcast %div3A_24 : f32 to vector<8256x128xf32>
    %mul3A_33 = arith.mulf %sub3A_31, %mul3A_32 : vector<8256x128xf32>
    %swap3A = arith.constant 0 : index
    %swap3A_34 = arith.constant 0 : index
    %swap3A_35 = vector.load %arg4[%swap3A, %swap3A_34] : memref<8256x128xf32, #tpu.memory_space<vmem>>, vector<8256x128xf32>
    tpu.vector_store %arg4[%swap3A, %swap3A_34], %mul3A_33 {strides = array<i32>} : memref<8256x128xf32, #tpu.memory_space<vmem>>, vector<8256x128xf32>,
    return
  }
}

</mosaic_0001>

<sc_bundles>
// kernel: kernel.5.cloned.1.call-start
scs
__scs_entry_jumppad:
0x0: {  	(pc) =	sbr.rel $0x88, $3  }
0x1: {  	(tag) =	ssettag $0x0;
	lr =	simm.s32 $0x1  }
0x2: {  	[smem:$0x3FA0] =	sst lr;
	_ =	strace $0xD0000000  }
0x3: {  	_ = 	snop  }
0x4: {  	_ = 	snop  }
0x5: {  	_ = 	snop  }
0x6: {  	_ = 	snop  }
0x7: {  	_ = 	snop  }
__scs_overlays_trampoline_lowered:
0x8: {  	[smem:$0x3FAF] =	sst s0  }
0x9: {  	[smem:$0x3FB0] =	sst s1  }
0xa: {  	[smem:$0x3FB1] =	sst s2  }
0xb: {  	[smem:$0x3FB2] =	sst s3  }
0xc: {  	[smem:$0x3FB3] =	sst s4  }
0xd: {  	[smem:$0x3FB4] =	sst s5  }
0xe: {  	[smem:$0x3FB5] =	sst s6  }
0xf: {  	[smem:$0x3FB6] =	sst s7  }
0x10: {  	[smem:$0x3FB7] =	sst s8  }
0x11: {  	[smem:$0x3FB8] =	sst s9;
	s0 =	simm.s32 @!p0 $0x0  }
0x12: {  	s1 =	sld [smem:$0x3F9E];
	s0 =	simm.s32 @p0 $0x1  }
0x13: {  	[smem:$0x3FB9] =	sst s0;
	s0 =	simm.s32 @!p1 $0x0  }
0x14: {  	s2 =	sld [smem:$0x3F9D];
	s0 =	simm.s32 @p1 $0x1  }
0x15: {  	[smem:$0x3FBA] =	sst s0;
	s0 =	simm.s32 @!p2 $0x0  }
0x16: {  	s3 =	sld [smem:$0x3FDB];
	s0 =	simm.s32 @p2 $0x1  }
0x17: {  	s4 =	simm.s32 $0x1BF5;
	[smem:$0x3FBC] =	sst s0  }
0x18: {  	s0 =	sld [smem:$0x3F9F];
	_ =	swait.ge [sflag:s4], $0x0  }
0x19: {  	s7 =	sld [smem:$0x3FA0]  }
0x1a: {  	s8 =	sadd.s32 $0xFFFFE003, lr  }
0x1b: {  	s9 =	sadd.s32 $0xFFFFFEF7, lr;
	s5 =	simm.s32 $0xFFFFFFFF;
	p2 =	slt.u32 s8, $0xFFFFF086  }
0x1c: {  	p1 =	slt.u32 s9, $0xF7A;
	s5 =	simm.s32 @!p2 $0x0  }
0x1d: {  	s5 =	simm.s32 @p1 $0x1;
	p0 =	seq.s32 s7, s2  }
0x1e: {  	s7 =	smul.u32 @!p0 $0xF7A, s2;
	p2 =	seq.s32 @!p0 s5, $0x0  }
0x1f: {  	s9 =	smul.u32 $0xF7A, s1;
	s8 =	simm.s32 @!p0 $0x1BF5;
	p2 =	por !p2, p0  }
0x20: {  	[sflag:s8] =	ssyncset.s32 @!p0 $0xFFFFF086;
	s6 =	sadd.s32 @!p0 s3, s7;
	s7 =	simm.s32 @!p0 $0x108  }
0x21: {  	s3 =	sadd.s32 s3, s9;
	s6 =	sadd.s32 @!p0 $0x88, s6;
	s7 =	simm.s32 @p2 $0x1082  }
0x22: {  	[simem:s7], [sflag:s8] =	dma.local @!p0 [hbm:s6], $0xF7A  }
0x23: {  	s9 =	sor.u32 $0xD0000000, s2;
	s6 =	simm.s32 $0x108;
	_ =	swait.ge @!p0 [sflag:s8], $0x0  }
0x24: {  	s3 =	sadd.s32 $0x88, s3;
	s6 =	simm.s32 @!p1 $0x1082;
	[sflag:s4] =	ssyncset.s32 $0xFFFFF086  }
0x25: {  	[simem:s6], [sflag:s4] =	dma.local [hbm:s3], $0xF7A  }
0x26: {  	[smem:$0x3FA0] =	sst s1;
	(tag) =	ssettag s2;
	_ =	strace s9  }
0x27: {  	s1 =	sld [smem:$0x3FB0]  }
0x28: {  	s2 =	sld [smem:$0x3FB1]  }
0x29: {  	s4 =	sld [smem:$0x3FB3]  }
0x2a: {  	p0 =	seq.s32 s5, $0x0;
	s5 =	sld [smem:$0x3FB4]  }
0x2b: {  	s6 =	sld [smem:$0x3FB5]  }
0x2c: {  	s7 =	sld [smem:$0x3FB6]  }
0x2d: {  	s3 =	simm.s32 $0x108;
	s8 =	sld [smem:$0x3FB7]  }
0x2e: {  	s3 =	simm.s32 @!p0 $0x1082;
	s9 =	sld [smem:$0x3FB8]  }
0x2f: {  	lr =	sadd.s32 s0, s3;
	s0 =	sld [smem:$0x3FAF]  }
0x30: {  	s3 =	sld [smem:$0x3FB2]  }
0x31: {  	[smem:$0x3FBB] =	sst s10  }
0x32: {  	s10 =	sld [smem:$0x3FB9];
	_ =	sdelay $0x3  }
0x33: {  	p0 =	seq.s32 s10, $0x1;
	s10 =	sld [smem:$0x3FBB];
	_ =	sdelay $0x3  }
0x34: {  	[smem:$0x3FBB] =	sst s10  }
0x35: {  	s10 =	sld [smem:$0x3FBA];
	_ =	sdelay $0x3  }
0x36: {  	p1 =	seq.s32 s10, $0x1;
	s10 =	sld [smem:$0x3FBB];
	_ =	sdelay $0x3  }
0x37: {  	[smem:$0x3FBB] =	sst s10  }
0x38: {  	s10 =	sld [smem:$0x3FBC]  }
0x39: {  	_ = 	snop;
	(pc) =	sbr.ind lr, $3  }
0x3a: {  	_ = 	snop  }
0x3b: {  	_ = 	snop  }
0x3c: {  	p2 =	seq.s32 s10, $0x1;
	s10 =	sld [smem:$0x3FBB]  }
0x3d: {  	_ =	shalt  }
0x3e: {  	_ =	shalt  }
0x3f: {  	_ =	shalt  }
0x40: {  	_ =	shalt  }
0x41: {  	_ =	shalt  }
0x42: {  	_ =	shalt  }
0x43: {  	_ =	shalt  }
0x44: {  	_ =	shalt  }
0x45: {  	_ =	shalt  }
0x46: {  	_ =	shalt  }
0x47: {  	_ =	shalt  }
0x48: {  	_ =	shalt  }
0x49: {  	_ =	shalt  }
0x4a: {  	_ =	shalt  }
0x4b: {  	_ =	shalt  }
0x4c: {  	_ =	shalt  }
0x4d: {  	_ =	shalt  }
0x4e: {  	_ =	shalt  }
0x4f: {  	_ =	shalt  }
0x50: {  	_ =	shalt  }
0x51: {  	_ =	shalt  }
0x52: {  	_ =	shalt  }
0x53: {  	_ =	shalt  }
0x54: {  	_ =	shalt  }
0x55: {  	_ =	shalt  }
0x56: {  	_ =	shalt  }
0x57: {  	_ =	shalt  }
0x58: {  	_ =	shalt  }
0x59: {  	_ =	shalt  }
0x5a: {  	_ =	shalt  }
0x5b: {  	_ =	shalt  }
0x5c: {  	_ =	shalt  }
0x5d: {  	_ =	shalt  }
0x5e: {  	_ =	shalt  }
0x5f: {  	_ =	shalt  }
0x60: {  	_ =	shalt  }
0x61: {  	_ =	shalt  }
0x62: {  	_ =	shalt  }
0x63: {  	_ =	shalt  }
0x64: {  	_ =	shalt  }
0x65: {  	_ =	shalt  }
0x66: {  	_ =	shalt  }
0x67: {  	_ =	shalt  }
0x68: {  	_ =	shalt  }
0x69: {  	_ =	shalt  }
0x6a: {  	_ =	shalt  }
0x6b: {  	_ =	shalt  }
0x6c: {  	_ =	shalt  }
0x6d: {  	_ =	shalt  }
0x6e: {  	_ =	shalt  }
0x6f: {  	_ =	shalt  }
0x70: {  	_ =	shalt  }
0x71: {  	_ =	shalt  }
0x72: {  	_ =	shalt  }
0x73: {  	_ =	shalt  }
0x74: {  	_ =	shalt  }
0x75: {  	_ =	shalt  }
0x76: {  	_ =	shalt  }
0x77: {  	_ =	shalt  }
0x78: {  	_ =	shalt  }
0x79: {  	_ =	shalt  }
0x7a: {  	_ =	shalt  }
0x7b: {  	_ =	shalt  }
0x7c: {  	_ =	shalt  }
0x7d: {  	_ =	shalt  }
0x7e: {  	_ =	shalt  }
0x7f: {  	_ =	shalt  }
0x80: {  	_ =	shalt  }
0x81: {  	_ =	shalt  }
0x82: {  	_ =	shalt  }
0x83: {  	_ =	shalt  }
0x84: {  	_ =	shalt  }
0x85: {  	_ =	shalt  }
0x86: {  	_ =	shalt  }
0x87: {  	_ =	shalt  }
.Lfunc_end0:
.L_simem_size_0:
called_computation_lowered:
.L_overlay_start_0:
0x88: {  	s2 =	sld [smem:$0x3FD9]  }
0x89: {  	s3 =	sld [smem:$0x3FFE];
	_ =	sdelay $0x1  }
0x8a: {  	s1 =	srdreg.scid  }
0x8b: {  	s0 =	sand.u32 $0x1, s1  }
0x8c: {  	s17 =	sshll.u32 s0, $0xA;
	s2 =	sadd.s32 s3, s2  }
0x8d: {  	s2 =	sadd.s32 s2, s17  }
0x8e: {  	[smem:$0x3FC7] =	sst s2  }
0x8f: {  	_ = 	snop  }
0x90: {  	s2 =	sld [smem:$0x3FD0];
	(tm) =	ssettm $0x1  }
0x91: {  	s18 =	sld [smem:$0x3FFB];
	_ =	sdelay $0x3  }
0x92: {  	_ =	strace s18  }
0x93: {  	s3 =	sld [smem:$0x3FFC];
	_ =	sdelay $0x3  }
0x94: {  	_ =	strace s3  }
0x95: {  	s3 =	sld [smem:$0x3FFD];
	_ =	sdelay $0x3  }
0x96: {  	_ =	strace s3  }
0x97: {  	_ =	strace $0x8FFFFFFF  }
0x98: {  	s19 =	sld [smem:$0x3FDB];
	_ =	sdelay $0x1  }
0x99: {  	s4 =	simm.s32 $_scs_section_size  }
0x9a: {  	s5 =	simm.s32 $_size__tile_overlayer_lowered;
	s6 =	simm.s32 $_tile_overlayer_lowered  }
0x9b: {  	s22 =	simm.s32 $0x1BFF;
	s21 =	sshll.u32 s6, $0x1;
	s3 =	sadd.s32 s4, s19  }
0x9c: {  	s7 =	simm.s32 $0x0;
	s20 =	sshll.u32 s5, $0x1;
	s5 =	sadd.s32 s21, s3  }
0x9d: {  	[timem:s7], [sflag:s22] =	dma.local [hbm:s5], s20  }
0x9e: {  	_ =	swait.ge [sflag:s22], s20  }
0x9f: {  	s4 =	ssub.s32 $0x0, s20;
	[sflag:s22] =	ssyncset.done $0x0  }
0xa0: {  	[sflag:s22] =	ssyncadd.s32 s4;
	_ =	sdelay $0x1  }
0xa1: {  	s23 =	simm.s32 $0x1B8B  }
0xa2: {  	_ =	swait.ge [sflag:s23], $0x1  }
0xa3: {  	[sflag:s23] =	ssyncset.done $0x0  }
0xa4: {  	s25 =	simm.s32 $0x1B8E;
	s24 =	sld [smem:$0x3FFE];
	[sflag:s23] =	ssyncadd.s32 $0xFFFFFFFF  }
0xa5: {  	s26 =	simm.s32 $execute0_lowered;
	[smem:$0x3FD2] =	sst s25  }
0xa6: {  	s5 =	sshll.u32 s26, $0x1;
	_ =	strace $0x80000046;
	[dreg:$0x1] =	wrdreg $0xFFFFFFFF  }
0xa7: {  	s28 =	simm.s32 $_size_execute0_lowered;
	s3 =	sadd.s32 s3, s5;
	[dreg:$0x0] =	wrdreg $0x0  }
0xa8: {  	s5 =	sshll.u32 s28, $0x1;
	[dreg:$0x2] =	wrdreg s3  }
0xa9: {  	[dreg:$0x3] =	wrdreg s5  }
0xaa: {  	[dreg:$0x4] =	wrdreg $0xC0  }
0xab: {  	_ =	task [dreg:s7], $0x5FFFF  }
0xac: {  	[dreg:$0x1] =	wrdreg $0xFFFFFFFF  }
0xad: {  	[dreg:$0x0] =	wrdreg $0x60  }
0xae: {  	[dreg:$0x2] =	wrdreg s2  }
0xaf: {  	[dreg:$0x3] =	wrdreg s24  }
0xb0: {  	[dreg:$0x4] =	wrdreg $0x113800  }
0xb1: {  	[dreg:$0x5] =	wrdreg $0x9  }
0xb2: {  	_ =	task.clear_ibuf [dreg:s7], $0x6FFFF;
	_ =	strace $0x90000046  }
0xb3: {  	s29 =	simm.s32 $0x9;
	_ =	strace $0x80000048  }
0xb4: {  	_ =	swait.ge [sflag:s29], $0x1  }
0xb5: {  	[sflag:s29] =	ssyncadd.s32 $0xFFFFFFFF  }
0xb6: {  	_ =	strace $0x90000048  }
0xb7: {  	_ =	sfence  }
0xb8: {  	s30 =	sld [smem:$0x0];
	_ =	sdelay $0x2  }
0xb9: {  	s31 =	sshll.u32 s1, $0xD;
	s1 =	sshrl.u32 s1, $0x2  }
0xba: {  	s3 =	sand.u32 $0x4000, s31;
	s1 =	sadd.s32 s1, s30  }
0xbb: {  	s0 =	sor.u32 s3, s0;
	s1 =	sshll.u32 s1, $0x11  }
0xbc: {  	s0 =	sor.u32 s1, s0  }
0xbd: {  	s0 =	sadd.s32 $0x8F2B, s0  }
0xbe: {  	[sflag:s0] =	ssyncadd.remote.s32 $0x1  }
0xbf: {  	_ =	sfence.sel $0xFFFF  }
0xc0: {  	[dreg:$0x0] =	wrdreg $0xFFFFFFFF;
	(pc) =	sbr.abs _section_cstart, $3  }
0xc1: {  	[dreg:$0x1] =	wrdreg $0xFFFFFFFF  }
0xc2: {  	_ =	task.clear_ibuf [dreg:s7], $0x2FFFF;
	_ =	strace $0x9FFFFFFF  }
0xc3: {  	(tm) =	ssettm $0x7FFFFFFF  }
tec
execute0_lowered:
.L_overlay_start_1:
0x0: {  	(tag) =	ssettag $0x1  }
0x1: {  	s1 =	srdreg.scid  }
0x2: {  	s1 =	sand.u32 $0x1, s1  }
0x3: {  	p0 =	seq.s32 s1, $0x1  }
.Ltmp0:
0x4: {  	s3 =	rddreg [dreg:$0x0];
	(pc) =	sbr.rel @p0 .LBB2_26-.Ltmp0, $4  }
0x5: {  	s2 =	rddreg [dreg:$0x1]  }
0x6: {  	s7 =	rddreg [dreg:$0x2];
	s4 =	simm.s32 $0x0  }
0x7: {  	[smem:$0x7FF] =	sst s4  }
0x8: {  	s0 =	rddreg [dreg:$0x3];
	_ =	strace $0x80000047;
	s1 =	stileid.u32  }
0x9: {  	s5 =	smul.u32 $0x2040, s1;
	_ =	sdelay $0x1  }
0xa: {  	s30 =	simm.s32 $0x1;
	s3 =	sadd.s32 s3, s5  }
0xb: {  	[tilespmem:s4], [sflag:$0x1] =	stream.linear.gather [hbm4b:s3+s4], $0x10200, $0x38;
	[tilespmem:$0x11780] =	vst v63  }
0xc: {  	_ =	swait.ge [sflag:s30], $0x10200  }
0xd: {  	[sflag:s30] =	ssyncset.done $0x0  }
0xe: {  	s9 =	simm.s32 $0x10240;
	v0 =	vimm.s32 $0x0;
	[sflag:s30] =	ssyncadd.s32 $0xFFFEFE00  }
0xf: {  	[tilespmem:s9+$0xFFFFFFC0] =	vst v0  }
0x10: {  	[tilespmem:s9+$0x30] =	vst v0  }
0x11: {  	[tilespmem:s9+$0x20] =	vst v0  }
0x12: {  	s31 =	sshll.u32 s1, $0x8;
	[tilespmem:s9+$0x10] =	vst v0  }
0x13: {  	s8 =	sadd.s32 s31, s7;
	[tilespmem:s9+$0x0] =	vst v0  }
0x14: {  	s2 =	sadd.s32 $0xC00, s2;
	s10 =	simm.s32 $0x0;
	s6 =	sadd.s32 $0x1000, s8;
	[tilespmem:s9+$0xFFFFFFF0] =	vst v0  }
0x15: {  	s5 =	sadd.s32 $0x1000, s7;
	s4 =	sadd.s32 $0x2000, s8;
	s3 =	sadd.s32 $0x2000, s7;
	[tilespmem:s9+$0xFFFFFFE0] =	vst v0  }
.LBB2_2:
0x16: {  	s10 =	sadd.s32 $0x8, s10;
	[tilespmem:s9+$0xFFFFFFD0] =	vst v0;
	s9 =	sadd.s32 $0x80, s9  }
0x17: {  	[tilespmem:s9+$0xFFFFFFC0] =	vst v0;
	p0 =	slt.u32 s10, $0xF8  }
0x18: {  	[tilespmem:s9+$0x30] =	vst v0  }
.Ltmp1:
0x19: {  	[tilespmem:s9+$0x20] =	vst v0;
	(pc) =	sbr.rel @p0 .LBB2_2-.Ltmp1, $4  }
0x1a: {  	[tilespmem:s9+$0x10] =	vst v0  }
0x1b: {  	[tilespmem:s9+$0x0] =	vst v0  }
0x1c: {  	[tilespmem:s9+$0xFFFFFFF0] =	vst v0  }
0x1d: {  	[tilespmem:s9+$0xFFFFFFE0] =	vst v0  }
0x1e: {  	[tilespmem:s9+$0xFFFFFFD0] =	vst v0;
	s11 =	simm.s32 $0x40  }
0x1f: {  	v2 =	vld [tilespmem:s11+$0x30]  }
0x20: {  	v3 =	vld [tilespmem:s11+$0xFFFFFFD0]  }
0x21: {  	v4 =	vld [tilespmem:s11+$0xFFFFFFE0]  }
0x22: {  	v5 =	vld [tilespmem:s11+$0xFFFFFFF0]  }
0x23: {  	v6 =	vld [tilespmem:s11+$0x0]  }
0x24: {  	v0 =	vlaneseq.u32;
	v7 =	vld [tilespmem:s11+$0x10]  }
0x25: {  	v1 =	vmul.u32 $0x100, v0;
	v10 =	vld [tilespmem:s11+$0x20]  }
0x26: {  	v0 =	vimm.s32 $0x1;
	v8 =	vsub.s32 $0x80000000, v2;
	vm0 =	vlt.s32 v2, $0x0  }
0x27: {  	v9 =	vsub.s32 $0x80000000, v3;
	vm1 =	vlt.s32 v3, $0x0;
	v11 =	vsub.s32 $0x80000000, v4  }
0x28: {  	vm14 =	vlt.s32 v4, $0x0;
	v13 =	vsub.s32 $0x80000000, v5;
	vm2 =	vlt.s32 v5, $0x0  }
0x29: {  	v15 =	vsub.s32 $0x80000000, v6;
	vm3 =	vlt.s32 v6, $0x0;
	v16 =	vsub.s32 $0x80000000, v7  }
0x2a: {  	vm4 =	vlt.s32 v7, $0x0;
	v17 =	vsub.s32 $0x80000000, v10;
	vm15 =	vlt.s32 v10, $0x0  }
0x2b: {  	v2 =	vsel vm0, v8, v2;
	v3 =	vsel vm1, v9, v3;
	v9 =	vsel vm14, v11, v4  }
0x2c: {  	v5 =	vsel vm2, v13, v5;
	v11 =	vsel vm3, v15, v6;
	v7 =	vsel vm4, v16, v7  }
0x2d: {  	v13 =	vsel vm15, v17, v10;
	v12 =	vxor.u32 $0x80000000, v2;
	v2 =	vshrl.u32 v2, $0x18  }
0x2e: {  	v6 =	vxor.u32 $0x80000000, v3;
	v10 =	vxor.u32 $0x80000000, v9;
	v15 =	vxor.u32 $0x80000000, v11  }
0x2f: {  	v16 =	vxor.u32 $0x80000000, v7;
	v17 =	vxor.u32 $0x80000000, v13;
	v7 =	vshrl.u32 v7, $0x18  }
0x30: {  	v8 =	vld [tilespmem:s11+$0xFFFFFFC0];
	v14 =	vshrl.u32 v12, $0x18;
	v2 =	vand.u32 $0x7F, v2;
	v18 =	vshrl.u32 v6, $0x18  }
0x31: {  	v19 =	vshrl.u32 v10, $0x18;
	v20 =	vshrl.u32 v15, $0x18;
	v21 =	vshrl.u32 v16, $0x18  }
0x32: {  	v22 =	vshrl.u32 v17, $0x18;
	[tilespmem:s11+$0xFFFFFFE0] =	vst v10;
	v10 =	vshrl.u32 v3, $0x18;
	v14 =	vand.u32 $0x80, v14  }
0x33: {  	[tilespmem:s11+$0xFFFFFFD0] =	vst v6;
	v6 =	vshrl.u32 v5, $0x18;
	v3 =	vshrl.u32 v11, $0x18;
	v14 =	vor.u32 v1, v14  }
0x34: {  	v18 =	vand.u32 $0x80, v18;
	v19 =	vand.u32 $0x80, v19;
	v2 =	vor.u32 v2, v14  }
0x35: {  	[tilespmem:s11+$0x30] =	vst v12;
	v21 =	vand.u32 $0x80, v21;
	v14 =	vsub.s32 $0x80000000, v8;
	vm5 =	vlt.s32 v8, $0x0  }
0x36: {  	[tilespmem:s11+$0x0] =	vst v15;
	v20 =	vand.u32 $0x80, v20;
	v11 =	vor.u32 v1, v21;
	v8 =	vsel vm5, v14, v8  }
0x37: {  	[tilespmem:s11+$0x10] =	vst v16;
	v14 =	vxor.u32 $0x80000000, v5;
	v5 =	vshrl.u32 v13, $0x18;
	v4 =	vxor.u32 $0x80000000, v8  }
0x38: {  	s9 =	simm.s32 $0x10200;
	v13 =	vor.u32 v1, v18;
	v12 =	vshrl.u32 v4, $0x18;
	[tilespmem:s11+$0xFFFFFFC0] =	vst v4;
	v4 =	vshrl.u32 v8, $0x18  }
0x39: {  	v8 =	vshrl.u32 v9, $0x18;
	v12 =	vand.u32 $0x80, v12;
	[tilespmem:v2+s9+$0x0] =	vst.idx.add.s32.msk $0xffff, v0;
	v2 =	vshrl.u32 v14, $0x18  }
0x3a: {  	[tilespmem:s11+$0x20] =	vst v17;
	v9 =	vor.u32 v1, v20;
	v15 =	vor.u32 v1, v12;
	v23 =	vand.u32 $0x80, v2  }
0x3b: {  	s10 =	simm.s32 $0x0;
	[tilespmem:s11+$0xFFFFFFF0] =	vst v14;
	s11 =	simm.s32 $0xC0;
	v12 =	vor.u32 v1, v19;
	v2 =	vand.u32 $0x80, v22;
	v14 =	vor.u32 v1, v23  }
.LBB2_4:
0x3c: {  	v16 =	vld [tilespmem:s11+$0x30];
	s10 =	sadd.s32 $0x8, s10;
	v4 =	vand.u32 $0x7F, v4;
	v10 =	vand.u32 $0x7F, v10;
	v2 =	vor.u32 v1, v2  }
0x3d: {  	v8 =	vand.u32 $0x7F, v8;
	v6 =	vand.u32 $0x7F, v6;
	v3 =	vand.u32 $0x7F, v3;
	v17 =	vld [tilespmem:s11+$0xFFFFFFD0];
	p0 =	slt.u32 s10, $0x1018  }
0x3e: {  	v7 =	vand.u32 $0x7F, v7;
	v5 =	vand.u32 $0x7F, v5;
	v4 =	vor.u32 v4, v15;
	v18 =	vld [tilespmem:s11+$0xFFFFFFE0]  }
0x3f: {  	v10 =	vor.u32 v10, v13;
	v8 =	vor.u32 v8, v12;
	v6 =	vor.u32 v6, v14;
	v15 =	vld [tilespmem:s11+$0xFFFFFFF0]  }
0x40: {  	v3 =	vor.u32 v3, v9;
	v7 =	vor.u32 v7, v11;
	v2 =	vor.u32 v5, v2;
	v12 =	vld [tilespmem:s11+$0x0]  }
0x41: {  	v5 =	vld [tilespmem:s11+$0x10];
	v9 =	vsub.s32 $0x80000000, v16;
	vm1 =	vlt.s32 v16, $0x0  }
0x42: {  	v11 =	vsub.s32 $0x80000000, v17;
	vm0 =	vlt.s32 v17, $0x0;
	v13 =	vld [tilespmem:s11+$0x20];
	v9 =	vsel vm1, v9, v16  }
0x43: {  	v14 =	vld [tilespmem:s11+$0xFFFFFFC0];
	v16 =	vsub.s32 $0x80000000, v18;
	vm1 =	vlt.s32 v18, $0x0;
	v19 =	vxor.u32 $0x80000000, v9  }
0x44: {  	v20 =	vsub.s32 $0x80000000, v15;
	vm2 =	vlt.s32 v15, $0x0;
	v21 =	vshrl.u32 v19, $0x18;
	[tilespmem:v4+s9+$0x0] =	vst.idx.add.s32.msk $0xffff, v0  }
0x45: {  	v9 =	vshrl.u32 v9, $0x18;
	v4 =	vsub.s32 $0x80000000, v12;
	v21 =	vand.u32 $0x80, v21;
	[tilespmem:v10+s9+$0x0] =	vst.idx.add.s32.msk $0xffff, v0  }
0x46: {  	v9 =	vand.u32 $0x7F, v9;
	vm3 =	vlt.s32 v12, $0x0;
	v10 =	vor.u32 v1, v21;
	[tilespmem:v8+s9+$0x0] =	vst.idx.add.s32.msk $0xffff, v0  }
0x47: {  	v8 =	vsub.s32 $0x80000000, v5;
	vm4 =	vlt.s32 v5, $0x0;
	v9 =	vor.u32 v9, v10;
	[tilespmem:v6+s9+$0x0] =	vst.idx.add.s32.msk $0xffff, v0  }
0x48: {  	v10 =	vsub.s32 $0x80000000, v13;
	v6 =	vsub.s32 $0x80000000, v14;
	vm5 =	vlt.s32 v14, $0x0;
	[tilespmem:v7+s9+$0x0] =	vst.idx.add.s32.msk $0xffff, v0  }
0x49: {  	v7 =	vsel vm0, v11, v17;
	vm0 =	vlt.s32 v13, $0x0;
	v6 =	vsel vm5, v6, v14;
	[tilespmem:v2+s9+$0x0] =	vst.idx.add.s32.msk $0xffff, v0  }
0x4a: {  	v12 =	vsel vm3, v4, v12;
	v11 =	vsel vm1, v16, v18;
	v14 =	vsel vm2, v20, v15  }
0x4b: {  	v5 =	vsel vm4, v8, v5;
	v13 =	vsel vm0, v10, v13;
	v2 =	vxor.u32 $0x80000000, v6;
	[tilespmem:s11+$0x30] =	vst v19  }
0x4c: {  	v4 =	vxor.u32 $0x80000000, v7;
	v8 =	vxor.u32 $0x80000000, v11;
	v10 =	vxor.u32 $0x80000000, v14;
	[tilespmem:v9+s9+$0x0] =	vst.idx.add.s32.msk $0xffff, v0  }
0x4d: {  	v15 =	vxor.u32 $0x80000000, v5;
	v16 =	vxor.u32 $0x80000000, v13;
	v9 =	vxor.u32 $0x80000000, v12;
	[tilespmem:s11+$0xFFFFFFC0] =	vst v2  }
0x4e: {  	v17 =	vshrl.u32 v4, $0x18;
	v18 =	vshrl.u32 v8, $0x18;
	v2 =	vshrl.u32 v2, $0x18;
	[tilespmem:v3+s9+$0x0] =	vst.idx.add.s32.msk $0xffff, v0  }
0x4f: {  	v19 =	vshrl.u32 v15, $0x18;
	v3 =	vshrl.u32 v10, $0x18;
	[tilespmem:s11+$0xFFFFFFD0] =	vst v4;
	v4 =	vshrl.u32 v9, $0x18  }
0x50: {  	v17 =	vand.u32 $0x80, v17;
	v20 =	vand.u32 $0x80, v2;
	v2 =	vshrl.u32 v16, $0x18;
	[tilespmem:s11+$0xFFFFFFE0] =	vst v8  }
0x51: {  	v18 =	vand.u32 $0x80, v18;
	v21 =	vand.u32 $0x80, v3;
	v22 =	vand.u32 $0x80, v4;
	[tilespmem:s11+$0xFFFFFFF0] =	vst v10  }
.Ltmp2:
0x52: {  	v19 =	vand.u32 $0x80, v19;
	v2 =	vand.u32 $0x80, v2;
	v4 =	vshrl.u32 v6, $0x18;
	[tilespmem:s11+$0x0] =	vst v9;
	(pc) =	sbr.rel @p0 .LBB2_4-.Ltmp2, $4  }
0x53: {  	v8 =	vshrl.u32 v11, $0x18;
	v6 =	vshrl.u32 v14, $0x18;
	v10 =	vshrl.u32 v7, $0x18;
	[tilespmem:s11+$0x10] =	vst v15  }
0x54: {  	v3 =	vshrl.u32 v12, $0x18;
	v7 =	vshrl.u32 v5, $0x18;
	v5 =	vshrl.u32 v13, $0x18;
	[tilespmem:s11+$0x20] =	vst v16  }
0x55: {  	v12 =	vor.u32 v1, v18;
	v13 =	vor.u32 v1, v17;
	v15 =	vor.u32 v1, v20  }
0x56: {  	v14 =	vor.u32 v1, v21;
	v11 =	vor.u32 v1, v19;
	v9 =	vor.u32 v1, v22;
	s11 =	sadd.s32 $0x80, s11  }
0x57: {  	v4 =	vand.u32 $0x7F, v4  }
0x58: {  	v10 =	vand.u32 $0x7F, v10;
	v4 =	vor.u32 v4, v15  }
0x59: {  	v8 =	vand.u32 $0x7F, v8;
	v10 =	vor.u32 v10, v13  }
0x5a: {  	v6 =	vand.u32 $0x7F, v6;
	v8 =	vor.u32 v8, v12  }
0x5b: {  	v7 =	vand.u32 $0x7F, v7;
	v6 =	vor.u32 v6, v14  }
0x5c: {  	v1 =	vor.u32 v1, v2;
	v2 =	vand.u32 $0x7F, v5;
	v5 =	vor.u32 v7, v11  }
0x5d: {  	v3 =	vand.u32 $0x7F, v3;
	v1 =	vor.u32 v2, v1;
	[tilespmem:v4+s9+$0x0] =	vst.idx.add.s32.msk $0xffff, v0  }
0x5e: {  	v2 =	vor.u32 v3, v9;
	[tilespmem:v10+s9+$0x0] =	vst.idx.add.s32.msk $0xffff, v0  }
0x5f: {  	[tilespmem:v8+s9+$0x0] =	vst.idx.add.s32.msk $0xffff, v0  }
0x60: {  	[tilespmem:v6+s9+$0x0] =	vst.idx.add.s32.msk $0xffff, v0  }
0x61: {  	[tilespmem:v5+s9+$0x0] =	vst.idx.add.s32.msk $0xffff, v0  }
0x62: {  	[tilespmem:v1+s9+$0x0] =	vst.idx.add.s32.msk $0xffff, v0  }
0x63: {  	s11 =	simm.s32 $0x10A10;
	s31 =	simm.s32 $0x0;
	[tilespmem:v2+s9+$0x0] =	vst.idx.add.s32.msk $0xffff, v0  }
0x64: {  	s9 =	sand.u32 $0xC0, s31;
	v0 =	vld [tilespmem:s11+$0xFFFFF7F0]  }
0x65: {  	v1 =	vld [tilespmem:s9+$0x10300]  }
0x66: {  	v2 =	vld [tilespmem:s9+$0x10400]  }
0x67: {  	v3 =	vld [tilespmem:s9+$0x10500]  }
0x68: {  	v4 =	vld [tilespmem:s9+$0x10600]  }
0x69: {  	v5 =	vld [tilespmem:s9+$0x10700]  }
0x6a: {  	v6 =	vld [tilespmem:s9+$0x10800]  }
0x6b: {  	v7 =	vld [tilespmem:s9+$0x10900]  }
0x6c: {  	v8 =	vld [tilespmem:s9+$0x10A00]  }
0x6d: {  	v43 =	vld [tilespmem:s9+$0x10B00]  }
0x6e: {  	v10 =	vld [tilespmem:s9+$0x10C00]  }
0x6f: {  	v44 =	vld [tilespmem:s9+$0x10D00]  }
0x70: {  	v45 =	vld [tilespmem:s9+$0x10E00]  }
0x71: {  	v46 =	vld [tilespmem:s9+$0x10F00]  }
0x72: {  	v47 =	vld [tilespmem:s9+$0x11000]  }
0x73: {  	v48 =	vld [tilespmem:s9+$0x11100]  }
0x74: {  	v16 =	vld [tilespmem:s11+$0xFFFFF800]  }
0x75: {  	v17 =	vld [tilespmem:s11+$0xFFFFF900]  }
0x76: {  	v18 =	vld [tilespmem:s11+$0xFFFFF810]  }
0x77: {  	v19 =	vld [tilespmem:s11+$0xFFFFF910]  }
0x78: {  	v20 =	vld [tilespmem:s11+$0xFFFFF820]  }
0x79: {  	v21 =	vld [tilespmem:s11+$0xFFFFF920]  }
0x7a: {  	v22 =	vld [tilespmem:s11+$0xFFFFFA00]  }
0x7b: {  	v23 =	vld [tilespmem:s11+$0xFFFFFA10]  }
0x7c: {  	v24 =	vld [tilespmem:s11+$0xFFFFFA20]  }
0x7d: {  	v25 =	vld [tilespmem:s11+$0xFFFFFB00]  }
0x7e: {  	v26 =	vld [tilespmem:s11+$0xFFFFFB10]  }
0x7f: {  	v27 =	vld [tilespmem:s11+$0xFFFFFB20]  }
0x80: {  	v28 =	vld [tilespmem:s11+$0xFFFFFC00]  }
0x81: {  	v29 =	vld [tilespmem:s11+$0xFFFFFC10]  }
0x82: {  	v30 =	vld [tilespmem:s11+$0xFFFFFC20]  }
0x83: {  	v31 =	vld [tilespmem:s11+$0xFFFFFD00]  }
0x84: {  	v32 =	vld [tilespmem:s11+$0xFFFFFD10]  }
0x85: {  	v33 =	vld [tilespmem:s11+$0xFFFFFD20]  }
0x86: {  	v34 =	vld [tilespmem:s11+$0xFFFFFE00]  }
0x87: {  	v35 =	vld [tilespmem:s11+$0xFFFFFE10]  }
0x88: {  	v49 =	vld [tilespmem:s11+$0x110];
	v0 =	vadd.s32 v0, v1  }
0x89: {  	v50 =	vld [tilespmem:s11+$0x120];
	v0 =	vadd.s32 v2, v0  }
0x8a: {  	v51 =	vld [tilespmem:s11+$0x200];
	v0 =	vadd.s32 v3, v0  }
0x8b: {  	v52 =	vld [tilespmem:s11+$0x210];
	v0 =	vadd.s32 v4, v0  }
0x8c: {  	v53 =	vld [tilespmem:s11+$0x220];
	v0 =	vadd.s32 v5, v0  }
0x8d: {  	v54 =	vld [tilespmem:s11+$0x300];
	v0 =	vadd.s32 v6, v0  }
0x8e: {  	v55 =	vld [tilespmem:s11+$0x310];
	v0 =	vadd.s32 v7, v0  }
0x8f: {  	v58 =	vld [tilespmem:s11+$0x320];
	v0 =	vadd.s32 v8, v0  }
0x90: {  	v59 =	vld [tilespmem:s11+$0x400];
	v0 =	vadd.s32 v43, v0  }
0x91: {  	v60 =	vld [tilespmem:s11+$0x410];
	v0 =	vadd.s32 v10, v0  }
0x92: {  	v1 =	vld [tilespmem:s11+$0xFFFFFE20];
	v0 =	vadd.s32 v44, v0  }
0x93: {  	v2 =	vld [tilespmem:s11+$0xFFFFFF00];
	v0 =	vadd.s32 v45, v0  }
0x94: {  	v3 =	vld [tilespmem:s11+$0xFFFFFF10];
	v0 =	vadd.s32 v46, v0  }
0x95: {  	v4 =	vld [tilespmem:s11+$0xFFFFFF20];
	v0 =	vadd.s32 v47, v0  }
0x96: {  	v5 =	vld [tilespmem:s11+$0x0];
	v15 =	vadd.s32 v48, v0;
	v0 =	vadd.s32 v16, v17  }
0x97: {  	v56 =	vadd.s32 v18, v19;
	v57 =	vadd.s32 v20, v21;
	v6 =	vld [tilespmem:s11+$0x10];
	v0 =	vadd.s32 v22, v0  }
0x98: {  	v18 =	vadd.s32 v24, v57;
	v7 =	vld [tilespmem:s11+$0x20];
	v17 =	vadd.s32 v23, v56;
	v0 =	vadd.s32 v25, v0  }
0x99: {  	v18 =	vadd.s32 v27, v18;
	v8 =	vld [tilespmem:s11+$0x100];
	v17 =	vadd.s32 v26, v17;
	v0 =	vadd.s32 v28, v0  }
0x9a: {  	v61 =	vld [tilespmem:s11+$0x420];
	v18 =	vadd.s32 v30, v18;
	v17 =	vadd.s32 v29, v17;
	v0 =	vadd.s32 v31, v0  }
0x9b: {  	v62 =	vld [tilespmem:s11+$0x500];
	v18 =	vadd.s32 v33, v18;
	v17 =	vadd.s32 v32, v17;
	v0 =	vadd.s32 v34, v0  }
0x9c: {  	v63 =	vld [tilespmem:s11+$0x510];
	v1 =	vadd.s32 v1, v18;
	v17 =	vadd.s32 v35, v17;
	v0 =	vadd.s32 v2, v0  }
0x9d: {  	v1 =	vadd.s32 v4, v1;
	v4 =	vld [tilespmem:s11+$0x520];
	v2 =	vadd.s32 v3, v17;
	v0 =	vadd.s32 v5, v0  }
0x9e: {  	v1 =	vadd.s32 v7, v1;
	v2 =	vadd.s32 v6, v2;
	v6 =	vld [tilespmem:s11+$0x600];
	v0 =	vadd.s32 v8, v0  }
0x9f: {  	v1 =	vadd.s32 v50, v1;
	v2 =	vadd.s32 v49, v2;
	v3 =	vadd.s32 v51, v0;
	v0 =	vld [tilespmem:s11+$0x610]  }
0xa0: {  	v5 =	vadd.s32 v53, v1;
	v1 =	vld [tilespmem:s11+$0x620];
	v2 =	vadd.s32 v52, v2;
	v3 =	vadd.s32 v54, v3  }
0xa1: {  	v5 =	vadd.s32 v58, v5;
	v7 =	vadd.s32 v55, v2;
	v2 =	vld [tilespmem:s11+$0x700];
	v3 =	vadd.s32 v59, v3  }
0xa2: {  	s9 =	simm.s32 $0x11220;
	v5 =	vadd.s32 v61, v5;
	v7 =	vadd.s32 v60, v7;
	v8 =	vadd.s32 v62, v3;
	v3 =	vld [tilespmem:s11+$0x710]  }
0xa3: {  	s10 =	simm.s32 $0x0;
	s12 =	simm.s32 $0x40;
	[tilespmem:s9+$0xFFFFFFE0] =	vst v15;
	v5 =	vadd.s32 v4, v5;
	v4 =	vld [tilespmem:s11+$0x720];
	v7 =	vadd.s32 v63, v7;
	s11 =	simm.s32 $0x10A50;
	v6 =	vadd.s32 v6, v8  }
.LBB2_6:
0xa4: {  	v8 =	vld [tilespmem:s11+$0xFFFFF7F0];
	s13 =	sand.u32 $0xC0, s12;
	s10 =	sadd.s32 $0x4, s10;
	v0 =	vadd.s32 v0, v7  }
0xa5: {  	v7 =	vld [tilespmem:s13+$0x10300];
	p0 =	slt.u32 s10, $0xC;
	v1 =	vadd.s32 v1, v5  }
0xa6: {  	v5 =	vld [tilespmem:s13+$0x10400];
	v2 =	vadd.s32 v2, v6  }
0xa7: {  	v6 =	vld [tilespmem:s13+$0x10500];
	[tilespmem:s9+$0xFFFFFFF0] =	vst v2;
	v0 =	vadd.s32 v3, v0  }
0xa8: {  	v2 =	vld [tilespmem:s13+$0x10600];
	[tilespmem:s9+$0x0] =	vst v0;
	v0 =	vadd.s32 v4, v1  }
0xa9: {  	v1 =	vld [tilespmem:s13+$0x10700];
	[tilespmem:s9+$0x10] =	vst v0  }
0xaa: {  	v0 =	vadd.s32 v8, v7;
	v3 =	vld [tilespmem:s13+$0x10800]  }
0xab: {  	v0 =	vadd.s32 v5, v0;
	v4 =	vld [tilespmem:s13+$0x10900]  }
0xac: {  	v0 =	vadd.s32 v6, v0;
	v5 =	vld [tilespmem:s13+$0x10A00]  }
0xad: {  	v0 =	vadd.s32 v2, v0;
	v2 =	vld [tilespmem:s13+$0x10B00]  }
0xae: {  	v0 =	vadd.s32 v1, v0;
	v1 =	vld [tilespmem:s13+$0x10C00]  }
0xaf: {  	v0 =	vadd.s32 v3, v0;
	v3 =	vld [tilespmem:s13+$0x10D00]  }
0xb0: {  	v0 =	vadd.s32 v4, v0;
	v4 =	vld [tilespmem:s13+$0x10E00]  }
0xb1: {  	v0 =	vadd.s32 v5, v0;
	v5 =	vld [tilespmem:s13+$0x10F00]  }
0xb2: {  	v0 =	vadd.s32 v2, v0;
	v2 =	vld [tilespmem:s13+$0x11000]  }
0xb3: {  	v0 =	vadd.s32 v1, v0;
	v1 =	vld [tilespmem:s13+$0x11100]  }
0xb4: {  	v0 =	vadd.s32 v3, v0;
	v3 =	vld [tilespmem:s11+$0xFFFFF800]  }
0xb5: {  	v0 =	vadd.s32 v4, v0;
	v4 =	vld [tilespmem:s11+$0xFFFFF900]  }
0xb6: {  	v0 =	vadd.s32 v5, v0;
	v5 =	vld [tilespmem:s11+$0xFFFFF810]  }
0xb7: {  	v0 =	vadd.s32 v2, v0;
	v2 =	vld [tilespmem:s11+$0xFFFFF910]  }
0xb8: {  	s9 =	sadd.s32 $0x40, s9;
	v0 =	vadd.s32 v1, v0;
	v1 =	vld [tilespmem:s11+$0xFFFFF820]  }
0xb9: {  	[tilespmem:s9+$0xFFFFFFE0] =	vst v0;
	v0 =	vld [tilespmem:s11+$0xFFFFF920]  }
0xba: {  	v3 =	vadd.s32 v3, v4;
	v4 =	vld [tilespmem:s11+$0xFFFFFA00]  }
0xbb: {  	v6 =	vld [tilespmem:s11+$0xFFFFFA10]  }
0xbc: {  	v2 =	vadd.s32 v5, v2;
	v5 =	vld [tilespmem:s11+$0xFFFFFA20]  }
0xbd: {  	v7 =	vld [tilespmem:s11+$0xFFFFFB00]  }
0xbe: {  	v8 =	vld [tilespmem:s11+$0xFFFFFB10];
	v0 =	vadd.s32 v1, v0  }
0xbf: {  	v1 =	vadd.s32 v4, v3;
	v3 =	vld [tilespmem:s11+$0xFFFFFB20]  }
0xc0: {  	v4 =	vld [tilespmem:s11+$0xFFFFFC00];
	v2 =	vadd.s32 v6, v2  }
0xc1: {  	v6 =	vld [tilespmem:s11+$0xFFFFFC10];
	v0 =	vadd.s32 v5, v0  }
0xc2: {  	v1 =	vadd.s32 v7, v1;
	v5 =	vld [tilespmem:s11+$0xFFFFFC20]  }
0xc3: {  	v7 =	vld [tilespmem:s11+$0xFFFFFD00];
	v2 =	vadd.s32 v8, v2  }
0xc4: {  	v8 =	vld [tilespmem:s11+$0xFFFFFD10];
	v0 =	vadd.s32 v3, v0  }
0xc5: {  	v1 =	vadd.s32 v4, v1;
	v3 =	vld [tilespmem:s11+$0xFFFFFD20]  }
0xc6: {  	v4 =	vld [tilespmem:s11+$0xFFFFFE00];
	v2 =	vadd.s32 v6, v2  }
0xc7: {  	v6 =	vld [tilespmem:s11+$0xFFFFFE10];
	v0 =	vadd.s32 v5, v0  }
0xc8: {  	v1 =	vadd.s32 v7, v1;
	v5 =	vld [tilespmem:s11+$0xFFFFFE20]  }
0xc9: {  	v7 =	vld [tilespmem:s11+$0xFFFFFF00];
	v2 =	vadd.s32 v8, v2  }
0xca: {  	v8 =	vld [tilespmem:s11+$0xFFFFFF10];
	v0 =	vadd.s32 v3, v0  }
0xcb: {  	v1 =	vadd.s32 v4, v1;
	v3 =	vld [tilespmem:s11+$0xFFFFFF20]  }
0xcc: {  	v4 =	vld [tilespmem:s11+$0x0];
	v2 =	vadd.s32 v6, v2  }
0xcd: {  	v6 =	vld [tilespmem:s11+$0x10];
	v0 =	vadd.s32 v5, v0  }
0xce: {  	v1 =	vadd.s32 v7, v1;
	v5 =	vld [tilespmem:s11+$0x20]  }
0xcf: {  	v7 =	vld [tilespmem:s11+$0x100];
	v2 =	vadd.s32 v8, v2  }
0xd0: {  	v8 =	vld [tilespmem:s11+$0x110];
	v0 =	vadd.s32 v3, v0  }
0xd1: {  	v1 =	vadd.s32 v4, v1;
	v3 =	vld [tilespmem:s11+$0x120]  }
0xd2: {  	v4 =	vld [tilespmem:s11+$0x200];
	v2 =	vadd.s32 v6, v2  }
0xd3: {  	v6 =	vld [tilespmem:s11+$0x210];
	v0 =	vadd.s32 v5, v0  }
0xd4: {  	v1 =	vadd.s32 v7, v1;
	v5 =	vld [tilespmem:s11+$0x220]  }
0xd5: {  	v7 =	vld [tilespmem:s11+$0x300];
	v2 =	vadd.s32 v8, v2  }
0xd6: {  	v8 =	vld [tilespmem:s11+$0x310];
	v0 =	vadd.s32 v3, v0  }
0xd7: {  	v1 =	vadd.s32 v4, v1;
	v3 =	vld [tilespmem:s11+$0x320]  }
0xd8: {  	v4 =	vld [tilespmem:s11+$0x400];
	v2 =	vadd.s32 v6, v2  }
0xd9: {  	v6 =	vld [tilespmem:s11+$0x410];
	v0 =	vadd.s32 v5, v0  }
0xda: {  	v1 =	vadd.s32 v7, v1;
	v5 =	vld [tilespmem:s11+$0x420]  }
0xdb: {  	v7 =	vld [tilespmem:s11+$0x500];
	v2 =	vadd.s32 v8, v2  }
0xdc: {  	v8 =	vld [tilespmem:s11+$0x510];
	v3 =	vadd.s32 v3, v0  }
0xdd: {  	v1 =	vadd.s32 v4, v1;
	v4 =	vld [tilespmem:s11+$0x520]  }
0xde: {  	v9 =	vld [tilespmem:s11+$0x600];
	v6 =	vadd.s32 v6, v2  }
.Ltmp3:
0xdf: {  	v0 =	vld [tilespmem:s11+$0x610];
	v5 =	vadd.s32 v5, v3;
	(pc) =	sbr.rel @p0 .LBB2_6-.Ltmp3, $4  }
0xe0: {  	v10 =	vadd.s32 v7, v1;
	v1 =	vld [tilespmem:s11+$0x620]  }
0xe1: {  	v2 =	vld [tilespmem:s11+$0x700];
	v7 =	vadd.s32 v8, v6  }
0xe2: {  	v3 =	vld [tilespmem:s11+$0x710];
	v5 =	vadd.s32 v4, v5  }
0xe3: {  	s12 =	sadd.s32 $0x40, s12;
	v6 =	vadd.s32 v9, v10;
	v4 =	vld [tilespmem:s11+$0x720];
	s11 =	sadd.s32 $0x40, s11  }
0xe4: {  	_ =	sdelay $0x1  }
0xe5: {  	v0 =	vadd.s32 v0, v7;
	v2 =	vadd.s32 v2, v6  }
0xe6: {  	v1 =	vadd.s32 v1, v5;
	[tilespmem:s9+$0xFFFFFFF0] =	vst v2;
	v0 =	vadd.s32 v3, v0  }
0xe7: {  	[tilespmem:s9+$0x0] =	vst v0;
	v0 =	vadd.s32 v4, v1  }
0xe8: {  	s26 =	simm.s32 $0x11200;
	s28 =	simm.s32 $0x1;
	[tilespmem:s9+$0x10] =	vst v0  }
0xe9: {  	[spmem:s8] =	stream.linear.scatter [tilespmem:s26], [sflag:$0x1], $0x100, $0x38;
	[tilespmem:$0x11780] =	vst v63  }
0xea: {  	_ =	swait.ge [sflag:s28], $0x100  }
0xeb: {  	[sflag:s28] =	ssyncset.done $0x0  }
0xec: {  	[sflag:s28] =	ssyncadd.s32 $0xFFFFFF00  }
0xed: {  	s29 =	simm.s32 $0x10200;
	[bflag:$0x0] =	sbarrier.arrive $0xFFFF  }
0xee: {  	[tilespmem:s29], [sflag:$0x1] =	stream.linear.gather [spmem:s7], $0x1000, $0x38;
	[tilespmem:$0x11780] =	vst v63  }
0xef: {  	_ =	swait.ge [sflag:s28], $0x1000  }
0xf0: {  	[sflag:s28] =	ssyncset.done $0x0  }
0xf1: {  	s30 =	simm.s32 $0x10A10;
	s31 =	simm.s32 $0x0;
	[sflag:s28] =	ssyncadd.s32 $0xFFFFF000  }
0xf2: {  	s7 =	sand.u32 $0xC0, s31;
	v0 =	vld [tilespmem:s30+$0xFFFFF7F0]  }
0xf3: {  	v1 =	vld [tilespmem:s7+$0x10300]  }
0xf4: {  	v2 =	vld [tilespmem:s7+$0x10400]  }
0xf5: {  	v3 =	vld [tilespmem:s7+$0x10500]  }
0xf6: {  	v4 =	vld [tilespmem:s7+$0x10600]  }
0xf7: {  	v5 =	vld [tilespmem:s7+$0x10700]  }
0xf8: {  	v6 =	vld [tilespmem:s7+$0x10800]  }
0xf9: {  	v7 =	vld [tilespmem:s7+$0x10900]  }
0xfa: {  	v8 =	vld [tilespmem:s7+$0x10A00]  }
0xfb: {  	v9 =	vld [tilespmem:s7+$0x10B00]  }
0xfc: {  	v10 =	vld [tilespmem:s7+$0x10C00]  }
0xfd: {  	v11 =	vld [tilespmem:s7+$0x10D00]  }
0xfe: {  	v12 =	vld [tilespmem:s7+$0x10E00]  }
0xff: {  	v13 =	vld [tilespmem:s7+$0x10F00]  }
0x100: {  	v14 =	vld [tilespmem:s7+$0x11000]  }
0x101: {  	v15 =	vld [tilespmem:s7+$0x11100]  }
0x102: {  	v16 =	vld [tilespmem:s30+$0xFFFFF800]  }
0x103: {  	v17 =	vld [tilespmem:s30+$0xFFFFF900]  }
0x104: {  	v18 =	vld [tilespmem:s30+$0xFFFFF810]  }
0x105: {  	v19 =	vld [tilespmem:s30+$0xFFFFF910]  }
0x106: {  	v20 =	vld [tilespmem:s30+$0xFFFFF820]  }
0x107: {  	v21 =	vld [tilespmem:s30+$0xFFFFF920]  }
0x108: {  	v22 =	vld [tilespmem:s30+$0xFFFFFA00]  }
0x109: {  	v23 =	vld [tilespmem:s30+$0xFFFFFA10]  }
0x10a: {  	v24 =	vld [tilespmem:s30+$0xFFFFFA20]  }
0x10b: {  	v25 =	vld [tilespmem:s30+$0xFFFFFB00]  }
0x10c: {  	v26 =	vld [tilespmem:s30+$0xFFFFFB10]  }
0x10d: {  	v27 =	vld [tilespmem:s30+$0xFFFFFB20]  }
0x10e: {  	v28 =	vld [tilespmem:s30+$0xFFFFFC00]  }
0x10f: {  	v29 =	vld [tilespmem:s30+$0xFFFFFC10]  }
0x110: {  	v30 =	vld [tilespmem:s30+$0xFFFFFC20]  }
0x111: {  	v31 =	vld [tilespmem:s30+$0xFFFFFD00]  }
0x112: {  	v32 =	vld [tilespmem:s30+$0xFFFFFD10]  }
0x113: {  	v33 =	vld [tilespmem:s30+$0xFFFFFD20]  }
0x114: {  	v34 =	vld [tilespmem:s30+$0xFFFFFE00]  }
0x115: {  	v35 =	vld [tilespmem:s30+$0xFFFFFE10]  }
0x116: {  	v49 =	vld [tilespmem:s30+$0x110];
	v0 =	vadd.s32 v0, v1  }
0x117: {  	v50 =	vld [tilespmem:s30+$0x120];
	v0 =	vadd.s32 v2, v0  }
0x118: {  	v51 =	vld [tilespmem:s30+$0x200];
	v0 =	vadd.s32 v3, v0  }
0x119: {  	v52 =	vld [tilespmem:s30+$0x210];
	v0 =	vadd.s32 v4, v0  }
0x11a: {  	v53 =	vld [tilespmem:s30+$0x220];
	v0 =	vadd.s32 v5, v0  }
0x11b: {  	v54 =	vld [tilespmem:s30+$0x300];
	v0 =	vadd.s32 v6, v0  }
0x11c: {  	v55 =	vld [tilespmem:s30+$0x310];
	v0 =	vadd.s32 v7, v0  }
0x11d: {  	v58 =	vld [tilespmem:s30+$0x320];
	v0 =	vadd.s32 v8, v0  }
0x11e: {  	v59 =	vld [tilespmem:s30+$0x400];
	v0 =	vadd.s32 v9, v0  }
0x11f: {  	v60 =	vld [tilespmem:s30+$0x410];
	v0 =	vadd.s32 v10, v0  }
0x120: {  	v1 =	vld [tilespmem:s30+$0xFFFFFE20];
	v0 =	vadd.s32 v11, v0  }
0x121: {  	v2 =	vld [tilespmem:s30+$0xFFFFFF00];
	v0 =	vadd.s32 v12, v0  }
0x122: {  	v3 =	vld [tilespmem:s30+$0xFFFFFF10];
	v0 =	vadd.s32 v13, v0  }
0x123: {  	v4 =	vld [tilespmem:s30+$0xFFFFFF20];
	v0 =	vadd.s32 v14, v0  }
0x124: {  	v5 =	vld [tilespmem:s30+$0x0];
	v15 =	vadd.s32 v15, v0;
	v0 =	vadd.s32 v16, v17  }
0x125: {  	v56 =	vadd.s32 v18, v19;
	v57 =	vadd.s32 v20, v21;
	v6 =	vld [tilespmem:s30+$0x10];
	v0 =	vadd.s32 v22, v0  }
0x126: {  	v18 =	vadd.s32 v24, v57;
	v7 =	vld [tilespmem:s30+$0x20];
	v17 =	vadd.s32 v23, v56;
	v0 =	vadd.s32 v25, v0  }
0x127: {  	v18 =	vadd.s32 v27, v18;
	v8 =	vld [tilespmem:s30+$0x100];
	v17 =	vadd.s32 v26, v17;
	v0 =	vadd.s32 v28, v0  }
0x128: {  	v61 =	vld [tilespmem:s30+$0x420];
	v18 =	vadd.s32 v30, v18;
	v17 =	vadd.s32 v29, v17;
	v0 =	vadd.s32 v31, v0  }
0x129: {  	v62 =	vld [tilespmem:s30+$0x500];
	v18 =	vadd.s32 v33, v18;
	v17 =	vadd.s32 v32, v17;
	v0 =	vadd.s32 v34, v0  }
0x12a: {  	v63 =	vld [tilespmem:s30+$0x510];
	v1 =	vadd.s32 v1, v18;
	v17 =	vadd.s32 v35, v17;
	v0 =	vadd.s32 v2, v0  }
0x12b: {  	v1 =	vadd.s32 v4, v1;
	v4 =	vld [tilespmem:s30+$0x520];
	v2 =	vadd.s32 v3, v17;
	v0 =	vadd.s32 v5, v0  }
0x12c: {  	v1 =	vadd.s32 v7, v1;
	v7 =	vld [tilespmem:s30+$0x600];
	v2 =	vadd.s32 v6, v2;
	v0 =	vadd.s32 v8, v0  }
0x12d: {  	v1 =	vadd.s32 v50, v1;
	v2 =	vadd.s32 v49, v2;
	v3 =	vadd.s32 v51, v0;
	v0 =	vld [tilespmem:s30+$0x610]  }
0x12e: {  	v5 =	vadd.s32 v53, v1;
	v1 =	vld [tilespmem:s30+$0x620];
	v2 =	vadd.s32 v52, v2;
	v3 =	vadd.s32 v54, v3  }
0x12f: {  	v5 =	vadd.s32 v58, v5;
	v6 =	vadd.s32 v55, v2;
	v2 =	vld [tilespmem:s30+$0x700];
	v3 =	vadd.s32 v59, v3  }
0x130: {  	s7 =	simm.s32 $0x11220;
	v5 =	vadd.s32 v61, v5;
	v6 =	vadd.s32 v60, v6;
	v8 =	vadd.s32 v62, v3;
	v3 =	vld [tilespmem:s30+$0x710]  }
0x131: {  	s10 =	simm.s32 $0x40;
	s9 =	simm.s32 $0x10A50;
	s8 =	simm.s32 $0x0;
	[tilespmem:s7+$0xFFFFFFE0] =	vst v15;
	v5 =	vadd.s32 v4, v5;
	v4 =	vld [tilespmem:s30+$0x720];
	v6 =	vadd.s32 v63, v6;
	v7 =	vadd.s32 v7, v8  }
.LBB2_8:
0x132: {  	v8 =	vld [tilespmem:s9+$0xFFFFF7F0];
	s11 =	sand.u32 $0xC0, s10;
	s8 =	sadd.s32 $0x4, s8;
	v0 =	vadd.s32 v0, v6  }
0x133: {  	v6 =	vld [tilespmem:s11+$0x10300];
	p0 =	slt.u32 s8, $0xC;
	v1 =	vadd.s32 v1, v5  }
0x134: {  	v5 =	vld [tilespmem:s11+$0x10400];
	v2 =	vadd.s32 v2, v7  }
0x135: {  	v7 =	vld [tilespmem:s11+$0x10500];
	[tilespmem:s7+$0xFFFFFFF0] =	vst v2;
	v0 =	vadd.s32 v3, v0  }
0x136: {  	v2 =	vld [tilespmem:s11+$0x10600];
	[tilespmem:s7+$0x0] =	vst v0;
	v0 =	vadd.s32 v4, v1  }
0x137: {  	v1 =	vld [tilespmem:s11+$0x10700];
	[tilespmem:s7+$0x10] =	vst v0  }
0x138: {  	v0 =	vadd.s32 v8, v6;
	v3 =	vld [tilespmem:s11+$0x10800]  }
0x139: {  	v0 =	vadd.s32 v5, v0;
	v4 =	vld [tilespmem:s11+$0x10900]  }
0x13a: {  	v0 =	vadd.s32 v7, v0;
	v5 =	vld [tilespmem:s11+$0x10A00]  }
0x13b: {  	v0 =	vadd.s32 v2, v0;
	v2 =	vld [tilespmem:s11+$0x10B00]  }
0x13c: {  	v0 =	vadd.s32 v1, v0;
	v1 =	vld [tilespmem:s11+$0x10C00]  }
0x13d: {  	v0 =	vadd.s32 v3, v0;
	v3 =	vld [tilespmem:s11+$0x10D00]  }
0x13e: {  	v0 =	vadd.s32 v4, v0;
	v4 =	vld [tilespmem:s11+$0x10E00]  }
0x13f: {  	v0 =	vadd.s32 v5, v0;
	v5 =	vld [tilespmem:s11+$0x10F00]  }
0x140: {  	v0 =	vadd.s32 v2, v0;
	v2 =	vld [tilespmem:s11+$0x11000]  }
0x141: {  	v0 =	vadd.s32 v1, v0;
	v1 =	vld [tilespmem:s11+$0x11100]  }
0x142: {  	v0 =	vadd.s32 v3, v0;
	v3 =	vld [tilespmem:s9+$0xFFFFF800]  }
0x143: {  	v0 =	vadd.s32 v4, v0;
	v4 =	vld [tilespmem:s9+$0xFFFFF900]  }
0x144: {  	v0 =	vadd.s32 v5, v0;
	v5 =	vld [tilespmem:s9+$0xFFFFF810]  }
0x145: {  	v0 =	vadd.s32 v2, v0;
	v2 =	vld [tilespmem:s9+$0xFFFFF910]  }
0x146: {  	s7 =	sadd.s32 $0x40, s7;
	v0 =	vadd.s32 v1, v0;
	v1 =	vld [tilespmem:s9+$0xFFFFF820]  }
0x147: {  	[tilespmem:s7+$0xFFFFFFE0] =	vst v0;
	v0 =	vld [tilespmem:s9+$0xFFFFF920]  }
0x148: {  	v3 =	vadd.s32 v3, v4;
	v4 =	vld [tilespmem:s9+$0xFFFFFA00]  }
0x149: {  	v6 =	vld [tilespmem:s9+$0xFFFFFA10]  }
0x14a: {  	v2 =	vadd.s32 v5, v2;
	v5 =	vld [tilespmem:s9+$0xFFFFFA20]  }
0x14b: {  	v7 =	vld [tilespmem:s9+$0xFFFFFB00]  }
0x14c: {  	v8 =	vld [tilespmem:s9+$0xFFFFFB10];
	v0 =	vadd.s32 v1, v0  }
0x14d: {  	v1 =	vadd.s32 v4, v3;
	v3 =	vld [tilespmem:s9+$0xFFFFFB20]  }
0x14e: {  	v4 =	vld [tilespmem:s9+$0xFFFFFC00];
	v2 =	vadd.s32 v6, v2  }
0x14f: {  	v6 =	vld [tilespmem:s9+$0xFFFFFC10];
	v0 =	vadd.s32 v5, v0  }
0x150: {  	v1 =	vadd.s32 v7, v1;
	v5 =	vld [tilespmem:s9+$0xFFFFFC20]  }
0x151: {  	v7 =	vld [tilespmem:s9+$0xFFFFFD00];
	v2 =	vadd.s32 v8, v2  }
0x152: {  	v8 =	vld [tilespmem:s9+$0xFFFFFD10];
	v0 =	vadd.s32 v3, v0  }
0x153: {  	v1 =	vadd.s32 v4, v1;
	v3 =	vld [tilespmem:s9+$0xFFFFFD20]  }
0x154: {  	v4 =	vld [tilespmem:s9+$0xFFFFFE00];
	v2 =	vadd.s32 v6, v2  }
0x155: {  	v6 =	vld [tilespmem:s9+$0xFFFFFE10];
	v0 =	vadd.s32 v5, v0  }
0x156: {  	v1 =	vadd.s32 v7, v1;
	v5 =	vld [tilespmem:s9+$0xFFFFFE20]  }
0x157: {  	v7 =	vld [tilespmem:s9+$0xFFFFFF00];
	v2 =	vadd.s32 v8, v2  }
0x158: {  	v8 =	vld [tilespmem:s9+$0xFFFFFF10];
	v0 =	vadd.s32 v3, v0  }
0x159: {  	v1 =	vadd.s32 v4, v1;
	v3 =	vld [tilespmem:s9+$0xFFFFFF20]  }
0x15a: {  	v4 =	vld [tilespmem:s9+$0x0];
	v2 =	vadd.s32 v6, v2  }
0x15b: {  	v6 =	vld [tilespmem:s9+$0x10];
	v0 =	vadd.s32 v5, v0  }
0x15c: {  	v1 =	vadd.s32 v7, v1;
	v5 =	vld [tilespmem:s9+$0x20]  }
0x15d: {  	v7 =	vld [tilespmem:s9+$0x100];
	v2 =	vadd.s32 v8, v2  }
0x15e: {  	v8 =	vld [tilespmem:s9+$0x110];
	v0 =	vadd.s32 v3, v0  }
0x15f: {  	v1 =	vadd.s32 v4, v1;
	v3 =	vld [tilespmem:s9+$0x120]  }
0x160: {  	v4 =	vld [tilespmem:s9+$0x200];
	v2 =	vadd.s32 v6, v2  }
0x161: {  	v6 =	vld [tilespmem:s9+$0x210];
	v0 =	vadd.s32 v5, v0  }
0x162: {  	v1 =	vadd.s32 v7, v1;
	v5 =	vld [tilespmem:s9+$0x220]  }
0x163: {  	v7 =	vld [tilespmem:s9+$0x300];
	v2 =	vadd.s32 v8, v2  }
0x164: {  	v8 =	vld [tilespmem:s9+$0x310];
	v0 =	vadd.s32 v3, v0  }
0x165: {  	v1 =	vadd.s32 v4, v1;
	v3 =	vld [tilespmem:s9+$0x320]  }
0x166: {  	v4 =	vld [tilespmem:s9+$0x400];
	v2 =	vadd.s32 v6, v2  }
0x167: {  	v6 =	vld [tilespmem:s9+$0x410];
	v0 =	vadd.s32 v5, v0  }
0x168: {  	v1 =	vadd.s32 v7, v1;
	v5 =	vld [tilespmem:s9+$0x420]  }
0x169: {  	v7 =	vld [tilespmem:s9+$0x500];
	v2 =	vadd.s32 v8, v2  }
0x16a: {  	v8 =	vld [tilespmem:s9+$0x510];
	v3 =	vadd.s32 v3, v0  }
0x16b: {  	v1 =	vadd.s32 v4, v1;
	v4 =	vld [tilespmem:s9+$0x520]  }
0x16c: {  	v9 =	vld [tilespmem:s9+$0x600];
	v6 =	vadd.s32 v6, v2  }
.Ltmp4:
0x16d: {  	v0 =	vld [tilespmem:s9+$0x610];
	v5 =	vadd.s32 v5, v3;
	(pc) =	sbr.rel @p0 .LBB2_8-.Ltmp4, $4  }
0x16e: {  	v7 =	vadd.s32 v7, v1;
	v1 =	vld [tilespmem:s9+$0x620]  }
0x16f: {  	v2 =	vld [tilespmem:s9+$0x700];
	v6 =	vadd.s32 v8, v6  }
0x170: {  	v3 =	vld [tilespmem:s9+$0x710];
	v5 =	vadd.s32 v4, v5  }
0x171: {  	s10 =	sadd.s32 $0x40, s10;
	v7 =	vadd.s32 v9, v7;
	v4 =	vld [tilespmem:s9+$0x720];
	s9 =	sadd.s32 $0x40, s9  }
0x172: {  	_ =	sdelay $0x1  }
0x173: {  	v0 =	vadd.s32 v0, v6;
	v2 =	vadd.s32 v2, v7  }
0x174: {  	v1 =	vadd.s32 v1, v5;
	[tilespmem:s7+$0xFFFFFFF0] =	vst v2;
	v0 =	vadd.s32 v3, v0  }
0x175: {  	[tilespmem:s7+$0x0] =	vst v0;
	v0 =	vadd.s32 v4, v1  }
0x176: {  	[tilespmem:s7+$0x10] =	vst v0  }
0x177: {  	v0 =	vld [tilespmem:$0x11200];
	_ =	sdelay $0x4  }
0x178: {  	(xrf0) =	vadd.scan.msk.s32 $0xffff, v0;
	_ =	sdelay $0x5  }
0x179: {  	v1, _, _ =	vpop (xrf0)  }
0x17a: {  	v2 =	vxor.u32 $0x80000000, v1  }
0x17b: {  	(xrf0) =	vmax.scan.msk.u32 $0xffff, v2;
	_ =	sdelay $0x5  }
0x17c: {  	v2, _, _ =	vpop (xrf0)  }
0x17d: {  	(v2sf) =	vpush v2, $0xF;
	_ =	sdelay $0x4  }
0x17e: {  	[tilespmem:$0x1FFC0] =	vst v0;
	v0 =	vld [tilespmem:$0x11210];
	_ =	sdelay $0x4  }
0x17f: {  	(xrf0) =	vadd.scan.msk.s32 $0xffff, v0;
	_ =	sdelay $0x4  }
0x180: {  	s16 =	spop (v2sf)  }
0x181: {  	v3, _, _ =	vpop (xrf0);
	s7 =	sxor.u32 $0x80000000, s16  }
0x182: {  	v4 =	vadd.s32 s7, v3  }
0x183: {  	v3 =	vxor.u32 $0x80000000, v4  }
0x184: {  	(xrf0) =	vmax.scan.msk.u32 $0xffff, v3;
	_ =	sdelay $0x5  }
0x185: {  	v3, _, _ =	vpop (xrf0)  }
0x186: {  	(v2sf) =	vpush v3, $0xF;
	_ =	sdelay $0x4  }
0x187: {  	[tilespmem:$0x1FFD0] =	vst v0;
	v0 =	vld [tilespmem:$0x11220];
	_ =	sdelay $0x4  }
0x188: {  	(xrf0) =	vadd.scan.msk.s32 $0xffff, v0;
	_ =	sdelay $0x4  }
0x189: {  	s17 =	spop (v2sf)  }
0x18a: {  	v5, _, _ =	vpop (xrf0);
	s7 =	sxor.u32 $0x80000000, s17  }
0x18b: {  	v6 =	vadd.s32 s7, v5  }
0x18c: {  	v5 =	vxor.u32 $0x80000000, v6  }
0x18d: {  	(xrf0) =	vmax.scan.msk.u32 $0xffff, v5;
	_ =	sdelay $0x5  }
0x18e: {  	v5, _, _ =	vpop (xrf0)  }
0x18f: {  	(v2sf) =	vpush v5, $0xF;
	_ =	sdelay $0x4  }
0x190: {  	[tilespmem:$0x1FFE0] =	vst v0;
	v0 =	vld [tilespmem:$0x11230];
	_ =	sdelay $0x4  }
0x191: {  	(xrf0) =	vadd.scan.msk.s32 $0xffff, v0;
	_ =	sdelay $0x4  }
0x192: {  	s18 =	spop (v2sf)  }
0x193: {  	v7, _, _ =	vpop (xrf0);
	s7 =	sxor.u32 $0x80000000, s18  }
0x194: {  	v7 =	vadd.s32 s7, v7  }
0x195: {  	v8 =	vxor.u32 $0x80000000, v7  }
0x196: {  	(xrf0) =	vmax.scan.msk.u32 $0xffff, v8;
	_ =	sdelay $0x5  }
0x197: {  	v8, _, _ =	vpop (xrf0)  }
0x198: {  	(v2sf) =	vpush v8, $0xF;
	_ =	sdelay $0x4  }
0x199: {  	v8 =	vld [tilespmem:$0x11240];
	_ =	sdelay $0x4  }
0x19a: {  	(xrf0) =	vadd.scan.msk.s32 $0xffff, v8;
	_ =	sdelay $0x4  }
0x19b: {  	s19 =	spop (v2sf)  }
0x19c: {  	v9, _, _ =	vpop (xrf0);
	s7 =	sxor.u32 $0x80000000, s19  }
0x19d: {  	v11 =	vadd.s32 s7, v9  }
0x19e: {  	v9 =	vxor.u32 $0x80000000, v11  }
0x19f: {  	(xrf0) =	vmax.scan.msk.u32 $0xffff, v9;
	_ =	sdelay $0x5  }
0x1a0: {  	v9, _, _ =	vpop (xrf0)  }
0x1a1: {  	(v2sf) =	vpush v9, $0xF;
	_ =	sdelay $0x4  }
0x1a2: {  	v9 =	vld [tilespmem:$0x11250];
	_ =	sdelay $0x4  }
0x1a3: {  	(xrf0) =	vadd.scan.msk.s32 $0xffff, v9;
	_ =	sdelay $0x4  }
0x1a4: {  	s20 =	spop (v2sf)  }
0x1a5: {  	v10, _, _ =	vpop (xrf0);
	s7 =	sxor.u32 $0x80000000, s20  }
0x1a6: {  	v12 =	vadd.s32 s7, v10  }
0x1a7: {  	v10 =	vxor.u32 $0x80000000, v12  }
0x1a8: {  	(xrf0) =	vmax.scan.msk.u32 $0xffff, v10;
	_ =	sdelay $0x5  }
0x1a9: {  	v10, _, _ =	vpop (xrf0)  }
0x1aa: {  	(v2sf) =	vpush v10, $0xF;
	_ =	sdelay $0x4  }
0x1ab: {  	v10 =	vld [tilespmem:$0x11260];
	_ =	sdelay $0x4  }
0x1ac: {  	(xrf0) =	vadd.scan.msk.s32 $0xffff, v10;
	_ =	sdelay $0x4  }
0x1ad: {  	s21 =	spop (v2sf)  }
0x1ae: {  	v13, _, _ =	vpop (xrf0);
	s7 =	sxor.u32 $0x80000000, s21  }
0x1af: {  	v13 =	vadd.s32 s7, v13  }
0x1b0: {  	v14 =	vxor.u32 $0x80000000, v13  }
0x1b1: {  	(xrf0) =	vmax.scan.msk.u32 $0xffff, v14;
	_ =	sdelay $0x5  }
0x1b2: {  	v14, _, _ =	vpop (xrf0)  }
0x1b3: {  	(v2sf) =	vpush v14, $0xF;
	_ =	sdelay $0x4  }
0x1b4: {  	v14 =	vld [tilespmem:$0x11270];
	_ =	sdelay $0x4  }
0x1b5: {  	(xrf0) =	vadd.scan.msk.s32 $0xffff, v14;
	_ =	sdelay $0x4  }
0x1b6: {  	s22 =	spop (v2sf)  }
0x1b7: {  	v15, _, _ =	vpop (xrf0);
	s7 =	sxor.u32 $0x80000000, s22  }
0x1b8: {  	v17 =	vadd.s32 s7, v15  }
0x1b9: {  	v15 =	vxor.u32 $0x80000000, v17  }
0x1ba: {  	(xrf0) =	vmax.scan.msk.u32 $0xffff, v15;
	_ =	sdelay $0x5  }
0x1bb: {  	v15, _, _ =	vpop (xrf0)  }
0x1bc: {  	(v2sf) =	vpush v15, $0xF;
	_ =	sdelay $0x4  }
0x1bd: {  	v15 =	vld [tilespmem:$0x11280];
	_ =	sdelay $0x4  }
0x1be: {  	(xrf0) =	vadd.scan.msk.s32 $0xffff, v15;
	_ =	sdelay $0x4  }
0x1bf: {  	s23 =	spop (v2sf)  }
0x1c0: {  	v16, _, _ =	vpop (xrf0);
	s7 =	sxor.u32 $0x80000000, s23  }
0x1c1: {  	v18 =	vadd.s32 s7, v16  }
0x1c2: {  	v16 =	vxor.u32 $0x80000000, v18  }
0x1c3: {  	(xrf0) =	vmax.scan.msk.u32 $0xffff, v16;
	_ =	sdelay $0x5  }
0x1c4: {  	v16, _, _ =	vpop (xrf0)  }
0x1c5: {  	(v2sf) =	vpush v16, $0xF;
	_ =	sdelay $0x4  }
0x1c6: {  	v16 =	vld [tilespmem:$0x11290];
	_ =	sdelay $0x4  }
0x1c7: {  	(xrf0) =	vadd.scan.msk.s32 $0xffff, v16;
	_ =	sdelay $0x4  }
0x1c8: {  	s24 =	spop (v2sf)  }
0x1c9: {  	v19, _, _ =	vpop (xrf0);
	s7 =	sxor.u32 $0x80000000, s24  }
0x1ca: {  	v19 =	vadd.s32 s7, v19  }
0x1cb: {  	v20 =	vxor.u32 $0x80000000, v19  }
0x1cc: {  	(xrf0) =	vmax.scan.msk.u32 $0xffff, v20;
	_ =	sdelay $0x5  }
0x1cd: {  	v20, _, _ =	vpop (xrf0)  }
0x1ce: {  	(v2sf) =	vpush v20, $0xF;
	_ =	sdelay $0x4  }
0x1cf: {  	v22 =	vld [tilespmem:$0x112A0];
	_ =	sdelay $0x4  }
0x1d0: {  	(xrf0) =	vadd.scan.msk.s32 $0xffff, v22;
	_ =	sdelay $0x4  }
0x1d1: {  	s25 =	spop (v2sf)  }
0x1d2: {  	v20, _, _ =	vpop (xrf0);
	s7 =	sxor.u32 $0x80000000, s25  }
0x1d3: {  	v25 =	vadd.s32 s7, v20  }
0x1d4: {  	v20 =	vxor.u32 $0x80000000, v25  }
0x1d5: {  	(xrf0) =	vmax.scan.msk.u32 $0xffff, v20;
	_ =	sdelay $0x5  }
0x1d6: {  	v20, _, _ =	vpop (xrf0)  }
0x1d7: {  	(v2sf) =	vpush v20, $0xF;
	_ =	sdelay $0x4  }
0x1d8: {  	v20 =	vld [tilespmem:$0x112B0];
	_ =	sdelay $0x4  }
0x1d9: {  	(xrf0) =	vadd.scan.msk.s32 $0xffff, v20;
	_ =	sdelay $0x4  }
0x1da: {  	s26 =	spop (v2sf)  }
0x1db: {  	v21, _, _ =	vpop (xrf0);
	s7 =	sxor.u32 $0x80000000, s26  }
0x1dc: {  	v23 =	vadd.s32 s7, v21  }
0x1dd: {  	v21 =	vxor.u32 $0x80000000, v23  }
0x1de: {  	(xrf0) =	vmax.scan.msk.u32 $0xffff, v21;
	_ =	sdelay $0x5  }
0x1df: {  	v21, _, _ =	vpop (xrf0)  }
0x1e0: {  	(v2sf) =	vpush v21, $0xF;
	_ =	sdelay $0x4  }
0x1e1: {  	v21 =	vld [tilespmem:$0x112C0];
	_ =	sdelay $0x4  }
0x1e2: {  	(xrf0) =	vadd.scan.msk.s32 $0xffff, v21;
	_ =	sdelay $0x4  }
0x1e3: {  	s28 =	spop (v2sf)  }
0x1e4: {  	v24, _, _ =	vpop (xrf0);
	s7 =	sxor.u32 $0x80000000, s28  }
0x1e5: {  	v24 =	vadd.s32 s7, v24  }
0x1e6: {  	v26 =	vxor.u32 $0x80000000, v24  }
0x1e7: {  	(xrf0) =	vmax.scan.msk.u32 $0xffff, v26;
	_ =	sdelay $0x5  }
0x1e8: {  	v26, _, _ =	vpop (xrf0)  }
0x1e9: {  	(v2sf) =	vpush v26, $0xF;
	_ =	sdelay $0x4  }
0x1ea: {  	v27 =	vld [tilespmem:$0x112D0];
	_ =	sdelay $0x4  }
0x1eb: {  	(xrf0) =	vadd.scan.msk.s32 $0xffff, v27;
	_ =	sdelay $0x4  }
0x1ec: {  	s29 =	spop (v2sf)  }
0x1ed: {  	v26, _, _ =	vpop (xrf0);
	s7 =	sxor.u32 $0x80000000, s29  }
0x1ee: {  	v30 =	vadd.s32 s7, v26  }
0x1ef: {  	v26 =	vxor.u32 $0x80000000, v30  }
0x1f0: {  	(xrf0) =	vmax.scan.msk.u32 $0xffff, v26;
	_ =	sdelay $0x5  }
0x1f1: {  	v26, _, _ =	vpop (xrf0)  }
0x1f2: {  	(v2sf) =	vpush v26, $0xF;
	_ =	sdelay $0x4  }
0x1f3: {  	v26 =	vld [tilespmem:$0x112E0];
	_ =	sdelay $0x4  }
0x1f4: {  	(xrf0) =	vadd.scan.msk.s32 $0xffff, v26;
	_ =	sdelay $0x4  }
0x1f5: {  	s30 =	spop (v2sf)  }
0x1f6: {  	v28, _, _ =	vpop (xrf0);
	s7 =	sxor.u32 $0x80000000, s30  }
0x1f7: {  	v29 =	vadd.s32 s7, v28  }
0x1f8: {  	v28 =	vxor.u32 $0x80000000, v29  }
0x1f9: {  	(xrf0) =	vmax.scan.msk.u32 $0xffff, v28;
	_ =	sdelay $0x5  }
0x1fa: {  	v28, _, _ =	vpop (xrf0)  }
0x1fb: {  	(v2sf) =	vpush v28, $0xF;
	_ =	sdelay $0x4  }
0x1fc: {  	v28 =	vld [tilespmem:$0x112F0];
	_ =	sdelay $0x4  }
0x1fd: {  	(xrf0) =	vadd.scan.msk.s32 $0xffff, v28;
	_ =	sdelay $0x2  }
0x1fe: {  	vm0 =	vgt.s32 v1, $0x19CCC;
	vm14 =	vgt.s32 v4, $0x19CCC  }
0x1ff: {  	v46 =	vmpcnt.ones.xlane vm0;
	v47 =	vmpcnt.ones.xlane vm14;
	vm1 =	vgt.s32 v6, $0x19CCC  }
0x200: {  	v45 =	vmpcnt.ones.xlane vm1;
	vm15 =	vgt.s32 v7, $0x19CCC;
	vm4 =	vgt.s32 v11, $0x19CCC;
	s31 =	spop (v2sf)  }
0x201: {  	v48 =	vimm.s32 $0x0;
	v44 =	vmpcnt.ones.xlane vm15;
	v43 =	vmpcnt.ones.xlane vm4;
	v31, _, _ =	vpop (xrf0);
	s7 =	sxor.u32 $0x80000000, s31  }
0x202: {  	[tilespmem:$0x1FFF0] =	vst v0;
	vm5 =	vgt.s32 v12, $0x19CCC;
	vm6 =	vgt.s32 v13, $0x19CCC;
	v31 =	vadd.s32 s7, v31;
	s7 =	simm.s32 $0x10240  }
0x203: {  	v42 =	vmpcnt.ones.xlane vm5;
	v41 =	vmpcnt.ones.xlane vm6;
	vm7 =	vgt.s32 v17, $0x19CCC;
	[tilespmem:s7+$0xFFFFFFC0] =	vst v48  }
0x204: {  	v40 =	vmpcnt.ones.xlane vm7;
	vm8 =	vgt.s32 v18, $0x19CCC;
	vm9 =	vgt.s32 v19, $0x19CCC;
	[tilespmem:s7+$0x30] =	vst v48  }
0x205: {  	v39 =	vmpcnt.ones.xlane vm8;
	v38 =	vmpcnt.ones.xlane vm9;
	vm10 =	vgt.s32 v25, $0x19CCC;
	[tilespmem:s7+$0x20] =	vst v48  }
0x206: {  	v37 =	vmpcnt.ones.xlane vm10;
	vm11 =	vgt.s32 v23, $0x19CCC;
	vm12 =	vgt.s32 v24, $0x19CCC;
	[tilespmem:s7+$0x10] =	vst v48  }
0x207: {  	v36 =	vmpcnt.ones.xlane vm11;
	v35 =	vmpcnt.ones.xlane vm12;
	vm13 =	vgt.s32 v30, $0x19CCC;
	[tilespmem:s7+$0x0] =	vst v48  }
0x208: {  	v34 =	vmpcnt.ones.xlane vm13;
	vm14 =	vgt.s32 v29, $0x19CCC;
	vm15 =	vgt.s32 v31, $0x19CCC;
	[tilespmem:s7+$0xFFFFFFF0] =	vst v48  }
0x209: {  	s8 =	simm.s32 $0x0;
	v33 =	vmpcnt.ones.xlane vm14;
	[tilespmem:s7+$0xFFFFFFE0] =	vst v48;
	v32 =	vmpcnt.ones.xlane vm15  }
.LBB2_10:
0x20a: {  	s8 =	sadd.s32 $0x8, s8;
	[tilespmem:s7+$0xFFFFFFD0] =	vst v48;
	s7 =	sadd.s32 $0x80, s7  }
0x20b: {  	[tilespmem:s7+$0xFFFFFFC0] =	vst v48;
	p0 =	slt.u32 s8, $0xF8  }
0x20c: {  	[tilespmem:s7+$0x30] =	vst v48  }
.Ltmp5:
0x20d: {  	[tilespmem:s7+$0x20] =	vst v48;
	(pc) =	sbr.rel @p0 .LBB2_10-.Ltmp5, $4  }
0x20e: {  	[tilespmem:s7+$0x10] =	vst v48  }
0x20f: {  	[tilespmem:s7+$0x0] =	vst v48  }
0x210: {  	[tilespmem:s7+$0xFFFFFFF0] =	vst v48  }
0x211: {  	[tilespmem:s7+$0xFFFFFFE0] =	vst v48  }
0x212: {  	v46 =	vxor.u32 $0x80000000, v46  }
0x213: {  	(xrf0) =	vmax.scan.msk.u32 $0xffff, v46;
	_ =	sdelay $0x1  }
0x214: {  	v56 =	vxor.u32 $0x80000000, v47  }
0x215: {  	(xrf0) =	vmax.scan.msk.u32 $0xffff, v56;
	_ =	sdelay $0x2  }
0x216: {  	v45 =	vxor.u32 $0x80000000, v45;
	v57, _, _ =	vpop (xrf0)  }
0x217: {  	(xrf0) =	vmax.scan.msk.u32 $0xffff, v45;
	(v2sf) =	vpush v57, $0xF;
	_ =	sdelay $0x1  }
0x218: {  	v58, _, _ =	vpop (xrf0)  }
0x219: {  	v44 =	vxor.u32 $0x80000000, v44;
	(v2sf) =	vpush v58, $0xF  }
0x21a: {  	(xrf0) =	vmax.scan.msk.u32 $0xffff, v44;
	_ =	sdelay $0x1  }
0x21b: {  	v59, _, _ =	vpop (xrf0)  }
0x21c: {  	v43 =	vxor.u32 $0x80000000, v43;
	(v2sf) =	vpush v59, $0xF  }
0x21d: {  	(xrf0) =	vmax.scan.msk.u32 $0xffff, v43;
	_ =	sdelay $0x1  }
0x21e: {  	v60, _, _ =	vpop (xrf0)  }
0x21f: {  	v42 =	vxor.u32 $0x80000000, v42;
	(v2sf) =	vpush v60, $0xF  }
0x220: {  	(xrf0) =	vmax.scan.msk.u32 $0xffff, v42;
	_ =	sdelay $0x1  }
0x221: {  	v61, _, _ =	vpop (xrf0)  }
0x222: {  	v41 =	vxor.u32 $0x80000000, v41;
	s18 =	spop (v2sf);
	(v2sf) =	vpush v61, $0xF  }
0x223: {  	[tilespmem:s7+$0xFFFFFFD0] =	vst v48;
	(xrf0) =	vmax.scan.msk.u32 $0xffff, v41;
	s7 =	sxor.u32 $0x80000000, s18  }
0x224: {  	s8 =	ssub.s32 $0x10, s7  }
0x225: {  	v62, _, _ =	vpop (xrf0);
	s9 =	spop (v2sf);
	p0 =	sgt.s32 s7, $0x0;
	s7 =	smov.u32 s8  }
0x226: {  	v40 =	vxor.u32 $0x80000000, v40;
	(v2sf) =	vpush v62, $0xF;
	s9 =	sxor.u32 $0x80000000, s9;
	s10 =	simm.s32 @!p0 $0x0;
	s7 =	simm.s32 @!p0 $0xFFFFFFFF  }
0x227: {  	(xrf0) =	vmax.scan.msk.u32 $0xffff, v40;
	p1 =	sgt.s32 s9, $0x0;
	s10 =	simm.s32 @p0 $0x1;
	p0 =	slt.s32 s7, $0x0  }
0x228: {  	[smem:$0x7F4] =	sst s10;
	p0 =	por !p0, !p1  }
0x229: {  	v63, _, _ =	vpop (xrf0);
	s10 =	ssub.s32 $0x20, s9;
	s11 =	spop (v2sf);
	p0 =	por !p0, !p0  }
0x22a: {  	v39 =	vxor.u32 $0x80000000, v39;
	(v2sf) =	vpush v63, $0xF;
	s12 =	simm.s32 @!p0 $0x0;
	s7 =	smov.u32 @p0 s10;
	s10 =	sxor.u32 $0x80000000, s11  }
0x22b: {  	(xrf0) =	vmax.scan.msk.u32 $0xffff, v39;
	s12 =	simm.s32 @p0 $0x1;
	p0 =	slt.s32 s7, $0x0;
	p3 =	sgt.s32 s10, $0x0  }
0x22c: {  	p0 =	por !p3, !p0  }
0x22d: {  	v42, _, _ =	vpop (xrf0);
	s19 =	spop (v2sf);
	s11 =	ssub.s32 $0x30, s10;
	p0 =	por !p0, !p0  }
0x22e: {  	v38 =	vxor.u32 $0x80000000, v38;
	(v2sf) =	vpush v42, $0xF;
	s13 =	simm.s32 @!p0 $0x0;
	s7 =	smov.u32 @p0 s11;
	s11 =	sxor.u32 $0x80000000, s19  }
0x22f: {  	(xrf0) =	vmax.scan.msk.u32 $0xffff, v38;
	s13 =	simm.s32 @p0 $0x1;
	p0 =	slt.s32 s7, $0x0;
	p4 =	sgt.s32 s11, $0x0  }
0x230: {  	[smem:$0x7F5] =	sst s12;
	p0 =	por !p4, !p0  }
0x231: {  	v43, _, _ =	vpop (xrf0);
	s12 =	ssub.s32 $0x40, s11;
	p0 =	por !p0, !p0;
	s20 =	spop (v2sf)  }
0x232: {  	v37 =	vxor.u32 $0x80000000, v37;
	(v2sf) =	vpush v43, $0xF;
	s14 =	simm.s32 @!p0 $0x0;
	s7 =	smov.u32 @p0 s12;
	s12 =	sxor.u32 $0x80000000, s20  }
0x233: {  	(xrf0) =	vmax.scan.msk.u32 $0xffff, v37;
	s14 =	simm.s32 @p0 $0x1;
	p0 =	slt.s32 s7, $0x0;
	p5 =	sgt.s32 s12, $0x0  }
0x234: {  	[smem:$0x7F6] =	sst s13;
	p0 =	por !p5, !p0  }
0x235: {  	v36 =	vxor.u32 $0x80000000, v36;
	v44, _, _ =	vpop (xrf0);
	s21 =	spop (v2sf);
	s13 =	ssub.s32 $0x50, s12;
	p0 =	por !p0, !p0  }
0x236: {  	(xrf0) =	vmax.scan.msk.u32 $0xffff, v36;
	(v2sf) =	vpush v44, $0xF;
	s15 =	simm.s32 @!p0 $0x0;
	s7 =	smov.u32 @p0 s13;
	s13 =	sxor.u32 $0x80000000, s21  }
0x237: {  	s15 =	simm.s32 @p0 $0x1;
	p0 =	slt.s32 s7, $0x0;
	p6 =	sgt.s32 s13, $0x0  }
0x238: {  	[smem:$0x7F7] =	sst s14;
	p0 =	por !p6, !p0  }
0x239: {  	v45, _, _ =	vpop (xrf0);
	s14 =	ssub.s32 $0x60, s13;
	s22 =	spop (v2sf);
	p0 =	por !p0, !p0  }
0x23a: {  	v35 =	vxor.u32 $0x80000000, v35;
	(v2sf) =	vpush v45, $0xF;
	s16 =	simm.s32 @!p0 $0x0;
	s7 =	smov.u32 @p0 s14;
	s14 =	sxor.u32 $0x80000000, s22  }
0x23b: {  	(xrf0) =	vmax.scan.msk.u32 $0xffff, v35;
	s16 =	simm.s32 @p0 $0x1;
	p0 =	slt.s32 s7, $0x0;
	p2 =	sgt.s32 s14, $0x0  }
0x23c: {  	v46, _, _ =	vpop (xrf0);
	[smem:$0x7F8] =	sst s15;
	p0 =	por !p2, !p0  }
0x23d: {  	s23 =	spop (v2sf);
	(v2sf) =	vpush v46, $0xF;
	s15 =	ssub.s32 $0x70, s14;
	p0 =	por !p0, !p0  }
0x23e: {  	v34 =	vxor.u32 $0x80000000, v34;
	s17 =	simm.s32 @!p0 $0x0;
	s7 =	smov.u32 @p0 s15;
	s15 =	sxor.u32 $0x80000000, s23  }
0x23f: {  	(xrf0) =	vmax.scan.msk.u32 $0xffff, v34;
	s17 =	simm.s32 @p0 $0x1;
	p0 =	slt.s32 s7, $0x0;
	p3 =	sgt.s32 s15, $0x0  }
0x240: {  	[smem:$0x7F9] =	sst s16;
	p0 =	por !p3, !p0  }
0x241: {  	v47, _, _ =	vpop (xrf0);
	s16 =	ssub.s32 $0x80, s15;
	s24 =	spop (v2sf);
	p0 =	por !p0, !p0  }
0x242: {  	v33 =	vxor.u32 $0x80000000, v33;
	(v2sf) =	vpush v47, $0xF;
	s18 =	simm.s32 @!p0 $0x0;
	s7 =	smov.u32 @p0 s16;
	s16 =	sxor.u32 $0x80000000, s24  }
0x243: {  	(xrf0) =	vmax.scan.msk.u32 $0xffff, v33;
	s18 =	simm.s32 @p0 $0x1;
	p0 =	slt.s32 s7, $0x0;
	p4 =	sgt.s32 s16, $0x0  }
0x244: {  	[smem:$0x7FA] =	sst s17;
	p0 =	por !p4, !p0  }
0x245: {  	v48, _, _ =	vpop (xrf0);
	s25 =	spop (v2sf);
	s17 =	ssub.s32 $0x90, s16;
	p0 =	por !p0, !p0  }
0x246: {  	v32 =	vxor.u32 $0x80000000, v32;
	(v2sf) =	vpush v48, $0xF;
	s19 =	simm.s32 @!p0 $0x0;
	s7 =	smov.u32 @p0 s17;
	s17 =	sxor.u32 $0x80000000, s25  }
0x247: {  	(xrf0) =	vmax.scan.msk.u32 $0xffff, v32;
	s19 =	simm.s32 @p0 $0x1;
	p0 =	slt.s32 s7, $0x0;
	p5 =	sgt.s32 s17, $0x0  }
0x248: {  	[smem:$0x7FB] =	sst s18;
	p0 =	por !p5, !p0  }
0x249: {  	v49, _, _ =	vpop (xrf0);
	s26 =	spop (v2sf);
	s18 =	ssub.s32 $0xA0, s17;
	p0 =	por !p0, !p0  }
0x24a: {  	(v2sf) =	vpush v49, $0xF;
	s20 =	simm.s32 @!p0 $0x0;
	s7 =	smov.u32 @p0 s18;
	s18 =	sxor.u32 $0x80000000, s26  }
0x24b: {  	s20 =	simm.s32 @p0 $0x1;
	p0 =	slt.s32 s7, $0x0;
	p6 =	sgt.s32 s18, $0x0  }
0x24c: {  	s28 =	spop (v2sf);
	p0 =	por !p6, !p0  }
0x24d: {  	v50, _, _ =	vpop (xrf0);
	[smem:$0x7FC] =	sst s19;
	s19 =	ssub.s32 $0xB0, s18;
	p3 =	por !p0, !p0  }
0x24e: {  	(v2sf) =	vpush v50, $0xF;
	s7 =	smov.u32 @p3 s19;
	s19 =	sxor.u32 $0x80000000, s28  }
0x24f: {  	p2 =	slt.s32 s7, $0x0;
	p4 =	sgt.s32 s19, $0x0  }
0x250: {  	p0 =	por !p4, !p2  }
0x251: {  	s29 =	spop (v2sf);
	s21 =	ssub.s32 $0xC0, s19;
	p4 =	por !p0, !p0  }
0x252: {  	s7 =	smov.u32 @p4 s21;
	s21 =	sxor.u32 $0x80000000, s29  }
0x253: {  	p5 =	slt.s32 s7, $0x0;
	p6 =	sgt.s32 s21, $0x0  }
0x254: {  	p0 =	por !p6, !p5  }
0x255: {  	s30 =	spop (v2sf);
	s22 =	ssub.s32 $0xD0, s21;
	p5 =	por !p0, !p0  }
0x256: {  	s23 =	sxor.u32 $0x80000000, s30;
	s7 =	smov.u32 @p5 s22  }
0x257: {  	p6 =	sgt.s32 s23, $0x0;
	p2 =	slt.s32 s7, $0x0  }
0x258: {  	p0 =	por !p6, !p2  }
0x259: {  	s31 =	spop (v2sf);
	s22 =	ssub.s32 $0xE0, s23;
	p6 =	por !p0, !p0  }
0x25a: {  	[smem:$0x7FD] =	sst s20;
	s20 =	sxor.u32 $0x80000000, s31;
	s7 =	smov.u32 @p6 s22  }
0x25b: {  	p2 =	sgt.s32 s20, $0x0;
	p1 =	slt.s32 s7, $0x0  }
0x25c: {  	s25 =	simm.s32 $0x40;
	p0 =	por !p2, !p1  }
0x25d: {  	s24 =	spop (v2sf);
	s22 =	ssub.s32 $0xF0, s20;
	p0 =	por !p0, !p0  }
0x25e: {  	v52 =	vld [tilespmem:s25+$0xFFFFFFC0];
	s7 =	smov.u32 @p0 s22;
	s22 =	sxor.u32 $0x80000000, s24  }
0x25f: {  	v53 =	vld [tilespmem:s25+$0xFFFFFFF0];
	p1 =	slt.s32 s7, $0x0;
	p2 =	sgt.s32 s22, $0x0  }
0x260: {  	v54 =	vld [tilespmem:s25+$0x30];
	p1 =	por !p2, !p1  }
0x261: {  	v51 =	vlaneseq.u32;
	s24 =	ssub.s32 $0x100, s22;
	p1 =	por !p1, !p1  }
0x262: {  	v33 =	vmul.u32 $0x100, v51;
	s7 =	smov.u32 @p1 s24  }
0x263: {  	v55 =	vshrl.u32 v52, $0x18;
	v35 =	vshrl.u32 v52, $0x10;
	v34 =	vmov s7  }
0x264: {  	v56 =	vld [tilespmem:s25+$0xFFFFFFE0];
	v57 =	vshrl.u32 v53, $0x10;
	v35 =	vand.u32 $0xFF, v35;
	vm2 =	veq.s32 v55, v34  }
0x265: {  	v58 =	vld [tilespmem:s25+$0x0];
	v36 =	vshrl.u32 v53, $0x18;
	v60 =	vshrl.u32 v54, $0x10;
	v59 =	vor.u32 v33, v35  }
0x266: {  	v61 =	vshrl.u32 v54, $0x18;
	v38 =	vand.u32 $0xFF, v57;
	vm1 =	veq.s32 v36, v34  }
0x267: {  	v62 =	vand.u32 $0xFF, v60;
	v35 =	vld [tilespmem:s25+$0x20];
	v38 =	vor.u32 v33, v38;
	vm0 =	veq.s32 v61, v34  }
0x268: {  	v39 =	vld [tilespmem:s25+$0xFFFFFFD0];
	v37 =	vor.u32 v33, v62  }
0x269: {  	v32 =	vimm.s32 $0x1;
	v63 =	vshrl.u32 v56, $0x10;
	v41 =	vshrl.u32 v56, $0x18;
	s24 =	simm.s32 $0x10200;
	v36 =	vld [tilespmem:s25+$0x10]  }
0x26a: {  	s26 =	simm.s32 $0xC0;
	v42 =	vshrl.u32 v58, $0x18;
	v43 =	vshrl.u32 v58, $0x10;
	v40 =	vand.u32 $0xFF, v63;
	s25 =	simm.s32 $0x0;
	[tilespmem:v59+s24+$0x0] =	vst.idx.add.s32.msk vm2, v32  }
.LBB2_12:
0x26b: {  	v44 =	vld [tilespmem:s26+$0xFFFFFFF0];
	s25 =	sadd.s32 $0x8, s25;
	vm3 =	veq.s32 v41, v34;
	vm2 =	veq.s32 v42, v34;
	v41 =	vand.u32 $0xFF, v43  }
0x26c: {  	v40 =	vor.u32 v33, v40;
	p2 =	slt.u32 s25, $0x1018;
	[tilespmem:v38+s24+$0x0] =	vst.idx.add.s32.msk vm1, v32;
	v38 =	vor.u32 v33, v41;
	v41 =	vshrl.u32 v35, $0x18  }
0x26d: {  	v35 =	vshrl.u32 v35, $0x10;
	v42 =	vshrl.u32 v39, $0x18;
	v39 =	vshrl.u32 v39, $0x10;
	[tilespmem:v37+s24+$0x0] =	vst.idx.add.s32.msk vm0, v32  }
0x26e: {  	vm1 =	veq.s32 v41, v34;
	v35 =	vand.u32 $0xFF, v35;
	v37 =	vld [tilespmem:s26+$0xFFFFFFC0];
	vm0 =	veq.s32 v42, v34  }
0x26f: {  	v39 =	vand.u32 $0xFF, v39;
	v42 =	vshrl.u32 v36, $0x18;
	v43 =	vor.u32 v33, v35;
	v41 =	vld [tilespmem:s26+$0x30]  }
0x270: {  	v36 =	vshrl.u32 v36, $0x10;
	vm4 =	veq.s32 v42, v34;
	v45 =	vshrl.u32 v44, $0x10;
	v35 =	vld [tilespmem:s26+$0x20]  }
0x271: {  	v39 =	vor.u32 v33, v39;
	v36 =	vand.u32 $0xFF, v36;
	v42 =	vld [tilespmem:s26+$0xFFFFFFE0]  }
0x272: {  	v36 =	vor.u32 v33, v36;
	[tilespmem:v40+s24+$0x0] =	vst.idx.add.s32.msk vm3, v32  }
0x273: {  	v40 =	vshrl.u32 v37, $0x18;
	v37 =	vshrl.u32 v37, $0x10;
	[tilespmem:v38+s24+$0x0] =	vst.idx.add.s32.msk vm2, v32  }
0x274: {  	v38 =	vshrl.u32 v44, $0x18;
	vm2 =	veq.s32 v40, v34;
	v37 =	vand.u32 $0xFF, v37;
	v44 =	vld [tilespmem:s26+$0x0]  }
0x275: {  	v40 =	vshrl.u32 v41, $0x10;
	v46 =	vor.u32 v33, v37;
	v37 =	vand.u32 $0xFF, v45;
	[tilespmem:v43+s24+$0x0] =	vst.idx.add.s32.msk vm1, v32  }
.Ltmp6:
0x276: {  	v41 =	vshrl.u32 v41, $0x18;
	vm1 =	veq.s32 v38, v34;
	v40 =	vand.u32 $0xFF, v40;
	[tilespmem:v39+s24+$0x0] =	vst.idx.add.s32.msk vm0, v32;
	(pc) =	sbr.rel @p2 .LBB2_12-.Ltmp6, $4  }
0x277: {  	v38 =	vor.u32 v33, v37;
	vm0 =	veq.s32 v41, v34;
	[tilespmem:v36+s24+$0x0] =	vst.idx.add.s32.msk vm4, v32  }
0x278: {  	v37 =	vor.u32 v33, v40;
	v36 =	vshrl.u32 v42, $0x10;
	v39 =	vld [tilespmem:s26+$0xFFFFFFD0]  }
0x279: {  	v41 =	vshrl.u32 v42, $0x18;
	v40 =	vand.u32 $0xFF, v36;
	v42 =	vshrl.u32 v44, $0x18;
	v36 =	vld [tilespmem:s26+$0x10]  }
0x27a: {  	v43 =	vshrl.u32 v44, $0x10;
	s26 =	sadd.s32 $0x80, s26;
	[tilespmem:v46+s24+$0x0] =	vst.idx.add.s32.msk vm2, v32  }
0x27b: {  	vm2 =	veq.s32 v41, v34  }
0x27c: {  	vm3 =	veq.s32 v42, v34;
	v48 =	vand.u32 $0xFF, v43;
	v40 =	vor.u32 v33, v40  }
0x27d: {  	v49 =	vshrl.u32 v35, $0x18;
	v52 =	vshrl.u32 v35, $0x10;
	v41 =	vor.u32 v33, v48  }
0x27e: {  	vm5 =	veq.s32 v49, v34;
	v35 =	vand.u32 $0xFF, v52;
	v50 =	vshrl.u32 v39, $0x18  }
0x27f: {  	v51 =	vshrl.u32 v39, $0x10;
	v35 =	vor.u32 v33, v35;
	vm4 =	veq.s32 v50, v34  }
0x280: {  	v39 =	vand.u32 $0xFF, v51;
	v53 =	vshrl.u32 v36, $0x18;
	v54 =	vshrl.u32 v36, $0x10  }
0x281: {  	[tilespmem:v38+s24+$0x0] =	vst.idx.add.s32.msk vm1, v32;
	vm15 =	veq.s32 v53, v34;
	v55 =	vor.u32 v33, v39;
	v36 =	vand.u32 $0xFF, v54  }
0x282: {  	[tilespmem:v37+s24+$0x0] =	vst.idx.add.s32.msk vm0, v32;
	v56 =	vor.u32 v33, v36  }
0x283: {  	[tilespmem:v40+s24+$0x0] =	vst.idx.add.s32.msk vm2, v32  }
0x284: {  	[tilespmem:v41+s24+$0x0] =	vst.idx.add.s32.msk vm3, v32  }
0x285: {  	[tilespmem:v35+s24+$0x0] =	vst.idx.add.s32.msk vm5, v32  }
0x286: {  	[tilespmem:v55+s24+$0x0] =	vst.idx.add.s32.msk vm4, v32  }
0x287: {  	s26 =	simm.s32 $0x10A10;
	s31 =	simm.s32 $0x0;
	[tilespmem:v56+s24+$0x0] =	vst.idx.add.s32.msk vm15, v32  }
0x288: {  	s24 =	sand.u32 $0xC0, s31;
	v32 =	vld [tilespmem:s26+$0xFFFFF7F0]  }
0x289: {  	v33 =	vld [tilespmem:s24+$0x10300]  }
0x28a: {  	v34 =	vld [tilespmem:s24+$0x10400]  }
0x28b: {  	v35 =	vld [tilespmem:s24+$0x10500]  }
0x28c: {  	v36 =	vld [tilespmem:s24+$0x10600]  }
0x28d: {  	v37 =	vld [tilespmem:s24+$0x10700]  }
0x28e: {  	v38 =	vld [tilespmem:s24+$0x10800]  }
0x28f: {  	v39 =	vld [tilespmem:s24+$0x10900]  }
0x290: {  	v40 =	vld [tilespmem:s24+$0x10A00]  }
0x291: {  	v41 =	vld [tilespmem:s24+$0x10B00]  }
0x292: {  	v42 =	vld [tilespmem:s24+$0x10C00]  }
0x293: {  	v43 =	vld [tilespmem:s24+$0x10D00]  }
0x294: {  	v44 =	vld [tilespmem:s24+$0x10E00]  }
0x295: {  	v45 =	vld [tilespmem:s24+$0x10F00]  }
0x296: {  	v46 =	vld [tilespmem:s24+$0x11000]  }
0x297: {  	v47 =	vld [tilespmem:s24+$0x11100]  }
0x298: {  	v48 =	vld [tilespmem:s26+$0xFFFFF800]  }
0x299: {  	v49 =	vld [tilespmem:s26+$0xFFFFF900]  }
0x29a: {  	v50 =	vld [tilespmem:s26+$0xFFFFF810]  }
0x29b: {  	v51 =	vld [tilespmem:s26+$0xFFFFF910]  }
0x29c: {  	v52 =	vld [tilespmem:s26+$0xFFFFF820]  }
0x29d: {  	v53 =	vld [tilespmem:s26+$0xFFFFF920]  }
0x29e: {  	v54 =	vld [tilespmem:s26+$0xFFFFFA00]  }
0x29f: {  	v55 =	vld [tilespmem:s26+$0xFFFFFA10]  }
0x2a0: {  	v56 =	vld [tilespmem:s26+$0xFFFFFA20]  }
0x2a1: {  	v57 =	vld [tilespmem:s26+$0xFFFFFB00]  }
0x2a2: {  	v58 =	vld [tilespmem:s26+$0xFFFFFB10]  }
0x2a3: {  	v59 =	vld [tilespmem:s26+$0xFFFFFB20]  }
0x2a4: {  	v60 =	vld [tilespmem:s26+$0xFFFFFC00]  }
0x2a5: {  	v61 =	vld [tilespmem:s26+$0xFFFFFC10]  }
0x2a6: {  	v62 =	vld [tilespmem:s26+$0xFFFFFC20]  }
0x2a7: {  	v63 =	vld [tilespmem:s26+$0xFFFFFD00]  }
0x2a8: {  	v0 =	vld [tilespmem:s26+$0xFFFFFD10]  }
0x2a9: {  	v2 =	vld [tilespmem:s26+$0xFFFFFD20]  }
0x2aa: {  	v3 =	vld [tilespmem:s26+$0xFFFFFE00]  }
0x2ab: {  	v5 =	vld [tilespmem:s26+$0xFFFFFE10]  }
0x2ac: {  	v32 =	vadd.s32 v32, v33;
	v33 =	vld [tilespmem:s26+$0xFFFFFE20]  }
0x2ad: {  	v32 =	vadd.s32 v34, v32;
	v34 =	vld [tilespmem:s26+$0xFFFFFF00]  }
0x2ae: {  	v32 =	vadd.s32 v35, v32;
	v35 =	vld [tilespmem:s26+$0xFFFFFF10]  }
0x2af: {  	v32 =	vadd.s32 v36, v32;
	v36 =	vld [tilespmem:s26+$0xFFFFFF20]  }
0x2b0: {  	v32 =	vadd.s32 v37, v32;
	v37 =	vld [tilespmem:s26+$0x0]  }
0x2b1: {  	v32 =	vadd.s32 v38, v32;
	v38 =	vld [tilespmem:s26+$0x10]  }
0x2b2: {  	v32 =	vadd.s32 v39, v32;
	v39 =	vld [tilespmem:s26+$0x20]  }
0x2b3: {  	v32 =	vadd.s32 v40, v32;
	v40 =	vld [tilespmem:s26+$0x100]  }
0x2b4: {  	v32 =	vadd.s32 v41, v32;
	v41 =	vld [tilespmem:s26+$0x110]  }
0x2b5: {  	v32 =	vadd.s32 v42, v32;
	v42 =	vld [tilespmem:s26+$0x120]  }
0x2b6: {  	v32 =	vadd.s32 v43, v32;
	v43 =	vld [tilespmem:s26+$0x200]  }
0x2b7: {  	v32 =	vadd.s32 v44, v32;
	v44 =	vld [tilespmem:s26+$0x210]  }
0x2b8: {  	v32 =	vadd.s32 v45, v32;
	v45 =	vld [tilespmem:s26+$0x220]  }
0x2b9: {  	v32 =	vadd.s32 v46, v32;
	v46 =	vld [tilespmem:s26+$0x300]  }
0x2ba: {  	v47 =	vadd.s32 v47, v32;
	v32 =	vadd.s32 v48, v49;
	v48 =	vld [tilespmem:s26+$0x310]  }
0x2bb: {  	v49 =	vadd.s32 v50, v51;
	v50 =	vadd.s32 v52, v53;
	v51 =	vld [tilespmem:s26+$0x320];
	v32 =	vadd.s32 v54, v32  }
0x2bc: {  	v49 =	vadd.s32 v55, v49;
	v50 =	vadd.s32 v56, v50;
	v32 =	vadd.s32 v57, v32;
	v57 =	vld [tilespmem:s26+$0x400]  }
0x2bd: {  	v49 =	vadd.s32 v58, v49;
	v50 =	vadd.s32 v59, v50;
	v59 =	vld [tilespmem:s26+$0x410];
	v32 =	vadd.s32 v60, v32  }
0x2be: {  	v49 =	vadd.s32 v61, v49;
	v50 =	vadd.s32 v62, v50;
	v60 =	vld [tilespmem:s26+$0x420];
	v32 =	vadd.s32 v63, v32  }
0x2bf: {  	v61 =	vld [tilespmem:s26+$0x500];
	v0 =	vadd.s32 v0, v49;
	v2 =	vadd.s32 v2, v50;
	v3 =	vadd.s32 v3, v32  }
0x2c0: {  	v62 =	vld [tilespmem:s26+$0x520];
	v0 =	vadd.s32 v5, v0;
	v2 =	vadd.s32 v33, v2;
	v3 =	vadd.s32 v34, v3  }
0x2c1: {  	v63 =	vld [tilespmem:s26+$0x600];
	v0 =	vadd.s32 v35, v0;
	v2 =	vadd.s32 v36, v2;
	v3 =	vadd.s32 v37, v3  }
0x2c2: {  	v5 =	vld [tilespmem:s26+$0x510];
	v0 =	vadd.s32 v38, v0;
	v2 =	vadd.s32 v39, v2;
	v3 =	vadd.s32 v40, v3  }
0x2c3: {  	v32 =	vld [tilespmem:s26+$0x610];
	v0 =	vadd.s32 v41, v0;
	v2 =	vadd.s32 v42, v2;
	v3 =	vadd.s32 v43, v3  }
0x2c4: {  	v33 =	vld [tilespmem:s26+$0x620];
	v0 =	vadd.s32 v44, v0;
	v2 =	vadd.s32 v45, v2;
	v3 =	vadd.s32 v46, v3  }
0x2c5: {  	v34 =	vld [tilespmem:s26+$0x700];
	v0 =	vadd.s32 v48, v0;
	v2 =	vadd.s32 v51, v2;
	v3 =	vadd.s32 v57, v3  }
0x2c6: {  	s24 =	simm.s32 $0x11220;
	v35 =	vld [tilespmem:s26+$0x710];
	v0 =	vadd.s32 v59, v0;
	v2 =	vadd.s32 v60, v2;
	v3 =	vadd.s32 v61, v3  }
0x2c7: {  	s25 =	simm.s32 $0x0;
	s28 =	simm.s32 $0x40;
	[tilespmem:s24+$0xFFFFFFE0] =	vst v47;
	v36 =	vld [tilespmem:s26+$0x720];
	s26 =	simm.s32 $0x10A50;
	v39 =	vadd.s32 v5, v0;
	v37 =	vadd.s32 v62, v2;
	v38 =	vadd.s32 v63, v3  }
.LBB2_14:
0x2c8: {  	v0 =	vld [tilespmem:s26+$0xFFFFF7F0];
	s29 =	sand.u32 $0xC0, s28;
	s25 =	sadd.s32 $0x4, s25;
	v2 =	vadd.s32 v32, v39  }
0x2c9: {  	v3 =	vld [tilespmem:s29+$0x10300];
	p2 =	slt.u32 s25, $0xC;
	v5 =	vadd.s32 v33, v37  }
0x2ca: {  	v32 =	vld [tilespmem:s29+$0x10400];
	v33 =	vadd.s32 v34, v38  }
0x2cb: {  	v34 =	vld [tilespmem:s29+$0x10500];
	[tilespmem:s24+$0xFFFFFFF0] =	vst v33;
	v2 =	vadd.s32 v35, v2  }
0x2cc: {  	v33 =	vld [tilespmem:s29+$0x10600];
	[tilespmem:s24+$0x0] =	vst v2;
	v2 =	vadd.s32 v36, v5  }
0x2cd: {  	v5 =	vld [tilespmem:s29+$0x10700];
	[tilespmem:s24+$0x10] =	vst v2  }
0x2ce: {  	v0 =	vadd.s32 v0, v3;
	v2 =	vld [tilespmem:s29+$0x10800]  }
0x2cf: {  	v0 =	vadd.s32 v32, v0;
	v3 =	vld [tilespmem:s29+$0x10900]  }
0x2d0: {  	v0 =	vadd.s32 v34, v0;
	v32 =	vld [tilespmem:s29+$0x10A00]  }
0x2d1: {  	v0 =	vadd.s32 v33, v0;
	v33 =	vld [tilespmem:s29+$0x10B00]  }
0x2d2: {  	v0 =	vadd.s32 v5, v0;
	v5 =	vld [tilespmem:s29+$0x10C00]  }
0x2d3: {  	v0 =	vadd.s32 v2, v0;
	v2 =	vld [tilespmem:s29+$0x10D00]  }
0x2d4: {  	v0 =	vadd.s32 v3, v0;
	v3 =	vld [tilespmem:s29+$0x10E00]  }
0x2d5: {  	v0 =	vadd.s32 v32, v0;
	v32 =	vld [tilespmem:s29+$0x10F00]  }
0x2d6: {  	v0 =	vadd.s32 v33, v0;
	v33 =	vld [tilespmem:s29+$0x11000]  }
0x2d7: {  	v0 =	vadd.s32 v5, v0;
	v5 =	vld [tilespmem:s29+$0x11100]  }
0x2d8: {  	v0 =	vadd.s32 v2, v0;
	v2 =	vld [tilespmem:s26+$0xFFFFF800]  }
0x2d9: {  	v0 =	vadd.s32 v3, v0;
	v3 =	vld [tilespmem:s26+$0xFFFFF900]  }
0x2da: {  	v0 =	vadd.s32 v32, v0;
	v32 =	vld [tilespmem:s26+$0xFFFFF810]  }
0x2db: {  	v0 =	vadd.s32 v33, v0;
	v33 =	vld [tilespmem:s26+$0xFFFFF910]  }
0x2dc: {  	s24 =	sadd.s32 $0x40, s24;
	v0 =	vadd.s32 v5, v0;
	v5 =	vld [tilespmem:s26+$0xFFFFF820]  }
0x2dd: {  	[tilespmem:s24+$0xFFFFFFE0] =	vst v0;
	v0 =	vld [tilespmem:s26+$0xFFFFF920]  }
0x2de: {  	v2 =	vadd.s32 v2, v3;
	v3 =	vld [tilespmem:s26+$0xFFFFFA00]  }
0x2df: {  	v34 =	vld [tilespmem:s26+$0xFFFFFA10]  }
0x2e0: {  	v32 =	vadd.s32 v32, v33;
	v33 =	vld [tilespmem:s26+$0xFFFFFA20]  }
0x2e1: {  	v35 =	vld [tilespmem:s26+$0xFFFFFB00]  }
0x2e2: {  	v36 =	vld [tilespmem:s26+$0xFFFFFB10];
	v0 =	vadd.s32 v5, v0  }
0x2e3: {  	v2 =	vadd.s32 v3, v2;
	v3 =	vld [tilespmem:s26+$0xFFFFFB20]  }
0x2e4: {  	v5 =	vld [tilespmem:s26+$0xFFFFFC00];
	v32 =	vadd.s32 v34, v32  }
0x2e5: {  	v34 =	vld [tilespmem:s26+$0xFFFFFC10];
	v0 =	vadd.s32 v33, v0  }
0x2e6: {  	v2 =	vadd.s32 v35, v2;
	v33 =	vld [tilespmem:s26+$0xFFFFFC20]  }
0x2e7: {  	v35 =	vld [tilespmem:s26+$0xFFFFFD00];
	v32 =	vadd.s32 v36, v32  }
0x2e8: {  	v36 =	vld [tilespmem:s26+$0xFFFFFD10];
	v0 =	vadd.s32 v3, v0  }
0x2e9: {  	v2 =	vadd.s32 v5, v2;
	v3 =	vld [tilespmem:s26+$0xFFFFFD20]  }
0x2ea: {  	v5 =	vld [tilespmem:s26+$0xFFFFFE00];
	v32 =	vadd.s32 v34, v32  }
0x2eb: {  	v34 =	vld [tilespmem:s26+$0xFFFFFE10];
	v0 =	vadd.s32 v33, v0  }
0x2ec: {  	v2 =	vadd.s32 v35, v2;
	v33 =	vld [tilespmem:s26+$0xFFFFFE20]  }
0x2ed: {  	v35 =	vld [tilespmem:s26+$0xFFFFFF00];
	v32 =	vadd.s32 v36, v32  }
0x2ee: {  	v36 =	vld [tilespmem:s26+$0xFFFFFF10];
	v0 =	vadd.s32 v3, v0  }
0x2ef: {  	v2 =	vadd.s32 v5, v2;
	v3 =	vld [tilespmem:s26+$0xFFFFFF20]  }
0x2f0: {  	v5 =	vld [tilespmem:s26+$0x0];
	v32 =	vadd.s32 v34, v32  }
0x2f1: {  	v34 =	vld [tilespmem:s26+$0x10];
	v0 =	vadd.s32 v33, v0  }
0x2f2: {  	v2 =	vadd.s32 v35, v2;
	v33 =	vld [tilespmem:s26+$0x20]  }
0x2f3: {  	v35 =	vld [tilespmem:s26+$0x100];
	v32 =	vadd.s32 v36, v32  }
0x2f4: {  	v36 =	vld [tilespmem:s26+$0x110];
	v0 =	vadd.s32 v3, v0  }
0x2f5: {  	v2 =	vadd.s32 v5, v2;
	v3 =	vld [tilespmem:s26+$0x120]  }
0x2f6: {  	v5 =	vld [tilespmem:s26+$0x200];
	v32 =	vadd.s32 v34, v32  }
0x2f7: {  	v34 =	vld [tilespmem:s26+$0x210];
	v0 =	vadd.s32 v33, v0  }
0x2f8: {  	v2 =	vadd.s32 v35, v2;
	v33 =	vld [tilespmem:s26+$0x220]  }
0x2f9: {  	v35 =	vld [tilespmem:s26+$0x300];
	v32 =	vadd.s32 v36, v32  }
0x2fa: {  	v36 =	vld [tilespmem:s26+$0x310];
	v0 =	vadd.s32 v3, v0  }
0x2fb: {  	v2 =	vadd.s32 v5, v2;
	v3 =	vld [tilespmem:s26+$0x320]  }
0x2fc: {  	v5 =	vld [tilespmem:s26+$0x400];
	v32 =	vadd.s32 v34, v32  }
0x2fd: {  	v34 =	vld [tilespmem:s26+$0x410];
	v0 =	vadd.s32 v33, v0  }
0x2fe: {  	v2 =	vadd.s32 v35, v2;
	v33 =	vld [tilespmem:s26+$0x420]  }
0x2ff: {  	v35 =	vld [tilespmem:s26+$0x500];
	v32 =	vadd.s32 v36, v32  }
0x300: {  	v36 =	vld [tilespmem:s26+$0x510];
	v0 =	vadd.s32 v3, v0  }
0x301: {  	v2 =	vadd.s32 v5, v2;
	v3 =	vld [tilespmem:s26+$0x520]  }
0x302: {  	v5 =	vld [tilespmem:s26+$0x600];
	v37 =	vadd.s32 v34, v32  }
.Ltmp7:
0x303: {  	v32 =	vld [tilespmem:s26+$0x610];
	v0 =	vadd.s32 v33, v0;
	(pc) =	sbr.rel @p2 .LBB2_14-.Ltmp7, $4  }
0x304: {  	v2 =	vadd.s32 v35, v2;
	v33 =	vld [tilespmem:s26+$0x620]  }
0x305: {  	v34 =	vld [tilespmem:s26+$0x700];
	v39 =	vadd.s32 v36, v37  }
0x306: {  	v35 =	vld [tilespmem:s26+$0x710];
	v37 =	vadd.s32 v3, v0  }
0x307: {  	s28 =	sadd.s32 $0x40, s28;
	v38 =	vadd.s32 v5, v2;
	v36 =	vld [tilespmem:s26+$0x720];
	s26 =	sadd.s32 $0x40, s26  }
0x308: {  	_ =	sdelay $0x1  }
0x309: {  	v0 =	vadd.s32 v32, v39;
	v2 =	vadd.s32 v34, v38  }
0x30a: {  	v3 =	vadd.s32 v33, v37;
	[tilespmem:s24+$0xFFFFFFF0] =	vst v2;
	v0 =	vadd.s32 v35, v0  }
0x30b: {  	[tilespmem:s24+$0x0] =	vst v0;
	v0 =	vadd.s32 v36, v3  }
0x30c: {  	s26 =	simm.s32 $0x11200;
	s28 =	simm.s32 $0x1;
	[tilespmem:s24+$0x10] =	vst v0  }
0x30d: {  	[spmem:s6] =	stream.linear.scatter [tilespmem:s26], [sflag:$0x1], $0x100, $0x38;
	[tilespmem:$0x11780] =	vst v63  }
0x30e: {  	_ =	swait.ge [sflag:s28], $0x100  }
0x30f: {  	[sflag:s28] =	ssyncset.done $0x0  }
0x310: {  	[sflag:s28] =	ssyncadd.s32 $0xFFFFFF00  }
0x311: {  	s29 =	simm.s32 $0x10200;
	[bflag:$0x0] =	sbarrier.arrive $0xFFFF  }
0x312: {  	[tilespmem:s29], [sflag:$0x1] =	stream.linear.gather [spmem:s5], $0x1000, $0x38;
	[tilespmem:$0x11780] =	vst v63  }
0x313: {  	_ =	swait.ge [sflag:s28], $0x1000  }
0x314: {  	[sflag:s28] =	ssyncset.done $0x0  }
0x315: {  	s30 =	simm.s32 $0x10A10;
	s31 =	simm.s32 $0x0;
	[sflag:s28] =	ssyncadd.s32 $0xFFFFF000  }
0x316: {  	s5 =	sand.u32 $0xC0, s31;
	v0 =	vld [tilespmem:s30+$0xFFFFF7F0]  }
0x317: {  	v2 =	vld [tilespmem:s5+$0x10300]  }
0x318: {  	v3 =	vld [tilespmem:s5+$0x10400]  }
0x319: {  	v5 =	vld [tilespmem:s5+$0x10500]  }
0x31a: {  	v32 =	vld [tilespmem:s5+$0x10600]  }
0x31b: {  	v33 =	vld [tilespmem:s5+$0x10700]  }
0x31c: {  	v34 =	vld [tilespmem:s5+$0x10800]  }
0x31d: {  	v35 =	vld [tilespmem:s5+$0x10900]  }
0x31e: {  	v36 =	vld [tilespmem:s5+$0x10A00]  }
0x31f: {  	v37 =	vld [tilespmem:s5+$0x10B00]  }
0x320: {  	v38 =	vld [tilespmem:s5+$0x10C00]  }
0x321: {  	v39 =	vld [tilespmem:s5+$0x10D00]  }
0x322: {  	v40 =	vld [tilespmem:s5+$0x10E00]  }
0x323: {  	v41 =	vld [tilespmem:s5+$0x10F00]  }
0x324: {  	v42 =	vld [tilespmem:s5+$0x11000]  }
0x325: {  	v43 =	vld [tilespmem:s5+$0x11100]  }
0x326: {  	v44 =	vld [tilespmem:s30+$0xFFFFF800]  }
0x327: {  	v45 =	vld [tilespmem:s30+$0xFFFFF900]  }
0x328: {  	v46 =	vld [tilespmem:s30+$0xFFFFF810]  }
0x329: {  	v47 =	vld [tilespmem:s30+$0xFFFFF910]  }
0x32a: {  	v48 =	vld [tilespmem:s30+$0xFFFFF820]  }
0x32b: {  	v49 =	vld [tilespmem:s30+$0xFFFFF920]  }
0x32c: {  	v50 =	vld [tilespmem:s30+$0xFFFFFA00]  }
0x32d: {  	v51 =	vld [tilespmem:s30+$0xFFFFFA10]  }
0x32e: {  	v52 =	vld [tilespmem:s30+$0xFFFFFA20]  }
0x32f: {  	v53 =	vld [tilespmem:s30+$0xFFFFFB00]  }
0x330: {  	v54 =	vld [tilespmem:s30+$0xFFFFFB10]  }
0x331: {  	v55 =	vld [tilespmem:s30+$0xFFFFFB20]  }
0x332: {  	v56 =	vld [tilespmem:s30+$0xFFFFFC00]  }
0x333: {  	v57 =	vld [tilespmem:s30+$0xFFFFFC10]  }
0x334: {  	v58 =	vld [tilespmem:s30+$0xFFFFFC20]  }
0x335: {  	v59 =	vld [tilespmem:s30+$0xFFFFFD00]  }
0x336: {  	v60 =	vld [tilespmem:s30+$0xFFFFFD10]  }
0x337: {  	v61 =	vld [tilespmem:s30+$0xFFFFFD20]  }
0x338: {  	v62 =	vld [tilespmem:s30+$0xFFFFFE00]  }
0x339: {  	v63 =	vld [tilespmem:s30+$0xFFFFFE10]  }
0x33a: {  	v0 =	vadd.s32 v0, v2;
	v2 =	vld [tilespmem:s30+$0xFFFFFE20]  }
0x33b: {  	v49 =	vadd.s32 v48, v49;
	v48 =	vld [tilespmem:s30+$0x400];
	v0 =	vadd.s32 v3, v0  }
0x33c: {  	v3 =	vld [tilespmem:s30+$0xFFFFFF00];
	v0 =	vadd.s32 v5, v0  }
0x33d: {  	v5 =	vld [tilespmem:s30+$0xFFFFFF10];
	v0 =	vadd.s32 v32, v0  }
0x33e: {  	v32 =	vld [tilespmem:s30+$0xFFFFFF20];
	v0 =	vadd.s32 v33, v0  }
0x33f: {  	v33 =	vld [tilespmem:s30+$0x0];
	v0 =	vadd.s32 v34, v0  }
0x340: {  	v34 =	vld [tilespmem:s30+$0x10];
	v0 =	vadd.s32 v35, v0  }
0x341: {  	v35 =	vld [tilespmem:s30+$0x20];
	v0 =	vadd.s32 v36, v0  }
0x342: {  	v36 =	vld [tilespmem:s30+$0x100];
	v0 =	vadd.s32 v37, v0  }
0x343: {  	v37 =	vld [tilespmem:s30+$0x110];
	v0 =	vadd.s32 v38, v0  }
0x344: {  	v38 =	vld [tilespmem:s30+$0x120];
	v0 =	vadd.s32 v39, v0  }
0x345: {  	v39 =	vld [tilespmem:s30+$0x200];
	v0 =	vadd.s32 v40, v0  }
0x346: {  	v40 =	vld [tilespmem:s30+$0x210];
	v0 =	vadd.s32 v41, v0  }
0x347: {  	v41 =	vld [tilespmem:s30+$0x220];
	v0 =	vadd.s32 v42, v0  }
0x348: {  	v42 =	vld [tilespmem:s30+$0x300];
	v0 =	vadd.s32 v43, v0;
	v43 =	vadd.s32 v44, v45  }
0x349: {  	v44 =	vld [tilespmem:s30+$0x310];
	v45 =	vadd.s32 v46, v47;
	v46 =	vadd.s32 v52, v49;
	v43 =	vadd.s32 v50, v43  }
0x34a: {  	v47 =	vld [tilespmem:s30+$0x320];
	v45 =	vadd.s32 v51, v45;
	v46 =	vadd.s32 v55, v46;
	v43 =	vadd.s32 v53, v43  }
0x34b: {  	v45 =	vadd.s32 v54, v45;
	v46 =	vadd.s32 v58, v46;
	v43 =	vadd.s32 v56, v43;
	v56 =	vld [tilespmem:s30+$0x410]  }
0x34c: {  	v45 =	vadd.s32 v57, v45;
	v46 =	vadd.s32 v61, v46;
	v61 =	vld [tilespmem:s30+$0x510];
	v43 =	vadd.s32 v59, v43  }
0x34d: {  	v59 =	vld [tilespmem:s30+$0x420];
	v45 =	vadd.s32 v60, v45;
	v43 =	vadd.s32 v62, v43  }
0x34e: {  	v60 =	vld [tilespmem:s30+$0x500];
	v2 =	vadd.s32 v2, v46;
	v45 =	vadd.s32 v63, v45;
	v3 =	vadd.s32 v3, v43  }
0x34f: {  	v2 =	vadd.s32 v32, v2;
	v62 =	vld [tilespmem:s30+$0x520];
	v5 =	vadd.s32 v5, v45;
	v3 =	vadd.s32 v33, v3  }
0x350: {  	v63 =	vld [tilespmem:s30+$0x600];
	v2 =	vadd.s32 v35, v2;
	v5 =	vadd.s32 v34, v5;
	v3 =	vadd.s32 v36, v3  }
0x351: {  	v32 =	vld [tilespmem:s30+$0x610];
	v2 =	vadd.s32 v38, v2;
	v5 =	vadd.s32 v37, v5;
	v3 =	vadd.s32 v39, v3  }
0x352: {  	v33 =	vld [tilespmem:s30+$0x620];
	v2 =	vadd.s32 v41, v2;
	v5 =	vadd.s32 v40, v5;
	v3 =	vadd.s32 v42, v3  }
0x353: {  	v34 =	vld [tilespmem:s30+$0x700];
	v2 =	vadd.s32 v47, v2;
	v5 =	vadd.s32 v44, v5;
	v3 =	vadd.s32 v48, v3  }
0x354: {  	s5 =	simm.s32 $0x11220;
	v35 =	vld [tilespmem:s30+$0x710];
	v2 =	vadd.s32 v59, v2;
	v5 =	vadd.s32 v56, v5;
	v3 =	vadd.s32 v60, v3  }
0x355: {  	s25 =	simm.s32 $0x40;
	s24 =	simm.s32 $0x10A50;
	s6 =	simm.s32 $0x0;
	[tilespmem:s5+$0xFFFFFFE0] =	vst v0;
	v36 =	vld [tilespmem:s30+$0x720];
	v39 =	vadd.s32 v62, v2;
	v38 =	vadd.s32 v61, v5;
	v37 =	vadd.s32 v63, v3  }
.LBB2_16:
0x356: {  	v0 =	vld [tilespmem:s24+$0xFFFFF7F0];
	s26 =	sand.u32 $0xC0, s25;
	s6 =	sadd.s32 $0x4, s6;
	v2 =	vadd.s32 v32, v38  }
0x357: {  	v3 =	vld [tilespmem:s26+$0x10300];
	p2 =	slt.u32 s6, $0xC;
	v5 =	vadd.s32 v33, v39  }
0x358: {  	v32 =	vld [tilespmem:s26+$0x10400];
	v33 =	vadd.s32 v34, v37  }
0x359: {  	v34 =	vld [tilespmem:s26+$0x10500];
	[tilespmem:s5+$0xFFFFFFF0] =	vst v33;
	v2 =	vadd.s32 v35, v2  }
0x35a: {  	v33 =	vld [tilespmem:s26+$0x10600];
	[tilespmem:s5+$0x0] =	vst v2;
	v2 =	vadd.s32 v36, v5  }
0x35b: {  	v5 =	vld [tilespmem:s26+$0x10700];
	[tilespmem:s5+$0x10] =	vst v2  }
0x35c: {  	v0 =	vadd.s32 v0, v3;
	v2 =	vld [tilespmem:s26+$0x10800]  }
0x35d: {  	v0 =	vadd.s32 v32, v0;
	v3 =	vld [tilespmem:s26+$0x10900]  }
0x35e: {  	v0 =	vadd.s32 v34, v0;
	v32 =	vld [tilespmem:s26+$0x10A00]  }
0x35f: {  	v0 =	vadd.s32 v33, v0;
	v33 =	vld [tilespmem:s26+$0x10B00]  }
0x360: {  	v0 =	vadd.s32 v5, v0;
	v5 =	vld [tilespmem:s26+$0x10C00]  }
0x361: {  	v0 =	vadd.s32 v2, v0;
	v2 =	vld [tilespmem:s26+$0x10D00]  }
0x362: {  	v0 =	vadd.s32 v3, v0;
	v3 =	vld [tilespmem:s26+$0x10E00]  }
0x363: {  	v0 =	vadd.s32 v32, v0;
	v32 =	vld [tilespmem:s26+$0x10F00]  }
0x364: {  	v0 =	vadd.s32 v33, v0;
	v33 =	vld [tilespmem:s26+$0x11000]  }
0x365: {  	v0 =	vadd.s32 v5, v0;
	v5 =	vld [tilespmem:s26+$0x11100]  }
0x366: {  	v0 =	vadd.s32 v2, v0;
	v2 =	vld [tilespmem:s24+$0xFFFFF800]  }
0x367: {  	v0 =	vadd.s32 v3, v0;
	v3 =	vld [tilespmem:s24+$0xFFFFF900]  }
0x368: {  	v0 =	vadd.s32 v32, v0;
	v32 =	vld [tilespmem:s24+$0xFFFFF810]  }
0x369: {  	v0 =	vadd.s32 v33, v0;
	v33 =	vld [tilespmem:s24+$0xFFFFF910]  }
0x36a: {  	s5 =	sadd.s32 $0x40, s5;
	v0 =	vadd.s32 v5, v0;
	v5 =	vld [tilespmem:s24+$0xFFFFF820]  }
0x36b: {  	[tilespmem:s5+$0xFFFFFFE0] =	vst v0;
	v0 =	vld [tilespmem:s24+$0xFFFFF920]  }
0x36c: {  	v2 =	vadd.s32 v2, v3;
	v3 =	vld [tilespmem:s24+$0xFFFFFA00]  }
0x36d: {  	v34 =	vld [tilespmem:s24+$0xFFFFFA10]  }
0x36e: {  	v32 =	vadd.s32 v32, v33;
	v33 =	vld [tilespmem:s24+$0xFFFFFA20]  }
0x36f: {  	v35 =	vld [tilespmem:s24+$0xFFFFFB00]  }
0x370: {  	v36 =	vld [tilespmem:s24+$0xFFFFFB10];
	v0 =	vadd.s32 v5, v0  }
0x371: {  	v2 =	vadd.s32 v3, v2;
	v3 =	vld [tilespmem:s24+$0xFFFFFB20]  }
0x372: {  	v5 =	vld [tilespmem:s24+$0xFFFFFC00];
	v32 =	vadd.s32 v34, v32  }
0x373: {  	v34 =	vld [tilespmem:s24+$0xFFFFFC10];
	v0 =	vadd.s32 v33, v0  }
0x374: {  	v2 =	vadd.s32 v35, v2;
	v33 =	vld [tilespmem:s24+$0xFFFFFC20]  }
0x375: {  	v35 =	vld [tilespmem:s24+$0xFFFFFD00];
	v32 =	vadd.s32 v36, v32  }
0x376: {  	v36 =	vld [tilespmem:s24+$0xFFFFFD10];
	v0 =	vadd.s32 v3, v0  }
0x377: {  	v2 =	vadd.s32 v5, v2;
	v3 =	vld [tilespmem:s24+$0xFFFFFD20]  }
0x378: {  	v5 =	vld [tilespmem:s24+$0xFFFFFE00];
	v32 =	vadd.s32 v34, v32  }
0x379: {  	v34 =	vld [tilespmem:s24+$0xFFFFFE10];
	v0 =	vadd.s32 v33, v0  }
0x37a: {  	v2 =	vadd.s32 v35, v2;
	v33 =	vld [tilespmem:s24+$0xFFFFFE20]  }
0x37b: {  	v35 =	vld [tilespmem:s24+$0xFFFFFF00];
	v32 =	vadd.s32 v36, v32  }
0x37c: {  	v36 =	vld [tilespmem:s24+$0xFFFFFF10];
	v0 =	vadd.s32 v3, v0  }
0x37d: {  	v2 =	vadd.s32 v5, v2;
	v3 =	vld [tilespmem:s24+$0xFFFFFF20]  }
0x37e: {  	v5 =	vld [tilespmem:s24+$0x0];
	v32 =	vadd.s32 v34, v32  }
0x37f: {  	v34 =	vld [tilespmem:s24+$0x10];
	v0 =	vadd.s32 v33, v0  }
0x380: {  	v2 =	vadd.s32 v35, v2;
	v33 =	vld [tilespmem:s24+$0x20]  }
0x381: {  	v35 =	vld [tilespmem:s24+$0x100];
	v32 =	vadd.s32 v36, v32  }
0x382: {  	v36 =	vld [tilespmem:s24+$0x110];
	v0 =	vadd.s32 v3, v0  }
0x383: {  	v2 =	vadd.s32 v5, v2;
	v3 =	vld [tilespmem:s24+$0x120]  }
0x384: {  	v5 =	vld [tilespmem:s24+$0x200];
	v32 =	vadd.s32 v34, v32  }
0x385: {  	v34 =	vld [tilespmem:s24+$0x210];
	v0 =	vadd.s32 v33, v0  }
0x386: {  	v2 =	vadd.s32 v35, v2;
	v33 =	vld [tilespmem:s24+$0x220]  }
0x387: {  	v35 =	vld [tilespmem:s24+$0x300];
	v32 =	vadd.s32 v36, v32  }
0x388: {  	v36 =	vld [tilespmem:s24+$0x310];
	v0 =	vadd.s32 v3, v0  }
0x389: {  	v2 =	vadd.s32 v5, v2;
	v3 =	vld [tilespmem:s24+$0x320]  }
0x38a: {  	v5 =	vld [tilespmem:s24+$0x400];
	v32 =	vadd.s32 v34, v32  }
0x38b: {  	v34 =	vld [tilespmem:s24+$0x410];
	v0 =	vadd.s32 v33, v0  }
0x38c: {  	v2 =	vadd.s32 v35, v2;
	v33 =	vld [tilespmem:s24+$0x420]  }
0x38d: {  	v35 =	vld [tilespmem:s24+$0x500];
	v32 =	vadd.s32 v36, v32  }
0x38e: {  	v36 =	vld [tilespmem:s24+$0x510];
	v0 =	vadd.s32 v3, v0  }
0x38f: {  	v2 =	vadd.s32 v5, v2;
	v3 =	vld [tilespmem:s24+$0x520]  }
0x390: {  	v5 =	vld [tilespmem:s24+$0x600];
	v37 =	vadd.s32 v34, v32  }
.Ltmp8:
0x391: {  	v32 =	vld [tilespmem:s24+$0x610];
	v0 =	vadd.s32 v33, v0;
	(pc) =	sbr.rel @p2 .LBB2_16-.Ltmp8, $4  }
0x392: {  	v2 =	vadd.s32 v35, v2;
	v33 =	vld [tilespmem:s24+$0x620]  }
0x393: {  	v34 =	vld [tilespmem:s24+$0x700];
	v38 =	vadd.s32 v36, v37  }
0x394: {  	v35 =	vld [tilespmem:s24+$0x710];
	v39 =	vadd.s32 v3, v0  }
0x395: {  	s25 =	sadd.s32 $0x40, s25;
	v37 =	vadd.s32 v5, v2;
	v36 =	vld [tilespmem:s24+$0x720];
	s24 =	sadd.s32 $0x40, s24  }
0x396: {  	v5 =	vmov s8;
	v62 =	vlaneseq.u32;
	s6 =	ssub.s32 $0x10, s9  }
0x397: {  	vm0 =	veq.s32 v5, v62;
	v5 =	vmov s6  }
0x398: {  	vm1 =	veq.s32 v5, v62;
	v5 =	vld [tilespmem:$0x1FFD0];
	_ =	sdelay $0x1  }
0x399: {  	v63 =	vld [tilespmem:$0x1FFC0];
	_ =	sdelay $0x1  }
0x39a: {  	s8 =	ssub.s32 $0x10, s10  }
0x39b: {  	v4 =	vsub.s32 v4, v5;
	v5 =	vmov s8  }
0x39c: {  	vm10 =	veq.s32 v5, v62;
	v5 =	vld [tilespmem:$0x1FFE0]  }
0x39d: {  	v0 =	vadd.s32 v32, v38;
	v3 =	vadd.s32 v34, v37;
	v1 =	vsub.s32 v1, v63  }
0x39e: {  	v0 =	vadd.s32 v35, v0;
	v1 =	vnsel vm0, $0x0, v1;
	[tilespmem:s5+$0xFFFFFFF0] =	vst v3  }
0x39f: {  	s9 =	ssub.s32 $0x10, s11;
	s11 =	ssub.s32 $0x10, s13;
	s13 =	ssub.s32 $0x10, s15;
	(xrf0) =	vadd.scan.msk.s32 $0xffff, v1;
	v4 =	vnsel vm1, $0x0, v4;
	[tilespmem:s5+$0x0] =	vst v0  }
0x3a0: {  	v2 =	vadd.s32 v33, v39;
	v0 =	vld [tilespmem:$0x1FFF0];
	(xrf0) =	vadd.scan.msk.s32 $0xffff, v4;
	v4 =	vmov s13  }
0x3a1: {  	s10 =	ssub.s32 $0x10, s12;
	v2 =	vadd.s32 v36, v2;
	vm15 =	veq.s32 v4, v62;
	v5 =	vsub.s32 v6, v5  }
0x3a2: {  	v4 =	vsub.s32 v17, v14;
	v3 =	vnsel vm10, $0x0, v5;
	v5 =	vmov s10  }
0x3a3: {  	v6 =	vmov s9;
	vm12 =	veq.s32 v5, v62;
	v5 =	vsub.s32 v11, v8  }
0x3a4: {  	s12 =	ssub.s32 $0x10, s14;
	[tilespmem:s5+$0x10] =	vst v2;
	vm11 =	veq.s32 v6, v62;
	v2 =	vnsel vm12, $0x0, v5;
	v5 =	vmov s11  }
0x3a5: {  	v0 =	vsub.s32 v7, v0;
	vm13 =	veq.s32 v5, v62;
	v5 =	vmov s12  }
0x3a6: {  	s14 =	ssub.s32 $0x10, s16;
	v0 =	vnsel vm11, $0x0, v0;
	(xrf0) =	vadd.scan.msk.s32 $0xffff, v3;
	v3 =	vsub.s32 v13, v10;
	vm14 =	veq.s32 v5, v62  }
0x3a7: {  	s15 =	ssub.s32 $0x10, s17;
	(xrf0) =	vadd.scan.msk.s32 $0xffff, v0;
	v0 =	vnsel vm14, $0x0, v3;
	v3 =	vnsel vm15, $0x0, v4;
	v4 =	vmov s14  }
0x3a8: {  	v1 =	vsub.s32 v12, v9;
	vm4 =	veq.s32 v4, v62;
	v4 =	vmov s15  }
0x3a9: {  	(xrf0) =	vadd.scan.msk.s32 $0xffff, v2;
	v1 =	vnsel vm13, $0x0, v1  }
0x3aa: {  	s16 =	ssub.s32 $0x10, s18;
	v2 =	vsub.s32 v18, v15;
	(xrf0) =	vadd.scan.msk.s32 $0xffff, v1  }
0x3ab: {  	s17 =	ssub.s32 $0x10, s19;
	s18 =	ssub.s32 $0x10, s21;
	s21 =	ssub.s32 $0x10, s20;
	v1 =	vnsel vm4, $0x0, v2;
	vm5 =	veq.s32 v4, v62;
	v2 =	vmov s16;
	v4, _, _ =	vpop (xrf0);
	(xrf0) =	vadd.scan.msk.s32 $0xffff, v0  }
0x3ac: {  	v9 =	vmov s21;
	vm6 =	veq.s32 v2, v62;
	v5, _, _ =	vpop (xrf0);
	(xrf0) =	vadd.scan.msk.s32 $0xffff, v3;
	v3 =	vmov s17  }
0x3ad: {  	v0 =	vsub.s32 v19, v16;
	vm7 =	veq.s32 v3, v62;
	v3 =	vmov s18  }
0x3ae: {  	v2 =	vsub.s32 v25, v22;
	v0 =	vnsel vm5, $0x0, v0;
	v6, _, _ =	vpop (xrf0);
	(xrf0) =	vadd.scan.msk.s32 $0xffff, v1;
	v1 =	vsub.s32 v23, v20  }
0x3af: {  	s19 =	ssub.s32 $0x10, s23;
	vm10 =	veq.s32 v9, v62;
	v2 =	vnsel vm6, $0x0, v2;
	v7, _, _ =	vpop (xrf0);
	(xrf0) =	vadd.scan.msk.s32 $0xffff, v0;
	v0 =	vnsel vm7, $0x0, v1  }
0x3b0: {  	vm8 =	veq.s32 v3, v62;
	v1 =	vmov s19;
	v3, _, _ =	vpop (xrf0);
	(xrf0) =	vadd.scan.msk.s32 $0xffff, v2;
	v2 =	vsub.s32 v24, v21  }
0x3b1: {  	s22 =	ssub.s32 $0x10, s22;
	vm9 =	veq.s32 v1, v62;
	v1 =	vsub.s32 v30, v27;
	v8, _, _ =	vpop (xrf0);
	(xrf0) =	vadd.scan.msk.s32 $0xffff, v0;
	v2 =	vnsel vm8, $0x0, v2  }
0x3b2: {  	v9 =	vmov s22;
	v1 =	vnsel vm9, $0x0, v1;
	v0 =	vld [tilespmem:$0x11200];
	v10, _, _ =	vpop (xrf0);
	(xrf0) =	vadd.scan.msk.s32 $0xffff, v2;
	v2 =	vsub.s32 v29, v26  }
0x3b3: {  	v11, _, _ =	vpop (xrf0);
	(xrf0) =	vadd.scan.msk.s32 $0xffff, v1;
	v1 =	vnsel vm10, $0x0, v2;
	v2 =	vsub.s32 v31, v28  }
0x3b4: {  	vm11 =	veq.s32 v9, v62  }
0x3b5: {  	v9, _, _ =	vpop (xrf0);
	(xrf0) =	vadd.scan.msk.s32 $0xffff, v1;
	v1 =	vnsel vm11, $0x0, v2  }
0x3b6: {  	(v2sf) =	vpush v4, $0xF;
	v2, _, _ =	vpop (xrf0);
	(xrf0) =	vadd.scan.msk.s32 $0xffff, v1  }
0x3b7: {  	(v2sf) =	vpush v5, $0xF;
	v4, _, _ =	vpop (xrf0);
	(xrf0) =	vadd.scan.msk.s32 $0xffff, v0  }
0x3b8: {  	(v2sf) =	vpush v6, $0xF;
	v5, _, _ =	vpop (xrf0)  }
0x3b9: {  	(v2sf) =	vpush v7, $0xF;
	v6, _, _ =	vpop (xrf0)  }
0x3ba: {  	(v2sf) =	vpush v3, $0xF;
	v7, _, _ =	vpop (xrf0)  }
0x3bb: {  	(v2sf) =	vpush v8, $0xF;
	v3, _, _ =	vpop (xrf0)  }
0x3bc: {  	(v2sf) =	vpush v10, $0xF;
	v8, _, _ =	vpop (xrf0)  }
0x3bd: {  	(v2sf) =	vpush v11, $0xF;
	v1, _, _ =	vpop (xrf0)  }
0x3be: {  	(v2sf) =	vpush v9, $0xF;
	v9 =	vxor.u32 $0x80000000, v1  }
0x3bf: {  	(v2sf) =	vpush v2, $0xF;
	(xrf0) =	vmax.scan.msk.u32 $0xffff, v9  }
0x3c0: {  	(v2sf) =	vpush v4, $0xF  }
0x3c1: {  	(v2sf) =	vpush v5, $0xF  }
0x3c2: {  	(v2sf) =	vpush v6, $0xF  }
0x3c3: {  	(v2sf) =	vpush v7, $0xF  }
0x3c4: {  	(v2sf) =	vpush v3, $0xF  }
0x3c5: {  	s5 =	spop (v2sf);
	(v2sf) =	vpush v8, $0xF;
	v2, _, _ =	vpop (xrf0)  }
0x3c6: {  	s18 =	spop (v2sf);
	(v2sf) =	vpush v2, $0xF  }
0x3c7: {  	s19 =	spop (v2sf)  }
0x3c8: {  	s10 =	spop (v2sf)  }
0x3c9: {  	s11 =	spop (v2sf)  }
0x3ca: {  	s12 =	spop (v2sf)  }
0x3cb: {  	[tilespmem:$0x1FF80] =	vst v0;
	v0 =	vld [tilespmem:$0x11210];
	s13 =	spop (v2sf)  }
0x3cc: {  	s20 =	spop (v2sf)  }
0x3cd: {  	s21 =	spop (v2sf)  }
0x3ce: {  	s14 =	spop (v2sf)  }
0x3cf: {  	s6 =	spop (v2sf)  }
0x3d0: {  	(xrf0) =	vadd.scan.msk.s32 $0xffff, v0;
	s8 =	spop (v2sf)  }
0x3d1: {  	s15 =	spop (v2sf)  }
0x3d2: {  	s16 =	spop (v2sf)  }
0x3d3: {  	s17 =	spop (v2sf)  }
0x3d4: {  	s9 =	spop (v2sf)  }
0x3d5: {  	s23 =	spop (v2sf)  }
0x3d6: {  	v3, _, _ =	vpop (xrf0);
	s22 =	sxor.u32 $0x80000000, s23  }
0x3d7: {  	v3 =	vadd.s32 s22, v3  }
0x3d8: {  	v4 =	vxor.u32 $0x80000000, v3  }
0x3d9: {  	(xrf0) =	vmax.scan.msk.u32 $0xffff, v4;
	_ =	sdelay $0x5  }
0x3da: {  	v4, _, _ =	vpop (xrf0)  }
0x3db: {  	(v2sf) =	vpush v4, $0xF;
	_ =	sdelay $0x4  }
0x3dc: {  	[tilespmem:$0x1FF90] =	vst v0;
	v0 =	vld [tilespmem:$0x11220];
	_ =	sdelay $0x4  }
0x3dd: {  	(xrf0) =	vadd.scan.msk.s32 $0xffff, v0;
	_ =	sdelay $0x4  }
0x3de: {  	s24 =	spop (v2sf)  }
0x3df: {  	v5, _, _ =	vpop (xrf0);
	s22 =	sxor.u32 $0x80000000, s24  }
0x3e0: {  	v6 =	vadd.s32 s22, v5  }
0x3e1: {  	v5 =	vxor.u32 $0x80000000, v6  }
0x3e2: {  	(xrf0) =	vmax.scan.msk.u32 $0xffff, v5;
	_ =	sdelay $0x5  }
0x3e3: {  	v5, _, _ =	vpop (xrf0)  }
0x3e4: {  	(v2sf) =	vpush v5, $0xF;
	_ =	sdelay $0x4  }
0x3e5: {  	[tilespmem:$0x1FFA0] =	vst v0;
	v0 =	vld [tilespmem:$0x11230];
	_ =	sdelay $0x4  }
0x3e6: {  	(xrf0) =	vadd.scan.msk.s32 $0xffff, v0;
	_ =	sdelay $0x4  }
0x3e7: {  	s25 =	spop (v2sf)  }
0x3e8: {  	v7, _, _ =	vpop (xrf0);
	s22 =	sxor.u32 $0x80000000, s25  }
0x3e9: {  	v9 =	vadd.s32 s22, v7  }
0x3ea: {  	v7 =	vxor.u32 $0x80000000, v9  }
0x3eb: {  	(xrf0) =	vmax.scan.msk.u32 $0xffff, v7;
	_ =	sdelay $0x5  }
0x3ec: {  	v7, _, _ =	vpop (xrf0)  }
0x3ed: {  	(v2sf) =	vpush v7, $0xF;
	_ =	sdelay $0x4  }
0x3ee: {  	v7 =	vld [tilespmem:$0x11240];
	_ =	sdelay $0x4  }
0x3ef: {  	(xrf0) =	vadd.scan.msk.s32 $0xffff, v7;
	_ =	sdelay $0x4  }
0x3f0: {  	s26 =	spop (v2sf)  }
0x3f1: {  	v8, _, _ =	vpop (xrf0);
	s22 =	sxor.u32 $0x80000000, s26  }
0x3f2: {  	v11 =	vadd.s32 s22, v8  }
0x3f3: {  	v8 =	vxor.u32 $0x80000000, v11  }
0x3f4: {  	(xrf0) =	vmax.scan.msk.u32 $0xffff, v8;
	_ =	sdelay $0x5  }
0x3f5: {  	v8, _, _ =	vpop (xrf0)  }
0x3f6: {  	(v2sf) =	vpush v8, $0xF;
	_ =	sdelay $0x4  }
0x3f7: {  	v8 =	vld [tilespmem:$0x11250];
	_ =	sdelay $0x4  }
0x3f8: {  	(xrf0) =	vadd.scan.msk.s32 $0xffff, v8;
	_ =	sdelay $0x4  }
0x3f9: {  	s28 =	spop (v2sf)  }
0x3fa: {  	v10, _, _ =	vpop (xrf0);
	s22 =	sxor.u32 $0x80000000, s28  }
0x3fb: {  	v12 =	vadd.s32 s22, v10  }
0x3fc: {  	v10 =	vxor.u32 $0x80000000, v12  }
0x3fd: {  	(xrf0) =	vmax.scan.msk.u32 $0xffff, v10;
	_ =	sdelay $0x5  }
0x3fe: {  	v10, _, _ =	vpop (xrf0)  }
0x3ff: {  	(v2sf) =	vpush v10, $0xF;
	_ =	sdelay $0x4  }
0x400: {  	v10 =	vld [tilespmem:$0x11260];
	_ =	sdelay $0x4  }
0x401: {  	(xrf0) =	vadd.scan.msk.s32 $0xffff, v10;
	_ =	sdelay $0x4  }
0x402: {  	s29 =	spop (v2sf)  }
0x403: {  	v13, _, _ =	vpop (xrf0);
	s22 =	sxor.u32 $0x80000000, s29  }
0x404: {  	v14 =	vadd.s32 s22, v13  }
0x405: {  	v13 =	vxor.u32 $0x80000000, v14  }
0x406: {  	(xrf0) =	vmax.scan.msk.u32 $0xffff, v13;
	_ =	sdelay $0x5  }
0x407: {  	v13, _, _ =	vpop (xrf0)  }
0x408: {  	(v2sf) =	vpush v13, $0xF;
	_ =	sdelay $0x4  }
0x409: {  	v13 =	vld [tilespmem:$0x11270];
	_ =	sdelay $0x4  }
0x40a: {  	(xrf0) =	vadd.scan.msk.s32 $0xffff, v13;
	_ =	sdelay $0x4  }
0x40b: {  	s30 =	spop (v2sf)  }
0x40c: {  	v15, _, _ =	vpop (xrf0);
	s22 =	sxor.u32 $0x80000000, s30  }
0x40d: {  	v16 =	vadd.s32 s22, v15  }
0x40e: {  	v15 =	vxor.u32 $0x80000000, v16  }
0x40f: {  	(xrf0) =	vmax.scan.msk.u32 $0xffff, v15;
	_ =	sdelay $0x5  }
0x410: {  	v15, _, _ =	vpop (xrf0)  }
0x411: {  	(v2sf) =	vpush v15, $0xF;
	_ =	sdelay $0x4  }
0x412: {  	v15 =	vld [tilespmem:$0x11280];
	_ =	sdelay $0x4  }
0x413: {  	(xrf0) =	vadd.scan.msk.s32 $0xffff, v15;
	_ =	sdelay $0x4  }
0x414: {  	s31 =	spop (v2sf)  }
0x415: {  	v17, _, _ =	vpop (xrf0);
	s22 =	sxor.u32 $0x80000000, s31  }
0x416: {  	v18 =	vadd.s32 s22, v17  }
0x417: {  	v17 =	vxor.u32 $0x80000000, v18  }
0x418: {  	(xrf0) =	vmax.scan.msk.u32 $0xffff, v17;
	_ =	sdelay $0x5  }
0x419: {  	v17, _, _ =	vpop (xrf0)  }
0x41a: {  	(v2sf) =	vpush v17, $0xF;
	_ =	sdelay $0x4  }
0x41b: {  	v17 =	vld [tilespmem:$0x11290];
	_ =	sdelay $0x4  }
0x41c: {  	(xrf0) =	vadd.scan.msk.s32 $0xffff, v17;
	_ =	sdelay $0x4  }
0x41d: {  	s23 =	spop (v2sf)  }
0x41e: {  	v19, _, _ =	vpop (xrf0);
	s22 =	sxor.u32 $0x80000000, s23  }
0x41f: {  	v20 =	vadd.s32 s22, v19  }
0x420: {  	v19 =	vxor.u32 $0x80000000, v20  }
0x421: {  	(xrf0) =	vmax.scan.msk.u32 $0xffff, v19;
	_ =	sdelay $0x5  }
0x422: {  	v19, _, _ =	vpop (xrf0)  }
0x423: {  	(v2sf) =	vpush v19, $0xF;
	_ =	sdelay $0x4  }
0x424: {  	v19 =	vld [tilespmem:$0x112A0];
	_ =	sdelay $0x4  }
0x425: {  	(xrf0) =	vadd.scan.msk.s32 $0xffff, v19;
	_ =	sdelay $0x4  }
0x426: {  	s24 =	spop (v2sf)  }
0x427: {  	v21, _, _ =	vpop (xrf0);
	s22 =	sxor.u32 $0x80000000, s24  }
0x428: {  	v22 =	vadd.s32 s22, v21  }
0x429: {  	v21 =	vxor.u32 $0x80000000, v22  }
0x42a: {  	(xrf0) =	vmax.scan.msk.u32 $0xffff, v21;
	_ =	sdelay $0x5  }
0x42b: {  	v21, _, _ =	vpop (xrf0)  }
0x42c: {  	(v2sf) =	vpush v21, $0xF;
	_ =	sdelay $0x4  }
0x42d: {  	v21 =	vld [tilespmem:$0x112B0];
	_ =	sdelay $0x4  }
0x42e: {  	(xrf0) =	vadd.scan.msk.s32 $0xffff, v21;
	_ =	sdelay $0x4  }
0x42f: {  	s25 =	spop (v2sf)  }
0x430: {  	v23, _, _ =	vpop (xrf0);
	s22 =	sxor.u32 $0x80000000, s25  }
0x431: {  	v24 =	vadd.s32 s22, v23  }
0x432: {  	v23 =	vxor.u32 $0x80000000, v24  }
0x433: {  	(xrf0) =	vmax.scan.msk.u32 $0xffff, v23;
	_ =	sdelay $0x5  }
0x434: {  	v23, _, _ =	vpop (xrf0)  }
0x435: {  	(v2sf) =	vpush v23, $0xF;
	_ =	sdelay $0x4  }
0x436: {  	v23 =	vld [tilespmem:$0x112C0];
	_ =	sdelay $0x4  }
0x437: {  	(xrf0) =	vadd.scan.msk.s32 $0xffff, v23;
	_ =	sdelay $0x4  }
0x438: {  	s26 =	spop (v2sf)  }
0x439: {  	v25, _, _ =	vpop (xrf0);
	s22 =	sxor.u32 $0x80000000, s26  }
0x43a: {  	v26 =	vadd.s32 s22, v25  }
0x43b: {  	v25 =	vxor.u32 $0x80000000, v26  }
0x43c: {  	(xrf0) =	vmax.scan.msk.u32 $0xffff, v25;
	_ =	sdelay $0x5  }
0x43d: {  	v25, _, _ =	vpop (xrf0)  }
0x43e: {  	(v2sf) =	vpush v25, $0xF;
	_ =	sdelay $0x4  }
0x43f: {  	v25 =	vld [tilespmem:$0x112D0];
	_ =	sdelay $0x4  }
0x440: {  	(xrf0) =	vadd.scan.msk.s32 $0xffff, v25;
	_ =	sdelay $0x4  }
0x441: {  	s28 =	spop (v2sf)  }
0x442: {  	v27, _, _ =	vpop (xrf0);
	s22 =	sxor.u32 $0x80000000, s28  }
0x443: {  	v28 =	vadd.s32 s22, v27  }
0x444: {  	v27 =	vxor.u32 $0x80000000, v28  }
0x445: {  	(xrf0) =	vmax.scan.msk.u32 $0xffff, v27;
	_ =	sdelay $0x5  }
0x446: {  	v27, _, _ =	vpop (xrf0)  }
0x447: {  	(v2sf) =	vpush v27, $0xF;
	_ =	sdelay $0x4  }
0x448: {  	v27 =	vld [tilespmem:$0x112E0];
	_ =	sdelay $0x4  }
0x449: {  	(xrf0) =	vadd.scan.msk.s32 $0xffff, v27;
	_ =	sdelay $0x4  }
0x44a: {  	s29 =	spop (v2sf)  }
0x44b: {  	v29, _, _ =	vpop (xrf0);
	s22 =	sxor.u32 $0x80000000, s29  }
0x44c: {  	v29 =	vadd.s32 s22, v29  }
0x44d: {  	s30 =	sld [smem:$0x7F4];
	v30 =	vxor.u32 $0x80000000, v29  }
0x44e: {  	s31 =	sld [smem:$0x7F5];
	(xrf0) =	vmax.scan.msk.u32 $0xffff, v30  }
0x44f: {  	s22 =	sld [smem:$0x7F6]  }
0x450: {  	p2 =	seq.s32 s30, $0x1;
	s23 =	sld [smem:$0x7F7]  }
0x451: {  	s5 =	simm.s32 @!p2 $0x0;
	p2 =	seq.s32 s31, $0x1;
	s24 =	sld [smem:$0x7F8]  }
0x452: {  	s5 =	smov.u32 @p2 s18;
	s25 =	sld [smem:$0x7F9];
	p2 =	seq.s32 s22, $0x1  }
0x453: {  	s26 =	sld [smem:$0x7FA];
	s5 =	smov.u32 @p2 s19;
	p2 =	seq.s32 s23, $0x1  }
0x454: {  	s28 =	sld [smem:$0x7FB];
	s5 =	smov.u32 @p2 s10;
	p2 =	seq.s32 s24, $0x1;
	v30, _, _ =	vpop (xrf0)  }
0x455: {  	s29 =	sld [smem:$0x7FC];
	s5 =	smov.u32 @p2 s11;
	p2 =	seq.s32 s25, $0x1;
	(v2sf) =	vpush v30, $0xF  }
0x456: {  	s30 =	sld [smem:$0x7FD];
	s5 =	smov.u32 @p2 s12;
	p2 =	seq.s32 s26, $0x1  }
0x457: {  	s5 =	smov.u32 @p2 s13;
	p2 =	seq.s32 s28, $0x1  }
0x458: {  	s5 =	smov.u32 @p2 s20;
	p2 =	seq.s32 s29, $0x1  }
0x459: {  	s5 =	smov.u32 @p2 s21;
	p2 =	seq.s32 s30, $0x1  }
0x45a: {  	v30 =	vld [tilespmem:$0x112F0];
	s5 =	smov.u32 @p2 s14  }
0x45b: {  	s5 =	smov.u32 @p3 s6  }
0x45c: {  	s5 =	smov.u32 @p4 s8  }
0x45d: {  	s5 =	smov.u32 @p5 s15  }
0x45e: {  	s5 =	smov.u32 @p6 s16  }
0x45f: {  	(xrf0) =	vadd.scan.msk.s32 $0xffff, v30;
	s5 =	smov.u32 @p0 s17  }
0x460: {  	s5 =	smov.u32 @p1 s9  }
0x461: {  	s6 =	ssub.s32 $0x19CCC, s5  }
0x462: {  	v48 =	vimm.s32 $0x0;
	vm12 =	vgt.s32 v1, s6;
	vm13 =	vgt.s32 v3, s6  }
0x463: {  	vm14 =	vgt.s32 v6, s6;
	vm15 =	vgt.s32 v9, s6;
	vm4 =	vgt.s32 v11, s6  }
0x464: {  	vm5 =	vgt.s32 v12, s6;
	vm6 =	vgt.s32 v14, s6;
	vm7 =	vgt.s32 v16, s6;
	s31 =	spop (v2sf)  }
0x465: {  	vm8 =	vgt.s32 v18, s6;
	v46 =	vmpcnt.ones.xlane vm12;
	v47 =	vmpcnt.ones.xlane vm13;
	v31, _, _ =	vpop (xrf0);
	s5 =	sxor.u32 $0x80000000, s31  }
0x466: {  	[tilespmem:$0x1FFB0] =	vst v0;
	v45 =	vmpcnt.ones.xlane vm14;
	v44 =	vmpcnt.ones.xlane vm15;
	v31 =	vadd.s32 s5, v31;
	s5 =	simm.s32 $0x10240  }
0x467: {  	vm9 =	vgt.s32 v20, s6;
	v43 =	vmpcnt.ones.xlane vm4;
	v42 =	vmpcnt.ones.xlane vm5;
	[tilespmem:s5+$0xFFFFFFC0] =	vst v48  }
0x468: {  	vm10 =	vgt.s32 v22, s6;
	v41 =	vmpcnt.ones.xlane vm6;
	v40 =	vmpcnt.ones.xlane vm7;
	[tilespmem:s5+$0x30] =	vst v48  }
0x469: {  	vm11 =	vgt.s32 v24, s6;
	v39 =	vmpcnt.ones.xlane vm8;
	v38 =	vmpcnt.ones.xlane vm9;
	[tilespmem:s5+$0x20] =	vst v48  }
0x46a: {  	v37 =	vmpcnt.ones.xlane vm10;
	v36 =	vmpcnt.ones.xlane vm11;
	[tilespmem:s5+$0x10] =	vst v48  }
0x46b: {  	vm12 =	vgt.s32 v26, s6;
	vm13 =	vgt.s32 v28, s6;
	vm14 =	vgt.s32 v29, s6;
	[tilespmem:s5+$0x0] =	vst v48  }
0x46c: {  	v35 =	vmpcnt.ones.xlane vm12;
	v34 =	vmpcnt.ones.xlane vm13;
	vm15 =	vgt.s32 v31, s6;
	[tilespmem:s5+$0xFFFFFFF0] =	vst v48  }
0x46d: {  	s8 =	simm.s32 $0x0;
	v33 =	vmpcnt.ones.xlane vm14;
	[tilespmem:s5+$0xFFFFFFE0] =	vst v48;
	v32 =	vmpcnt.ones.xlane vm15  }
.LBB2_18:
0x46e: {  	s8 =	sadd.s32 $0x8, s8;
	[tilespmem:s5+$0xFFFFFFD0] =	vst v48;
	s5 =	sadd.s32 $0x80, s5  }
0x46f: {  	[tilespmem:s5+$0xFFFFFFC0] =	vst v48;
	p0 =	slt.u32 s8, $0xF8  }
0x470: {  	[tilespmem:s5+$0x30] =	vst v48  }
.Ltmp9:
0x471: {  	[tilespmem:s5+$0x20] =	vst v48;
	(pc) =	sbr.rel @p0 .LBB2_18-.Ltmp9, $4  }
0x472: {  	[tilespmem:s5+$0x10] =	vst v48  }
0x473: {  	[tilespmem:s5+$0x0] =	vst v48  }
0x474: {  	[tilespmem:s5+$0xFFFFFFF0] =	vst v48  }
0x475: {  	[tilespmem:s5+$0xFFFFFFE0] =	vst v48  }
0x476: {  	v46 =	vxor.u32 $0x80000000, v46  }
0x477: {  	(xrf0) =	vmax.scan.msk.u32 $0xffff, v46;
	_ =	sdelay $0x1  }
0x478: {  	v56 =	vxor.u32 $0x80000000, v47  }
0x479: {  	(xrf0) =	vmax.scan.msk.u32 $0xffff, v56;
	_ =	sdelay $0x2  }
0x47a: {  	v45 =	vxor.u32 $0x80000000, v45;
	v57, _, _ =	vpop (xrf0)  }
0x47b: {  	(xrf0) =	vmax.scan.msk.u32 $0xffff, v45;
	(v2sf) =	vpush v57, $0xF;
	_ =	sdelay $0x1  }
0x47c: {  	v58, _, _ =	vpop (xrf0)  }
0x47d: {  	v44 =	vxor.u32 $0x80000000, v44;
	(v2sf) =	vpush v58, $0xF  }
0x47e: {  	(xrf0) =	vmax.scan.msk.u32 $0xffff, v44;
	_ =	sdelay $0x1  }
0x47f: {  	v59, _, _ =	vpop (xrf0)  }
0x480: {  	v43 =	vxor.u32 $0x80000000, v43;
	(v2sf) =	vpush v59, $0xF  }
0x481: {  	(xrf0) =	vmax.scan.msk.u32 $0xffff, v43;
	_ =	sdelay $0x1  }
0x482: {  	v60, _, _ =	vpop (xrf0)  }
0x483: {  	v42 =	vxor.u32 $0x80000000, v42;
	(v2sf) =	vpush v60, $0xF  }
0x484: {  	(xrf0) =	vmax.scan.msk.u32 $0xffff, v42;
	_ =	sdelay $0x1  }
0x485: {  	v61, _, _ =	vpop (xrf0)  }
0x486: {  	v41 =	vxor.u32 $0x80000000, v41;
	s17 =	spop (v2sf);
	(v2sf) =	vpush v61, $0xF  }
0x487: {  	[tilespmem:s5+$0xFFFFFFD0] =	vst v48;
	(xrf0) =	vmax.scan.msk.u32 $0xffff, v41;
	s5 =	sxor.u32 $0x80000000, s17  }
0x488: {  	s8 =	ssub.s32 $0x10, s5  }
0x489: {  	v62, _, _ =	vpop (xrf0);
	s9 =	spop (v2sf);
	p0 =	sgt.s32 s5, $0x0;
	s5 =	smov.u32 s8  }
0x48a: {  	v40 =	vxor.u32 $0x80000000, v40;
	(v2sf) =	vpush v62, $0xF;
	s9 =	sxor.u32 $0x80000000, s9;
	s10 =	simm.s32 @!p0 $0x0;
	s5 =	simm.s32 @!p0 $0xFFFFFFFF  }
0x48b: {  	(xrf0) =	vmax.scan.msk.u32 $0xffff, v40;
	p1 =	sgt.s32 s9, $0x0;
	s10 =	simm.s32 @p0 $0x1;
	p0 =	slt.s32 s5, $0x0  }
0x48c: {  	[smem:$0x7EA] =	sst s10;
	p0 =	por !p0, !p1  }
0x48d: {  	v63, _, _ =	vpop (xrf0);
	s10 =	ssub.s32 $0x20, s9;
	s11 =	spop (v2sf);
	p0 =	por !p0, !p0  }
0x48e: {  	v39 =	vxor.u32 $0x80000000, v39;
	(v2sf) =	vpush v63, $0xF;
	s12 =	simm.s32 @!p0 $0x0;
	s5 =	smov.u32 @p0 s10;
	s10 =	sxor.u32 $0x80000000, s11  }
0x48f: {  	(xrf0) =	vmax.scan.msk.u32 $0xffff, v39;
	s12 =	simm.s32 @p0 $0x1;
	p0 =	slt.s32 s5, $0x0;
	p3 =	sgt.s32 s10, $0x0  }
0x490: {  	p0 =	por !p3, !p0  }
0x491: {  	v42, _, _ =	vpop (xrf0);
	s18 =	spop (v2sf);
	s11 =	ssub.s32 $0x30, s10;
	p0 =	por !p0, !p0  }
0x492: {  	v38 =	vxor.u32 $0x80000000, v38;
	(v2sf) =	vpush v42, $0xF;
	s13 =	simm.s32 @!p0 $0x0;
	s5 =	smov.u32 @p0 s11;
	s11 =	sxor.u32 $0x80000000, s18  }
0x493: {  	(xrf0) =	vmax.scan.msk.u32 $0xffff, v38;
	s13 =	simm.s32 @p0 $0x1;
	p0 =	slt.s32 s5, $0x0;
	p4 =	sgt.s32 s11, $0x0  }
0x494: {  	[smem:$0x7EB] =	sst s12;
	p0 =	por !p4, !p0  }
0x495: {  	v43, _, _ =	vpop (xrf0);
	s12 =	ssub.s32 $0x40, s11;
	p0 =	por !p0, !p0;
	s19 =	spop (v2sf)  }
0x496: {  	v37 =	vxor.u32 $0x80000000, v37;
	(v2sf) =	vpush v43, $0xF;
	s14 =	simm.s32 @!p0 $0x0;
	s5 =	smov.u32 @p0 s12;
	s12 =	sxor.u32 $0x80000000, s19  }
0x497: {  	(xrf0) =	vmax.scan.msk.u32 $0xffff, v37;
	s14 =	simm.s32 @p0 $0x1;
	p0 =	slt.s32 s5, $0x0;
	p5 =	sgt.s32 s12, $0x0  }
0x498: {  	[smem:$0x7EC] =	sst s13;
	p0 =	por !p5, !p0  }
0x499: {  	v36 =	vxor.u32 $0x80000000, v36;
	v44, _, _ =	vpop (xrf0);
	s20 =	spop (v2sf);
	s13 =	ssub.s32 $0x50, s12;
	p0 =	por !p0, !p0  }
0x49a: {  	(xrf0) =	vmax.scan.msk.u32 $0xffff, v36;
	(v2sf) =	vpush v44, $0xF;
	s15 =	simm.s32 @!p0 $0x0;
	s5 =	smov.u32 @p0 s13;
	s13 =	sxor.u32 $0x80000000, s20  }
0x49b: {  	s15 =	simm.s32 @p0 $0x1;
	p0 =	slt.s32 s5, $0x0;
	p6 =	sgt.s32 s13, $0x0  }
0x49c: {  	[smem:$0x7ED] =	sst s14;
	p0 =	por !p6, !p0  }
0x49d: {  	v45, _, _ =	vpop (xrf0);
	s14 =	ssub.s32 $0x60, s13;
	s21 =	spop (v2sf);
	p0 =	por !p0, !p0  }
0x49e: {  	v35 =	vxor.u32 $0x80000000, v35;
	(v2sf) =	vpush v45, $0xF;
	s16 =	simm.s32 @!p0 $0x0;
	s5 =	smov.u32 @p0 s14;
	s14 =	sxor.u32 $0x80000000, s21  }
0x49f: {  	(xrf0) =	vmax.scan.msk.u32 $0xffff, v35;
	s16 =	simm.s32 @p0 $0x1;
	p0 =	slt.s32 s5, $0x0;
	p2 =	sgt.s32 s14, $0x0  }
0x4a0: {  	v46, _, _ =	vpop (xrf0);
	[smem:$0x7EE] =	sst s15;
	p0 =	por !p2, !p0  }
0x4a1: {  	s22 =	spop (v2sf);
	(v2sf) =	vpush v46, $0xF;
	s15 =	ssub.s32 $0x70, s14;
	p0 =	por !p0, !p0  }
0x4a2: {  	v34 =	vxor.u32 $0x80000000, v34;
	s17 =	simm.s32 @!p0 $0x0;
	s5 =	smov.u32 @p0 s15;
	s15 =	sxor.u32 $0x80000000, s22  }
0x4a3: {  	(xrf0) =	vmax.scan.msk.u32 $0xffff, v34;
	s17 =	simm.s32 @p0 $0x1;
	p0 =	slt.s32 s5, $0x0;
	p3 =	sgt.s32 s15, $0x0  }
0x4a4: {  	[smem:$0x7EF] =	sst s16;
	p0 =	por !p3, !p0  }
0x4a5: {  	v47, _, _ =	vpop (xrf0);
	s16 =	ssub.s32 $0x80, s15;
	s23 =	spop (v2sf);
	p0 =	por !p0, !p0  }
0x4a6: {  	v33 =	vxor.u32 $0x80000000, v33;
	(v2sf) =	vpush v47, $0xF;
	s18 =	simm.s32 @!p0 $0x0;
	s5 =	smov.u32 @p0 s16;
	s16 =	sxor.u32 $0x80000000, s23  }
0x4a7: {  	(xrf0) =	vmax.scan.msk.u32 $0xffff, v33;
	s18 =	simm.s32 @p0 $0x1;
	p0 =	slt.s32 s5, $0x0;
	p4 =	sgt.s32 s16, $0x0  }
0x4a8: {  	[smem:$0x7F0] =	sst s17;
	p0 =	por !p4, !p0  }
0x4a9: {  	v48, _, _ =	vpop (xrf0);
	s24 =	spop (v2sf);
	s17 =	ssub.s32 $0x90, s16;
	p0 =	por !p0, !p0  }
0x4aa: {  	v32 =	vxor.u32 $0x80000000, v32;
	(v2sf) =	vpush v48, $0xF;
	s19 =	simm.s32 @!p0 $0x0;
	s5 =	smov.u32 @p0 s17;
	s17 =	sxor.u32 $0x80000000, s24  }
0x4ab: {  	(xrf0) =	vmax.scan.msk.u32 $0xffff, v32;
	s19 =	simm.s32 @p0 $0x1;
	p0 =	slt.s32 s5, $0x0;
	p5 =	sgt.s32 s17, $0x0  }
0x4ac: {  	[smem:$0x7F1] =	sst s18;
	p0 =	por !p5, !p0  }
0x4ad: {  	v49, _, _ =	vpop (xrf0);
	s25 =	spop (v2sf);
	s18 =	ssub.s32 $0xA0, s17;
	p0 =	por !p0, !p0  }
0x4ae: {  	(v2sf) =	vpush v49, $0xF;
	s20 =	simm.s32 @!p0 $0x0;
	s5 =	smov.u32 @p0 s18;
	s18 =	sxor.u32 $0x80000000, s25  }
0x4af: {  	s20 =	simm.s32 @p0 $0x1;
	p0 =	slt.s32 s5, $0x0;
	p6 =	sgt.s32 s18, $0x0  }
0x4b0: {  	s26 =	spop (v2sf);
	p0 =	por !p6, !p0  }
0x4b1: {  	v50, _, _ =	vpop (xrf0);
	[smem:$0x7F2] =	sst s19;
	s19 =	ssub.s32 $0xB0, s18;
	p3 =	por !p0, !p0  }
0x4b2: {  	(v2sf) =	vpush v50, $0xF;
	s5 =	smov.u32 @p3 s19;
	s19 =	sxor.u32 $0x80000000, s26  }
0x4b3: {  	p2 =	slt.s32 s5, $0x0;
	p4 =	sgt.s32 s19, $0x0  }
0x4b4: {  	p0 =	por !p4, !p2  }
0x4b5: {  	s28 =	spop (v2sf);
	s21 =	ssub.s32 $0xC0, s19;
	p4 =	por !p0, !p0  }
0x4b6: {  	[smem:$0x7F3] =	sst s20;
	s20 =	sxor.u32 $0x80000000, s28;
	s5 =	smov.u32 @p4 s21  }
0x4b7: {  	p6 =	sgt.s32 s20, $0x0;
	p5 =	slt.s32 s5, $0x0  }
0x4b8: {  	p0 =	por !p6, !p5  }
0x4b9: {  	s29 =	spop (v2sf);
	s22 =	ssub.s32 $0xD0, s20;
	p5 =	por !p0, !p0  }
0x4ba: {  	s5 =	smov.u32 @p5 s22;
	s22 =	sxor.u32 $0x80000000, s29  }
0x4bb: {  	p2 =	slt.s32 s5, $0x0;
	p6 =	sgt.s32 s22, $0x0  }
0x4bc: {  	p0 =	por !p6, !p2  }
0x4bd: {  	s30 =	spop (v2sf);
	s23 =	ssub.s32 $0xE0, s22;
	p6 =	por !p0, !p0  }
0x4be: {  	s21 =	sxor.u32 $0x80000000, s30;
	s5 =	smov.u32 @p6 s23  }
0x4bf: {  	p2 =	sgt.s32 s21, $0x0;
	p1 =	slt.s32 s5, $0x0  }
0x4c0: {  	p0 =	por !p2, !p1  }
0x4c1: {  	s24 =	spop (v2sf);
	s23 =	ssub.s32 $0xF0, s21;
	p0 =	por !p0, !p0  }
0x4c2: {  	s31 =	simm.s32 $0x40;
	s5 =	smov.u32 @p0 s23;
	s23 =	sxor.u32 $0x80000000, s24  }
0x4c3: {  	v52 =	vld [tilespmem:s31+$0xFFFFFFC0];
	p1 =	slt.s32 s5, $0x0;
	p2 =	sgt.s32 s23, $0x0  }
0x4c4: {  	v53 =	vld [tilespmem:s31+$0xFFFFFFF0];
	p1 =	por !p2, !p1  }
0x4c5: {  	v54 =	vld [tilespmem:s31+$0x30];
	s24 =	ssub.s32 $0x100, s23;
	p1 =	por !p1, !p1  }
0x4c6: {  	s7 =	sshll.u32 s7, $0x8;
	v51 =	vlaneseq.u32;
	s5 =	smov.u32 @p1 s24  }
0x4c7: {  	v33 =	vmul.u32 $0x100, v51;
	s5 =	sor.u32 s7, s5  }
0x4c8: {  	v55 =	vshrl.u32 v52, $0x10;
	v35 =	vshrl.u32 v52, $0x8;
	v34 =	vmov s5  }
0x4c9: {  	v56 =	vld [tilespmem:s31+$0xFFFFFFE0];
	v57 =	vshrl.u32 v53, $0x8;
	v35 =	vand.u32 $0xFF, v35;
	vm2 =	veq.s32 v55, v34  }
0x4ca: {  	v58 =	vld [tilespmem:s31+$0x0];
	v36 =	vshrl.u32 v53, $0x10;
	v60 =	vshrl.u32 v54, $0x8;
	v59 =	vor.u32 v33, v35  }
0x4cb: {  	v61 =	vshrl.u32 v54, $0x10;
	v38 =	vand.u32 $0xFF, v57;
	vm1 =	veq.s32 v36, v34  }
0x4cc: {  	v62 =	vand.u32 $0xFF, v60;
	v35 =	vld [tilespmem:s31+$0x20];
	v38 =	vor.u32 v33, v38;
	vm0 =	veq.s32 v61, v34  }
0x4cd: {  	v39 =	vld [tilespmem:s31+$0xFFFFFFD0];
	v37 =	vor.u32 v33, v62  }
0x4ce: {  	v32 =	vimm.s32 $0x1;
	v63 =	vshrl.u32 v56, $0x8;
	v41 =	vshrl.u32 v56, $0x10;
	s7 =	simm.s32 $0x10200;
	v36 =	vld [tilespmem:s31+$0x10]  }
0x4cf: {  	s25 =	simm.s32 $0xC0;
	v42 =	vshrl.u32 v58, $0x10;
	v43 =	vshrl.u32 v58, $0x8;
	v40 =	vand.u32 $0xFF, v63;
	s24 =	simm.s32 $0x0;
	[tilespmem:v59+s7+$0x0] =	vst.idx.add.s32.msk vm2, v32  }
.LBB2_20:
0x4d0: {  	v44 =	vld [tilespmem:s25+$0xFFFFFFF0];
	s24 =	sadd.s32 $0x8, s24;
	vm3 =	veq.s32 v41, v34;
	vm2 =	veq.s32 v42, v34;
	v41 =	vand.u32 $0xFF, v43  }
0x4d1: {  	v40 =	vor.u32 v33, v40;
	p2 =	slt.u32 s24, $0x1018;
	[tilespmem:v38+s7+$0x0] =	vst.idx.add.s32.msk vm1, v32;
	v38 =	vor.u32 v33, v41;
	v41 =	vshrl.u32 v35, $0x10  }
0x4d2: {  	v35 =	vshrl.u32 v35, $0x8;
	v42 =	vshrl.u32 v39, $0x10;
	v39 =	vshrl.u32 v39, $0x8;
	[tilespmem:v37+s7+$0x0] =	vst.idx.add.s32.msk vm0, v32  }
0x4d3: {  	vm1 =	veq.s32 v41, v34;
	v35 =	vand.u32 $0xFF, v35;
	v37 =	vld [tilespmem:s25+$0xFFFFFFC0];
	vm0 =	veq.s32 v42, v34  }
0x4d4: {  	v39 =	vand.u32 $0xFF, v39;
	v42 =	vshrl.u32 v36, $0x10;
	v43 =	vor.u32 v33, v35;
	v41 =	vld [tilespmem:s25+$0x30]  }
0x4d5: {  	v36 =	vshrl.u32 v36, $0x8;
	vm4 =	veq.s32 v42, v34;
	v45 =	vshrl.u32 v44, $0x8;
	v35 =	vld [tilespmem:s25+$0x20]  }
0x4d6: {  	v39 =	vor.u32 v33, v39;
	v36 =	vand.u32 $0xFF, v36;
	v42 =	vld [tilespmem:s25+$0xFFFFFFE0]  }
0x4d7: {  	v36 =	vor.u32 v33, v36;
	[tilespmem:v40+s7+$0x0] =	vst.idx.add.s32.msk vm3, v32  }
0x4d8: {  	v40 =	vshrl.u32 v37, $0x10;
	v37 =	vshrl.u32 v37, $0x8;
	[tilespmem:v38+s7+$0x0] =	vst.idx.add.s32.msk vm2, v32  }
0x4d9: {  	v38 =	vshrl.u32 v44, $0x10;
	vm2 =	veq.s32 v40, v34;
	v37 =	vand.u32 $0xFF, v37;
	v44 =	vld [tilespmem:s25+$0x0]  }
0x4da: {  	v40 =	vshrl.u32 v41, $0x8;
	v46 =	vor.u32 v33, v37;
	v37 =	vand.u32 $0xFF, v45;
	[tilespmem:v43+s7+$0x0] =	vst.idx.add.s32.msk vm1, v32  }
.Ltmp10:
0x4db: {  	v41 =	vshrl.u32 v41, $0x10;
	vm1 =	veq.s32 v38, v34;
	v40 =	vand.u32 $0xFF, v40;
	[tilespmem:v39+s7+$0x0] =	vst.idx.add.s32.msk vm0, v32;
	(pc) =	sbr.rel @p2 .LBB2_20-.Ltmp10, $4  }
0x4dc: {  	v38 =	vor.u32 v33, v37;
	vm0 =	veq.s32 v41, v34;
	[tilespmem:v36+s7+$0x0] =	vst.idx.add.s32.msk vm4, v32  }
0x4dd: {  	v37 =	vor.u32 v33, v40;
	v36 =	vshrl.u32 v42, $0x8;
	v39 =	vld [tilespmem:s25+$0xFFFFFFD0]  }
0x4de: {  	v41 =	vshrl.u32 v42, $0x10;
	v40 =	vand.u32 $0xFF, v36;
	v42 =	vshrl.u32 v44, $0x10;
	v36 =	vld [tilespmem:s25+$0x10]  }
0x4df: {  	v43 =	vshrl.u32 v44, $0x8;
	s25 =	sadd.s32 $0x80, s25;
	[tilespmem:v46+s7+$0x0] =	vst.idx.add.s32.msk vm2, v32  }
0x4e0: {  	vm2 =	veq.s32 v41, v34  }
0x4e1: {  	vm3 =	veq.s32 v42, v34;
	v48 =	vand.u32 $0xFF, v43;
	v40 =	vor.u32 v33, v40  }
0x4e2: {  	v49 =	vshrl.u32 v35, $0x10;
	v52 =	vshrl.u32 v35, $0x8;
	v41 =	vor.u32 v33, v48  }
0x4e3: {  	vm5 =	veq.s32 v49, v34;
	v35 =	vand.u32 $0xFF, v52;
	v50 =	vshrl.u32 v39, $0x10  }
0x4e4: {  	v51 =	vshrl.u32 v39, $0x8;
	v35 =	vor.u32 v33, v35;
	vm4 =	veq.s32 v50, v34  }
0x4e5: {  	v39 =	vand.u32 $0xFF, v51;
	v53 =	vshrl.u32 v36, $0x10;
	v54 =	vshrl.u32 v36, $0x8  }
0x4e6: {  	[tilespmem:v38+s7+$0x0] =	vst.idx.add.s32.msk vm1, v32;
	vm15 =	veq.s32 v53, v34;
	v55 =	vor.u32 v33, v39;
	v36 =	vand.u32 $0xFF, v54  }
0x4e7: {  	[tilespmem:v37+s7+$0x0] =	vst.idx.add.s32.msk vm0, v32;
	v56 =	vor.u32 v33, v36  }
0x4e8: {  	[tilespmem:v40+s7+$0x0] =	vst.idx.add.s32.msk vm2, v32  }
0x4e9: {  	[tilespmem:v41+s7+$0x0] =	vst.idx.add.s32.msk vm3, v32  }
0x4ea: {  	[tilespmem:v35+s7+$0x0] =	vst.idx.add.s32.msk vm5, v32  }
0x4eb: {  	[tilespmem:v55+s7+$0x0] =	vst.idx.add.s32.msk vm4, v32  }
0x4ec: {  	s25 =	simm.s32 $0x10A10;
	s31 =	simm.s32 $0x0;
	[tilespmem:v56+s7+$0x0] =	vst.idx.add.s32.msk vm15, v32  }
0x4ed: {  	s7 =	sand.u32 $0xC0, s31;
	v32 =	vld [tilespmem:s25+$0xFFFFF7F0]  }
0x4ee: {  	v33 =	vld [tilespmem:s7+$0x10300]  }
0x4ef: {  	v34 =	vld [tilespmem:s7+$0x10400]  }
0x4f0: {  	v35 =	vld [tilespmem:s7+$0x10500]  }
0x4f1: {  	v36 =	vld [tilespmem:s7+$0x10600]  }
0x4f2: {  	v37 =	vld [tilespmem:s7+$0x10700]  }
0x4f3: {  	v38 =	vld [tilespmem:s7+$0x10800]  }
0x4f4: {  	v39 =	vld [tilespmem:s7+$0x10900]  }
0x4f5: {  	v40 =	vld [tilespmem:s7+$0x10A00]  }
0x4f6: {  	v41 =	vld [tilespmem:s7+$0x10B00]  }
0x4f7: {  	v42 =	vld [tilespmem:s7+$0x10C00]  }
0x4f8: {  	v43 =	vld [tilespmem:s7+$0x10D00]  }
0x4f9: {  	v44 =	vld [tilespmem:s7+$0x10E00]  }
0x4fa: {  	v45 =	vld [tilespmem:s7+$0x10F00]  }
0x4fb: {  	v46 =	vld [tilespmem:s7+$0x11000]  }
0x4fc: {  	v47 =	vld [tilespmem:s7+$0x11100]  }
0x4fd: {  	v48 =	vld [tilespmem:s25+$0xFFFFF800]  }
0x4fe: {  	v49 =	vld [tilespmem:s25+$0xFFFFF900]  }
0x4ff: {  	v50 =	vld [tilespmem:s25+$0xFFFFF810]  }
0x500: {  	v51 =	vld [tilespmem:s25+$0xFFFFF910]  }
0x501: {  	v52 =	vld [tilespmem:s25+$0xFFFFF820]  }
0x502: {  	v53 =	vld [tilespmem:s25+$0xFFFFF920]  }
0x503: {  	v54 =	vld [tilespmem:s25+$0xFFFFFA00]  }
0x504: {  	v55 =	vld [tilespmem:s25+$0xFFFFFA10]  }
0x505: {  	v56 =	vld [tilespmem:s25+$0xFFFFFA20]  }
0x506: {  	v57 =	vld [tilespmem:s25+$0xFFFFFB00]  }
0x507: {  	v58 =	vld [tilespmem:s25+$0xFFFFFB10]  }
0x508: {  	v59 =	vld [tilespmem:s25+$0xFFFFFB20]  }
0x509: {  	v60 =	vld [tilespmem:s25+$0xFFFFFC00]  }
0x50a: {  	v61 =	vld [tilespmem:s25+$0xFFFFFC10]  }
0x50b: {  	v62 =	vld [tilespmem:s25+$0xFFFFFC20]  }
0x50c: {  	v63 =	vld [tilespmem:s25+$0xFFFFFD00]  }
0x50d: {  	v0 =	vld [tilespmem:s25+$0xFFFFFD10]  }
0x50e: {  	v2 =	vld [tilespmem:s25+$0xFFFFFD20]  }
0x50f: {  	v4 =	vld [tilespmem:s25+$0xFFFFFE00]  }
0x510: {  	v5 =	vld [tilespmem:s25+$0xFFFFFE10]  }
0x511: {  	v32 =	vadd.s32 v32, v33;
	v33 =	vld [tilespmem:s25+$0xFFFFFE20]  }
0x512: {  	v32 =	vadd.s32 v34, v32;
	v34 =	vld [tilespmem:s25+$0xFFFFFF00]  }
0x513: {  	v32 =	vadd.s32 v35, v32;
	v35 =	vld [tilespmem:s25+$0xFFFFFF10]  }
0x514: {  	v32 =	vadd.s32 v36, v32;
	v36 =	vld [tilespmem:s25+$0xFFFFFF20]  }
0x515: {  	v32 =	vadd.s32 v37, v32;
	v37 =	vld [tilespmem:s25+$0x0]  }
0x516: {  	v32 =	vadd.s32 v38, v32;
	v38 =	vld [tilespmem:s25+$0x10]  }
0x517: {  	v32 =	vadd.s32 v39, v32;
	v39 =	vld [tilespmem:s25+$0x20]  }
0x518: {  	v32 =	vadd.s32 v40, v32;
	v40 =	vld [tilespmem:s25+$0x100]  }
0x519: {  	v32 =	vadd.s32 v41, v32;
	v41 =	vld [tilespmem:s25+$0x110]  }
0x51a: {  	v32 =	vadd.s32 v42, v32;
	v42 =	vld [tilespmem:s25+$0x120]  }
0x51b: {  	v32 =	vadd.s32 v43, v32;
	v43 =	vld [tilespmem:s25+$0x200]  }
0x51c: {  	v32 =	vadd.s32 v44, v32;
	v44 =	vld [tilespmem:s25+$0x210]  }
0x51d: {  	v32 =	vadd.s32 v45, v32;
	v45 =	vld [tilespmem:s25+$0x220]  }
0x51e: {  	v32 =	vadd.s32 v46, v32;
	v46 =	vld [tilespmem:s25+$0x300]  }
0x51f: {  	v47 =	vadd.s32 v47, v32;
	v32 =	vadd.s32 v48, v49;
	v48 =	vld [tilespmem:s25+$0x310]  }
0x520: {  	v49 =	vadd.s32 v50, v51;
	v50 =	vadd.s32 v52, v53;
	v51 =	vld [tilespmem:s25+$0x320];
	v32 =	vadd.s32 v54, v32  }
0x521: {  	v49 =	vadd.s32 v55, v49;
	v50 =	vadd.s32 v56, v50;
	v32 =	vadd.s32 v57, v32;
	v57 =	vld [tilespmem:s25+$0x400]  }
0x522: {  	v49 =	vadd.s32 v58, v49;
	v50 =	vadd.s32 v59, v50;
	v59 =	vld [tilespmem:s25+$0x410];
	v32 =	vadd.s32 v60, v32  }
0x523: {  	v49 =	vadd.s32 v61, v49;
	v50 =	vadd.s32 v62, v50;
	v60 =	vld [tilespmem:s25+$0x420];
	v32 =	vadd.s32 v63, v32  }
0x524: {  	v61 =	vld [tilespmem:s25+$0x500];
	v0 =	vadd.s32 v0, v49;
	v2 =	vadd.s32 v2, v50;
	v4 =	vadd.s32 v4, v32  }
0x525: {  	v62 =	vld [tilespmem:s25+$0x520];
	v0 =	vadd.s32 v5, v0;
	v2 =	vadd.s32 v33, v2;
	v4 =	vadd.s32 v34, v4  }
0x526: {  	v63 =	vld [tilespmem:s25+$0x600];
	v0 =	vadd.s32 v35, v0;
	v2 =	vadd.s32 v36, v2;
	v4 =	vadd.s32 v37, v4  }
0x527: {  	v5 =	vld [tilespmem:s25+$0x510];
	v0 =	vadd.s32 v38, v0;
	v2 =	vadd.s32 v39, v2;
	v4 =	vadd.s32 v40, v4  }
0x528: {  	v32 =	vld [tilespmem:s25+$0x610];
	v0 =	vadd.s32 v41, v0;
	v2 =	vadd.s32 v42, v2;
	v4 =	vadd.s32 v43, v4  }
0x529: {  	v33 =	vld [tilespmem:s25+$0x620];
	v0 =	vadd.s32 v44, v0;
	v2 =	vadd.s32 v45, v2;
	v4 =	vadd.s32 v46, v4  }
0x52a: {  	v34 =	vld [tilespmem:s25+$0x700];
	v0 =	vadd.s32 v48, v0;
	v2 =	vadd.s32 v51, v2;
	v4 =	vadd.s32 v57, v4  }
0x52b: {  	s7 =	simm.s32 $0x11220;
	v35 =	vld [tilespmem:s25+$0x710];
	v0 =	vadd.s32 v59, v0;
	v2 =	vadd.s32 v60, v2;
	v4 =	vadd.s32 v61, v4  }
0x52c: {  	s24 =	simm.s32 $0x0;
	s26 =	simm.s32 $0x40;
	[tilespmem:s7+$0xFFFFFFE0] =	vst v47;
	v36 =	vld [tilespmem:s25+$0x720];
	s25 =	simm.s32 $0x10A50;
	v39 =	vadd.s32 v5, v0;
	v37 =	vadd.s32 v62, v2;
	v38 =	vadd.s32 v63, v4  }
.LBB2_22:
0x52d: {  	v0 =	vld [tilespmem:s25+$0xFFFFF7F0];
	s28 =	sand.u32 $0xC0, s26;
	s24 =	sadd.s32 $0x4, s24;
	v2 =	vadd.s32 v32, v39  }
0x52e: {  	v4 =	vld [tilespmem:s28+$0x10300];
	p2 =	slt.u32 s24, $0xC;
	v5 =	vadd.s32 v33, v37  }
0x52f: {  	v32 =	vld [tilespmem:s28+$0x10400];
	v33 =	vadd.s32 v34, v38  }
0x530: {  	v34 =	vld [tilespmem:s28+$0x10500];
	[tilespmem:s7+$0xFFFFFFF0] =	vst v33;
	v2 =	vadd.s32 v35, v2  }
0x531: {  	v33 =	vld [tilespmem:s28+$0x10600];
	[tilespmem:s7+$0x0] =	vst v2;
	v2 =	vadd.s32 v36, v5  }
0x532: {  	v5 =	vld [tilespmem:s28+$0x10700];
	[tilespmem:s7+$0x10] =	vst v2  }
0x533: {  	v0 =	vadd.s32 v0, v4;
	v2 =	vld [tilespmem:s28+$0x10800]  }
0x534: {  	v0 =	vadd.s32 v32, v0;
	v4 =	vld [tilespmem:s28+$0x10900]  }
0x535: {  	v0 =	vadd.s32 v34, v0;
	v32 =	vld [tilespmem:s28+$0x10A00]  }
0x536: {  	v0 =	vadd.s32 v33, v0;
	v33 =	vld [tilespmem:s28+$0x10B00]  }
0x537: {  	v0 =	vadd.s32 v5, v0;
	v5 =	vld [tilespmem:s28+$0x10C00]  }
0x538: {  	v0 =	vadd.s32 v2, v0;
	v2 =	vld [tilespmem:s28+$0x10D00]  }
0x539: {  	v0 =	vadd.s32 v4, v0;
	v4 =	vld [tilespmem:s28+$0x10E00]  }
0x53a: {  	v0 =	vadd.s32 v32, v0;
	v32 =	vld [tilespmem:s28+$0x10F00]  }
0x53b: {  	v0 =	vadd.s32 v33, v0;
	v33 =	vld [tilespmem:s28+$0x11000]  }
0x53c: {  	v0 =	vadd.s32 v5, v0;
	v5 =	vld [tilespmem:s28+$0x11100]  }
0x53d: {  	v0 =	vadd.s32 v2, v0;
	v2 =	vld [tilespmem:s25+$0xFFFFF800]  }
0x53e: {  	v0 =	vadd.s32 v4, v0;
	v4 =	vld [tilespmem:s25+$0xFFFFF900]  }
0x53f: {  	v0 =	vadd.s32 v32, v0;
	v32 =	vld [tilespmem:s25+$0xFFFFF810]  }
0x540: {  	v0 =	vadd.s32 v33, v0;
	v33 =	vld [tilespmem:s25+$0xFFFFF910]  }
0x541: {  	s7 =	sadd.s32 $0x40, s7;
	v0 =	vadd.s32 v5, v0;
	v5 =	vld [tilespmem:s25+$0xFFFFF820]  }
0x542: {  	[tilespmem:s7+$0xFFFFFFE0] =	vst v0;
	v0 =	vld [tilespmem:s25+$0xFFFFF920]  }
0x543: {  	v2 =	vadd.s32 v2, v4;
	v4 =	vld [tilespmem:s25+$0xFFFFFA00]  }
0x544: {  	v34 =	vld [tilespmem:s25+$0xFFFFFA10]  }
0x545: {  	v32 =	vadd.s32 v32, v33;
	v33 =	vld [tilespmem:s25+$0xFFFFFA20]  }
0x546: {  	v35 =	vld [tilespmem:s25+$0xFFFFFB00]  }
0x547: {  	v36 =	vld [tilespmem:s25+$0xFFFFFB10];
	v0 =	vadd.s32 v5, v0  }
0x548: {  	v2 =	vadd.s32 v4, v2;
	v4 =	vld [tilespmem:s25+$0xFFFFFB20]  }
0x549: {  	v5 =	vld [tilespmem:s25+$0xFFFFFC00];
	v32 =	vadd.s32 v34, v32  }
0x54a: {  	v34 =	vld [tilespmem:s25+$0xFFFFFC10];
	v0 =	vadd.s32 v33, v0  }
0x54b: {  	v2 =	vadd.s32 v35, v2;
	v33 =	vld [tilespmem:s25+$0xFFFFFC20]  }
0x54c: {  	v35 =	vld [tilespmem:s25+$0xFFFFFD00];
	v32 =	vadd.s32 v36, v32  }
0x54d: {  	v36 =	vld [tilespmem:s25+$0xFFFFFD10];
	v0 =	vadd.s32 v4, v0  }
0x54e: {  	v2 =	vadd.s32 v5, v2;
	v4 =	vld [tilespmem:s25+$0xFFFFFD20]  }
0x54f: {  	v5 =	vld [tilespmem:s25+$0xFFFFFE00];
	v32 =	vadd.s32 v34, v32  }
0x550: {  	v34 =	vld [tilespmem:s25+$0xFFFFFE10];
	v0 =	vadd.s32 v33, v0  }
0x551: {  	v2 =	vadd.s32 v35, v2;
	v33 =	vld [tilespmem:s25+$0xFFFFFE20]  }
0x552: {  	v35 =	vld [tilespmem:s25+$0xFFFFFF00];
	v32 =	vadd.s32 v36, v32  }
0x553: {  	v36 =	vld [tilespmem:s25+$0xFFFFFF10];
	v0 =	vadd.s32 v4, v0  }
0x554: {  	v2 =	vadd.s32 v5, v2;
	v4 =	vld [tilespmem:s25+$0xFFFFFF20]  }
0x555: {  	v5 =	vld [tilespmem:s25+$0x0];
	v32 =	vadd.s32 v34, v32  }
0x556: {  	v34 =	vld [tilespmem:s25+$0x10];
	v0 =	vadd.s32 v33, v0  }
0x557: {  	v2 =	vadd.s32 v35, v2;
	v33 =	vld [tilespmem:s25+$0x20]  }
0x558: {  	v35 =	vld [tilespmem:s25+$0x100];
	v32 =	vadd.s32 v36, v32  }
0x559: {  	v36 =	vld [tilespmem:s25+$0x110];
	v0 =	vadd.s32 v4, v0  }
0x55a: {  	v2 =	vadd.s32 v5, v2;
	v4 =	vld [tilespmem:s25+$0x120]  }
0x55b: {  	v5 =	vld [tilespmem:s25+$0x200];
	v32 =	vadd.s32 v34, v32  }
0x55c: {  	v34 =	vld [tilespmem:s25+$0x210];
	v0 =	vadd.s32 v33, v0  }
0x55d: {  	v2 =	vadd.s32 v35, v2;
	v33 =	vld [tilespmem:s25+$0x220]  }
0x55e: {  	v35 =	vld [tilespmem:s25+$0x300];
	v32 =	vadd.s32 v36, v32  }
0x55f: {  	v36 =	vld [tilespmem:s25+$0x310];
	v0 =	vadd.s32 v4, v0  }
0x560: {  	v2 =	vadd.s32 v5, v2;
	v4 =	vld [tilespmem:s25+$0x320]  }
0x561: {  	v5 =	vld [tilespmem:s25+$0x400];
	v32 =	vadd.s32 v34, v32  }
0x562: {  	v34 =	vld [tilespmem:s25+$0x410];
	v0 =	vadd.s32 v33, v0  }
0x563: {  	v2 =	vadd.s32 v35, v2;
	v33 =	vld [tilespmem:s25+$0x420]  }
0x564: {  	v35 =	vld [tilespmem:s25+$0x500];
	v32 =	vadd.s32 v36, v32  }
0x565: {  	v36 =	vld [tilespmem:s25+$0x510];
	v0 =	vadd.s32 v4, v0  }
0x566: {  	v2 =	vadd.s32 v5, v2;
	v4 =	vld [tilespmem:s25+$0x520]  }
0x567: {  	v5 =	vld [tilespmem:s25+$0x600];
	v37 =	vadd.s32 v34, v32  }
.Ltmp11:
0x568: {  	v32 =	vld [tilespmem:s25+$0x610];
	v0 =	vadd.s32 v33, v0;
	(pc) =	sbr.rel @p2 .LBB2_22-.Ltmp11, $4  }
0x569: {  	v2 =	vadd.s32 v35, v2;
	v33 =	vld [tilespmem:s25+$0x620]  }
0x56a: {  	v34 =	vld [tilespmem:s25+$0x700];
	v39 =	vadd.s32 v36, v37  }
0x56b: {  	v35 =	vld [tilespmem:s25+$0x710];
	v37 =	vadd.s32 v4, v0  }
0x56c: {  	s26 =	sadd.s32 $0x40, s26;
	v38 =	vadd.s32 v5, v2;
	v36 =	vld [tilespmem:s25+$0x720];
	s25 =	sadd.s32 $0x40, s25  }
0x56d: {  	_ =	sdelay $0x1  }
0x56e: {  	v0 =	vadd.s32 v32, v39;
	v2 =	vadd.s32 v34, v38  }
0x56f: {  	v4 =	vadd.s32 v33, v37;
	[tilespmem:s7+$0xFFFFFFF0] =	vst v2;
	v0 =	vadd.s32 v35, v0  }
0x570: {  	[tilespmem:s7+$0x0] =	vst v0;
	v0 =	vadd.s32 v36, v4  }
0x571: {  	s26 =	simm.s32 $0x11200;
	s28 =	simm.s32 $0x1;
	[tilespmem:s7+$0x10] =	vst v0  }
0x572: {  	[spmem:s4] =	stream.linear.scatter [tilespmem:s26], [sflag:$0x1], $0x100, $0x38;
	[tilespmem:$0x11780] =	vst v63  }
0x573: {  	_ =	swait.ge [sflag:s28], $0x100  }
0x574: {  	[sflag:s28] =	ssyncset.done $0x0  }
0x575: {  	[sflag:s28] =	ssyncadd.s32 $0xFFFFFF00  }
0x576: {  	s29 =	simm.s32 $0x10200;
	[bflag:$0x0] =	sbarrier.arrive $0xFFFF  }
0x577: {  	[tilespmem:s29], [sflag:$0x1] =	stream.linear.gather [spmem:s3], $0x1000, $0x38;
	[tilespmem:$0x11780] =	vst v63  }
0x578: {  	_ =	swait.ge [sflag:s28], $0x1000  }
0x579: {  	[sflag:s28] =	ssyncset.done $0x0  }
0x57a: {  	s30 =	simm.s32 $0x10A10;
	s31 =	simm.s32 $0x0;
	[sflag:s28] =	ssyncadd.s32 $0xFFFFF000  }
0x57b: {  	s3 =	sand.u32 $0xC0, s31;
	v0 =	vld [tilespmem:s30+$0xFFFFF7F0]  }
0x57c: {  	v2 =	vld [tilespmem:s3+$0x10300]  }
0x57d: {  	v4 =	vld [tilespmem:s3+$0x10400]  }
0x57e: {  	v5 =	vld [tilespmem:s3+$0x10500]  }
0x57f: {  	v32 =	vld [tilespmem:s3+$0x10600]  }
0x580: {  	v33 =	vld [tilespmem:s3+$0x10700]  }
0x581: {  	v34 =	vld [tilespmem:s3+$0x10800]  }
0x582: {  	v35 =	vld [tilespmem:s3+$0x10900]  }
0x583: {  	v36 =	vld [tilespmem:s3+$0x10A00]  }
0x584: {  	v37 =	vld [tilespmem:s3+$0x10B00]  }
0x585: {  	v38 =	vld [tilespmem:s3+$0x10C00]  }
0x586: {  	v39 =	vld [tilespmem:s3+$0x10D00]  }
0x587: {  	v40 =	vld [tilespmem:s3+$0x10E00]  }
0x588: {  	v41 =	vld [tilespmem:s3+$0x10F00]  }
0x589: {  	v42 =	vld [tilespmem:s3+$0x11000]  }
0x58a: {  	v43 =	vld [tilespmem:s3+$0x11100]  }
0x58b: {  	v44 =	vld [tilespmem:s30+$0xFFFFF800]  }
0x58c: {  	v45 =	vld [tilespmem:s30+$0xFFFFF900]  }
0x58d: {  	v46 =	vld [tilespmem:s30+$0xFFFFF810]  }
0x58e: {  	v47 =	vld [tilespmem:s30+$0xFFFFF910]  }
0x58f: {  	v48 =	vld [tilespmem:s30+$0xFFFFF820]  }
0x590: {  	v49 =	vld [tilespmem:s30+$0xFFFFF920]  }
0x591: {  	v50 =	vld [tilespmem:s30+$0xFFFFFA00]  }
0x592: {  	v51 =	vld [tilespmem:s30+$0xFFFFFA10]  }
0x593: {  	v52 =	vld [tilespmem:s30+$0xFFFFFA20]  }
0x594: {  	v53 =	vld [tilespmem:s30+$0xFFFFFB00]  }
0x595: {  	v54 =	vld [tilespmem:s30+$0xFFFFFB10]  }
0x596: {  	v55 =	vld [tilespmem:s30+$0xFFFFFB20]  }
0x597: {  	v56 =	vld [tilespmem:s30+$0xFFFFFC00]  }
0x598: {  	v57 =	vld [tilespmem:s30+$0xFFFFFC10]  }
0x599: {  	v58 =	vld [tilespmem:s30+$0xFFFFFC20]  }
0x59a: {  	v59 =	vld [tilespmem:s30+$0xFFFFFD00]  }
0x59b: {  	v60 =	vld [tilespmem:s30+$0xFFFFFD10]  }
0x59c: {  	v61 =	vld [tilespmem:s30+$0xFFFFFD20]  }
0x59d: {  	v62 =	vld [tilespmem:s30+$0xFFFFFE00]  }
0x59e: {  	v63 =	vld [tilespmem:s30+$0xFFFFFE10]  }
0x59f: {  	v0 =	vadd.s32 v0, v2;
	v2 =	vld [tilespmem:s30+$0xFFFFFE20]  }
0x5a0: {  	v49 =	vadd.s32 v48, v49;
	v48 =	vld [tilespmem:s30+$0x400];
	v0 =	vadd.s32 v4, v0  }
0x5a1: {  	v4 =	vld [tilespmem:s30+$0xFFFFFF00];
	v0 =	vadd.s32 v5, v0  }
0x5a2: {  	v5 =	vld [tilespmem:s30+$0xFFFFFF10];
	v0 =	vadd.s32 v32, v0  }
0x5a3: {  	v32 =	vld [tilespmem:s30+$0xFFFFFF20];
	v0 =	vadd.s32 v33, v0  }
0x5a4: {  	v33 =	vld [tilespmem:s30+$0x0];
	v0 =	vadd.s32 v34, v0  }
0x5a5: {  	v34 =	vld [tilespmem:s30+$0x10];
	v0 =	vadd.s32 v35, v0  }
0x5a6: {  	v35 =	vld [tilespmem:s30+$0x20];
	v0 =	vadd.s32 v36, v0  }
0x5a7: {  	v36 =	vld [tilespmem:s30+$0x100];
	v0 =	vadd.s32 v37, v0  }
0x5a8: {  	v37 =	vld [tilespmem:s30+$0x110];
	v0 =	vadd.s32 v38, v0  }
0x5a9: {  	v38 =	vld [tilespmem:s30+$0x120];
	v0 =	vadd.s32 v39, v0  }
0x5aa: {  	v39 =	vld [tilespmem:s30+$0x200];
	v0 =	vadd.s32 v40, v0  }
0x5ab: {  	v40 =	vld [tilespmem:s30+$0x210];
	v0 =	vadd.s32 v41, v0  }
0x5ac: {  	v41 =	vld [tilespmem:s30+$0x220];
	v0 =	vadd.s32 v42, v0  }
0x5ad: {  	v42 =	vld [tilespmem:s30+$0x300];
	v0 =	vadd.s32 v43, v0;
	v43 =	vadd.s32 v44, v45  }
0x5ae: {  	v44 =	vld [tilespmem:s30+$0x310];
	v45 =	vadd.s32 v46, v47;
	v46 =	vadd.s32 v52, v49;
	v43 =	vadd.s32 v50, v43  }
0x5af: {  	v47 =	vld [tilespmem:s30+$0x320];
	v45 =	vadd.s32 v51, v45;
	v46 =	vadd.s32 v55, v46;
	v43 =	vadd.s32 v53, v43  }
0x5b0: {  	v45 =	vadd.s32 v54, v45;
	v46 =	vadd.s32 v58, v46;
	v43 =	vadd.s32 v56, v43;
	v56 =	vld [tilespmem:s30+$0x410]  }
0x5b1: {  	v45 =	vadd.s32 v57, v45;
	v46 =	vadd.s32 v61, v46;
	v61 =	vld [tilespmem:s30+$0x510];
	v43 =	vadd.s32 v59, v43  }
0x5b2: {  	v59 =	vld [tilespmem:s30+$0x420];
	v45 =	vadd.s32 v60, v45;
	v43 =	vadd.s32 v62, v43  }
0x5b3: {  	v60 =	vld [tilespmem:s30+$0x500];
	v2 =	vadd.s32 v2, v46;
	v45 =	vadd.s32 v63, v45;
	v4 =	vadd.s32 v4, v43  }
0x5b4: {  	v2 =	vadd.s32 v32, v2;
	v62 =	vld [tilespmem:s30+$0x520];
	v5 =	vadd.s32 v5, v45;
	v4 =	vadd.s32 v33, v4  }
0x5b5: {  	v63 =	vld [tilespmem:s30+$0x600];
	v2 =	vadd.s32 v35, v2;
	v5 =	vadd.s32 v34, v5;
	v4 =	vadd.s32 v36, v4  }
0x5b6: {  	v32 =	vld [tilespmem:s30+$0x610];
	v2 =	vadd.s32 v38, v2;
	v5 =	vadd.s32 v37, v5;
	v4 =	vadd.s32 v39, v4  }
0x5b7: {  	v33 =	vld [tilespmem:s30+$0x620];
	v2 =	vadd.s32 v41, v2;
	v5 =	vadd.s32 v40, v5;
	v4 =	vadd.s32 v42, v4  }
0x5b8: {  	v35 =	vld [tilespmem:s30+$0x700];
	v2 =	vadd.s32 v47, v2;
	v5 =	vadd.s32 v44, v5;
	v4 =	vadd.s32 v48, v4  }
0x5b9: {  	s3 =	simm.s32 $0x11220;
	v34 =	vld [tilespmem:s30+$0x710];
	v2 =	vadd.s32 v59, v2;
	v5 =	vadd.s32 v56, v5;
	v4 =	vadd.s32 v60, v4  }
0x5ba: {  	s24 =	simm.s32 $0x40;
	s7 =	simm.s32 $0x10A50;
	s4 =	simm.s32 $0x0;
	[tilespmem:s3+$0xFFFFFFE0] =	vst v0;
	v36 =	vld [tilespmem:s30+$0x720];
	v37 =	vadd.s32 v62, v2;
	v38 =	vadd.s32 v61, v5;
	v39 =	vadd.s32 v63, v4  }
.LBB2_24:
0x5bb: {  	v0 =	vld [tilespmem:s7+$0xFFFFF7F0];
	s25 =	sand.u32 $0xC0, s24;
	s4 =	sadd.s32 $0x4, s4;
	v2 =	vadd.s32 v32, v38  }
0x5bc: {  	v4 =	vld [tilespmem:s25+$0x10300];
	p2 =	slt.u32 s4, $0xC;
	v5 =	vadd.s32 v33, v37  }
0x5bd: {  	v32 =	vld [tilespmem:s25+$0x10400];
	v33 =	vadd.s32 v35, v39  }
0x5be: {  	v35 =	vld [tilespmem:s25+$0x10500];
	[tilespmem:s3+$0xFFFFFFF0] =	vst v33;
	v2 =	vadd.s32 v34, v2  }
0x5bf: {  	v33 =	vld [tilespmem:s25+$0x10600];
	[tilespmem:s3+$0x0] =	vst v2;
	v2 =	vadd.s32 v36, v5  }
0x5c0: {  	v5 =	vld [tilespmem:s25+$0x10700];
	[tilespmem:s3+$0x10] =	vst v2  }
0x5c1: {  	v0 =	vadd.s32 v0, v4;
	v2 =	vld [tilespmem:s25+$0x10800]  }
0x5c2: {  	v0 =	vadd.s32 v32, v0;
	v4 =	vld [tilespmem:s25+$0x10900]  }
0x5c3: {  	v0 =	vadd.s32 v35, v0;
	v32 =	vld [tilespmem:s25+$0x10A00]  }
0x5c4: {  	v0 =	vadd.s32 v33, v0;
	v33 =	vld [tilespmem:s25+$0x10B00]  }
0x5c5: {  	v0 =	vadd.s32 v5, v0;
	v5 =	vld [tilespmem:s25+$0x10C00]  }
0x5c6: {  	v0 =	vadd.s32 v2, v0;
	v2 =	vld [tilespmem:s25+$0x10D00]  }
0x5c7: {  	v0 =	vadd.s32 v4, v0;
	v4 =	vld [tilespmem:s25+$0x10E00]  }
0x5c8: {  	v0 =	vadd.s32 v32, v0;
	v32 =	vld [tilespmem:s25+$0x10F00]  }
0x5c9: {  	v0 =	vadd.s32 v33, v0;
	v33 =	vld [tilespmem:s25+$0x11000]  }
0x5ca: {  	v0 =	vadd.s32 v5, v0;
	v5 =	vld [tilespmem:s25+$0x11100]  }
0x5cb: {  	v0 =	vadd.s32 v2, v0;
	v2 =	vld [tilespmem:s7+$0xFFFFF800]  }
0x5cc: {  	v0 =	vadd.s32 v4, v0;
	v4 =	vld [tilespmem:s7+$0xFFFFF900]  }
0x5cd: {  	v0 =	vadd.s32 v32, v0;
	v32 =	vld [tilespmem:s7+$0xFFFFF810]  }
0x5ce: {  	v0 =	vadd.s32 v33, v0;
	v33 =	vld [tilespmem:s7+$0xFFFFF910]  }
0x5cf: {  	s3 =	sadd.s32 $0x40, s3;
	v0 =	vadd.s32 v5, v0;
	v5 =	vld [tilespmem:s7+$0xFFFFF820]  }
0x5d0: {  	[tilespmem:s3+$0xFFFFFFE0] =	vst v0;
	v0 =	vld [tilespmem:s7+$0xFFFFF920]  }
0x5d1: {  	v2 =	vadd.s32 v2, v4;
	v4 =	vld [tilespmem:s7+$0xFFFFFA00]  }
0x5d2: {  	v34 =	vld [tilespmem:s7+$0xFFFFFA10]  }
0x5d3: {  	v32 =	vadd.s32 v32, v33;
	v33 =	vld [tilespmem:s7+$0xFFFFFA20]  }
0x5d4: {  	v35 =	vld [tilespmem:s7+$0xFFFFFB00]  }
0x5d5: {  	v36 =	vld [tilespmem:s7+$0xFFFFFB10];
	v0 =	vadd.s32 v5, v0  }
0x5d6: {  	v2 =	vadd.s32 v4, v2;
	v4 =	vld [tilespmem:s7+$0xFFFFFB20]  }
0x5d7: {  	v5 =	vld [tilespmem:s7+$0xFFFFFC00];
	v32 =	vadd.s32 v34, v32  }
0x5d8: {  	v34 =	vld [tilespmem:s7+$0xFFFFFC10];
	v0 =	vadd.s32 v33, v0  }
0x5d9: {  	v2 =	vadd.s32 v35, v2;
	v33 =	vld [tilespmem:s7+$0xFFFFFC20]  }
0x5da: {  	v35 =	vld [tilespmem:s7+$0xFFFFFD00];
	v32 =	vadd.s32 v36, v32  }
0x5db: {  	v36 =	vld [tilespmem:s7+$0xFFFFFD10];
	v0 =	vadd.s32 v4, v0  }
0x5dc: {  	v2 =	vadd.s32 v5, v2;
	v4 =	vld [tilespmem:s7+$0xFFFFFD20]  }
0x5dd: {  	v5 =	vld [tilespmem:s7+$0xFFFFFE00];
	v32 =	vadd.s32 v34, v32  }
0x5de: {  	v34 =	vld [tilespmem:s7+$0xFFFFFE10];
	v0 =	vadd.s32 v33, v0  }
0x5df: {  	v2 =	vadd.s32 v35, v2;
	v33 =	vld [tilespmem:s7+$0xFFFFFE20]  }
0x5e0: {  	v35 =	vld [tilespmem:s7+$0xFFFFFF00];
	v32 =	vadd.s32 v36, v32  }
0x5e1: {  	v36 =	vld [tilespmem:s7+$0xFFFFFF10];
	v0 =	vadd.s32 v4, v0  }
0x5e2: {  	v2 =	vadd.s32 v5, v2;
	v4 =	vld [tilespmem:s7+$0xFFFFFF20]  }
0x5e3: {  	v5 =	vld [tilespmem:s7+$0x0];
	v32 =	vadd.s32 v34, v32  }
0x5e4: {  	v34 =	vld [tilespmem:s7+$0x10];
	v0 =	vadd.s32 v33, v0  }
0x5e5: {  	v2 =	vadd.s32 v35, v2;
	v33 =	vld [tilespmem:s7+$0x20]  }
0x5e6: {  	v35 =	vld [tilespmem:s7+$0x100];
	v32 =	vadd.s32 v36, v32  }
0x5e7: {  	v36 =	vld [tilespmem:s7+$0x110];
	v0 =	vadd.s32 v4, v0  }
0x5e8: {  	v2 =	vadd.s32 v5, v2;
	v4 =	vld [tilespmem:s7+$0x120]  }
0x5e9: {  	v5 =	vld [tilespmem:s7+$0x200];
	v32 =	vadd.s32 v34, v32  }
0x5ea: {  	v34 =	vld [tilespmem:s7+$0x210];
	v0 =	vadd.s32 v33, v0  }
0x5eb: {  	v2 =	vadd.s32 v35, v2;
	v33 =	vld [tilespmem:s7+$0x220]  }
0x5ec: {  	v35 =	vld [tilespmem:s7+$0x300];
	v32 =	vadd.s32 v36, v32  }
0x5ed: {  	v36 =	vld [tilespmem:s7+$0x310];
	v0 =	vadd.s32 v4, v0  }
0x5ee: {  	v2 =	vadd.s32 v5, v2;
	v4 =	vld [tilespmem:s7+$0x320]  }
0x5ef: {  	v5 =	vld [tilespmem:s7+$0x400];
	v32 =	vadd.s32 v34, v32  }
0x5f0: {  	v34 =	vld [tilespmem:s7+$0x410];
	v0 =	vadd.s32 v33, v0  }
0x5f1: {  	v2 =	vadd.s32 v35, v2;
	v33 =	vld [tilespmem:s7+$0x420]  }
0x5f2: {  	v35 =	vld [tilespmem:s7+$0x500];
	v32 =	vadd.s32 v36, v32  }
0x5f3: {  	v36 =	vld [tilespmem:s7+$0x510];
	v0 =	vadd.s32 v4, v0  }
0x5f4: {  	v2 =	vadd.s32 v5, v2;
	v4 =	vld [tilespmem:s7+$0x520]  }
0x5f5: {  	v5 =	vld [tilespmem:s7+$0x600];
	v34 =	vadd.s32 v34, v32  }
.Ltmp12:
0x5f6: {  	v32 =	vld [tilespmem:s7+$0x610];
	v0 =	vadd.s32 v33, v0;
	(pc) =	sbr.rel @p2 .LBB2_24-.Ltmp12, $4  }
0x5f7: {  	v2 =	vadd.s32 v35, v2;
	v33 =	vld [tilespmem:s7+$0x620]  }
0x5f8: {  	v35 =	vld [tilespmem:s7+$0x700];
	v38 =	vadd.s32 v36, v34  }
0x5f9: {  	v34 =	vld [tilespmem:s7+$0x710];
	v37 =	vadd.s32 v4, v0  }
0x5fa: {  	s24 =	sadd.s32 $0x40, s24;
	v39 =	vadd.s32 v5, v2;
	v36 =	vld [tilespmem:s7+$0x720];
	s7 =	sadd.s32 $0x40, s7  }
0x5fb: {  	v4 =	vld [tilespmem:$0x1FF80]  }
0x5fc: {  	v46 =	vld [tilespmem:$0x1FF90]  }
0x5fd: {  	v0 =	vmov s8;
	v49 =	vld [tilespmem:$0x1FFA0]  }
0x5fe: {  	v2 =	vlaneseq.u32;
	v55 =	vsub.s32 v11, v7;
	v59 =	vsub.s32 v12, v8  }
0x5ff: {  	s4 =	ssub.s32 $0x10, s9;
	s25 =	ssub.s32 $0x10, s10;
	v61 =	vsub.s32 v14, v10;
	v11 =	vsub.s32 v18, v15;
	vm0 =	veq.s32 v0, v2  }
0x600: {  	v45 =	vmov s4;
	v47 =	vmov s25;
	v1 =	vsub.s32 v1, v4  }
0x601: {  	vm8 =	veq.s32 v45, v2;
	v0 =	vnsel vm0, $0x0, v1;
	v1 =	vsub.s32 v3, v46  }
0x602: {  	v52 =	vld [tilespmem:$0x1FFB0];
	vm9 =	veq.s32 v47, v2;
	(xrf0) =	vadd.scan.msk.s32 $0xffff, v0;
	v48 =	vnsel vm8, $0x0, v1;
	v1 =	vsub.s32 v6, v49  }
0x603: {  	v14 =	vsub.s32 v20, v17;
	v20 =	vsub.s32 v24, v21;
	(xrf0) =	vadd.scan.msk.s32 $0xffff, v48;
	v50 =	vnsel vm9, $0x0, v1  }
0x604: {  	s26 =	ssub.s32 $0x10, s11;
	s28 =	ssub.s32 $0x10, s12;
	s29 =	ssub.s32 $0x10, s13;
	v23 =	vsub.s32 v26, v23;
	v41 =	vsub.s32 v28, v25;
	v44 =	vsub.s32 v29, v27;
	(xrf0) =	vadd.scan.msk.s32 $0xffff, v50  }
0x605: {  	s30 =	ssub.s32 $0x10, s14;
	s31 =	ssub.s32 $0x10, s15;
	s7 =	ssub.s32 $0x10, s16;
	v51 =	vmov s26;
	v53 =	vmov s28;
	v57 =	vmov s29  }
0x606: {  	s8 =	ssub.s32 $0x10, s17;
	v60 =	vmov s30;
	v62 =	vmov s31;
	v10 =	vmov s7  }
0x607: {  	s9 =	ssub.s32 $0x10, s18;
	v12 =	vmov s8;
	vm10 =	veq.s32 v51, v2;
	v0 =	vsub.s32 v9, v52  }
0x608: {  	s10 =	ssub.s32 $0x10, s19;
	s12 =	ssub.s32 $0x10, s22;
	v15 =	vmov s9;
	vm11 =	veq.s32 v53, v2;
	v0 =	vnsel vm10, $0x0, v0;
	v54, _, _ =	vpop (xrf0)  }
0x609: {  	s13 =	ssub.s32 $0x10, s21;
	v17 =	vmov s10;
	v24 =	vmov s12;
	(xrf0) =	vadd.scan.msk.s32 $0xffff, v0;
	v0 =	vnsel vm11, $0x0, v55;
	v56, _, _ =	vpop (xrf0)  }
0x60a: {  	v43 =	vmov s13;
	vm12 =	veq.s32 v57, v2;
	vm13 =	veq.s32 v60, v2;
	v58, _, _ =	vpop (xrf0);
	(xrf0) =	vadd.scan.msk.s32 $0xffff, v0  }
0x60b: {  	vm14 =	veq.s32 v62, v2;
	vm15 =	veq.s32 v10, v2;
	vm4 =	veq.s32 v12, v2  }
0x60c: {  	s14 =	ssub.s32 $0x10, s23;
	vm5 =	veq.s32 v15, v2;
	vm6 =	veq.s32 v17, v2;
	v0 =	vnsel vm12, $0x0, v59  }
0x60d: {  	v45 =	vmov s14;
	v8 =	vnsel vm13, $0x0, v61;
	v9 =	vsub.s32 v16, v13;
	(xrf0) =	vadd.scan.msk.s32 $0xffff, v0  }
0x60e: {  	v60 =	vadd.s32 v33, v37;
	v21 =	vnsel vm6, $0x0, v20;
	v1 =	vnsel vm14, $0x0, v9;
	(xrf0) =	vadd.scan.msk.s32 $0xffff, v8  }
0x60f: {  	s11 =	ssub.s32 $0x10, s20;
	v3 =	vnsel vm4, $0x0, v14;
	v13 =	vnsel vm15, $0x0, v11;
	(v2sf) =	vpush v54, $0xF;
	v63, _, _ =	vpop (xrf0);
	(xrf0) =	vadd.scan.msk.s32 $0xffff, v1  }
0x610: {  	v16 =	vsub.s32 v22, v19;
	v22 =	vmov s11;
	(v2sf) =	vpush v56, $0xF;
	v5, _, _ =	vpop (xrf0);
	(xrf0) =	vadd.scan.msk.s32 $0xffff, v13  }
0x611: {  	vm8 =	veq.s32 v24, v2;
	v19 =	vnsel vm5, $0x0, v16;
	(v2sf) =	vpush v58, $0xF;
	(xrf0) =	vadd.scan.msk.s32 $0xffff, v3  }
0x612: {  	vm7 =	veq.s32 v22, v2;
	v42 =	vnsel vm8, $0x0, v41;
	(v2sf) =	vpush v63, $0xF;
	(xrf0) =	vadd.scan.msk.s32 $0xffff, v19  }
0x613: {  	vm9 =	veq.s32 v43, v2;
	v40 =	vnsel vm7, $0x0, v23;
	(v2sf) =	vpush v5, $0xF;
	v18, _, _ =	vpop (xrf0);
	(xrf0) =	vadd.scan.msk.s32 $0xffff, v21  }
0x614: {  	vm10 =	veq.s32 v45, v2;
	v48 =	vsub.s32 v31, v30;
	(v2sf) =	vpush v18, $0xF;
	v26, _, _ =	vpop (xrf0);
	(xrf0) =	vadd.scan.msk.s32 $0xffff, v40  }
0x615: {  	s15 =	sld [smem:$0x7EB];
	v47 =	vnsel vm9, $0x0, v44;
	v50 =	vnsel vm10, $0x0, v48;
	(v2sf) =	vpush v26, $0xF;
	v46, _, _ =	vpop (xrf0);
	(xrf0) =	vadd.scan.msk.s32 $0xffff, v42  }
0x616: {  	s16 =	sld [smem:$0x7EC];
	v59 =	vadd.s32 v35, v39;
	v58 =	vadd.s32 v32, v38;
	(v2sf) =	vpush v46, $0xF;
	v49, _, _ =	vpop (xrf0);
	(xrf0) =	vadd.scan.msk.s32 $0xffff, v47  }
0x617: {  	s7 =	sld [smem:$0x7EA];
	[tilespmem:s3+$0xFFFFFFF0] =	vst v59;
	v0 =	vadd.s32 v34, v58;
	(v2sf) =	vpush v49, $0xF;
	v51, _, _ =	vpop (xrf0);
	(xrf0) =	vadd.scan.msk.s32 $0xffff, v50  }
0x618: {  	v61 =	vadd.s32 v36, v60;
	s17 =	sld [smem:$0x7ED];
	[tilespmem:s3+$0x0] =	vst v0;
	v52, _, _ =	vpop (xrf0);
	(v2sf) =	vpush v51, $0xF  }
0x619: {  	s18 =	sld [smem:$0x7EE];
	[tilespmem:s3+$0x10] =	vst v61;
	v53, _, _ =	vpop (xrf0);
	(v2sf) =	vpush v52, $0xF  }
0x61a: {  	s3 =	sld [smem:$0x7EF];
	v54, _, _ =	vpop (xrf0);
	(v2sf) =	vpush v53, $0xF  }
0x61b: {  	s19 =	sld [smem:$0x7F0];
	v55, _, _ =	vpop (xrf0);
	(v2sf) =	vpush v54, $0xF  }
0x61c: {  	s20 =	sld [smem:$0x7F1];
	(v2sf) =	vpush v55, $0xF;
	v56, _, _ =	vpop (xrf0)  }
0x61d: {  	s21 =	sld [smem:$0x7F2];
	(v2sf) =	vpush v56, $0xF;
	v57, _, _ =	vpop (xrf0)  }
0x61e: {  	p2 =	seq.s32 s7, $0x1;
	s22 =	sld [smem:$0x7F3];
	s4 =	spop (v2sf);
	(v2sf) =	vpush v57, $0xF  }
0x61f: {  	s4 =	simm.s32 @!p2 $0x0;
	s7 =	spop (v2sf);
	p2 =	seq.s32 s15, $0x1  }
0x620: {  	s4 =	smov.u32 @p2 s7;
	s7 =	spop (v2sf);
	p2 =	seq.s32 s16, $0x1  }
0x621: {  	s4 =	smov.u32 @p2 s7;
	s7 =	spop (v2sf);
	p2 =	seq.s32 s17, $0x1  }
0x622: {  	s4 =	smov.u32 @p2 s7;
	p2 =	seq.s32 s18, $0x1;
	s7 =	spop (v2sf)  }
0x623: {  	s4 =	smov.u32 @p2 s7;
	s7 =	spop (v2sf);
	p2 =	seq.s32 s3, $0x1  }
0x624: {  	v0 =	vld [tilespmem:$0x11200];
	s4 =	smov.u32 @p2 s7;
	s3 =	spop (v2sf);
	p2 =	seq.s32 s19, $0x1  }
0x625: {  	s4 =	smov.u32 @p2 s3;
	s3 =	spop (v2sf);
	p2 =	seq.s32 s20, $0x1  }
0x626: {  	s4 =	smov.u32 @p2 s3;
	p2 =	seq.s32 s21, $0x1;
	s3 =	spop (v2sf)  }
0x627: {  	s4 =	smov.u32 @p2 s3;
	s3 =	spop (v2sf);
	p2 =	seq.s32 s22, $0x1  }
0x628: {  	s4 =	smov.u32 @p2 s3;
	s3 =	spop (v2sf)  }
0x629: {  	(xrf0) =	vadd.scan.msk.s32 $0xffff, v0;
	s4 =	smov.u32 @p3 s3;
	s3 =	spop (v2sf)  }
0x62a: {  	s4 =	smov.u32 @p4 s3;
	s3 =	spop (v2sf)  }
0x62b: {  	s4 =	smov.u32 @p5 s3;
	s3 =	spop (v2sf)  }
0x62c: {  	s4 =	smov.u32 @p6 s3;
	s3 =	spop (v2sf)  }
0x62d: {  	s4 =	smov.u32 @p0 s3;
	s3 =	spop (v2sf)  }
0x62e: {  	s4 =	smov.u32 @p1 s3  }
0x62f: {  	v0, _, _ =	vpop (xrf0);
	s3 =	ssub.s32 s6, s4  }
0x630: {  	vm11 =	vgt.s32 v0, s3  }
0x631: {  	v62 =	vmpcnt.ones.xlane vm11;
	_ =	sdelay $0x1  }
0x632: {  	v1 =	vxor.u32 $0x80000000, v62  }
0x633: {  	v0 =	vxor.u32 $0x80000000, v0;
	(xrf0) =	vmax.scan.msk.u32 $0xffff, v1  }
0x634: {  	(xrf0) =	vmax.scan.msk.u32 $0xffff, v0;
	_ =	sdelay $0x4  }
0x635: {  	v63, _, _ =	vpop (xrf0)  }
0x636: {  	(v2sf) =	vpush v63, $0xF;
	v4, _, _ =	vpop (xrf0)  }
0x637: {  	(v2sf) =	vpush v4, $0xF;
	_ =	sdelay $0x4  }
0x638: {  	v5 =	vld [tilespmem:$0x11210];
	_ =	sdelay $0x4  }
0x639: {  	(xrf0) =	vadd.scan.msk.s32 $0xffff, v5;
	_ =	sdelay $0x3  }
0x63a: {  	s4 =	spop (v2sf)  }
0x63b: {  	s23 =	spop (v2sf)  }
0x63c: {  	v0, _, _ =	vpop (xrf0);
	s6 =	sxor.u32 $0x80000000, s23  }
0x63d: {  	v0 =	vadd.s32 s6, v0  }
0x63e: {  	vm12 =	vgt.s32 v0, s3  }
0x63f: {  	v6 =	vmpcnt.ones.xlane vm12;
	_ =	sdelay $0x1  }
0x640: {  	v1 =	vxor.u32 $0x80000000, v6  }
0x641: {  	v0 =	vxor.u32 $0x80000000, v0;
	(xrf0) =	vmax.scan.msk.u32 $0xffff, v1  }
0x642: {  	(xrf0) =	vmax.scan.msk.u32 $0xffff, v0;
	_ =	sdelay $0x4  }
0x643: {  	v7, _, _ =	vpop (xrf0)  }
0x644: {  	(v2sf) =	vpush v7, $0xF;
	v8, _, _ =	vpop (xrf0)  }
0x645: {  	(v2sf) =	vpush v8, $0xF;
	_ =	sdelay $0x4  }
0x646: {  	v9 =	vld [tilespmem:$0x11220];
	_ =	sdelay $0x4  }
0x647: {  	(xrf0) =	vadd.scan.msk.s32 $0xffff, v9;
	_ =	sdelay $0x3  }
0x648: {  	s6 =	spop (v2sf)  }
0x649: {  	s24 =	spop (v2sf)  }
0x64a: {  	v0, _, _ =	vpop (xrf0);
	s7 =	sxor.u32 $0x80000000, s24  }
0x64b: {  	v0 =	vadd.s32 s7, v0  }
0x64c: {  	vm13 =	vgt.s32 v0, s3  }
0x64d: {  	v10 =	vmpcnt.ones.xlane vm13;
	_ =	sdelay $0x1  }
0x64e: {  	v1 =	vxor.u32 $0x80000000, v10  }
0x64f: {  	v0 =	vxor.u32 $0x80000000, v0;
	(xrf0) =	vmax.scan.msk.u32 $0xffff, v1  }
0x650: {  	(xrf0) =	vmax.scan.msk.u32 $0xffff, v0;
	_ =	sdelay $0x4  }
0x651: {  	v11, _, _ =	vpop (xrf0)  }
0x652: {  	(v2sf) =	vpush v11, $0xF;
	v12, _, _ =	vpop (xrf0)  }
0x653: {  	(v2sf) =	vpush v12, $0xF;
	_ =	sdelay $0x4  }
0x654: {  	v13 =	vld [tilespmem:$0x11230];
	_ =	sdelay $0x4  }
0x655: {  	(xrf0) =	vadd.scan.msk.s32 $0xffff, v13;
	_ =	sdelay $0x3  }
0x656: {  	s7 =	spop (v2sf)  }
0x657: {  	s25 =	spop (v2sf)  }
0x658: {  	v0, _, _ =	vpop (xrf0);
	s8 =	sxor.u32 $0x80000000, s25  }
0x659: {  	v0 =	vadd.s32 s8, v0  }
0x65a: {  	vm14 =	vgt.s32 v0, s3  }
0x65b: {  	v14 =	vmpcnt.ones.xlane vm14;
	_ =	sdelay $0x1  }
0x65c: {  	v1 =	vxor.u32 $0x80000000, v14  }
0x65d: {  	v0 =	vxor.u32 $0x80000000, v0;
	(xrf0) =	vmax.scan.msk.u32 $0xffff, v1  }
0x65e: {  	(xrf0) =	vmax.scan.msk.u32 $0xffff, v0;
	_ =	sdelay $0x4  }
0x65f: {  	v15, _, _ =	vpop (xrf0)  }
0x660: {  	(v2sf) =	vpush v15, $0xF;
	v16, _, _ =	vpop (xrf0)  }
0x661: {  	(v2sf) =	vpush v16, $0xF;
	_ =	sdelay $0x4  }
0x662: {  	v17 =	vld [tilespmem:$0x11240];
	_ =	sdelay $0x4  }
0x663: {  	(xrf0) =	vadd.scan.msk.s32 $0xffff, v17;
	_ =	sdelay $0x3  }
0x664: {  	s26 =	spop (v2sf)  }
0x665: {  	s28 =	spop (v2sf)  }
0x666: {  	v0, _, _ =	vpop (xrf0);
	s9 =	sxor.u32 $0x80000000, s28  }
0x667: {  	v0 =	vadd.s32 s9, v0  }
0x668: {  	vm15 =	vgt.s32 v0, s3  }
0x669: {  	v18 =	vmpcnt.ones.xlane vm15;
	_ =	sdelay $0x1  }
0x66a: {  	v1 =	vxor.u32 $0x80000000, v18  }
0x66b: {  	v0 =	vxor.u32 $0x80000000, v0;
	(xrf0) =	vmax.scan.msk.u32 $0xffff, v1  }
0x66c: {  	(xrf0) =	vmax.scan.msk.u32 $0xffff, v0;
	_ =	sdelay $0x4  }
0x66d: {  	v19, _, _ =	vpop (xrf0)  }
0x66e: {  	(v2sf) =	vpush v19, $0xF;
	v20, _, _ =	vpop (xrf0)  }
0x66f: {  	(v2sf) =	vpush v20, $0xF;
	_ =	sdelay $0x4  }
0x670: {  	v21 =	vld [tilespmem:$0x11250];
	_ =	sdelay $0x4  }
0x671: {  	(xrf0) =	vadd.scan.msk.s32 $0xffff, v21;
	_ =	sdelay $0x3  }
0x672: {  	s29 =	spop (v2sf)  }
0x673: {  	s30 =	spop (v2sf)  }
0x674: {  	v0, _, _ =	vpop (xrf0);
	s10 =	sxor.u32 $0x80000000, s30  }
0x675: {  	v0 =	vadd.s32 s10, v0  }
0x676: {  	vm4 =	vgt.s32 v0, s3  }
0x677: {  	v22 =	vmpcnt.ones.xlane vm4;
	_ =	sdelay $0x1  }
0x678: {  	v1 =	vxor.u32 $0x80000000, v22  }
0x679: {  	v0 =	vxor.u32 $0x80000000, v0;
	(xrf0) =	vmax.scan.msk.u32 $0xffff, v1  }
0x67a: {  	(xrf0) =	vmax.scan.msk.u32 $0xffff, v0;
	_ =	sdelay $0x4  }
0x67b: {  	v23, _, _ =	vpop (xrf0)  }
0x67c: {  	(v2sf) =	vpush v23, $0xF;
	v24, _, _ =	vpop (xrf0)  }
0x67d: {  	(v2sf) =	vpush v24, $0xF;
	_ =	sdelay $0x4  }
0x67e: {  	v25 =	vld [tilespmem:$0x11260];
	_ =	sdelay $0x4  }
0x67f: {  	(xrf0) =	vadd.scan.msk.s32 $0xffff, v25;
	_ =	sdelay $0x3  }
0x680: {  	s31 =	spop (v2sf)  }
0x681: {  	s16 =	spop (v2sf)  }
0x682: {  	v0, _, _ =	vpop (xrf0);
	s11 =	sxor.u32 $0x80000000, s16  }
0x683: {  	v0 =	vadd.s32 s11, v0  }
0x684: {  	vm5 =	vgt.s32 v0, s3  }
0x685: {  	v26 =	vmpcnt.ones.xlane vm5;
	_ =	sdelay $0x1  }
0x686: {  	v1 =	vxor.u32 $0x80000000, v26  }
0x687: {  	v0 =	vxor.u32 $0x80000000, v0;
	(xrf0) =	vmax.scan.msk.u32 $0xffff, v1  }
0x688: {  	(xrf0) =	vmax.scan.msk.u32 $0xffff, v0;
	_ =	sdelay $0x4  }
0x689: {  	v27, _, _ =	vpop (xrf0)  }
0x68a: {  	(v2sf) =	vpush v27, $0xF;
	v28, _, _ =	vpop (xrf0)  }
0x68b: {  	(v2sf) =	vpush v28, $0xF;
	_ =	sdelay $0x4  }
0x68c: {  	v29 =	vld [tilespmem:$0x11270];
	_ =	sdelay $0x4  }
0x68d: {  	(xrf0) =	vadd.scan.msk.s32 $0xffff, v29;
	_ =	sdelay $0x3  }
0x68e: {  	s11 =	spop (v2sf)  }
0x68f: {  	s17 =	spop (v2sf)  }
0x690: {  	v0, _, _ =	vpop (xrf0);
	s12 =	sxor.u32 $0x80000000, s17  }
0x691: {  	v0 =	vadd.s32 s12, v0  }
0x692: {  	vm6 =	vgt.s32 v0, s3  }
0x693: {  	v30 =	vmpcnt.ones.xlane vm6;
	_ =	sdelay $0x1  }
0x694: {  	v1 =	vxor.u32 $0x80000000, v30  }
0x695: {  	v0 =	vxor.u32 $0x80000000, v0;
	(xrf0) =	vmax.scan.msk.u32 $0xffff, v1  }
0x696: {  	(xrf0) =	vmax.scan.msk.u32 $0xffff, v0;
	_ =	sdelay $0x4  }
0x697: {  	v31, _, _ =	vpop (xrf0)  }
0x698: {  	(v2sf) =	vpush v31, $0xF;
	v32, _, _ =	vpop (xrf0)  }
0x699: {  	(v2sf) =	vpush v32, $0xF;
	_ =	sdelay $0x4  }
0x69a: {  	v33 =	vld [tilespmem:$0x11280];
	_ =	sdelay $0x4  }
0x69b: {  	(xrf0) =	vadd.scan.msk.s32 $0xffff, v33;
	_ =	sdelay $0x3  }
0x69c: {  	s12 =	spop (v2sf)  }
0x69d: {  	s18 =	spop (v2sf)  }
0x69e: {  	v0, _, _ =	vpop (xrf0);
	s13 =	sxor.u32 $0x80000000, s18  }
0x69f: {  	v0 =	vadd.s32 s13, v0  }
0x6a0: {  	vm7 =	vgt.s32 v0, s3  }
0x6a1: {  	v34 =	vmpcnt.ones.xlane vm7;
	_ =	sdelay $0x1  }
0x6a2: {  	v1 =	vxor.u32 $0x80000000, v34  }
0x6a3: {  	v0 =	vxor.u32 $0x80000000, v0;
	(xrf0) =	vmax.scan.msk.u32 $0xffff, v1  }
0x6a4: {  	(xrf0) =	vmax.scan.msk.u32 $0xffff, v0;
	_ =	sdelay $0x4  }
0x6a5: {  	v35, _, _ =	vpop (xrf0)  }
0x6a6: {  	(v2sf) =	vpush v35, $0xF;
	v36, _, _ =	vpop (xrf0)  }
0x6a7: {  	(v2sf) =	vpush v36, $0xF;
	_ =	sdelay $0x4  }
0x6a8: {  	v37 =	vld [tilespmem:$0x11290];
	_ =	sdelay $0x4  }
0x6a9: {  	(xrf0) =	vadd.scan.msk.s32 $0xffff, v37;
	_ =	sdelay $0x3  }
0x6aa: {  	s13 =	spop (v2sf)  }
0x6ab: {  	s19 =	spop (v2sf)  }
0x6ac: {  	v0, _, _ =	vpop (xrf0);
	s14 =	sxor.u32 $0x80000000, s19  }
0x6ad: {  	v0 =	vadd.s32 s14, v0  }
0x6ae: {  	vm8 =	vgt.s32 v0, s3  }
0x6af: {  	v38 =	vmpcnt.ones.xlane vm8;
	_ =	sdelay $0x1  }
0x6b0: {  	v1 =	vxor.u32 $0x80000000, v38  }
0x6b1: {  	v0 =	vxor.u32 $0x80000000, v0;
	(xrf0) =	vmax.scan.msk.u32 $0xffff, v1  }
0x6b2: {  	(xrf0) =	vmax.scan.msk.u32 $0xffff, v0;
	_ =	sdelay $0x4  }
0x6b3: {  	v39, _, _ =	vpop (xrf0)  }
0x6b4: {  	(v2sf) =	vpush v39, $0xF;
	v40, _, _ =	vpop (xrf0)  }
0x6b5: {  	(v2sf) =	vpush v40, $0xF;
	_ =	sdelay $0x4  }
0x6b6: {  	v41 =	vld [tilespmem:$0x112A0];
	_ =	sdelay $0x4  }
0x6b7: {  	(xrf0) =	vadd.scan.msk.s32 $0xffff, v41;
	_ =	sdelay $0x3  }
0x6b8: {  	s14 =	spop (v2sf)  }
0x6b9: {  	s20 =	spop (v2sf)  }
0x6ba: {  	v0, _, _ =	vpop (xrf0);
	s15 =	sxor.u32 $0x80000000, s20  }
0x6bb: {  	v0 =	vadd.s32 s15, v0  }
0x6bc: {  	vm9 =	vgt.s32 v0, s3  }
0x6bd: {  	v42 =	vmpcnt.ones.xlane vm9;
	_ =	sdelay $0x1  }
0x6be: {  	v1 =	vxor.u32 $0x80000000, v42  }
0x6bf: {  	v0 =	vxor.u32 $0x80000000, v0;
	(xrf0) =	vmax.scan.msk.u32 $0xffff, v1  }
0x6c0: {  	(xrf0) =	vmax.scan.msk.u32 $0xffff, v0;
	_ =	sdelay $0x4  }
0x6c1: {  	v43, _, _ =	vpop (xrf0)  }
0x6c2: {  	(v2sf) =	vpush v43, $0xF;
	v44, _, _ =	vpop (xrf0)  }
0x6c3: {  	(v2sf) =	vpush v44, $0xF;
	_ =	sdelay $0x4  }
0x6c4: {  	v45 =	vld [tilespmem:$0x112B0];
	_ =	sdelay $0x4  }
0x6c5: {  	(xrf0) =	vadd.scan.msk.s32 $0xffff, v45;
	_ =	sdelay $0x3  }
0x6c6: {  	s15 =	spop (v2sf)  }
0x6c7: {  	s21 =	spop (v2sf)  }
0x6c8: {  	v0, _, _ =	vpop (xrf0);
	s16 =	sxor.u32 $0x80000000, s21  }
0x6c9: {  	v0 =	vadd.s32 s16, v0  }
0x6ca: {  	vm10 =	vgt.s32 v0, s3  }
0x6cb: {  	v46 =	vmpcnt.ones.xlane vm10;
	_ =	sdelay $0x1  }
0x6cc: {  	v1 =	vxor.u32 $0x80000000, v46  }
0x6cd: {  	v0 =	vxor.u32 $0x80000000, v0;
	(xrf0) =	vmax.scan.msk.u32 $0xffff, v1  }
0x6ce: {  	(xrf0) =	vmax.scan.msk.u32 $0xffff, v0;
	_ =	sdelay $0x4  }
0x6cf: {  	v47, _, _ =	vpop (xrf0)  }
0x6d0: {  	(v2sf) =	vpush v47, $0xF;
	v48, _, _ =	vpop (xrf0)  }
0x6d1: {  	(v2sf) =	vpush v48, $0xF;
	_ =	sdelay $0x4  }
0x6d2: {  	v49 =	vld [tilespmem:$0x112C0];
	_ =	sdelay $0x4  }
0x6d3: {  	(xrf0) =	vadd.scan.msk.s32 $0xffff, v49;
	_ =	sdelay $0x3  }
0x6d4: {  	s16 =	spop (v2sf)  }
0x6d5: {  	s22 =	spop (v2sf)  }
0x6d6: {  	v0, _, _ =	vpop (xrf0);
	s17 =	sxor.u32 $0x80000000, s22  }
0x6d7: {  	v0 =	vadd.s32 s17, v0  }
0x6d8: {  	vm11 =	vgt.s32 v0, s3  }
0x6d9: {  	v50 =	vmpcnt.ones.xlane vm11;
	_ =	sdelay $0x1  }
0x6da: {  	v1 =	vxor.u32 $0x80000000, v50  }
0x6db: {  	v0 =	vxor.u32 $0x80000000, v0;
	(xrf0) =	vmax.scan.msk.u32 $0xffff, v1  }
0x6dc: {  	(xrf0) =	vmax.scan.msk.u32 $0xffff, v0;
	_ =	sdelay $0x4  }
0x6dd: {  	v51, _, _ =	vpop (xrf0)  }
0x6de: {  	(v2sf) =	vpush v51, $0xF;
	v52, _, _ =	vpop (xrf0)  }
0x6df: {  	(v2sf) =	vpush v52, $0xF;
	_ =	sdelay $0x4  }
0x6e0: {  	v53 =	vld [tilespmem:$0x112D0];
	_ =	sdelay $0x4  }
0x6e1: {  	(xrf0) =	vadd.scan.msk.s32 $0xffff, v53;
	_ =	sdelay $0x3  }
0x6e2: {  	s17 =	spop (v2sf)  }
0x6e3: {  	s23 =	spop (v2sf)  }
0x6e4: {  	v0, _, _ =	vpop (xrf0);
	s18 =	sxor.u32 $0x80000000, s23  }
0x6e5: {  	v0 =	vadd.s32 s18, v0  }
0x6e6: {  	vm12 =	vgt.s32 v0, s3  }
0x6e7: {  	v54 =	vmpcnt.ones.xlane vm12;
	_ =	sdelay $0x1  }
0x6e8: {  	v1 =	vxor.u32 $0x80000000, v54  }
0x6e9: {  	v0 =	vxor.u32 $0x80000000, v0;
	(xrf0) =	vmax.scan.msk.u32 $0xffff, v1  }
0x6ea: {  	(xrf0) =	vmax.scan.msk.u32 $0xffff, v0;
	_ =	sdelay $0x4  }
0x6eb: {  	v55, _, _ =	vpop (xrf0)  }
0x6ec: {  	(v2sf) =	vpush v55, $0xF;
	v56, _, _ =	vpop (xrf0)  }
0x6ed: {  	(v2sf) =	vpush v56, $0xF;
	_ =	sdelay $0x4  }
0x6ee: {  	v57 =	vld [tilespmem:$0x112E0];
	_ =	sdelay $0x4  }
0x6ef: {  	(xrf0) =	vadd.scan.msk.s32 $0xffff, v57;
	_ =	sdelay $0x3  }
0x6f0: {  	s18 =	spop (v2sf)  }
0x6f1: {  	s24 =	spop (v2sf)  }
0x6f2: {  	v0, _, _ =	vpop (xrf0);
	s19 =	sxor.u32 $0x80000000, s24  }
0x6f3: {  	v0 =	vadd.s32 s19, v0  }
0x6f4: {  	vm13 =	vgt.s32 v0, s3  }
0x6f5: {  	v58 =	vmpcnt.ones.xlane vm13;
	_ =	sdelay $0x1  }
0x6f6: {  	v1 =	vxor.u32 $0x80000000, v58  }
0x6f7: {  	v0 =	vxor.u32 $0x80000000, v0;
	(xrf0) =	vmax.scan.msk.u32 $0xffff, v1  }
0x6f8: {  	(xrf0) =	vmax.scan.msk.u32 $0xffff, v0;
	_ =	sdelay $0x4  }
0x6f9: {  	v59, _, _ =	vpop (xrf0)  }
0x6fa: {  	(v2sf) =	vpush v59, $0xF;
	v60, _, _ =	vpop (xrf0)  }
0x6fb: {  	s4 =	sxor.u32 $0x80000000, s4;
	(v2sf) =	vpush v60, $0xF  }
0x6fc: {  	p0 =	sgt.s32 s4, $0x0;
	s4 =	ssub.s32 $0x10, s4  }
0x6fd: {  	s4 =	simm.s32 @!p0 $0xFFFFFFFF;
	s6 =	sxor.u32 $0x80000000, s6  }
0x6fe: {  	p0 =	sgt.s32 s6, $0x0;
	s6 =	ssub.s32 $0x20, s6;
	s19 =	smov.u32 s4  }
0x6ff: {  	s19 =	smov.u32 @p0 s6;
	p0 =	slt.s32 s4, $0x0  }
0x700: {  	v61 =	vld [tilespmem:$0x112F0];
	s25 =	sxor.u32 $0x80000000, s7;
	s4 =	smov.u32 @p0 s19  }
0x701: {  	s7 =	ssub.s32 $0x30, s25;
	p0 =	slt.s32 s4, $0x0;
	s19 =	smov.u32 s4  }
0x702: {  	s19 =	smov.u32 @p0 s7;
	p0 =	sgt.s32 s25, $0x0  }
0x703: {  	s26 =	sxor.u32 $0x80000000, s26;
	s4 =	smov.u32 @p0 s19  }
0x704: {  	s7 =	ssub.s32 $0x40, s26;
	p0 =	slt.s32 s4, $0x0;
	s8 =	smov.u32 s4  }
0x705: {  	s8 =	smov.u32 @p0 s7;
	p0 =	sgt.s32 s26, $0x0;
	(xrf0) =	vadd.scan.msk.s32 $0xffff, v61  }
0x706: {  	s28 =	sxor.u32 $0x80000000, s29;
	s4 =	smov.u32 @p0 s8  }
0x707: {  	s7 =	ssub.s32 $0x50, s28;
	p0 =	slt.s32 s4, $0x0;
	s8 =	smov.u32 s4  }
0x708: {  	s30 =	sxor.u32 $0x80000000, s31;
	s8 =	smov.u32 @p0 s7;
	p0 =	sgt.s32 s28, $0x0  }
0x709: {  	s4 =	smov.u32 @p0 s8;
	s8 =	ssub.s32 $0x60, s30;
	s29 =	spop (v2sf)  }
0x70a: {  	p0 =	slt.s32 s4, $0x0;
	s9 =	smov.u32 s4;
	s31 =	spop (v2sf)  }
0x70b: {  	s9 =	smov.u32 @p0 s8;
	p0 =	sgt.s32 s30, $0x0;
	v0, _, _ =	vpop (xrf0);
	s19 =	sxor.u32 $0x80000000, s31  }
0x70c: {  	s20 =	sxor.u32 $0x80000000, s11;
	s4 =	smov.u32 @p0 s9;
	v0 =	vadd.s32 s19, v0  }
0x70d: {  	s7 =	ssub.s32 $0x70, s20;
	p0 =	slt.s32 s4, $0x0;
	s9 =	smov.u32 s4;
	vm14 =	vgt.s32 v0, s3  }
0x70e: {  	s9 =	smov.u32 @p0 s7;
	p0 =	sgt.s32 s20, $0x0;
	v0 =	vmpcnt.ones.xlane vm14  }
0x70f: {  	s21 =	sxor.u32 $0x80000000, s12;
	s4 =	smov.u32 @p0 s9  }
0x710: {  	s7 =	ssub.s32 $0x80, s21;
	p0 =	slt.s32 s4, $0x0;
	s8 =	smov.u32 s4;
	v0 =	vxor.u32 $0x80000000, v0  }
0x711: {  	s8 =	smov.u32 @p0 s7;
	p0 =	sgt.s32 s21, $0x0;
	(xrf0) =	vmax.scan.msk.u32 $0xffff, v0  }
0x712: {  	s22 =	sxor.u32 $0x80000000, s13;
	s4 =	smov.u32 @p0 s8  }
0x713: {  	s7 =	ssub.s32 $0x90, s22;
	p0 =	slt.s32 s4, $0x0;
	s8 =	smov.u32 s4  }
0x714: {  	s8 =	smov.u32 @p0 s7;
	p0 =	sgt.s32 s22, $0x0  }
0x715: {  	s23 =	sxor.u32 $0x80000000, s14;
	s4 =	smov.u32 @p0 s8  }
0x716: {  	s7 =	ssub.s32 $0xA0, s23;
	p0 =	slt.s32 s4, $0x0;
	s8 =	smov.u32 s4  }
0x717: {  	s8 =	smov.u32 @p0 s7;
	p0 =	sgt.s32 s23, $0x0;
	v0, _, _ =	vpop (xrf0)  }
0x718: {  	s24 =	sxor.u32 $0x80000000, s15;
	s4 =	smov.u32 @p0 s8;
	(v2sf) =	vpush v0, $0xF  }
0x719: {  	s7 =	ssub.s32 $0xB0, s24;
	p0 =	slt.s32 s4, $0x0;
	s8 =	smov.u32 s4  }
0x71a: {  	s8 =	smov.u32 @p0 s7;
	p0 =	sgt.s32 s24, $0x0  }
0x71b: {  	s25 =	sxor.u32 $0x80000000, s16;
	s4 =	smov.u32 @p0 s8  }
0x71c: {  	s7 =	ssub.s32 $0xC0, s25;
	p0 =	slt.s32 s4, $0x0;
	s8 =	smov.u32 s4  }
0x71d: {  	s8 =	smov.u32 @p0 s7;
	p0 =	sgt.s32 s25, $0x0  }
0x71e: {  	s26 =	sxor.u32 $0x80000000, s17;
	s4 =	smov.u32 @p0 s8  }
0x71f: {  	s7 =	ssub.s32 $0xD0, s26;
	p0 =	slt.s32 s4, $0x0;
	s8 =	smov.u32 s4  }
0x720: {  	s8 =	smov.u32 @p0 s7;
	p0 =	sgt.s32 s26, $0x0  }
0x721: {  	s28 =	sxor.u32 $0x80000000, s18;
	s4 =	smov.u32 @p0 s8  }
0x722: {  	s7 =	ssub.s32 $0xE0, s28;
	p0 =	slt.s32 s4, $0x0;
	s8 =	smov.u32 s4  }
0x723: {  	s8 =	smov.u32 @p0 s7;
	p0 =	sgt.s32 s28, $0x0  }
0x724: {  	s29 =	sxor.u32 $0x80000000, s29;
	s4 =	smov.u32 @p0 s8  }
0x725: {  	s6 =	ssub.s32 $0xF0, s29;
	p0 =	slt.s32 s4, $0x0;
	s7 =	smov.u32 s4  }
0x726: {  	s7 =	smov.u32 @p0 s6;
	p0 =	sgt.s32 s29, $0x0  }
0x727: {  	s4 =	smov.u32 @p0 s7;
	s30 =	spop (v2sf)  }
0x728: {  	p0 =	slt.s32 s4, $0x0;
	s7 =	smov.u32 s4;
	s6 =	ssub.s32 $0x100, s30  }
0x729: {  	s7 =	smov.u32 @p0 s6;
	p0 =	sgt.u32 s30, $0x80000000  }
0x72a: {  	s4 =	smov.u32 @p0 s7  }
0x72b: {  	s31 =	sshll.u32 s5, $0x10;
	s4 =	sshll.u32 s4, $0x8  }
0x72c: {  	s3 =	sor.u32 s31, s4  }
0x72d: {  	v62 =	vmov s3  }
0x72e: {  	v0 =	vxor.u32 $0x80000000, v62  }
0x72f: {  	v0 =	vbroadcast v0, $0x0;
	_ =	sdelay $0x1  }
0x730: {  	v63 =	vsub.s32 $0x80000000, v0;
	vm15 =	vlt.s32 v0, $0x0  }
0x731: {  	p0 =	sne.s32 s1, $0x0;
	v0 =	vsel vm15, v63, v0  }
0x732: {  	s4 =	simm.s32 @!p0 $0x11300;
	s3 =	simm.s32 @!p0 $0x0;
	[tilespmem:$0x11300] =	vst v0  }
0x733: {  	[hbm4b:s2+s3] =	stream.linear.scatter @!p0 [tilespmem:s4], [sflag:$0x1], $0x80, $0x38;
	[tilespmem:$0x11780] =	vst v63  }
0x734: {  	s2 =	simm.s32 @!p0 $0x1  }
0x735: {  	_ =	swait.ge @!p0 [sflag:s2], $0x80  }
0x736: {  	[sflag:s2] =	ssyncset.done @!p0 $0x0  }
0x737: {  	[sflag:s2] =	ssyncadd.s32 @!p0 $0xFFFFFF80  }
.LBB2_26:
0x738: {  	_ =	sfence.sel $0x180000  }
0x739: {  	[bflag:$0x0] =	sbarrier.arrive $0xFFFF  }
0x73a: {  	p0 =	sne.s32 s1, $0x0;
	_ =	strace $0x90000047  }
0x73b: {  	s0 =	sadd.s32 @!p0 $0x100000, s0;
	[bflag:$0x2] =	sbarrier.arrive $0xFFFF  }
0x73c: {  	[sflag:s0] =	ssyncadd.tile.s32 @!p0 $0x1;
	_ =	shalt  }
.Lfunc_end2:
_tile_overlayer_lowered:
.L_overlay_start_2:
0x73d: {  	(tag) =	ssettag $0x2  }
0x73e: {  	s0 =	rddreg [dreg:$0x0];
	s2 =	stileid.u32  }
0x73f: {  	s1 =	rddreg [dreg:$0x1];
	p0 =	sne.s32 s2, $0x0  }
0x740: {  	s3 =	rddreg [dreg:$0x2];
	[bflag:$0x3] =	sbarrier.arrive $0xFFFF;
	s2 =	simm.s32 @!p0 $0x1C01  }
0x741: {  	[timem:s3], [sflag:s2] =	dma.local @!p0 [hbm:s0], s1  }
0x742: {  	s0 =	simm.s32 @!p0 $0x1  }
0x743: {  	_ =	swait.ge @!p0 [sflag:s0], s1  }
0x744: {  	s1 =	ssub.s32 @!p0 $0x0, s1;
	[sflag:s0] =	ssyncset.done @!p0 $0x0  }
0x745: {  	[sflag:s0] =	ssyncadd.s32 @!p0 s1  }
0x746: {  	[bflag:$0x3] =	sbarrier.arrive $0xFFFF  }
0x747: {  	_ =	shalt  }

</sc_bundles>
